<compile_context>
chip_gen: v7x
topology: tpu7x:2x2x1
jax: 0.10.2.dev20260603
libtpu: 0.0.44.dev20260713+nightly
codegen_flags: <defaults>
</compile_context>

<pallas_src>
import functools

import jax
import jax.numpy as jnp
from jax import lax
from jax.experimental import pallas as pl
from jax.experimental.pallas import tpu as pltpu
from jax.experimental.pallas import tpu_sc as plsc

_F = 26
_V = 100000
_D = 32
_B = 16384

_NW = 32
_ROWS = _B * _F
_RPW = _ROWS // _NW
_IDXW = 128
_CHUNK = 1024
_NCHUNK = _RPW // _CHUNK
_SPC = _CHUNK // _IDXW

_mesh = plsc.VectorSubcoreMesh(core_axis_name="c", subcore_axis_name="s")


@functools.partial(
    pl.kernel,
    mesh=_mesh,
    compiler_params=pltpu.CompilerParams(use_tc_tiling_on_sc=False),
    out_type=jax.ShapeDtypeStruct((_ROWS, _D), jnp.float32),
    scratch_types=[
        pltpu.VMEM((_RPW // _IDXW, _IDXW), jnp.int32),
        pltpu.VMEM((_CHUNK, _D), jnp.float32),
        pltpu.VMEM((_CHUNK, _D), jnp.float32),
        pltpu.SemaphoreType.DMA,
        pltpu.SemaphoreType.DMA,
        pltpu.SemaphoreType.DMA,
        pltpu.SemaphoreType.DMA,
    ],
)
def _gather_kernel(table_hbm, idx_hbm, out_hbm,
                   idx_v, rows0, rows1, gsem0, gsem1, osem0, osem1):
    wid = lax.axis_index("s") * 2 + lax.axis_index("c")
    base = wid * _RPW

    rows = (rows0, rows1)
    gsem = (gsem0, gsem1)
    osem = (osem0, osem1)

    pltpu.sync_copy(idx_hbm.at[pl.ds(wid * (_RPW // _IDXW), _RPW // _IDXW)],
                    idx_v)

    def start_gather(c):
        b = c & 1
        descs = []
        for r in range(_SPC):
            row = c * _SPC + r
            descs.append(pltpu.async_copy(
                table_hbm.at[idx_v.at[row]],
                rows[b].at[pl.ds(r * _IDXW, _IDXW)],
                gsem[b],
            ))
        return descs

    gwait = [None] * _NCHUNK
    owait = [None] * _NCHUNK

    gwait[0] = start_gather(0)
    for c in range(_NCHUNK):
        b = c & 1
        if c + 1 < _NCHUNK:
            if c >= 1:
                owait[c - 1].wait()
            gwait[c + 1] = start_gather(c + 1)
        for d in gwait[c]:
            d.wait()
        owait[c] = pltpu.async_copy(
            rows[b],
            out_hbm.at[pl.ds(base + c * _CHUNK, _CHUNK)],
            osem[b],
        )
    owait[_NCHUNK - 2].wait()
    owait[_NCHUNK - 1].wait()


def kernel(X, tables):
    offs = (jnp.arange(_F, dtype=jnp.int32) * _V)[None, :]
    flat_idx = (X.astype(jnp.int32) + offs).reshape(_ROWS // _IDXW, _IDXW)
    table2d = tables.reshape(_F * _V, _D)
    out = _gather_kernel(table2d, flat_idx)
    return out.reshape(_B, _F, _D)

# --- scband reference (transcript-rebuilt; emitter-appended) ---
"""Pipeline reference for scband-feature-embedding-35390530519966 (READ-ONLY COPY).

The authoritative reference and input builder live on the scoring server;
editing this copy changes nothing except your own understanding.
"""

import jax, jax.numpy as jnp
import numpy as np

NUM_FIELDS = 26
VOCAB = 100000
EMBED = 32
BATCH = 16384


def setup_inputs(seed: int = 0) -> dict:
    key = jax.random.key(seed)
    kx, kt = jax.random.split(key)
    # sparse categorical feature indices, one column per field
    X = jax.random.randint(kx, (BATCH, NUM_FIELDS), 0, VOCAB)
    # per-field embedding tables (all fields have vocab_size > 1, so all are
    # nn.Embedding in the original module); stacked into one array [F, V, D]
    # xavier_uniform with tanh gain ~ U(-b, b), b = gain*sqrt(6/(V+D))
    gain = 5.0 / 3.0
    bound = gain * np.sqrt(6.0 / (VOCAB + EMBED))
    tables = jax.random.uniform(
        kt, (NUM_FIELDS, VOCAB, EMBED), dtype=jnp.float32,
        minval=-bound, maxval=bound)
    return {"X": X, "tables": tables}


def reference(X, tables):
    # Faithful translation: per-field embedding lookup, then stack on dim=1.
    X_embedding_list = []
    for i in range(NUM_FIELDS):
        idx = X[:, i]
        X_embedding_list.append(jnp.take(tables[i], idx, axis=0))
    X_embedding = jnp.stack(X_embedding_list, axis=1)  # [B, F, D]
    return X_embedding

if __name__ == "__main__":
    import jax
    _d = setup_inputs()
    print(jax.jit(kernel)(*tuple(_d.values())))

</pallas_src>

<mosaic_0001>
#map = affine_map<(d0, d1) -> (0, 0)>
module attributes {stable_mosaic.version = 14 : i64} {
  func.func @_gather_kernel(%arg0: i32, %arg1: i32, %arg2: memref<2600000x32xf32, #tpu.memory_space<hbm>>, %arg3: memref<3328x128xi32, #tpu.memory_space<hbm>>, %arg4: memref<425984x32xf32, #tpu.memory_space<hbm>>, %arg5: memref<104x128xi32, #tpu.memory_space<vmem>>, %arg6: memref<1024x32xf32, #tpu.memory_space<vmem>>, %arg7: memref<1024x32xf32, #tpu.memory_space<vmem>>, %arg8: memref<!tpu.dma_semaphore, #tpu.memory_space<semaphore_mem>>, %arg9: memref<!tpu.dma_semaphore, #tpu.memory_space<semaphore_mem>>, %arg10: memref<!tpu.dma_semaphore, #tpu.memory_space<semaphore_mem>>, %arg11: memref<!tpu.dma_semaphore, #tpu.memory_space<semaphore_mem>>) attributes {dimension_semantics = [#tpu.dimension_semantics<core_parallel>, #tpu.dimension_semantics<subcore_parallel>], iteration_bounds = array<i64: 2, 16>, scalar_prefetch = 0 : i64, scratch_operands = 7 : i64, tpu.core_type = #tpu.core_type<sc_vector_subcore>, window_params = [{transform_indices = #map}, {transform_indices = #map}, {transform_indices = #map}]} {
    %mul3A = arith.constant 2 : i32
    %mul3A_0 = arith.muli %arg1, %mul3A : i32
    %add3A = arith.addi %mul3A_0, %arg0 : i32
    %mul3A_1 = arith.constant 13312 : i32
    %mul3A_2 = arith.muli %add3A, %mul3A_1 : i32
    %mul3A_3 = arith.constant 104 : i32
    %mul3A_4 = arith.muli %add3A, %mul3A_3 : i32
    "tpu.region"() ({
      %run_scoped3A = tpu.sem_alloc : memref<!tpu.dma_semaphore, #tpu.memory_space<semaphore_mem>>
      %dma_start3A_2213 = arith.constant 0 : i32
      %dma_start3A_2214 = tpu.memref_slice %arg3[%mul3A_4, %dma_start3A_2213] : memref<3328x128xi32, #tpu.memory_space<hbm>> -> memref<104x128xi32, #tpu.memory_space<hbm>>
      %dma_start3A_2215 = arith.constant 0 : i32
      %dma_start3A_2216 = tpu.memref_slice %arg3[%mul3A_4, %dma_start3A_2215] : memref<3328x128xi32, #tpu.memory_space<hbm>> -> memref<104x128xi32, #tpu.memory_space<hbm>>
      tpu.enqueue_dma source(%dma_start3A_2216 : memref<104x128xi32, #tpu.memory_space<hbm>>) target(%arg5 : memref<104x128xi32, #tpu.memory_space<vmem>>) target_semaphore(%run_scoped3A : memref<!tpu.dma_semaphore, #tpu.memory_space<semaphore_mem>>)
      %dma_wait3A_2217 = arith.constant 0 : i32
      %dma_wait3A_2218 = tpu.memref_slice %arg3[%mul3A_4, %dma_wait3A_2217] : memref<3328x128xi32, #tpu.memory_space<hbm>> -> memref<104x128xi32, #tpu.memory_space<hbm>>
      %dma_wait3A_2219 = arith.constant 0 : i32
      %dma_wait3A_2220 = tpu.memref_slice %arg3[%mul3A_4, %dma_wait3A_2219] : memref<3328x128xi32, #tpu.memory_space<hbm>> -> memref<104x128xi32, #tpu.memory_space<hbm>>
      tpu.wait_dma2 semaphore(%run_scoped3A : memref<!tpu.dma_semaphore, #tpu.memory_space<semaphore_mem>>) src(%dma_wait3A_2220 : memref<104x128xi32, #tpu.memory_space<hbm>>) dst(%arg5 : memref<104x128xi32, #tpu.memory_space<vmem>>)
      tpu.yield
    }) : () -> ()
    %dma_start3A = arith.constant 0 : i32
    %dma_start3A_5 = arith.constant 0 : i32
    %dma_start3A_6 = arith.constant 0 : i32
    %dma_start3A_7 = tpu.memref_slice %arg6[%dma_start3A_5, %dma_start3A_6] : memref<1024x32xf32, #tpu.memory_space<vmem>> -> memref<128x32xf32, #tpu.memory_space<vmem>>
    %dma_start3A_8 = arith.constant 0 : i32
    %dma_start3A_9 = tpu.memref_slice %arg5[%dma_start3A, %dma_start3A_8] : memref<104x128xi32, #tpu.memory_space<vmem>> -> memref<1x128xi32, #tpu.memory_space<vmem>>
    %dma_start3A_10 = tpu.memref_squeeze %dma_start3A_9 : memref<1x128xi32, #tpu.memory_space<vmem>> -> memref<128xi32, #tpu.memory_space<vmem>>
    %dma_start3A_11 = arith.constant 0 : i32
    %dma_start3A_12 = arith.constant 0 : i32
    %dma_start3A_13 = tpu.memref_slice %arg2[%dma_start3A_11, %dma_start3A_12] : memref<2600000x32xf32, #tpu.memory_space<hbm>> -> memref<2600000x32xf32, #tpu.memory_space<hbm>>
    tpu.enqueue_indirect_dma source(%dma_start3A_13 : memref<2600000x32xf32, #tpu.memory_space<hbm>>) target(%dma_start3A_7 : memref<128x32xf32, #tpu.memory_space<vmem>>) offsets(%dma_start3A_10 : memref<128xi32, #tpu.memory_space<vmem>>) semaphore(%arg8 : memref<!tpu.dma_semaphore, #tpu.memory_space<semaphore_mem>>)
    %dma_start3A_14 = arith.constant 1 : i32
    %dma_start3A_15 = arith.constant 128 : i32
    %dma_start3A_16 = arith.constant 0 : i32
    %dma_start3A_17 = tpu.memref_slice %arg6[%dma_start3A_15, %dma_start3A_16] : memref<1024x32xf32, #tpu.memory_space<vmem>> -> memref<128x32xf32, #tpu.memory_space<vmem>>
    %dma_start3A_18 = arith.constant 0 : i32
    %dma_start3A_19 = tpu.memref_slice %arg5[%dma_start3A_14, %dma_start3A_18] : memref<104x128xi32, #tpu.memory_space<vmem>> -> memref<1x128xi32, #tpu.memory_space<vmem>>
    %dma_start3A_20 = tpu.memref_squeeze %dma_start3A_19 : memref<1x128xi32, #tpu.memory_space<vmem>> -> memref<128xi32, #tpu.memory_space<vmem>>
    %dma_start3A_21 = arith.constant 0 : i32
    %dma_start3A_22 = arith.constant 0 : i32
    %dma_start3A_23 = tpu.memref_slice %arg2[%dma_start3A_21, %dma_start3A_22] : memref<2600000x32xf32, #tpu.memory_space<hbm>> -> memref<2600000x32xf32, #tpu.memory_space<hbm>>
    tpu.enqueue_indirect_dma source(%dma_start3A_23 : memref<2600000x32xf32, #tpu.memory_space<hbm>>) target(%dma_start3A_17 : memref<128x32xf32, #tpu.memory_space<vmem>>) offsets(%dma_start3A_20 : memref<128xi32, #tpu.memory_space<vmem>>) semaphore(%arg8 : memref<!tpu.dma_semaphore, #tpu.memory_space<semaphore_mem>>)
    %dma_start3A_24 = arith.constant 2 : i32
    %dma_start3A_25 = arith.constant 256 : i32
    %dma_start3A_26 = arith.constant 0 : i32
    %dma_start3A_27 = tpu.memref_slice %arg6[%dma_start3A_25, %dma_start3A_26] : memref<1024x32xf32, #tpu.memory_space<vmem>> -> memref<128x32xf32, #tpu.memory_space<vmem>>
    %dma_start3A_28 = arith.constant 0 : i32
    %dma_start3A_29 = tpu.memref_slice %arg5[%dma_start3A_24, %dma_start3A_28] : memref<104x128xi32, #tpu.memory_space<vmem>> -> memref<1x128xi32, #tpu.memory_space<vmem>>
    %dma_start3A_30 = tpu.memref_squeeze %dma_start3A_29 : memref<1x128xi32, #tpu.memory_space<vmem>> -> memref<128xi32, #tpu.memory_space<vmem>>
    %dma_start3A_31 = arith.constant 0 : i32
    %dma_start3A_32 = arith.constant 0 : i32
    %dma_start3A_33 = tpu.memref_slice %arg2[%dma_start3A_31, %dma_start3A_32] : memref<2600000x32xf32, #tpu.memory_space<hbm>> -> memref<2600000x32xf32, #tpu.memory_space<hbm>>
    tpu.enqueue_indirect_dma source(%dma_start3A_33 : memref<2600000x32xf32, #tpu.memory_space<hbm>>) target(%dma_start3A_27 : memref<128x32xf32, #tpu.memory_space<vmem>>) offsets(%dma_start3A_30 : memref<128xi32, #tpu.memory_space<vmem>>) semaphore(%arg8 : memref<!tpu.dma_semaphore, #tpu.memory_space<semaphore_mem>>)
    %dma_start3A_34 = arith.constant 3 : i32
    %dma_start3A_35 = arith.constant 384 : i32
    %dma_start3A_36 = arith.constant 0 : i32
    %dma_start3A_37 = tpu.memref_slice %arg6[%dma_start3A_35, %dma_start3A_36] : memref<1024x32xf32, #tpu.memory_space<vmem>> -> memref<128x32xf32, #tpu.memory_space<vmem>>
    %dma_start3A_38 = arith.constant 0 : i32
    %dma_start3A_39 = tpu.memref_slice %arg5[%dma_start3A_34, %dma_start3A_38] : memref<104x128xi32, #tpu.memory_space<vmem>> -> memref<1x128xi32, #tpu.memory_space<vmem>>
    %dma_start3A_40 = tpu.memref_squeeze %dma_start3A_39 : memref<1x128xi32, #tpu.memory_space<vmem>> -> memref<128xi32, #tpu.memory_space<vmem>>
    %dma_start3A_41 = arith.constant 0 : i32
    %dma_start3A_42 = arith.constant 0 : i32
    %dma_start3A_43 = tpu.memref_slice %arg2[%dma_start3A_41, %dma_start3A_42] : memref<2600000x32xf32, #tpu.memory_space<hbm>> -> memref<2600000x32xf32, #tpu.memory_space<hbm>>
    tpu.enqueue_indirect_dma source(%dma_start3A_43 : memref<2600000x32xf32, #tpu.memory_space<hbm>>) target(%dma_start3A_37 : memref<128x32xf32, #tpu.memory_space<vmem>>) offsets(%dma_start3A_40 : memref<128xi32, #tpu.memory_space<vmem>>) semaphore(%arg8 : memref<!tpu.dma_semaphore, #tpu.memory_space<semaphore_mem>>)
    %dma_start3A_44 = arith.constant 4 : i32
    %dma_start3A_45 = arith.constant 512 : i32
    %dma_start3A_46 = arith.constant 0 : i32
    %dma_start3A_47 = tpu.memref_slice %arg6[%dma_start3A_45, %dma_start3A_46] : memref<1024x32xf32, #tpu.memory_space<vmem>> -> memref<128x32xf32, #tpu.memory_space<vmem>>
    %dma_start3A_48 = arith.constant 0 : i32
    %dma_start3A_49 = tpu.memref_slice %arg5[%dma_start3A_44, %dma_start3A_48] : memref<104x128xi32, #tpu.memory_space<vmem>> -> memref<1x128xi32, #tpu.memory_space<vmem>>
    %dma_start3A_50 = tpu.memref_squeeze %dma_start3A_49 : memref<1x128xi32, #tpu.memory_space<vmem>> -> memref<128xi32, #tpu.memory_space<vmem>>
    %dma_start3A_51 = arith.constant 0 : i32
    %dma_start3A_52 = arith.constant 0 : i32
    %dma_start3A_53 = tpu.memref_slice %arg2[%dma_start3A_51, %dma_start3A_52] : memref<2600000x32xf32, #tpu.memory_space<hbm>> -> memref<2600000x32xf32, #tpu.memory_space<hbm>>
    tpu.enqueue_indirect_dma source(%dma_start3A_53 : memref<2600000x32xf32, #tpu.memory_space<hbm>>) target(%dma_start3A_47 : memref<128x32xf32, #tpu.memory_space<vmem>>) offsets(%dma_start3A_50 : memref<128xi32, #tpu.memory_space<vmem>>) semaphore(%arg8 : memref<!tpu.dma_semaphore, #tpu.memory_space<semaphore_mem>>)
    %dma_start3A_54 = arith.constant 5 : i32
    %dma_start3A_55 = arith.constant 640 : i32
    %dma_start3A_56 = arith.constant 0 : i32
    %dma_start3A_57 = tpu.memref_slice %arg6[%dma_start3A_55, %dma_start3A_56] : memref<1024x32xf32, #tpu.memory_space<vmem>> -> memref<128x32xf32, #tpu.memory_space<vmem>>
    %dma_start3A_58 = arith.constant 0 : i32
    %dma_start3A_59 = tpu.memref_slice %arg5[%dma_start3A_54, %dma_start3A_58] : memref<104x128xi32, #tpu.memory_space<vmem>> -> memref<1x128xi32, #tpu.memory_space<vmem>>
    %dma_start3A_60 = tpu.memref_squeeze %dma_start3A_59 : memref<1x128xi32, #tpu.memory_space<vmem>> -> memref<128xi32, #tpu.memory_space<vmem>>
    %dma_start3A_61 = arith.constant 0 : i32
    %dma_start3A_62 = arith.constant 0 : i32
    %dma_start3A_63 = tpu.memref_slice %arg2[%dma_start3A_61, %dma_start3A_62] : memref<2600000x32xf32, #tpu.memory_space<hbm>> -> memref<2600000x32xf32, #tpu.memory_space<hbm>>
    tpu.enqueue_indirect_dma source(%dma_start3A_63 : memref<2600000x32xf32, #tpu.memory_space<hbm>>) target(%dma_start3A_57 : memref<128x32xf32, #tpu.memory_space<vmem>>) offsets(%dma_start3A_60 : memref<128xi32, #tpu.memory_space<vmem>>) semaphore(%arg8 : memref<!tpu.dma_semaphore, #tpu.memory_space<semaphore_mem>>)
    %dma_start3A_64 = arith.constant 6 : i32
    %dma_start3A_65 = arith.constant 768 : i32
    %dma_start3A_66 = arith.constant 0 : i32
    %dma_start3A_67 = tpu.memref_slice %arg6[%dma_start3A_65, %dma_start3A_66] : memref<1024x32xf32, #tpu.memory_space<vmem>> -> memref<128x32xf32, #tpu.memory_space<vmem>>
    %dma_start3A_68 = arith.constant 0 : i32
    %dma_start3A_69 = tpu.memref_slice %arg5[%dma_start3A_64, %dma_start3A_68] : memref<104x128xi32, #tpu.memory_space<vmem>> -> memref<1x128xi32, #tpu.memory_space<vmem>>
    %dma_start3A_70 = tpu.memref_squeeze %dma_start3A_69 : memref<1x128xi32, #tpu.memory_space<vmem>> -> memref<128xi32, #tpu.memory_space<vmem>>
    %dma_start3A_71 = arith.constant 0 : i32
    %dma_start3A_72 = arith.constant 0 : i32
    %dma_start3A_73 = tpu.memref_slice %arg2[%dma_start3A_71, %dma_start3A_72] : memref<2600000x32xf32, #tpu.memory_space<hbm>> -> memref<2600000x32xf32, #tpu.memory_space<hbm>>
    tpu.enqueue_indirect_dma source(%dma_start3A_73 : memref<2600000x32xf32, #tpu.memory_space<hbm>>) target(%dma_start3A_67 : memref<128x32xf32, #tpu.memory_space<vmem>>) offsets(%dma_start3A_70 : memref<128xi32, #tpu.memory_space<vmem>>) semaphore(%arg8 : memref<!tpu.dma_semaphore, #tpu.memory_space<semaphore_mem>>)
    %dma_start3A_74 = arith.constant 7 : i32
    %dma_start3A_75 = arith.constant 896 : i32
    %dma_start3A_76 = arith.constant 0 : i32
    %dma_start3A_77 = tpu.memref_slice %arg6[%dma_start3A_75, %dma_start3A_76] : memref<1024x32xf32, #tpu.memory_space<vmem>> -> memref<128x32xf32, #tpu.memory_space<vmem>>
    %dma_start3A_78 = arith.constant 0 : i32
    %dma_start3A_79 = tpu.memref_slice %arg5[%dma_start3A_74, %dma_start3A_78] : memref<104x128xi32, #tpu.memory_space<vmem>> -> memref<1x128xi32, #tpu.memory_space<vmem>>
    %dma_start3A_80 = tpu.memref_squeeze %dma_start3A_79 : memref<1x128xi32, #tpu.memory_space<vmem>> -> memref<128xi32, #tpu.memory_space<vmem>>
    %dma_start3A_81 = arith.constant 0 : i32
    %dma_start3A_82 = arith.constant 0 : i32
    %dma_start3A_83 = tpu.memref_slice %arg2[%dma_start3A_81, %dma_start3A_82] : memref<2600000x32xf32, #tpu.memory_space<hbm>> -> memref<2600000x32xf32, #tpu.memory_space<hbm>>
    tpu.enqueue_indirect_dma source(%dma_start3A_83 : memref<2600000x32xf32, #tpu.memory_space<hbm>>) target(%dma_start3A_77 : memref<128x32xf32, #tpu.memory_space<vmem>>) offsets(%dma_start3A_80 : memref<128xi32, #tpu.memory_space<vmem>>) semaphore(%arg8 : memref<!tpu.dma_semaphore, #tpu.memory_space<semaphore_mem>>)
    %dma_start3A_84 = arith.constant 8 : i32
    %dma_start3A_85 = arith.constant 0 : i32
    %dma_start3A_86 = arith.constant 0 : i32
    %dma_start3A_87 = tpu.memref_slice %arg7[%dma_start3A_85, %dma_start3A_86] : memref<1024x32xf32, #tpu.memory_space<vmem>> -> memref<128x32xf32, #tpu.memory_space<vmem>>
    %dma_start3A_88 = arith.constant 0 : i32
    %dma_start3A_89 = tpu.memref_slice %arg5[%dma_start3A_84, %dma_start3A_88] : memref<104x128xi32, #tpu.memory_space<vmem>> -> memref<1x128xi32, #tpu.memory_space<vmem>>
    %dma_start3A_90 = tpu.memref_squeeze %dma_start3A_89 : memref<1x128xi32, #tpu.memory_space<vmem>> -> memref<128xi32, #tpu.memory_space<vmem>>
    %dma_start3A_91 = arith.constant 0 : i32
    %dma_start3A_92 = arith.constant 0 : i32
    %dma_start3A_93 = tpu.memref_slice %arg2[%dma_start3A_91, %dma_start3A_92] : memref<2600000x32xf32, #tpu.memory_space<hbm>> -> memref<2600000x32xf32, #tpu.memory_space<hbm>>
    tpu.enqueue_indirect_dma source(%dma_start3A_93 : memref<2600000x32xf32, #tpu.memory_space<hbm>>) target(%dma_start3A_87 : memref<128x32xf32, #tpu.memory_space<vmem>>) offsets(%dma_start3A_90 : memref<128xi32, #tpu.memory_space<vmem>>) semaphore(%arg9 : memref<!tpu.dma_semaphore, #tpu.memory_space<semaphore_mem>>)
    %dma_start3A_94 = arith.constant 9 : i32
    %dma_start3A_95 = arith.constant 128 : i32
    %dma_start3A_96 = arith.constant 0 : i32
    %dma_start3A_97 = tpu.memref_slice %arg7[%dma_start3A_95, %dma_start3A_96] : memref<1024x32xf32, #tpu.memory_space<vmem>> -> memref<128x32xf32, #tpu.memory_space<vmem>>
    %dma_start3A_98 = arith.constant 0 : i32
    %dma_start3A_99 = tpu.memref_slice %arg5[%dma_start3A_94, %dma_start3A_98] : memref<104x128xi32, #tpu.memory_space<vmem>> -> memref<1x128xi32, #tpu.memory_space<vmem>>
    %dma_start3A_100 = tpu.memref_squeeze %dma_start3A_99 : memref<1x128xi32, #tpu.memory_space<vmem>> -> memref<128xi32, #tpu.memory_space<vmem>>
    %dma_start3A_101 = arith.constant 0 : i32
    %dma_start3A_102 = arith.constant 0 : i32
    %dma_start3A_103 = tpu.memref_slice %arg2[%dma_start3A_101, %dma_start3A_102] : memref<2600000x32xf32, #tpu.memory_space<hbm>> -> memref<2600000x32xf32, #tpu.memory_space<hbm>>
    tpu.enqueue_indirect_dma source(%dma_start3A_103 : memref<2600000x32xf32, #tpu.memory_space<hbm>>) target(%dma_start3A_97 : memref<128x32xf32, #tpu.memory_space<vmem>>) offsets(%dma_start3A_100 : memref<128xi32, #tpu.memory_space<vmem>>) semaphore(%arg9 : memref<!tpu.dma_semaphore, #tpu.memory_space<semaphore_mem>>)
    %dma_start3A_104 = arith.constant 10 : i32
    %dma_start3A_105 = arith.constant 256 : i32
    %dma_start3A_106 = arith.constant 0 : i32
    %dma_start3A_107 = tpu.memref_slice %arg7[%dma_start3A_105, %dma_start3A_106] : memref<1024x32xf32, #tpu.memory_space<vmem>> -> memref<128x32xf32, #tpu.memory_space<vmem>>
    %dma_start3A_108 = arith.constant 0 : i32
    %dma_start3A_109 = tpu.memref_slice %arg5[%dma_start3A_104, %dma_start3A_108] : memref<104x128xi32, #tpu.memory_space<vmem>> -> memref<1x128xi32, #tpu.memory_space<vmem>>
    %dma_start3A_110 = tpu.memref_squeeze %dma_start3A_109 : memref<1x128xi32, #tpu.memory_space<vmem>> -> memref<128xi32, #tpu.memory_space<vmem>>
    %dma_start3A_111 = arith.constant 0 : i32
    %dma_start3A_112 = arith.constant 0 : i32
    %dma_start3A_113 = tpu.memref_slice %arg2[%dma_start3A_111, %dma_start3A_112] : memref<2600000x32xf32, #tpu.memory_space<hbm>> -> memref<2600000x32xf32, #tpu.memory_space<hbm>>
    tpu.enqueue_indirect_dma source(%dma_start3A_113 : memref<2600000x32xf32, #tpu.memory_space<hbm>>) target(%dma_start3A_107 : memref<128x32xf32, #tpu.memory_space<vmem>>) offsets(%dma_start3A_110 : memref<128xi32, #tpu.memory_space<vmem>>) semaphore(%arg9 : memref<!tpu.dma_semaphore, #tpu.memory_space<semaphore_mem>>)
    %dma_start3A_114 = arith.constant 11 : i32
    %dma_start3A_115 = arith.constant 384 : i32
    %dma_start3A_116 = arith.constant 0 : i32
    %dma_start3A_117 = tpu.memref_slice %arg7[%dma_start3A_115, %dma_start3A_116] : memref<1024x32xf32, #tpu.memory_space<vmem>> -> memref<128x32xf32, #tpu.memory_space<vmem>>
    %dma_start3A_118 = arith.constant 0 : i32
    %dma_start3A_119 = tpu.memref_slice %arg5[%dma_start3A_114, %dma_start3A_118] : memref<104x128xi32, #tpu.memory_space<vmem>> -> memref<1x128xi32, #tpu.memory_space<vmem>>
    %dma_start3A_120 = tpu.memref_squeeze %dma_start3A_119 : memref<1x128xi32, #tpu.memory_space<vmem>> -> memref<128xi32, #tpu.memory_space<vmem>>
    %dma_start3A_121 = arith.constant 0 : i32
    %dma_start3A_122 = arith.constant 0 : i32
    %dma_start3A_123 = tpu.memref_slice %arg2[%dma_start3A_121, %dma_start3A_122] : memref<2600000x32xf32, #tpu.memory_space<hbm>> -> memref<2600000x32xf32, #tpu.memory_space<hbm>>
    tpu.enqueue_indirect_dma source(%dma_start3A_123 : memref<2600000x32xf32, #tpu.memory_space<hbm>>) target(%dma_start3A_117 : memref<128x32xf32, #tpu.memory_space<vmem>>) offsets(%dma_start3A_120 : memref<128xi32, #tpu.memory_space<vmem>>) semaphore(%arg9 : memref<!tpu.dma_semaphore, #tpu.memory_space<semaphore_mem>>)
    %dma_start3A_124 = arith.constant 12 : i32
    %dma_start3A_125 = arith.constant 512 : i32
    %dma_start3A_126 = arith.constant 0 : i32
    %dma_start3A_127 = tpu.memref_slice %arg7[%dma_start3A_125, %dma_start3A_126] : memref<1024x32xf32, #tpu.memory_space<vmem>> -> memref<128x32xf32, #tpu.memory_space<vmem>>
    %dma_start3A_128 = arith.constant 0 : i32
    %dma_start3A_129 = tpu.memref_slice %arg5[%dma_start3A_124, %dma_start3A_128] : memref<104x128xi32, #tpu.memory_space<vmem>> -> memref<1x128xi32, #tpu.memory_space<vmem>>
    %dma_start3A_130 = tpu.memref_squeeze %dma_start3A_129 : memref<1x128xi32, #tpu.memory_space<vmem>> -> memref<128xi32, #tpu.memory_space<vmem>>
    %dma_start3A_131 = arith.constant 0 : i32
    %dma_start3A_132 = arith.constant 0 : i32
    %dma_start3A_133 = tpu.memref_slice %arg2[%dma_start3A_131, %dma_start3A_132] : memref<2600000x32xf32, #tpu.memory_space<hbm>> -> memref<2600000x32xf32, #tpu.memory_space<hbm>>
    tpu.enqueue_indirect_dma source(%dma_start3A_133 : memref<2600000x32xf32, #tpu.memory_space<hbm>>) target(%dma_start3A_127 : memref<128x32xf32, #tpu.memory_space<vmem>>) offsets(%dma_start3A_130 : memref<128xi32, #tpu.memory_space<vmem>>) semaphore(%arg9 : memref<!tpu.dma_semaphore, #tpu.memory_space<semaphore_mem>>)
    %dma_start3A_134 = arith.constant 13 : i32
    %dma_start3A_135 = arith.constant 640 : i32
    %dma_start3A_136 = arith.constant 0 : i32
    %dma_start3A_137 = tpu.memref_slice %arg7[%dma_start3A_135, %dma_start3A_136] : memref<1024x32xf32, #tpu.memory_space<vmem>> -> memref<128x32xf32, #tpu.memory_space<vmem>>
    %dma_start3A_138 = arith.constant 0 : i32
    %dma_start3A_139 = tpu.memref_slice %arg5[%dma_start3A_134, %dma_start3A_138] : memref<104x128xi32, #tpu.memory_space<vmem>> -> memref<1x128xi32, #tpu.memory_space<vmem>>
    %dma_start3A_140 = tpu.memref_squeeze %dma_start3A_139 : memref<1x128xi32, #tpu.memory_space<vmem>> -> memref<128xi32, #tpu.memory_space<vmem>>
    %dma_start3A_141 = arith.constant 0 : i32
    %dma_start3A_142 = arith.constant 0 : i32
    %dma_start3A_143 = tpu.memref_slice %arg2[%dma_start3A_141, %dma_start3A_142] : memref<2600000x32xf32, #tpu.memory_space<hbm>> -> memref<2600000x32xf32, #tpu.memory_space<hbm>>
    tpu.enqueue_indirect_dma source(%dma_start3A_143 : memref<2600000x32xf32, #tpu.memory_space<hbm>>) target(%dma_start3A_137 : memref<128x32xf32, #tpu.memory_space<vmem>>) offsets(%dma_start3A_140 : memref<128xi32, #tpu.memory_space<vmem>>) semaphore(%arg9 : memref<!tpu.dma_semaphore, #tpu.memory_space<semaphore_mem>>)
    %dma_start3A_144 = arith.constant 14 : i32
    %dma_start3A_145 = arith.constant 768 : i32
    %dma_start3A_146 = arith.constant 0 : i32
    %dma_start3A_147 = tpu.memref_slice %arg7[%dma_start3A_145, %dma_start3A_146] : memref<1024x32xf32, #tpu.memory_space<vmem>> -> memref<128x32xf32, #tpu.memory_space<vmem>>
    %dma_start3A_148 = arith.constant 0 : i32
    %dma_start3A_149 = tpu.memref_slice %arg5[%dma_start3A_144, %dma_start3A_148] : memref<104x128xi32, #tpu.memory_space<vmem>> -> memref<1x128xi32, #tpu.memory_space<vmem>>
    %dma_start3A_150 = tpu.memref_squeeze %dma_start3A_149 : memref<1x128xi32, #tpu.memory_space<vmem>> -> memref<128xi32, #tpu.memory_space<vmem>>
    %dma_start3A_151 = arith.constant 0 : i32
    %dma_start3A_152 = arith.constant 0 : i32
    %dma_start3A_153 = tpu.memref_slice %arg2[%dma_start3A_151, %dma_start3A_152] : memref<2600000x32xf32, #tpu.memory_space<hbm>> -> memref<2600000x32xf32, #tpu.memory_space<hbm>>
    tpu.enqueue_indirect_dma source(%dma_start3A_153 : memref<2600000x32xf32, #tpu.memory_space<hbm>>) target(%dma_start3A_147 : memref<128x32xf32, #tpu.memory_space<vmem>>) offsets(%dma_start3A_150 : memref<128xi32, #tpu.memory_space<vmem>>) semaphore(%arg9 : memref<!tpu.dma_semaphore, #tpu.memory_space<semaphore_mem>>)
    %dma_start3A_154 = arith.constant 15 : i32
    %dma_start3A_155 = arith.constant 896 : i32
    %dma_start3A_156 = arith.constant 0 : i32
    %dma_start3A_157 = tpu.memref_slice %arg7[%dma_start3A_155, %dma_start3A_156] : memref<1024x32xf32, #tpu.memory_space<vmem>> -> memref<128x32xf32, #tpu.memory_space<vmem>>
    %dma_start3A_158 = arith.constant 0 : i32
    %dma_start3A_159 = tpu.memref_slice %arg5[%dma_start3A_154, %dma_start3A_158] : memref<104x128xi32, #tpu.memory_space<vmem>> -> memref<1x128xi32, #tpu.memory_space<vmem>>
    %dma_start3A_160 = tpu.memref_squeeze %dma_start3A_159 : memref<1x128xi32, #tpu.memory_space<vmem>> -> memref<128xi32, #tpu.memory_space<vmem>>
    %dma_start3A_161 = arith.constant 0 : i32
    %dma_start3A_162 = arith.constant 0 : i32
    %dma_start3A_163 = tpu.memref_slice %arg2[%dma_start3A_161, %dma_start3A_162] : memref<2600000x32xf32, #tpu.memory_space<hbm>> -> memref<2600000x32xf32, #tpu.memory_space<hbm>>
    tpu.enqueue_indirect_dma source(%dma_start3A_163 : memref<2600000x32xf32, #tpu.memory_space<hbm>>) target(%dma_start3A_157 : memref<128x32xf32, #tpu.memory_space<vmem>>) offsets(%dma_start3A_160 : memref<128xi32, #tpu.memory_space<vmem>>) semaphore(%arg9 : memref<!tpu.dma_semaphore, #tpu.memory_space<semaphore_mem>>)
    %dma_wait3A = arith.constant 0 : i32
    %dma_wait3A_164 = arith.constant 0 : i32
    %dma_wait3A_165 = arith.constant 0 : i32
    %dma_wait3A_166 = tpu.memref_slice %arg6[%dma_wait3A_164, %dma_wait3A_165] : memref<1024x32xf32, #tpu.memory_space<vmem>> -> memref<128x32xf32, #tpu.memory_space<vmem>>
    %dma_wait3A_167 = arith.constant 0 : i32
    %dma_wait3A_168 = tpu.memref_slice %arg5[%dma_wait3A, %dma_wait3A_167] : memref<104x128xi32, #tpu.memory_space<vmem>> -> memref<1x128xi32, #tpu.memory_space<vmem>>
    %dma_wait3A_169 = tpu.memref_squeeze %dma_wait3A_168 : memref<1x128xi32, #tpu.memory_space<vmem>> -> memref<128xi32, #tpu.memory_space<vmem>>
    %dma_wait3A_170 = arith.constant 0 : i32
    %dma_wait3A_171 = arith.constant 0 : i32
    %dma_wait3A_172 = tpu.memref_slice %arg2[%dma_wait3A_170, %dma_wait3A_171] : memref<2600000x32xf32, #tpu.memory_space<hbm>> -> memref<2600000x32xf32, #tpu.memory_space<hbm>>
    tpu.wait_indirect_dma semaphore(%arg8 : memref<!tpu.dma_semaphore, #tpu.memory_space<semaphore_mem>>) src(%dma_wait3A_172 : memref<2600000x32xf32, #tpu.memory_space<hbm>>) dst(%dma_wait3A_166 : memref<128x32xf32, #tpu.memory_space<vmem>>)
    %dma_wait3A_173 = arith.constant 1 : i32
    %dma_wait3A_174 = arith.constant 128 : i32
    %dma_wait3A_175 = arith.constant 0 : i32
    %dma_wait3A_176 = tpu.memref_slice %arg6[%dma_wait3A_174, %dma_wait3A_175] : memref<1024x32xf32, #tpu.memory_space<vmem>> -> memref<128x32xf32, #tpu.memory_space<vmem>>
    %dma_wait3A_177 = arith.constant 0 : i32
    %dma_wait3A_178 = tpu.memref_slice %arg5[%dma_wait3A_173, %dma_wait3A_177] : memref<104x128xi32, #tpu.memory_space<vmem>> -> memref<1x128xi32, #tpu.memory_space<vmem>>
    %dma_wait3A_179 = tpu.memref_squeeze %dma_wait3A_178 : memref<1x128xi32, #tpu.memory_space<vmem>> -> memref<128xi32, #tpu.memory_space<vmem>>
    %dma_wait3A_180 = arith.constant 0 : i32
    %dma_wait3A_181 = arith.constant 0 : i32
    %dma_wait3A_182 = tpu.memref_slice %arg2[%dma_wait3A_180, %dma_wait3A_181] : memref<2600000x32xf32, #tpu.memory_space<hbm>> -> memref<2600000x32xf32, #tpu.memory_space<hbm>>
    tpu.wait_indirect_dma semaphore(%arg8 : memref<!tpu.dma_semaphore, #tpu.memory_space<semaphore_mem>>) src(%dma_wait3A_182 : memref<2600000x32xf32, #tpu.memory_space<hbm>>) dst(%dma_wait3A_176 : memref<128x32xf32, #tpu.memory_space<vmem>>)
    %dma_wait3A_183 = arith.constant 2 : i32
    %dma_wait3A_184 = arith.constant 256 : i32
    %dma_wait3A_185 = arith.constant 0 : i32
    %dma_wait3A_186 = tpu.memref_slice %arg6[%dma_wait3A_184, %dma_wait3A_185] : memref<1024x32xf32, #tpu.memory_space<vmem>> -> memref<128x32xf32, #tpu.memory_space<vmem>>
    %dma_wait3A_187 = arith.constant 0 : i32
    %dma_wait3A_188 = tpu.memref_slice %arg5[%dma_wait3A_183, %dma_wait3A_187] : memref<104x128xi32, #tpu.memory_space<vmem>> -> memref<1x128xi32, #tpu.memory_space<vmem>>
    %dma_wait3A_189 = tpu.memref_squeeze %dma_wait3A_188 : memref<1x128xi32, #tpu.memory_space<vmem>> -> memref<128xi32, #tpu.memory_space<vmem>>
    %dma_wait3A_190 = arith.constant 0 : i32
    %dma_wait3A_191 = arith.constant 0 : i32
    %dma_wait3A_192 = tpu.memref_slice %arg2[%dma_wait3A_190, %dma_wait3A_191] : memref<2600000x32xf32, #tpu.memory_space<hbm>> -> memref<2600000x32xf32, #tpu.memory_space<hbm>>
    tpu.wait_indirect_dma semaphore(%arg8 : memref<!tpu.dma_semaphore, #tpu.memory_space<semaphore_mem>>) src(%dma_wait3A_192 : memref<2600000x32xf32, #tpu.memory_space<hbm>>) dst(%dma_wait3A_186 : memref<128x32xf32, #tpu.memory_space<vmem>>)
    %dma_wait3A_193 = arith.constant 3 : i32
    %dma_wait3A_194 = arith.constant 384 : i32
    %dma_wait3A_195 = arith.constant 0 : i32
    %dma_wait3A_196 = tpu.memref_slice %arg6[%dma_wait3A_194, %dma_wait3A_195] : memref<1024x32xf32, #tpu.memory_space<vmem>> -> memref<128x32xf32, #tpu.memory_space<vmem>>
    %dma_wait3A_197 = arith.constant 0 : i32
    %dma_wait3A_198 = tpu.memref_slice %arg5[%dma_wait3A_193, %dma_wait3A_197] : memref<104x128xi32, #tpu.memory_space<vmem>> -> memref<1x128xi32, #tpu.memory_space<vmem>>
    %dma_wait3A_199 = tpu.memref_squeeze %dma_wait3A_198 : memref<1x128xi32, #tpu.memory_space<vmem>> -> memref<128xi32, #tpu.memory_space<vmem>>
    %dma_wait3A_200 = arith.constant 0 : i32
    %dma_wait3A_201 = arith.constant 0 : i32
    %dma_wait3A_202 = tpu.memref_slice %arg2[%dma_wait3A_200, %dma_wait3A_201] : memref<2600000x32xf32, #tpu.memory_space<hbm>> -> memref<2600000x32xf32, #tpu.memory_space<hbm>>
    tpu.wait_indirect_dma semaphore(%arg8 : memref<!tpu.dma_semaphore, #tpu.memory_space<semaphore_mem>>) src(%dma_wait3A_202 : memref<2600000x32xf32, #tpu.memory_space<hbm>>) dst(%dma_wait3A_196 : memref<128x32xf32, #tpu.memory_space<vmem>>)
    %dma_wait3A_203 = arith.constant 4 : i32
    %dma_wait3A_204 = arith.constant 512 : i32
    %dma_wait3A_205 = arith.constant 0 : i32
    %dma_wait3A_206 = tpu.memref_slice %arg6[%dma_wait3A_204, %dma_wait3A_205] : memref<1024x32xf32, #tpu.memory_space<vmem>> -> memref<128x32xf32, #tpu.memory_space<vmem>>
    %dma_wait3A_207 = arith.constant 0 : i32
    %dma_wait3A_208 = tpu.memref_slice %arg5[%dma_wait3A_203, %dma_wait3A_207] : memref<104x128xi32, #tpu.memory_space<vmem>> -> memref<1x128xi32, #tpu.memory_space<vmem>>
    %dma_wait3A_209 = tpu.memref_squeeze %dma_wait3A_208 : memref<1x128xi32, #tpu.memory_space<vmem>> -> memref<128xi32, #tpu.memory_space<vmem>>
    %dma_wait3A_210 = arith.constant 0 : i32
    %dma_wait3A_211 = arith.constant 0 : i32
    %dma_wait3A_212 = tpu.memref_slice %arg2[%dma_wait3A_210, %dma_wait3A_211] : memref<2600000x32xf32, #tpu.memory_space<hbm>> -> memref<2600000x32xf32, #tpu.memory_space<hbm>>
    tpu.wait_indirect_dma semaphore(%arg8 : memref<!tpu.dma_semaphore, #tpu.memory_space<semaphore_mem>>) src(%dma_wait3A_212 : memref<2600000x32xf32, #tpu.memory_space<hbm>>) dst(%dma_wait3A_206 : memref<128x32xf32, #tpu.memory_space<vmem>>)
    %dma_wait3A_213 = arith.constant 5 : i32
    %dma_wait3A_214 = arith.constant 640 : i32
    %dma_wait3A_215 = arith.constant 0 : i32
    %dma_wait3A_216 = tpu.memref_slice %arg6[%dma_wait3A_214, %dma_wait3A_215] : memref<1024x32xf32, #tpu.memory_space<vmem>> -> memref<128x32xf32, #tpu.memory_space<vmem>>
    %dma_wait3A_217 = arith.constant 0 : i32
    %dma_wait3A_218 = tpu.memref_slice %arg5[%dma_wait3A_213, %dma_wait3A_217] : memref<104x128xi32, #tpu.memory_space<vmem>> -> memref<1x128xi32, #tpu.memory_space<vmem>>
    %dma_wait3A_219 = tpu.memref_squeeze %dma_wait3A_218 : memref<1x128xi32, #tpu.memory_space<vmem>> -> memref<128xi32, #tpu.memory_space<vmem>>
    %dma_wait3A_220 = arith.constant 0 : i32
    %dma_wait3A_221 = arith.constant 0 : i32
    %dma_wait3A_222 = tpu.memref_slice %arg2[%dma_wait3A_220, %dma_wait3A_221] : memref<2600000x32xf32, #tpu.memory_space<hbm>> -> memref<2600000x32xf32, #tpu.memory_space<hbm>>
    tpu.wait_indirect_dma semaphore(%arg8 : memref<!tpu.dma_semaphore, #tpu.memory_space<semaphore_mem>>) src(%dma_wait3A_222 : memref<2600000x32xf32, #tpu.memory_space<hbm>>) dst(%dma_wait3A_216 : memref<128x32xf32, #tpu.memory_space<vmem>>)
    %dma_wait3A_223 = arith.constant 6 : i32
    %dma_wait3A_224 = arith.constant 768 : i32
    %dma_wait3A_225 = arith.constant 0 : i32
    %dma_wait3A_226 = tpu.memref_slice %arg6[%dma_wait3A_224, %dma_wait3A_225] : memref<1024x32xf32, #tpu.memory_space<vmem>> -> memref<128x32xf32, #tpu.memory_space<vmem>>
    %dma_wait3A_227 = arith.constant 0 : i32
    %dma_wait3A_228 = tpu.memref_slice %arg5[%dma_wait3A_223, %dma_wait3A_227] : memref<104x128xi32, #tpu.memory_space<vmem>> -> memref<1x128xi32, #tpu.memory_space<vmem>>
    %dma_wait3A_229 = tpu.memref_squeeze %dma_wait3A_228 : memref<1x128xi32, #tpu.memory_space<vmem>> -> memref<128xi32, #tpu.memory_space<vmem>>
    %dma_wait3A_230 = arith.constant 0 : i32
    %dma_wait3A_231 = arith.constant 0 : i32
    %dma_wait3A_232 = tpu.memref_slice %arg2[%dma_wait3A_230, %dma_wait3A_231] : memref<2600000x32xf32, #tpu.memory_space<hbm>> -> memref<2600000x32xf32, #tpu.memory_space<hbm>>
    tpu.wait_indirect_dma semaphore(%arg8 : memref<!tpu.dma_semaphore, #tpu.memory_space<semaphore_mem>>) src(%dma_wait3A_232 : memref<2600000x32xf32, #tpu.memory_space<hbm>>) dst(%dma_wait3A_226 : memref<128x32xf32, #tpu.memory_space<vmem>>)
    %dma_wait3A_233 = arith.constant 7 : i32
    %dma_wait3A_234 = arith.constant 896 : i32
    %dma_wait3A_235 = arith.constant 0 : i32
    %dma_wait3A_236 = tpu.memref_slice %arg6[%dma_wait3A_234, %dma_wait3A_235] : memref<1024x32xf32, #tpu.memory_space<vmem>> -> memref<128x32xf32, #tpu.memory_space<vmem>>
    %dma_wait3A_237 = arith.constant 0 : i32
    %dma_wait3A_238 = tpu.memref_slice %arg5[%dma_wait3A_233, %dma_wait3A_237] : memref<104x128xi32, #tpu.memory_space<vmem>> -> memref<1x128xi32, #tpu.memory_space<vmem>>
    %dma_wait3A_239 = tpu.memref_squeeze %dma_wait3A_238 : memref<1x128xi32, #tpu.memory_space<vmem>> -> memref<128xi32, #tpu.memory_space<vmem>>
    %dma_wait3A_240 = arith.constant 0 : i32
    %dma_wait3A_241 = arith.constant 0 : i32
    %dma_wait3A_242 = tpu.memref_slice %arg2[%dma_wait3A_240, %dma_wait3A_241] : memref<2600000x32xf32, #tpu.memory_space<hbm>> -> memref<2600000x32xf32, #tpu.memory_space<hbm>>
    tpu.wait_indirect_dma semaphore(%arg8 : memref<!tpu.dma_semaphore, #tpu.memory_space<semaphore_mem>>) src(%dma_wait3A_242 : memref<2600000x32xf32, #tpu.memory_space<hbm>>) dst(%dma_wait3A_236 : memref<128x32xf32, #tpu.memory_space<vmem>>)
    %add3A_243 = arith.constant 0 : i32
    %add3A_244 = arith.addi %mul3A_2, %add3A_243 : i32
    %dma_start3A_245 = arith.constant 0 : i32
    %dma_start3A_246 = tpu.memref_slice %arg4[%add3A_244, %dma_start3A_245] : memref<425984x32xf32, #tpu.memory_space<hbm>> -> memref<1024x32xf32, #tpu.memory_space<hbm>>
    %dma_start3A_247 = arith.constant 0 : i32
    %dma_start3A_248 = tpu.memref_slice %arg4[%add3A_244, %dma_start3A_247] : memref<425984x32xf32, #tpu.memory_space<hbm>> -> memref<1024x32xf32, #tpu.memory_space<hbm>>
    tpu.enqueue_dma source(%arg6 : memref<1024x32xf32, #tpu.memory_space<vmem>>) target(%dma_start3A_248 : memref<1024x32xf32, #tpu.memory_space<hbm>>) target_semaphore(%arg10 : memref<!tpu.dma_semaphore, #tpu.memory_space<semaphore_mem>>)
    %dma_wait3A_249 = arith.constant 0 : i32
    %dma_wait3A_250 = tpu.memref_slice %arg4[%add3A_244, %dma_wait3A_249] : memref<425984x32xf32, #tpu.memory_space<hbm>> -> memref<1024x32xf32, #tpu.memory_space<hbm>>
    %dma_wait3A_251 = arith.constant 0 : i32
    %dma_wait3A_252 = tpu.memref_slice %arg4[%add3A_244, %dma_wait3A_251] : memref<425984x32xf32, #tpu.memory_space<hbm>> -> memref<1024x32xf32, #tpu.memory_space<hbm>>
    tpu.wait_dma2 semaphore(%arg10 : memref<!tpu.dma_semaphore, #tpu.memory_space<semaphore_mem>>) src(%arg6 : memref<1024x32xf32, #tpu.memory_space<vmem>>) dst(%dma_wait3A_252 : memref<1024x32xf32, #tpu.memory_space<hbm>>)
    %dma_start3A_253 = arith.constant 16 : i32
    %dma_start3A_254 = arith.constant 0 : i32
    %dma_start3A_255 = arith.constant 0 : i32
    %dma_start3A_256 = tpu.memref_slice %arg6[%dma_start3A_254, %dma_start3A_255] : memref<1024x32xf32, #tpu.memory_space<vmem>> -> memref<128x32xf32, #tpu.memory_space<vmem>>
    %dma_start3A_257 = arith.constant 0 : i32
    %dma_start3A_258 = tpu.memref_slice %arg5[%dma_start3A_253, %dma_start3A_257] : memref<104x128xi32, #tpu.memory_space<vmem>> -> memref<1x128xi32, #tpu.memory_space<vmem>>
    %dma_start3A_259 = tpu.memref_squeeze %dma_start3A_258 : memref<1x128xi32, #tpu.memory_space<vmem>> -> memref<128xi32, #tpu.memory_space<vmem>>
    %dma_start3A_260 = arith.constant 0 : i32
    %dma_start3A_261 = arith.constant 0 : i32
    %dma_start3A_262 = tpu.memref_slice %arg2[%dma_start3A_260, %dma_start3A_261] : memref<2600000x32xf32, #tpu.memory_space<hbm>> -> memref<2600000x32xf32, #tpu.memory_space<hbm>>
    tpu.enqueue_indirect_dma source(%dma_start3A_262 : memref<2600000x32xf32, #tpu.memory_space<hbm>>) target(%dma_start3A_256 : memref<128x32xf32, #tpu.memory_space<vmem>>) offsets(%dma_start3A_259 : memref<128xi32, #tpu.memory_space<vmem>>) semaphore(%arg8 : memref<!tpu.dma_semaphore, #tpu.memory_space<semaphore_mem>>)
    %dma_start3A_263 = arith.constant 17 : i32
    %dma_start3A_264 = arith.constant 128 : i32
    %dma_start3A_265 = arith.constant 0 : i32
    %dma_start3A_266 = tpu.memref_slice %arg6[%dma_start3A_264, %dma_start3A_265] : memref<1024x32xf32, #tpu.memory_space<vmem>> -> memref<128x32xf32, #tpu.memory_space<vmem>>
    %dma_start3A_267 = arith.constant 0 : i32
    %dma_start3A_268 = tpu.memref_slice %arg5[%dma_start3A_263, %dma_start3A_267] : memref<104x128xi32, #tpu.memory_space<vmem>> -> memref<1x128xi32, #tpu.memory_space<vmem>>
    %dma_start3A_269 = tpu.memref_squeeze %dma_start3A_268 : memref<1x128xi32, #tpu.memory_space<vmem>> -> memref<128xi32, #tpu.memory_space<vmem>>
    %dma_start3A_270 = arith.constant 0 : i32
    %dma_start3A_271 = arith.constant 0 : i32
    %dma_start3A_272 = tpu.memref_slice %arg2[%dma_start3A_270, %dma_start3A_271] : memref<2600000x32xf32, #tpu.memory_space<hbm>> -> memref<2600000x32xf32, #tpu.memory_space<hbm>>
    tpu.enqueue_indirect_dma source(%dma_start3A_272 : memref<2600000x32xf32, #tpu.memory_space<hbm>>) target(%dma_start3A_266 : memref<128x32xf32, #tpu.memory_space<vmem>>) offsets(%dma_start3A_269 : memref<128xi32, #tpu.memory_space<vmem>>) semaphore(%arg8 : memref<!tpu.dma_semaphore, #tpu.memory_space<semaphore_mem>>)
    %dma_start3A_273 = arith.constant 18 : i32
    %dma_start3A_274 = arith.constant 256 : i32
    %dma_start3A_275 = arith.constant 0 : i32
    %dma_start3A_276 = tpu.memref_slice %arg6[%dma_start3A_274, %dma_start3A_275] : memref<1024x32xf32, #tpu.memory_space<vmem>> -> memref<128x32xf32, #tpu.memory_space<vmem>>
    %dma_start3A_277 = arith.constant 0 : i32
    %dma_start3A_278 = tpu.memref_slice %arg5[%dma_start3A_273, %dma_start3A_277] : memref<104x128xi32, #tpu.memory_space<vmem>> -> memref<1x128xi32, #tpu.memory_space<vmem>>
    %dma_start3A_279 = tpu.memref_squeeze %dma_start3A_278 : memref<1x128xi32, #tpu.memory_space<vmem>> -> memref<128xi32, #tpu.memory_space<vmem>>
    %dma_start3A_280 = arith.constant 0 : i32
    %dma_start3A_281 = arith.constant 0 : i32
    %dma_start3A_282 = tpu.memref_slice %arg2[%dma_start3A_280, %dma_start3A_281] : memref<2600000x32xf32, #tpu.memory_space<hbm>> -> memref<2600000x32xf32, #tpu.memory_space<hbm>>
    tpu.enqueue_indirect_dma source(%dma_start3A_282 : memref<2600000x32xf32, #tpu.memory_space<hbm>>) target(%dma_start3A_276 : memref<128x32xf32, #tpu.memory_space<vmem>>) offsets(%dma_start3A_279 : memref<128xi32, #tpu.memory_space<vmem>>) semaphore(%arg8 : memref<!tpu.dma_semaphore, #tpu.memory_space<semaphore_mem>>)
    %dma_start3A_283 = arith.constant 19 : i32
    %dma_start3A_284 = arith.constant 384 : i32
    %dma_start3A_285 = arith.constant 0 : i32
    %dma_start3A_286 = tpu.memref_slice %arg6[%dma_start3A_284, %dma_start3A_285] : memref<1024x32xf32, #tpu.memory_space<vmem>> -> memref<128x32xf32, #tpu.memory_space<vmem>>
    %dma_start3A_287 = arith.constant 0 : i32
    %dma_start3A_288 = tpu.memref_slice %arg5[%dma_start3A_283, %dma_start3A_287] : memref<104x128xi32, #tpu.memory_space<vmem>> -> memref<1x128xi32, #tpu.memory_space<vmem>>
    %dma_start3A_289 = tpu.memref_squeeze %dma_start3A_288 : memref<1x128xi32, #tpu.memory_space<vmem>> -> memref<128xi32, #tpu.memory_space<vmem>>
    %dma_start3A_290 = arith.constant 0 : i32
    %dma_start3A_291 = arith.constant 0 : i32
    %dma_start3A_292 = tpu.memref_slice %arg2[%dma_start3A_290, %dma_start3A_291] : memref<2600000x32xf32, #tpu.memory_space<hbm>> -> memref<2600000x32xf32, #tpu.memory_space<hbm>>
    tpu.enqueue_indirect_dma source(%dma_start3A_292 : memref<2600000x32xf32, #tpu.memory_space<hbm>>) target(%dma_start3A_286 : memref<128x32xf32, #tpu.memory_space<vmem>>) offsets(%dma_start3A_289 : memref<128xi32, #tpu.memory_space<vmem>>) semaphore(%arg8 : memref<!tpu.dma_semaphore, #tpu.memory_space<semaphore_mem>>)
    %dma_start3A_293 = arith.constant 20 : i32
    %dma_start3A_294 = arith.constant 512 : i32
    %dma_start3A_295 = arith.constant 0 : i32
    %dma_start3A_296 = tpu.memref_slice %arg6[%dma_start3A_294, %dma_start3A_295] : memref<1024x32xf32, #tpu.memory_space<vmem>> -> memref<128x32xf32, #tpu.memory_space<vmem>>
    %dma_start3A_297 = arith.constant 0 : i32
    %dma_start3A_298 = tpu.memref_slice %arg5[%dma_start3A_293, %dma_start3A_297] : memref<104x128xi32, #tpu.memory_space<vmem>> -> memref<1x128xi32, #tpu.memory_space<vmem>>
    %dma_start3A_299 = tpu.memref_squeeze %dma_start3A_298 : memref<1x128xi32, #tpu.memory_space<vmem>> -> memref<128xi32, #tpu.memory_space<vmem>>
    %dma_start3A_300 = arith.constant 0 : i32
    %dma_start3A_301 = arith.constant 0 : i32
    %dma_start3A_302 = tpu.memref_slice %arg2[%dma_start3A_300, %dma_start3A_301] : memref<2600000x32xf32, #tpu.memory_space<hbm>> -> memref<2600000x32xf32, #tpu.memory_space<hbm>>
    tpu.enqueue_indirect_dma source(%dma_start3A_302 : memref<2600000x32xf32, #tpu.memory_space<hbm>>) target(%dma_start3A_296 : memref<128x32xf32, #tpu.memory_space<vmem>>) offsets(%dma_start3A_299 : memref<128xi32, #tpu.memory_space<vmem>>) semaphore(%arg8 : memref<!tpu.dma_semaphore, #tpu.memory_space<semaphore_mem>>)
    %dma_start3A_303 = arith.constant 21 : i32
    %dma_start3A_304 = arith.constant 640 : i32
    %dma_start3A_305 = arith.constant 0 : i32
    %dma_start3A_306 = tpu.memref_slice %arg6[%dma_start3A_304, %dma_start3A_305] : memref<1024x32xf32, #tpu.memory_space<vmem>> -> memref<128x32xf32, #tpu.memory_space<vmem>>
    %dma_start3A_307 = arith.constant 0 : i32
    %dma_start3A_308 = tpu.memref_slice %arg5[%dma_start3A_303, %dma_start3A_307] : memref<104x128xi32, #tpu.memory_space<vmem>> -> memref<1x128xi32, #tpu.memory_space<vmem>>
    %dma_start3A_309 = tpu.memref_squeeze %dma_start3A_308 : memref<1x128xi32, #tpu.memory_space<vmem>> -> memref<128xi32, #tpu.memory_space<vmem>>
    %dma_start3A_310 = arith.constant 0 : i32
    %dma_start3A_311 = arith.constant 0 : i32
    %dma_start3A_312 = tpu.memref_slice %arg2[%dma_start3A_310, %dma_start3A_311] : memref<2600000x32xf32, #tpu.memory_space<hbm>> -> memref<2600000x32xf32, #tpu.memory_space<hbm>>
    tpu.enqueue_indirect_dma source(%dma_start3A_312 : memref<2600000x32xf32, #tpu.memory_space<hbm>>) target(%dma_start3A_306 : memref<128x32xf32, #tpu.memory_space<vmem>>) offsets(%dma_start3A_309 : memref<128xi32, #tpu.memory_space<vmem>>) semaphore(%arg8 : memref<!tpu.dma_semaphore, #tpu.memory_space<semaphore_mem>>)
    %dma_start3A_313 = arith.constant 22 : i32
    %dma_start3A_314 = arith.constant 768 : i32
    %dma_start3A_315 = arith.constant 0 : i32
    %dma_start3A_316 = tpu.memref_slice %arg6[%dma_start3A_314, %dma_start3A_315] : memref<1024x32xf32, #tpu.memory_space<vmem>> -> memref<128x32xf32, #tpu.memory_space<vmem>>
    %dma_start3A_317 = arith.constant 0 : i32
    %dma_start3A_318 = tpu.memref_slice %arg5[%dma_start3A_313, %dma_start3A_317] : memref<104x128xi32, #tpu.memory_space<vmem>> -> memref<1x128xi32, #tpu.memory_space<vmem>>
    %dma_start3A_319 = tpu.memref_squeeze %dma_start3A_318 : memref<1x128xi32, #tpu.memory_space<vmem>> -> memref<128xi32, #tpu.memory_space<vmem>>
    %dma_start3A_320 = arith.constant 0 : i32
    %dma_start3A_321 = arith.constant 0 : i32
    %dma_start3A_322 = tpu.memref_slice %arg2[%dma_start3A_320, %dma_start3A_321] : memref<2600000x32xf32, #tpu.memory_space<hbm>> -> memref<2600000x32xf32, #tpu.memory_space<hbm>>
    tpu.enqueue_indirect_dma source(%dma_start3A_322 : memref<2600000x32xf32, #tpu.memory_space<hbm>>) target(%dma_start3A_316 : memref<128x32xf32, #tpu.memory_space<vmem>>) offsets(%dma_start3A_319 : memref<128xi32, #tpu.memory_space<vmem>>) semaphore(%arg8 : memref<!tpu.dma_semaphore, #tpu.memory_space<semaphore_mem>>)
    %dma_start3A_323 = arith.constant 23 : i32
    %dma_start3A_324 = arith.constant 896 : i32
    %dma_start3A_325 = arith.constant 0 : i32
    %dma_start3A_326 = tpu.memref_slice %arg6[%dma_start3A_324, %dma_start3A_325] : memref<1024x32xf32, #tpu.memory_space<vmem>> -> memref<128x32xf32, #tpu.memory_space<vmem>>
    %dma_start3A_327 = arith.constant 0 : i32
    %dma_start3A_328 = tpu.memref_slice %arg5[%dma_start3A_323, %dma_start3A_327] : memref<104x128xi32, #tpu.memory_space<vmem>> -> memref<1x128xi32, #tpu.memory_space<vmem>>
    %dma_start3A_329 = tpu.memref_squeeze %dma_start3A_328 : memref<1x128xi32, #tpu.memory_space<vmem>> -> memref<128xi32, #tpu.memory_space<vmem>>
    %dma_start3A_330 = arith.constant 0 : i32
    %dma_start3A_331 = arith.constant 0 : i32
    %dma_start3A_332 = tpu.memref_slice %arg2[%dma_start3A_330, %dma_start3A_331] : memref<2600000x32xf32, #tpu.memory_space<hbm>> -> memref<2600000x32xf32, #tpu.memory_space<hbm>>
    tpu.enqueue_indirect_dma source(%dma_start3A_332 : memref<2600000x32xf32, #tpu.memory_space<hbm>>) target(%dma_start3A_326 : memref<128x32xf32, #tpu.memory_space<vmem>>) offsets(%dma_start3A_329 : memref<128xi32, #tpu.memory_space<vmem>>) semaphore(%arg8 : memref<!tpu.dma_semaphore, #tpu.memory_space<semaphore_mem>>)
    %dma_wait3A_333 = arith.constant 8 : i32
    %dma_wait3A_334 = arith.constant 0 : i32
    %dma_wait3A_335 = arith.constant 0 : i32
    %dma_wait3A_336 = tpu.memref_slice %arg7[%dma_wait3A_334, %dma_wait3A_335] : memref<1024x32xf32, #tpu.memory_space<vmem>> -> memref<128x32xf32, #tpu.memory_space<vmem>>
    %dma_wait3A_337 = arith.constant 0 : i32
    %dma_wait3A_338 = tpu.memref_slice %arg5[%dma_wait3A_333, %dma_wait3A_337] : memref<104x128xi32, #tpu.memory_space<vmem>> -> memref<1x128xi32, #tpu.memory_space<vmem>>
    %dma_wait3A_339 = tpu.memref_squeeze %dma_wait3A_338 : memref<1x128xi32, #tpu.memory_space<vmem>> -> memref<128xi32, #tpu.memory_space<vmem>>
    %dma_wait3A_340 = arith.constant 0 : i32
    %dma_wait3A_341 = arith.constant 0 : i32
    %dma_wait3A_342 = tpu.memref_slice %arg2[%dma_wait3A_340, %dma_wait3A_341] : memref<2600000x32xf32, #tpu.memory_space<hbm>> -> memref<2600000x32xf32, #tpu.memory_space<hbm>>
    tpu.wait_indirect_dma semaphore(%arg9 : memref<!tpu.dma_semaphore, #tpu.memory_space<semaphore_mem>>) src(%dma_wait3A_342 : memref<2600000x32xf32, #tpu.memory_space<hbm>>) dst(%dma_wait3A_336 : memref<128x32xf32, #tpu.memory_space<vmem>>)
    %dma_wait3A_343 = arith.constant 9 : i32
    %dma_wait3A_344 = arith.constant 128 : i32
    %dma_wait3A_345 = arith.constant 0 : i32
    %dma_wait3A_346 = tpu.memref_slice %arg7[%dma_wait3A_344, %dma_wait3A_345] : memref<1024x32xf32, #tpu.memory_space<vmem>> -> memref<128x32xf32, #tpu.memory_space<vmem>>
    %dma_wait3A_347 = arith.constant 0 : i32
    %dma_wait3A_348 = tpu.memref_slice %arg5[%dma_wait3A_343, %dma_wait3A_347] : memref<104x128xi32, #tpu.memory_space<vmem>> -> memref<1x128xi32, #tpu.memory_space<vmem>>
    %dma_wait3A_349 = tpu.memref_squeeze %dma_wait3A_348 : memref<1x128xi32, #tpu.memory_space<vmem>> -> memref<128xi32, #tpu.memory_space<vmem>>
    %dma_wait3A_350 = arith.constant 0 : i32
    %dma_wait3A_351 = arith.constant 0 : i32
    %dma_wait3A_352 = tpu.memref_slice %arg2[%dma_wait3A_350, %dma_wait3A_351] : memref<2600000x32xf32, #tpu.memory_space<hbm>> -> memref<2600000x32xf32, #tpu.memory_space<hbm>>
    tpu.wait_indirect_dma semaphore(%arg9 : memref<!tpu.dma_semaphore, #tpu.memory_space<semaphore_mem>>) src(%dma_wait3A_352 : memref<2600000x32xf32, #tpu.memory_space<hbm>>) dst(%dma_wait3A_346 : memref<128x32xf32, #tpu.memory_space<vmem>>)
    %dma_wait3A_353 = arith.constant 10 : i32
    %dma_wait3A_354 = arith.constant 256 : i32
    %dma_wait3A_355 = arith.constant 0 : i32
    %dma_wait3A_356 = tpu.memref_slice %arg7[%dma_wait3A_354, %dma_wait3A_355] : memref<1024x32xf32, #tpu.memory_space<vmem>> -> memref<128x32xf32, #tpu.memory_space<vmem>>
    %dma_wait3A_357 = arith.constant 0 : i32
    %dma_wait3A_358 = tpu.memref_slice %arg5[%dma_wait3A_353, %dma_wait3A_357] : memref<104x128xi32, #tpu.memory_space<vmem>> -> memref<1x128xi32, #tpu.memory_space<vmem>>
    %dma_wait3A_359 = tpu.memref_squeeze %dma_wait3A_358 : memref<1x128xi32, #tpu.memory_space<vmem>> -> memref<128xi32, #tpu.memory_space<vmem>>
    %dma_wait3A_360 = arith.constant 0 : i32
    %dma_wait3A_361 = arith.constant 0 : i32
    %dma_wait3A_362 = tpu.memref_slice %arg2[%dma_wait3A_360, %dma_wait3A_361] : memref<2600000x32xf32, #tpu.memory_space<hbm>> -> memref<2600000x32xf32, #tpu.memory_space<hbm>>
    tpu.wait_indirect_dma semaphore(%arg9 : memref<!tpu.dma_semaphore, #tpu.memory_space<semaphore_mem>>) src(%dma_wait3A_362 : memref<2600000x32xf32, #tpu.memory_space<hbm>>) dst(%dma_wait3A_356 : memref<128x32xf32, #tpu.memory_space<vmem>>)
    %dma_wait3A_363 = arith.constant 11 : i32
    %dma_wait3A_364 = arith.constant 384 : i32
    %dma_wait3A_365 = arith.constant 0 : i32
    %dma_wait3A_366 = tpu.memref_slice %arg7[%dma_wait3A_364, %dma_wait3A_365] : memref<1024x32xf32, #tpu.memory_space<vmem>> -> memref<128x32xf32, #tpu.memory_space<vmem>>
    %dma_wait3A_367 = arith.constant 0 : i32
    %dma_wait3A_368 = tpu.memref_slice %arg5[%dma_wait3A_363, %dma_wait3A_367] : memref<104x128xi32, #tpu.memory_space<vmem>> -> memref<1x128xi32, #tpu.memory_space<vmem>>
    %dma_wait3A_369 = tpu.memref_squeeze %dma_wait3A_368 : memref<1x128xi32, #tpu.memory_space<vmem>> -> memref<128xi32, #tpu.memory_space<vmem>>
    %dma_wait3A_370 = arith.constant 0 : i32
    %dma_wait3A_371 = arith.constant 0 : i32
    %dma_wait3A_372 = tpu.memref_slice %arg2[%dma_wait3A_370, %dma_wait3A_371] : memref<2600000x32xf32, #tpu.memory_space<hbm>> -> memref<2600000x32xf32, #tpu.memory_space<hbm>>
    tpu.wait_indirect_dma semaphore(%arg9 : memref<!tpu.dma_semaphore, #tpu.memory_space<semaphore_mem>>) src(%dma_wait3A_372 : memref<2600000x32xf32, #tpu.memory_space<hbm>>) dst(%dma_wait3A_366 : memref<128x32xf32, #tpu.memory_space<vmem>>)
    %dma_wait3A_373 = arith.constant 12 : i32
    %dma_wait3A_374 = arith.constant 512 : i32
    %dma_wait3A_375 = arith.constant 0 : i32
    %dma_wait3A_376 = tpu.memref_slice %arg7[%dma_wait3A_374, %dma_wait3A_375] : memref<1024x32xf32, #tpu.memory_space<vmem>> -> memref<128x32xf32, #tpu.memory_space<vmem>>
    %dma_wait3A_377 = arith.constant 0 : i32
    %dma_wait3A_378 = tpu.memref_slice %arg5[%dma_wait3A_373, %dma_wait3A_377] : memref<104x128xi32, #tpu.memory_space<vmem>> -> memref<1x128xi32, #tpu.memory_space<vmem>>
    %dma_wait3A_379 = tpu.memref_squeeze %dma_wait3A_378 : memref<1x128xi32, #tpu.memory_space<vmem>> -> memref<128xi32, #tpu.memory_space<vmem>>
    %dma_wait3A_380 = arith.constant 0 : i32
    %dma_wait3A_381 = arith.constant 0 : i32
    %dma_wait3A_382 = tpu.memref_slice %arg2[%dma_wait3A_380, %dma_wait3A_381] : memref<2600000x32xf32, #tpu.memory_space<hbm>> -> memref<2600000x32xf32, #tpu.memory_space<hbm>>
    tpu.wait_indirect_dma semaphore(%arg9 : memref<!tpu.dma_semaphore, #tpu.memory_space<semaphore_mem>>) src(%dma_wait3A_382 : memref<2600000x32xf32, #tpu.memory_space<hbm>>) dst(%dma_wait3A_376 : memref<128x32xf32, #tpu.memory_space<vmem>>)
    %dma_wait3A_383 = arith.constant 13 : i32
    %dma_wait3A_384 = arith.constant 640 : i32
    %dma_wait3A_385 = arith.constant 0 : i32
    %dma_wait3A_386 = tpu.memref_slice %arg7[%dma_wait3A_384, %dma_wait3A_385] : memref<1024x32xf32, #tpu.memory_space<vmem>> -> memref<128x32xf32, #tpu.memory_space<vmem>>
    %dma_wait3A_387 = arith.constant 0 : i32
    %dma_wait3A_388 = tpu.memref_slice %arg5[%dma_wait3A_383, %dma_wait3A_387] : memref<104x128xi32, #tpu.memory_space<vmem>> -> memref<1x128xi32, #tpu.memory_space<vmem>>
    %dma_wait3A_389 = tpu.memref_squeeze %dma_wait3A_388 : memref<1x128xi32, #tpu.memory_space<vmem>> -> memref<128xi32, #tpu.memory_space<vmem>>
    %dma_wait3A_390 = arith.constant 0 : i32
    %dma_wait3A_391 = arith.constant 0 : i32
    %dma_wait3A_392 = tpu.memref_slice %arg2[%dma_wait3A_390, %dma_wait3A_391] : memref<2600000x32xf32, #tpu.memory_space<hbm>> -> memref<2600000x32xf32, #tpu.memory_space<hbm>>
    tpu.wait_indirect_dma semaphore(%arg9 : memref<!tpu.dma_semaphore, #tpu.memory_space<semaphore_mem>>) src(%dma_wait3A_392 : memref<2600000x32xf32, #tpu.memory_space<hbm>>) dst(%dma_wait3A_386 : memref<128x32xf32, #tpu.memory_space<vmem>>)
    %dma_wait3A_393 = arith.constant 14 : i32
    %dma_wait3A_394 = arith.constant 768 : i32
    %dma_wait3A_395 = arith.constant 0 : i32
    %dma_wait3A_396 = tpu.memref_slice %arg7[%dma_wait3A_394, %dma_wait3A_395] : memref<1024x32xf32, #tpu.memory_space<vmem>> -> memref<128x32xf32, #tpu.memory_space<vmem>>
    %dma_wait3A_397 = arith.constant 0 : i32
    %dma_wait3A_398 = tpu.memref_slice %arg5[%dma_wait3A_393, %dma_wait3A_397] : memref<104x128xi32, #tpu.memory_space<vmem>> -> memref<1x128xi32, #tpu.memory_space<vmem>>
    %dma_wait3A_399 = tpu.memref_squeeze %dma_wait3A_398 : memref<1x128xi32, #tpu.memory_space<vmem>> -> memref<128xi32, #tpu.memory_space<vmem>>
    %dma_wait3A_400 = arith.constant 0 : i32
    %dma_wait3A_401 = arith.constant 0 : i32
    %dma_wait3A_402 = tpu.memref_slice %arg2[%dma_wait3A_400, %dma_wait3A_401] : memref<2600000x32xf32, #tpu.memory_space<hbm>> -> memref<2600000x32xf32, #tpu.memory_space<hbm>>
    tpu.wait_indirect_dma semaphore(%arg9 : memref<!tpu.dma_semaphore, #tpu.memory_space<semaphore_mem>>) src(%dma_wait3A_402 : memref<2600000x32xf32, #tpu.memory_space<hbm>>) dst(%dma_wait3A_396 : memref<128x32xf32, #tpu.memory_space<vmem>>)
    %dma_wait3A_403 = arith.constant 15 : i32
    %dma_wait3A_404 = arith.constant 896 : i32
    %dma_wait3A_405 = arith.constant 0 : i32
    %dma_wait3A_406 = tpu.memref_slice %arg7[%dma_wait3A_404, %dma_wait3A_405] : memref<1024x32xf32, #tpu.memory_space<vmem>> -> memref<128x32xf32, #tpu.memory_space<vmem>>
    %dma_wait3A_407 = arith.constant 0 : i32
    %dma_wait3A_408 = tpu.memref_slice %arg5[%dma_wait3A_403, %dma_wait3A_407] : memref<104x128xi32, #tpu.memory_space<vmem>> -> memref<1x128xi32, #tpu.memory_space<vmem>>
    %dma_wait3A_409 = tpu.memref_squeeze %dma_wait3A_408 : memref<1x128xi32, #tpu.memory_space<vmem>> -> memref<128xi32, #tpu.memory_space<vmem>>
    %dma_wait3A_410 = arith.constant 0 : i32
    %dma_wait3A_411 = arith.constant 0 : i32
    %dma_wait3A_412 = tpu.memref_slice %arg2[%dma_wait3A_410, %dma_wait3A_411] : memref<2600000x32xf32, #tpu.memory_space<hbm>> -> memref<2600000x32xf32, #tpu.memory_space<hbm>>
    tpu.wait_indirect_dma semaphore(%arg9 : memref<!tpu.dma_semaphore, #tpu.memory_space<semaphore_mem>>) src(%dma_wait3A_412 : memref<2600000x32xf32, #tpu.memory_space<hbm>>) dst(%dma_wait3A_406 : memref<128x32xf32, #tpu.memory_space<vmem>>)
    %add3A_413 = arith.constant 1024 : i32
    %add3A_414 = arith.addi %mul3A_2, %add3A_413 : i32
    %dma_start3A_415 = arith.constant 0 : i32
    %dma_start3A_416 = tpu.memref_slice %arg4[%add3A_414, %dma_start3A_415] : memref<425984x32xf32, #tpu.memory_space<hbm>> -> memref<1024x32xf32, #tpu.memory_space<hbm>>
    %dma_start3A_417 = arith.constant 0 : i32
    %dma_start3A_418 = tpu.memref_slice %arg4[%add3A_414, %dma_start3A_417] : memref<425984x32xf32, #tpu.memory_space<hbm>> -> memref<1024x32xf32, #tpu.memory_space<hbm>>
    tpu.enqueue_dma source(%arg7 : memref<1024x32xf32, #tpu.memory_space<vmem>>) target(%dma_start3A_418 : memref<1024x32xf32, #tpu.memory_space<hbm>>) target_semaphore(%arg11 : memref<!tpu.dma_semaphore, #tpu.memory_space<semaphore_mem>>)
    %dma_wait3A_419 = arith.constant 0 : i32
    %dma_wait3A_420 = tpu.memref_slice %arg4[%add3A_414, %dma_wait3A_419] : memref<425984x32xf32, #tpu.memory_space<hbm>> -> memref<1024x32xf32, #tpu.memory_space<hbm>>
    %dma_wait3A_421 = arith.constant 0 : i32
    %dma_wait3A_422 = tpu.memref_slice %arg4[%add3A_414, %dma_wait3A_421] : memref<425984x32xf32, #tpu.memory_space<hbm>> -> memref<1024x32xf32, #tpu.memory_space<hbm>>
    tpu.wait_dma2 semaphore(%arg11 : memref<!tpu.dma_semaphore, #tpu.memory_space<semaphore_mem>>) src(%arg7 : memref<1024x32xf32, #tpu.memory_space<vmem>>) dst(%dma_wait3A_422 : memref<1024x32xf32, #tpu.memory_space<hbm>>)
    %dma_start3A_423 = arith.constant 24 : i32
    %dma_start3A_424 = arith.constant 0 : i32
    %dma_start3A_425 = arith.constant 0 : i32
    %dma_start3A_426 = tpu.memref_slice %arg7[%dma_start3A_424, %dma_start3A_425] : memref<1024x32xf32, #tpu.memory_space<vmem>> -> memref<128x32xf32, #tpu.memory_space<vmem>>
    %dma_start3A_427 = arith.constant 0 : i32
    %dma_start3A_428 = tpu.memref_slice %arg5[%dma_start3A_423, %dma_start3A_427] : memref<104x128xi32, #tpu.memory_space<vmem>> -> memref<1x128xi32, #tpu.memory_space<vmem>>
    %dma_start3A_429 = tpu.memref_squeeze %dma_start3A_428 : memref<1x128xi32, #tpu.memory_space<vmem>> -> memref<128xi32, #tpu.memory_space<vmem>>
    %dma_start3A_430 = arith.constant 0 : i32
    %dma_start3A_431 = arith.constant 0 : i32
    %dma_start3A_432 = tpu.memref_slice %arg2[%dma_start3A_430, %dma_start3A_431] : memref<2600000x32xf32, #tpu.memory_space<hbm>> -> memref<2600000x32xf32, #tpu.memory_space<hbm>>
    tpu.enqueue_indirect_dma source(%dma_start3A_432 : memref<2600000x32xf32, #tpu.memory_space<hbm>>) target(%dma_start3A_426 : memref<128x32xf32, #tpu.memory_space<vmem>>) offsets(%dma_start3A_429 : memref<128xi32, #tpu.memory_space<vmem>>) semaphore(%arg9 : memref<!tpu.dma_semaphore, #tpu.memory_space<semaphore_mem>>)
    %dma_start3A_433 = arith.constant 25 : i32
    %dma_start3A_434 = arith.constant 128 : i32
    %dma_start3A_435 = arith.constant 0 : i32
    %dma_start3A_436 = tpu.memref_slice %arg7[%dma_start3A_434, %dma_start3A_435] : memref<1024x32xf32, #tpu.memory_space<vmem>> -> memref<128x32xf32, #tpu.memory_space<vmem>>
    %dma_start3A_437 = arith.constant 0 : i32
    %dma_start3A_438 = tpu.memref_slice %arg5[%dma_start3A_433, %dma_start3A_437] : memref<104x128xi32, #tpu.memory_space<vmem>> -> memref<1x128xi32, #tpu.memory_space<vmem>>
    %dma_start3A_439 = tpu.memref_squeeze %dma_start3A_438 : memref<1x128xi32, #tpu.memory_space<vmem>> -> memref<128xi32, #tpu.memory_space<vmem>>
    %dma_start3A_440 = arith.constant 0 : i32
    %dma_start3A_441 = arith.constant 0 : i32
    %dma_start3A_442 = tpu.memref_slice %arg2[%dma_start3A_440, %dma_start3A_441] : memref<2600000x32xf32, #tpu.memory_space<hbm>> -> memref<2600000x32xf32, #tpu.memory_space<hbm>>
    tpu.enqueue_indirect_dma source(%dma_start3A_442 : memref<2600000x32xf32, #tpu.memory_space<hbm>>) target(%dma_start3A_436 : memref<128x32xf32, #tpu.memory_space<vmem>>) offsets(%dma_start3A_439 : memref<128xi32, #tpu.memory_space<vmem>>) semaphore(%arg9 : memref<!tpu.dma_semaphore, #tpu.memory_space<semaphore_mem>>)
    %dma_start3A_443 = arith.constant 26 : i32
    %dma_start3A_444 = arith.constant 256 : i32
    %dma_start3A_445 = arith.constant 0 : i32
    %dma_start3A_446 = tpu.memref_slice %arg7[%dma_start3A_444, %dma_start3A_445] : memref<1024x32xf32, #tpu.memory_space<vmem>> -> memref<128x32xf32, #tpu.memory_space<vmem>>
    %dma_start3A_447 = arith.constant 0 : i32
    %dma_start3A_448 = tpu.memref_slice %arg5[%dma_start3A_443, %dma_start3A_447] : memref<104x128xi32, #tpu.memory_space<vmem>> -> memref<1x128xi32, #tpu.memory_space<vmem>>
    %dma_start3A_449 = tpu.memref_squeeze %dma_start3A_448 : memref<1x128xi32, #tpu.memory_space<vmem>> -> memref<128xi32, #tpu.memory_space<vmem>>
    %dma_start3A_450 = arith.constant 0 : i32
    %dma_start3A_451 = arith.constant 0 : i32
    %dma_start3A_452 = tpu.memref_slice %arg2[%dma_start3A_450, %dma_start3A_451] : memref<2600000x32xf32, #tpu.memory_space<hbm>> -> memref<2600000x32xf32, #tpu.memory_space<hbm>>
    tpu.enqueue_indirect_dma source(%dma_start3A_452 : memref<2600000x32xf32, #tpu.memory_space<hbm>>) target(%dma_start3A_446 : memref<128x32xf32, #tpu.memory_space<vmem>>) offsets(%dma_start3A_449 : memref<128xi32, #tpu.memory_space<vmem>>) semaphore(%arg9 : memref<!tpu.dma_semaphore, #tpu.memory_space<semaphore_mem>>)
    %dma_start3A_453 = arith.constant 27 : i32
    %dma_start3A_454 = arith.constant 384 : i32
    %dma_start3A_455 = arith.constant 0 : i32
    %dma_start3A_456 = tpu.memref_slice %arg7[%dma_start3A_454, %dma_start3A_455] : memref<1024x32xf32, #tpu.memory_space<vmem>> -> memref<128x32xf32, #tpu.memory_space<vmem>>
    %dma_start3A_457 = arith.constant 0 : i32
    %dma_start3A_458 = tpu.memref_slice %arg5[%dma_start3A_453, %dma_start3A_457] : memref<104x128xi32, #tpu.memory_space<vmem>> -> memref<1x128xi32, #tpu.memory_space<vmem>>
    %dma_start3A_459 = tpu.memref_squeeze %dma_start3A_458 : memref<1x128xi32, #tpu.memory_space<vmem>> -> memref<128xi32, #tpu.memory_space<vmem>>
    %dma_start3A_460 = arith.constant 0 : i32
    %dma_start3A_461 = arith.constant 0 : i32
    %dma_start3A_462 = tpu.memref_slice %arg2[%dma_start3A_460, %dma_start3A_461] : memref<2600000x32xf32, #tpu.memory_space<hbm>> -> memref<2600000x32xf32, #tpu.memory_space<hbm>>
    tpu.enqueue_indirect_dma source(%dma_start3A_462 : memref<2600000x32xf32, #tpu.memory_space<hbm>>) target(%dma_start3A_456 : memref<128x32xf32, #tpu.memory_space<vmem>>) offsets(%dma_start3A_459 : memref<128xi32, #tpu.memory_space<vmem>>) semaphore(%arg9 : memref<!tpu.dma_semaphore, #tpu.memory_space<semaphore_mem>>)
    %dma_start3A_463 = arith.constant 28 : i32
    %dma_start3A_464 = arith.constant 512 : i32
    %dma_start3A_465 = arith.constant 0 : i32
    %dma_start3A_466 = tpu.memref_slice %arg7[%dma_start3A_464, %dma_start3A_465] : memref<1024x32xf32, #tpu.memory_space<vmem>> -> memref<128x32xf32, #tpu.memory_space<vmem>>
    %dma_start3A_467 = arith.constant 0 : i32
    %dma_start3A_468 = tpu.memref_slice %arg5[%dma_start3A_463, %dma_start3A_467] : memref<104x128xi32, #tpu.memory_space<vmem>> -> memref<1x128xi32, #tpu.memory_space<vmem>>
    %dma_start3A_469 = tpu.memref_squeeze %dma_start3A_468 : memref<1x128xi32, #tpu.memory_space<vmem>> -> memref<128xi32, #tpu.memory_space<vmem>>
    %dma_start3A_470 = arith.constant 0 : i32
    %dma_start3A_471 = arith.constant 0 : i32
    %dma_start3A_472 = tpu.memref_slice %arg2[%dma_start3A_470, %dma_start3A_471] : memref<2600000x32xf32, #tpu.memory_space<hbm>> -> memref<2600000x32xf32, #tpu.memory_space<hbm>>
    tpu.enqueue_indirect_dma source(%dma_start3A_472 : memref<2600000x32xf32, #tpu.memory_space<hbm>>) target(%dma_start3A_466 : memref<128x32xf32, #tpu.memory_space<vmem>>) offsets(%dma_start3A_469 : memref<128xi32, #tpu.memory_space<vmem>>) semaphore(%arg9 : memref<!tpu.dma_semaphore, #tpu.memory_space<semaphore_mem>>)
    %dma_start3A_473 = arith.constant 29 : i32
    %dma_start3A_474 = arith.constant 640 : i32
    %dma_start3A_475 = arith.constant 0 : i32
    %dma_start3A_476 = tpu.memref_slice %arg7[%dma_start3A_474, %dma_start3A_475] : memref<1024x32xf32, #tpu.memory_space<vmem>> -> memref<128x32xf32, #tpu.memory_space<vmem>>
    %dma_start3A_477 = arith.constant 0 : i32
    %dma_start3A_478 = tpu.memref_slice %arg5[%dma_start3A_473, %dma_start3A_477] : memref<104x128xi32, #tpu.memory_space<vmem>> -> memref<1x128xi32, #tpu.memory_space<vmem>>
    %dma_start3A_479 = tpu.memref_squeeze %dma_start3A_478 : memref<1x128xi32, #tpu.memory_space<vmem>> -> memref<128xi32, #tpu.memory_space<vmem>>
    %dma_start3A_480 = arith.constant 0 : i32
    %dma_start3A_481 = arith.constant 0 : i32
    %dma_start3A_482 = tpu.memref_slice %arg2[%dma_start3A_480, %dma_start3A_481] : memref<2600000x32xf32, #tpu.memory_space<hbm>> -> memref<2600000x32xf32, #tpu.memory_space<hbm>>
    tpu.enqueue_indirect_dma source(%dma_start3A_482 : memref<2600000x32xf32, #tpu.memory_space<hbm>>) target(%dma_start3A_476 : memref<128x32xf32, #tpu.memory_space<vmem>>) offsets(%dma_start3A_479 : memref<128xi32, #tpu.memory_space<vmem>>) semaphore(%arg9 : memref<!tpu.dma_semaphore, #tpu.memory_space<semaphore_mem>>)
    %dma_start3A_483 = arith.constant 30 : i32
    %dma_start3A_484 = arith.constant 768 : i32
    %dma_start3A_485 = arith.constant 0 : i32
    %dma_start3A_486 = tpu.memref_slice %arg7[%dma_start3A_484, %dma_start3A_485] : memref<1024x32xf32, #tpu.memory_space<vmem>> -> memref<128x32xf32, #tpu.memory_space<vmem>>
    %dma_start3A_487 = arith.constant 0 : i32
    %dma_start3A_488 = tpu.memref_slice %arg5[%dma_start3A_483, %dma_start3A_487] : memref<104x128xi32, #tpu.memory_space<vmem>> -> memref<1x128xi32, #tpu.memory_space<vmem>>
    %dma_start3A_489 = tpu.memref_squeeze %dma_start3A_488 : memref<1x128xi32, #tpu.memory_space<vmem>> -> memref<128xi32, #tpu.memory_space<vmem>>
    %dma_start3A_490 = arith.constant 0 : i32
    %dma_start3A_491 = arith.constant 0 : i32
    %dma_start3A_492 = tpu.memref_slice %arg2[%dma_start3A_490, %dma_start3A_491] : memref<2600000x32xf32, #tpu.memory_space<hbm>> -> memref<2600000x32xf32, #tpu.memory_space<hbm>>
    tpu.enqueue_indirect_dma source(%dma_start3A_492 : memref<2600000x32xf32, #tpu.memory_space<hbm>>) target(%dma_start3A_486 : memref<128x32xf32, #tpu.memory_space<vmem>>) offsets(%dma_start3A_489 : memref<128xi32, #tpu.memory_space<vmem>>) semaphore(%arg9 : memref<!tpu.dma_semaphore, #tpu.memory_space<semaphore_mem>>)
    %dma_start3A_493 = arith.constant 31 : i32
    %dma_start3A_494 = arith.constant 896 : i32
    %dma_start3A_495 = arith.constant 0 : i32
    %dma_start3A_496 = tpu.memref_slice %arg7[%dma_start3A_494, %dma_start3A_495] : memref<1024x32xf32, #tpu.memory_space<vmem>> -> memref<128x32xf32, #tpu.memory_space<vmem>>
    %dma_start3A_497 = arith.constant 0 : i32
    %dma_start3A_498 = tpu.memref_slice %arg5[%dma_start3A_493, %dma_start3A_497] : memref<104x128xi32, #tpu.memory_space<vmem>> -> memref<1x128xi32, #tpu.memory_space<vmem>>
    %dma_start3A_499 = tpu.memref_squeeze %dma_start3A_498 : memref<1x128xi32, #tpu.memory_space<vmem>> -> memref<128xi32, #tpu.memory_space<vmem>>
    %dma_start3A_500 = arith.constant 0 : i32
    %dma_start3A_501 = arith.constant 0 : i32
    %dma_start3A_502 = tpu.memref_slice %arg2[%dma_start3A_500, %dma_start3A_501] : memref<2600000x32xf32, #tpu.memory_space<hbm>> -> memref<2600000x32xf32, #tpu.memory_space<hbm>>
    tpu.enqueue_indirect_dma source(%dma_start3A_502 : memref<2600000x32xf32, #tpu.memory_space<hbm>>) target(%dma_start3A_496 : memref<128x32xf32, #tpu.memory_space<vmem>>) offsets(%dma_start3A_499 : memref<128xi32, #tpu.memory_space<vmem>>) semaphore(%arg9 : memref<!tpu.dma_semaphore, #tpu.memory_space<semaphore_mem>>)
    %dma_wait3A_503 = arith.constant 16 : i32
    %dma_wait3A_504 = arith.constant 0 : i32
    %dma_wait3A_505 = arith.constant 0 : i32
    %dma_wait3A_506 = tpu.memref_slice %arg6[%dma_wait3A_504, %dma_wait3A_505] : memref<1024x32xf32, #tpu.memory_space<vmem>> -> memref<128x32xf32, #tpu.memory_space<vmem>>
    %dma_wait3A_507 = arith.constant 0 : i32
    %dma_wait3A_508 = tpu.memref_slice %arg5[%dma_wait3A_503, %dma_wait3A_507] : memref<104x128xi32, #tpu.memory_space<vmem>> -> memref<1x128xi32, #tpu.memory_space<vmem>>
    %dma_wait3A_509 = tpu.memref_squeeze %dma_wait3A_508 : memref<1x128xi32, #tpu.memory_space<vmem>> -> memref<128xi32, #tpu.memory_space<vmem>>
    %dma_wait3A_510 = arith.constant 0 : i32
    %dma_wait3A_511 = arith.constant 0 : i32
    %dma_wait3A_512 = tpu.memref_slice %arg2[%dma_wait3A_510, %dma_wait3A_511] : memref<2600000x32xf32, #tpu.memory_space<hbm>> -> memref<2600000x32xf32, #tpu.memory_space<hbm>>
    tpu.wait_indirect_dma semaphore(%arg8 : memref<!tpu.dma_semaphore, #tpu.memory_space<semaphore_mem>>) src(%dma_wait3A_512 : memref<2600000x32xf32, #tpu.memory_space<hbm>>) dst(%dma_wait3A_506 : memref<128x32xf32, #tpu.memory_space<vmem>>)
    %dma_wait3A_513 = arith.constant 17 : i32
    %dma_wait3A_514 = arith.constant 128 : i32
    %dma_wait3A_515 = arith.constant 0 : i32
    %dma_wait3A_516 = tpu.memref_slice %arg6[%dma_wait3A_514, %dma_wait3A_515] : memref<1024x32xf32, #tpu.memory_space<vmem>> -> memref<128x32xf32, #tpu.memory_space<vmem>>
    %dma_wait3A_517 = arith.constant 0 : i32
    %dma_wait3A_518 = tpu.memref_slice %arg5[%dma_wait3A_513, %dma_wait3A_517] : memref<104x128xi32, #tpu.memory_space<vmem>> -> memref<1x128xi32, #tpu.memory_space<vmem>>
    %dma_wait3A_519 = tpu.memref_squeeze %dma_wait3A_518 : memref<1x128xi32, #tpu.memory_space<vmem>> -> memref<128xi32, #tpu.memory_space<vmem>>
    %dma_wait3A_520 = arith.constant 0 : i32
    %dma_wait3A_521 = arith.constant 0 : i32
    %dma_wait3A_522 = tpu.memref_slice %arg2[%dma_wait3A_520, %dma_wait3A_521] : memref<2600000x32xf32, #tpu.memory_space<hbm>> -> memref<2600000x32xf32, #tpu.memory_space<hbm>>
    tpu.wait_indirect_dma semaphore(%arg8 : memref<!tpu.dma_semaphore, #tpu.memory_space<semaphore_mem>>) src(%dma_wait3A_522 : memref<2600000x32xf32, #tpu.memory_space<hbm>>) dst(%dma_wait3A_516 : memref<128x32xf32, #tpu.memory_space<vmem>>)
    %dma_wait3A_523 = arith.constant 18 : i32
    %dma_wait3A_524 = arith.constant 256 : i32
    %dma_wait3A_525 = arith.constant 0 : i32
    %dma_wait3A_526 = tpu.memref_slice %arg6[%dma_wait3A_524, %dma_wait3A_525] : memref<1024x32xf32, #tpu.memory_space<vmem>> -> memref<128x32xf32, #tpu.memory_space<vmem>>
    %dma_wait3A_527 = arith.constant 0 : i32
    %dma_wait3A_528 = tpu.memref_slice %arg5[%dma_wait3A_523, %dma_wait3A_527] : memref<104x128xi32, #tpu.memory_space<vmem>> -> memref<1x128xi32, #tpu.memory_space<vmem>>
    %dma_wait3A_529 = tpu.memref_squeeze %dma_wait3A_528 : memref<1x128xi32, #tpu.memory_space<vmem>> -> memref<128xi32, #tpu.memory_space<vmem>>
    %dma_wait3A_530 = arith.constant 0 : i32
    %dma_wait3A_531 = arith.constant 0 : i32
    %dma_wait3A_532 = tpu.memref_slice %arg2[%dma_wait3A_530, %dma_wait3A_531] : memref<2600000x32xf32, #tpu.memory_space<hbm>> -> memref<2600000x32xf32, #tpu.memory_space<hbm>>
    tpu.wait_indirect_dma semaphore(%arg8 : memref<!tpu.dma_semaphore, #tpu.memory_space<semaphore_mem>>) src(%dma_wait3A_532 : memref<2600000x32xf32, #tpu.memory_space<hbm>>) dst(%dma_wait3A_526 : memref<128x32xf32, #tpu.memory_space<vmem>>)
    %dma_wait3A_533 = arith.constant 19 : i32
    %dma_wait3A_534 = arith.constant 384 : i32
    %dma_wait3A_535 = arith.constant 0 : i32
    %dma_wait3A_536 = tpu.memref_slice %arg6[%dma_wait3A_534, %dma_wait3A_535] : memref<1024x32xf32, #tpu.memory_space<vmem>> -> memref<128x32xf32, #tpu.memory_space<vmem>>
    %dma_wait3A_537 = arith.constant 0 : i32
    %dma_wait3A_538 = tpu.memref_slice %arg5[%dma_wait3A_533, %dma_wait3A_537] : memref<104x128xi32, #tpu.memory_space<vmem>> -> memref<1x128xi32, #tpu.memory_space<vmem>>
    %dma_wait3A_539 = tpu.memref_squeeze %dma_wait3A_538 : memref<1x128xi32, #tpu.memory_space<vmem>> -> memref<128xi32, #tpu.memory_space<vmem>>
    %dma_wait3A_540 = arith.constant 0 : i32
    %dma_wait3A_541 = arith.constant 0 : i32
    %dma_wait3A_542 = tpu.memref_slice %arg2[%dma_wait3A_540, %dma_wait3A_541] : memref<2600000x32xf32, #tpu.memory_space<hbm>> -> memref<2600000x32xf32, #tpu.memory_space<hbm>>
    tpu.wait_indirect_dma semaphore(%arg8 : memref<!tpu.dma_semaphore, #tpu.memory_space<semaphore_mem>>) src(%dma_wait3A_542 : memref<2600000x32xf32, #tpu.memory_space<hbm>>) dst(%dma_wait3A_536 : memref<128x32xf32, #tpu.memory_space<vmem>>)
    %dma_wait3A_543 = arith.constant 20 : i32
    %dma_wait3A_544 = arith.constant 512 : i32
    %dma_wait3A_545 = arith.constant 0 : i32
    %dma_wait3A_546 = tpu.memref_slice %arg6[%dma_wait3A_544, %dma_wait3A_545] : memref<1024x32xf32, #tpu.memory_space<vmem>> -> memref<128x32xf32, #tpu.memory_space<vmem>>
    %dma_wait3A_547 = arith.constant 0 : i32
    %dma_wait3A_548 = tpu.memref_slice %arg5[%dma_wait3A_543, %dma_wait3A_547] : memref<104x128xi32, #tpu.memory_space<vmem>> -> memref<1x128xi32, #tpu.memory_space<vmem>>
    %dma_wait3A_549 = tpu.memref_squeeze %dma_wait3A_548 : memref<1x128xi32, #tpu.memory_space<vmem>> -> memref<128xi32, #tpu.memory_space<vmem>>
    %dma_wait3A_550 = arith.constant 0 : i32
    %dma_wait3A_551 = arith.constant 0 : i32
    %dma_wait3A_552 = tpu.memref_slice %arg2[%dma_wait3A_550, %dma_wait3A_551] : memref<2600000x32xf32, #tpu.memory_space<hbm>> -> memref<2600000x32xf32, #tpu.memory_space<hbm>>
    tpu.wait_indirect_dma semaphore(%arg8 : memref<!tpu.dma_semaphore, #tpu.memory_space<semaphore_mem>>) src(%dma_wait3A_552 : memref<2600000x32xf32, #tpu.memory_space<hbm>>) dst(%dma_wait3A_546 : memref<128x32xf32, #tpu.memory_space<vmem>>)
    %dma_wait3A_553 = arith.constant 21 : i32
    %dma_wait3A_554 = arith.constant 640 : i32
    %dma_wait3A_555 = arith.constant 0 : i32
    %dma_wait3A_556 = tpu.memref_slice %arg6[%dma_wait3A_554, %dma_wait3A_555] : memref<1024x32xf32, #tpu.memory_space<vmem>> -> memref<128x32xf32, #tpu.memory_space<vmem>>
    %dma_wait3A_557 = arith.constant 0 : i32
    %dma_wait3A_558 = tpu.memref_slice %arg5[%dma_wait3A_553, %dma_wait3A_557] : memref<104x128xi32, #tpu.memory_space<vmem>> -> memref<1x128xi32, #tpu.memory_space<vmem>>
    %dma_wait3A_559 = tpu.memref_squeeze %dma_wait3A_558 : memref<1x128xi32, #tpu.memory_space<vmem>> -> memref<128xi32, #tpu.memory_space<vmem>>
    %dma_wait3A_560 = arith.constant 0 : i32
    %dma_wait3A_561 = arith.constant 0 : i32
    %dma_wait3A_562 = tpu.memref_slice %arg2[%dma_wait3A_560, %dma_wait3A_561] : memref<2600000x32xf32, #tpu.memory_space<hbm>> -> memref<2600000x32xf32, #tpu.memory_space<hbm>>
    tpu.wait_indirect_dma semaphore(%arg8 : memref<!tpu.dma_semaphore, #tpu.memory_space<semaphore_mem>>) src(%dma_wait3A_562 : memref<2600000x32xf32, #tpu.memory_space<hbm>>) dst(%dma_wait3A_556 : memref<128x32xf32, #tpu.memory_space<vmem>>)
    %dma_wait3A_563 = arith.constant 22 : i32
    %dma_wait3A_564 = arith.constant 768 : i32
    %dma_wait3A_565 = arith.constant 0 : i32
    %dma_wait3A_566 = tpu.memref_slice %arg6[%dma_wait3A_564, %dma_wait3A_565] : memref<1024x32xf32, #tpu.memory_space<vmem>> -> memref<128x32xf32, #tpu.memory_space<vmem>>
    %dma_wait3A_567 = arith.constant 0 : i32
    %dma_wait3A_568 = tpu.memref_slice %arg5[%dma_wait3A_563, %dma_wait3A_567] : memref<104x128xi32, #tpu.memory_space<vmem>> -> memref<1x128xi32, #tpu.memory_space<vmem>>
    %dma_wait3A_569 = tpu.memref_squeeze %dma_wait3A_568 : memref<1x128xi32, #tpu.memory_space<vmem>> -> memref<128xi32, #tpu.memory_space<vmem>>
    %dma_wait3A_570 = arith.constant 0 : i32
    %dma_wait3A_571 = arith.constant 0 : i32
    %dma_wait3A_572 = tpu.memref_slice %arg2[%dma_wait3A_570, %dma_wait3A_571] : memref<2600000x32xf32, #tpu.memory_space<hbm>> -> memref<2600000x32xf32, #tpu.memory_space<hbm>>
    tpu.wait_indirect_dma semaphore(%arg8 : memref<!tpu.dma_semaphore, #tpu.memory_space<semaphore_mem>>) src(%dma_wait3A_572 : memref<2600000x32xf32, #tpu.memory_space<hbm>>) dst(%dma_wait3A_566 : memref<128x32xf32, #tpu.memory_space<vmem>>)
    %dma_wait3A_573 = arith.constant 23 : i32
    %dma_wait3A_574 = arith.constant 896 : i32
    %dma_wait3A_575 = arith.constant 0 : i32
    %dma_wait3A_576 = tpu.memref_slice %arg6[%dma_wait3A_574, %dma_wait3A_575] : memref<1024x32xf32, #tpu.memory_space<vmem>> -> memref<128x32xf32, #tpu.memory_space<vmem>>
    %dma_wait3A_577 = arith.constant 0 : i32
    %dma_wait3A_578 = tpu.memref_slice %arg5[%dma_wait3A_573, %dma_wait3A_577] : memref<104x128xi32, #tpu.memory_space<vmem>> -> memref<1x128xi32, #tpu.memory_space<vmem>>
    %dma_wait3A_579 = tpu.memref_squeeze %dma_wait3A_578 : memref<1x128xi32, #tpu.memory_space<vmem>> -> memref<128xi32, #tpu.memory_space<vmem>>
    %dma_wait3A_580 = arith.constant 0 : i32
    %dma_wait3A_581 = arith.constant 0 : i32
    %dma_wait3A_582 = tpu.memref_slice %arg2[%dma_wait3A_580, %dma_wait3A_581] : memref<2600000x32xf32, #tpu.memory_space<hbm>> -> memref<2600000x32xf32, #tpu.memory_space<hbm>>
    tpu.wait_indirect_dma semaphore(%arg8 : memref<!tpu.dma_semaphore, #tpu.memory_space<semaphore_mem>>) src(%dma_wait3A_582 : memref<2600000x32xf32, #tpu.memory_space<hbm>>) dst(%dma_wait3A_576 : memref<128x32xf32, #tpu.memory_space<vmem>>)
    %add3A_583 = arith.constant 2048 : i32
    %add3A_584 = arith.addi %mul3A_2, %add3A_583 : i32
    %dma_start3A_585 = arith.constant 0 : i32
    %dma_start3A_586 = tpu.memref_slice %arg4[%add3A_584, %dma_start3A_585] : memref<425984x32xf32, #tpu.memory_space<hbm>> -> memref<1024x32xf32, #tpu.memory_space<hbm>>
    %dma_start3A_587 = arith.constant 0 : i32
    %dma_start3A_588 = tpu.memref_slice %arg4[%add3A_584, %dma_start3A_587] : memref<425984x32xf32, #tpu.memory_space<hbm>> -> memref<1024x32xf32, #tpu.memory_space<hbm>>
    tpu.enqueue_dma source(%arg6 : memref<1024x32xf32, #tpu.memory_space<vmem>>) target(%dma_start3A_588 : memref<1024x32xf32, #tpu.memory_space<hbm>>) target_semaphore(%arg10 : memref<!tpu.dma_semaphore, #tpu.memory_space<semaphore_mem>>)
    %dma_wait3A_589 = arith.constant 0 : i32
    %dma_wait3A_590 = tpu.memref_slice %arg4[%add3A_584, %dma_wait3A_589] : memref<425984x32xf32, #tpu.memory_space<hbm>> -> memref<1024x32xf32, #tpu.memory_space<hbm>>
    %dma_wait3A_591 = arith.constant 0 : i32
    %dma_wait3A_592 = tpu.memref_slice %arg4[%add3A_584, %dma_wait3A_591] : memref<425984x32xf32, #tpu.memory_space<hbm>> -> memref<1024x32xf32, #tpu.memory_space<hbm>>
    tpu.wait_dma2 semaphore(%arg10 : memref<!tpu.dma_semaphore, #tpu.memory_space<semaphore_mem>>) src(%arg6 : memref<1024x32xf32, #tpu.memory_space<vmem>>) dst(%dma_wait3A_592 : memref<1024x32xf32, #tpu.memory_space<hbm>>)
    %dma_start3A_593 = arith.constant 32 : i32
    %dma_start3A_594 = arith.constant 0 : i32
    %dma_start3A_595 = arith.constant 0 : i32
    %dma_start3A_596 = tpu.memref_slice %arg6[%dma_start3A_594, %dma_start3A_595] : memref<1024x32xf32, #tpu.memory_space<vmem>> -> memref<128x32xf32, #tpu.memory_space<vmem>>
    %dma_start3A_597 = arith.constant 0 : i32
    %dma_start3A_598 = tpu.memref_slice %arg5[%dma_start3A_593, %dma_start3A_597] : memref<104x128xi32, #tpu.memory_space<vmem>> -> memref<1x128xi32, #tpu.memory_space<vmem>>
    %dma_start3A_599 = tpu.memref_squeeze %dma_start3A_598 : memref<1x128xi32, #tpu.memory_space<vmem>> -> memref<128xi32, #tpu.memory_space<vmem>>
    %dma_start3A_600 = arith.constant 0 : i32
    %dma_start3A_601 = arith.constant 0 : i32
    %dma_start3A_602 = tpu.memref_slice %arg2[%dma_start3A_600, %dma_start3A_601] : memref<2600000x32xf32, #tpu.memory_space<hbm>> -> memref<2600000x32xf32, #tpu.memory_space<hbm>>
    tpu.enqueue_indirect_dma source(%dma_start3A_602 : memref<2600000x32xf32, #tpu.memory_space<hbm>>) target(%dma_start3A_596 : memref<128x32xf32, #tpu.memory_space<vmem>>) offsets(%dma_start3A_599 : memref<128xi32, #tpu.memory_space<vmem>>) semaphore(%arg8 : memref<!tpu.dma_semaphore, #tpu.memory_space<semaphore_mem>>)
    %dma_start3A_603 = arith.constant 33 : i32
    %dma_start3A_604 = arith.constant 128 : i32
    %dma_start3A_605 = arith.constant 0 : i32
    %dma_start3A_606 = tpu.memref_slice %arg6[%dma_start3A_604, %dma_start3A_605] : memref<1024x32xf32, #tpu.memory_space<vmem>> -> memref<128x32xf32, #tpu.memory_space<vmem>>
    %dma_start3A_607 = arith.constant 0 : i32
    %dma_start3A_608 = tpu.memref_slice %arg5[%dma_start3A_603, %dma_start3A_607] : memref<104x128xi32, #tpu.memory_space<vmem>> -> memref<1x128xi32, #tpu.memory_space<vmem>>
    %dma_start3A_609 = tpu.memref_squeeze %dma_start3A_608 : memref<1x128xi32, #tpu.memory_space<vmem>> -> memref<128xi32, #tpu.memory_space<vmem>>
    %dma_start3A_610 = arith.constant 0 : i32
    %dma_start3A_611 = arith.constant 0 : i32
    %dma_start3A_612 = tpu.memref_slice %arg2[%dma_start3A_610, %dma_start3A_611] : memref<2600000x32xf32, #tpu.memory_space<hbm>> -> memref<2600000x32xf32, #tpu.memory_space<hbm>>
    tpu.enqueue_indirect_dma source(%dma_start3A_612 : memref<2600000x32xf32, #tpu.memory_space<hbm>>) target(%dma_start3A_606 : memref<128x32xf32, #tpu.memory_space<vmem>>) offsets(%dma_start3A_609 : memref<128xi32, #tpu.memory_space<vmem>>) semaphore(%arg8 : memref<!tpu.dma_semaphore, #tpu.memory_space<semaphore_mem>>)
    %dma_start3A_613 = arith.constant 34 : i32
    %dma_start3A_614 = arith.constant 256 : i32
    %dma_start3A_615 = arith.constant 0 : i32
    %dma_start3A_616 = tpu.memref_slice %arg6[%dma_start3A_614, %dma_start3A_615] : memref<1024x32xf32, #tpu.memory_space<vmem>> -> memref<128x32xf32, #tpu.memory_space<vmem>>
    %dma_start3A_617 = arith.constant 0 : i32
    %dma_start3A_618 = tpu.memref_slice %arg5[%dma_start3A_613, %dma_start3A_617] : memref<104x128xi32, #tpu.memory_space<vmem>> -> memref<1x128xi32, #tpu.memory_space<vmem>>
    %dma_start3A_619 = tpu.memref_squeeze %dma_start3A_618 : memref<1x128xi32, #tpu.memory_space<vmem>> -> memref<128xi32, #tpu.memory_space<vmem>>
    %dma_start3A_620 = arith.constant 0 : i32
    %dma_start3A_621 = arith.constant 0 : i32
    %dma_start3A_622 = tpu.memref_slice %arg2[%dma_start3A_620, %dma_start3A_621] : memref<2600000x32xf32, #tpu.memory_space<hbm>> -> memref<2600000x32xf32, #tpu.memory_space<hbm>>
    tpu.enqueue_indirect_dma source(%dma_start3A_622 : memref<2600000x32xf32, #tpu.memory_space<hbm>>) target(%dma_start3A_616 : memref<128x32xf32, #tpu.memory_space<vmem>>) offsets(%dma_start3A_619 : memref<128xi32, #tpu.memory_space<vmem>>) semaphore(%arg8 : memref<!tpu.dma_semaphore, #tpu.memory_space<semaphore_mem>>)
    %dma_start3A_623 = arith.constant 35 : i32
    %dma_start3A_624 = arith.constant 384 : i32
    %dma_start3A_625 = arith.constant 0 : i32
    %dma_start3A_626 = tpu.memref_slice %arg6[%dma_start3A_624, %dma_start3A_625] : memref<1024x32xf32, #tpu.memory_space<vmem>> -> memref<128x32xf32, #tpu.memory_space<vmem>>
    %dma_start3A_627 = arith.constant 0 : i32
    %dma_start3A_628 = tpu.memref_slice %arg5[%dma_start3A_623, %dma_start3A_627] : memref<104x128xi32, #tpu.memory_space<vmem>> -> memref<1x128xi32, #tpu.memory_space<vmem>>
    %dma_start3A_629 = tpu.memref_squeeze %dma_start3A_628 : memref<1x128xi32, #tpu.memory_space<vmem>> -> memref<128xi32, #tpu.memory_space<vmem>>
    %dma_start3A_630 = arith.constant 0 : i32
    %dma_start3A_631 = arith.constant 0 : i32
    %dma_start3A_632 = tpu.memref_slice %arg2[%dma_start3A_630, %dma_start3A_631] : memref<2600000x32xf32, #tpu.memory_space<hbm>> -> memref<2600000x32xf32, #tpu.memory_space<hbm>>
    tpu.enqueue_indirect_dma source(%dma_start3A_632 : memref<2600000x32xf32, #tpu.memory_space<hbm>>) target(%dma_start3A_626 : memref<128x32xf32, #tpu.memory_space<vmem>>) offsets(%dma_start3A_629 : memref<128xi32, #tpu.memory_space<vmem>>) semaphore(%arg8 : memref<!tpu.dma_semaphore, #tpu.memory_space<semaphore_mem>>)
    %dma_start3A_633 = arith.constant 36 : i32
    %dma_start3A_634 = arith.constant 512 : i32
    %dma_start3A_635 = arith.constant 0 : i32
    %dma_start3A_636 = tpu.memref_slice %arg6[%dma_start3A_634, %dma_start3A_635] : memref<1024x32xf32, #tpu.memory_space<vmem>> -> memref<128x32xf32, #tpu.memory_space<vmem>>
    %dma_start3A_637 = arith.constant 0 : i32
    %dma_start3A_638 = tpu.memref_slice %arg5[%dma_start3A_633, %dma_start3A_637] : memref<104x128xi32, #tpu.memory_space<vmem>> -> memref<1x128xi32, #tpu.memory_space<vmem>>
    %dma_start3A_639 = tpu.memref_squeeze %dma_start3A_638 : memref<1x128xi32, #tpu.memory_space<vmem>> -> memref<128xi32, #tpu.memory_space<vmem>>
    %dma_start3A_640 = arith.constant 0 : i32
    %dma_start3A_641 = arith.constant 0 : i32
    %dma_start3A_642 = tpu.memref_slice %arg2[%dma_start3A_640, %dma_start3A_641] : memref<2600000x32xf32, #tpu.memory_space<hbm>> -> memref<2600000x32xf32, #tpu.memory_space<hbm>>
    tpu.enqueue_indirect_dma source(%dma_start3A_642 : memref<2600000x32xf32, #tpu.memory_space<hbm>>) target(%dma_start3A_636 : memref<128x32xf32, #tpu.memory_space<vmem>>) offsets(%dma_start3A_639 : memref<128xi32, #tpu.memory_space<vmem>>) semaphore(%arg8 : memref<!tpu.dma_semaphore, #tpu.memory_space<semaphore_mem>>)
    %dma_start3A_643 = arith.constant 37 : i32
    %dma_start3A_644 = arith.constant 640 : i32
    %dma_start3A_645 = arith.constant 0 : i32
    %dma_start3A_646 = tpu.memref_slice %arg6[%dma_start3A_644, %dma_start3A_645] : memref<1024x32xf32, #tpu.memory_space<vmem>> -> memref<128x32xf32, #tpu.memory_space<vmem>>
    %dma_start3A_647 = arith.constant 0 : i32
    %dma_start3A_648 = tpu.memref_slice %arg5[%dma_start3A_643, %dma_start3A_647] : memref<104x128xi32, #tpu.memory_space<vmem>> -> memref<1x128xi32, #tpu.memory_space<vmem>>
    %dma_start3A_649 = tpu.memref_squeeze %dma_start3A_648 : memref<1x128xi32, #tpu.memory_space<vmem>> -> memref<128xi32, #tpu.memory_space<vmem>>
    %dma_start3A_650 = arith.constant 0 : i32
    %dma_start3A_651 = arith.constant 0 : i32
    %dma_start3A_652 = tpu.memref_slice %arg2[%dma_start3A_650, %dma_start3A_651] : memref<2600000x32xf32, #tpu.memory_space<hbm>> -> memref<2600000x32xf32, #tpu.memory_space<hbm>>
    tpu.enqueue_indirect_dma source(%dma_start3A_652 : memref<2600000x32xf32, #tpu.memory_space<hbm>>) target(%dma_start3A_646 : memref<128x32xf32, #tpu.memory_space<vmem>>) offsets(%dma_start3A_649 : memref<128xi32, #tpu.memory_space<vmem>>) semaphore(%arg8 : memref<!tpu.dma_semaphore, #tpu.memory_space<semaphore_mem>>)
    %dma_start3A_653 = arith.constant 38 : i32
    %dma_start3A_654 = arith.constant 768 : i32
    %dma_start3A_655 = arith.constant 0 : i32
    %dma_start3A_656 = tpu.memref_slice %arg6[%dma_start3A_654, %dma_start3A_655] : memref<1024x32xf32, #tpu.memory_space<vmem>> -> memref<128x32xf32, #tpu.memory_space<vmem>>
    %dma_start3A_657 = arith.constant 0 : i32
    %dma_start3A_658 = tpu.memref_slice %arg5[%dma_start3A_653, %dma_start3A_657] : memref<104x128xi32, #tpu.memory_space<vmem>> -> memref<1x128xi32, #tpu.memory_space<vmem>>
    %dma_start3A_659 = tpu.memref_squeeze %dma_start3A_658 : memref<1x128xi32, #tpu.memory_space<vmem>> -> memref<128xi32, #tpu.memory_space<vmem>>
    %dma_start3A_660 = arith.constant 0 : i32
    %dma_start3A_661 = arith.constant 0 : i32
    %dma_start3A_662 = tpu.memref_slice %arg2[%dma_start3A_660, %dma_start3A_661] : memref<2600000x32xf32, #tpu.memory_space<hbm>> -> memref<2600000x32xf32, #tpu.memory_space<hbm>>
    tpu.enqueue_indirect_dma source(%dma_start3A_662 : memref<2600000x32xf32, #tpu.memory_space<hbm>>) target(%dma_start3A_656 : memref<128x32xf32, #tpu.memory_space<vmem>>) offsets(%dma_start3A_659 : memref<128xi32, #tpu.memory_space<vmem>>) semaphore(%arg8 : memref<!tpu.dma_semaphore, #tpu.memory_space<semaphore_mem>>)
    %dma_start3A_663 = arith.constant 39 : i32
    %dma_start3A_664 = arith.constant 896 : i32
    %dma_start3A_665 = arith.constant 0 : i32
    %dma_start3A_666 = tpu.memref_slice %arg6[%dma_start3A_664, %dma_start3A_665] : memref<1024x32xf32, #tpu.memory_space<vmem>> -> memref<128x32xf32, #tpu.memory_space<vmem>>
    %dma_start3A_667 = arith.constant 0 : i32
    %dma_start3A_668 = tpu.memref_slice %arg5[%dma_start3A_663, %dma_start3A_667] : memref<104x128xi32, #tpu.memory_space<vmem>> -> memref<1x128xi32, #tpu.memory_space<vmem>>
    %dma_start3A_669 = tpu.memref_squeeze %dma_start3A_668 : memref<1x128xi32, #tpu.memory_space<vmem>> -> memref<128xi32, #tpu.memory_space<vmem>>
    %dma_start3A_670 = arith.constant 0 : i32
    %dma_start3A_671 = arith.constant 0 : i32
    %dma_start3A_672 = tpu.memref_slice %arg2[%dma_start3A_670, %dma_start3A_671] : memref<2600000x32xf32, #tpu.memory_space<hbm>> -> memref<2600000x32xf32, #tpu.memory_space<hbm>>
    tpu.enqueue_indirect_dma source(%dma_start3A_672 : memref<2600000x32xf32, #tpu.memory_space<hbm>>) target(%dma_start3A_666 : memref<128x32xf32, #tpu.memory_space<vmem>>) offsets(%dma_start3A_669 : memref<128xi32, #tpu.memory_space<vmem>>) semaphore(%arg8 : memref<!tpu.dma_semaphore, #tpu.memory_space<semaphore_mem>>)
    %dma_wait3A_673 = arith.constant 24 : i32
    %dma_wait3A_674 = arith.constant 0 : i32
    %dma_wait3A_675 = arith.constant 0 : i32
    %dma_wait3A_676 = tpu.memref_slice %arg7[%dma_wait3A_674, %dma_wait3A_675] : memref<1024x32xf32, #tpu.memory_space<vmem>> -> memref<128x32xf32, #tpu.memory_space<vmem>>
    %dma_wait3A_677 = arith.constant 0 : i32
    %dma_wait3A_678 = tpu.memref_slice %arg5[%dma_wait3A_673, %dma_wait3A_677] : memref<104x128xi32, #tpu.memory_space<vmem>> -> memref<1x128xi32, #tpu.memory_space<vmem>>
    %dma_wait3A_679 = tpu.memref_squeeze %dma_wait3A_678 : memref<1x128xi32, #tpu.memory_space<vmem>> -> memref<128xi32, #tpu.memory_space<vmem>>
    %dma_wait3A_680 = arith.constant 0 : i32
    %dma_wait3A_681 = arith.constant 0 : i32
    %dma_wait3A_682 = tpu.memref_slice %arg2[%dma_wait3A_680, %dma_wait3A_681] : memref<2600000x32xf32, #tpu.memory_space<hbm>> -> memref<2600000x32xf32, #tpu.memory_space<hbm>>
    tpu.wait_indirect_dma semaphore(%arg9 : memref<!tpu.dma_semaphore, #tpu.memory_space<semaphore_mem>>) src(%dma_wait3A_682 : memref<2600000x32xf32, #tpu.memory_space<hbm>>) dst(%dma_wait3A_676 : memref<128x32xf32, #tpu.memory_space<vmem>>)
    %dma_wait3A_683 = arith.constant 25 : i32
    %dma_wait3A_684 = arith.constant 128 : i32
    %dma_wait3A_685 = arith.constant 0 : i32
    %dma_wait3A_686 = tpu.memref_slice %arg7[%dma_wait3A_684, %dma_wait3A_685] : memref<1024x32xf32, #tpu.memory_space<vmem>> -> memref<128x32xf32, #tpu.memory_space<vmem>>
    %dma_wait3A_687 = arith.constant 0 : i32
    %dma_wait3A_688 = tpu.memref_slice %arg5[%dma_wait3A_683, %dma_wait3A_687] : memref<104x128xi32, #tpu.memory_space<vmem>> -> memref<1x128xi32, #tpu.memory_space<vmem>>
    %dma_wait3A_689 = tpu.memref_squeeze %dma_wait3A_688 : memref<1x128xi32, #tpu.memory_space<vmem>> -> memref<128xi32, #tpu.memory_space<vmem>>
    %dma_wait3A_690 = arith.constant 0 : i32
    %dma_wait3A_691 = arith.constant 0 : i32
    %dma_wait3A_692 = tpu.memref_slice %arg2[%dma_wait3A_690, %dma_wait3A_691] : memref<2600000x32xf32, #tpu.memory_space<hbm>> -> memref<2600000x32xf32, #tpu.memory_space<hbm>>
    tpu.wait_indirect_dma semaphore(%arg9 : memref<!tpu.dma_semaphore, #tpu.memory_space<semaphore_mem>>) src(%dma_wait3A_692 : memref<2600000x32xf32, #tpu.memory_space<hbm>>) dst(%dma_wait3A_686 : memref<128x32xf32, #tpu.memory_space<vmem>>)
    %dma_wait3A_693 = arith.constant 26 : i32
    %dma_wait3A_694 = arith.constant 256 : i32
    %dma_wait3A_695 = arith.constant 0 : i32
    %dma_wait3A_696 = tpu.memref_slice %arg7[%dma_wait3A_694, %dma_wait3A_695] : memref<1024x32xf32, #tpu.memory_space<vmem>> -> memref<128x32xf32, #tpu.memory_space<vmem>>
    %dma_wait3A_697 = arith.constant 0 : i32
    %dma_wait3A_698 = tpu.memref_slice %arg5[%dma_wait3A_693, %dma_wait3A_697] : memref<104x128xi32, #tpu.memory_space<vmem>> -> memref<1x128xi32, #tpu.memory_space<vmem>>
    %dma_wait3A_699 = tpu.memref_squeeze %dma_wait3A_698 : memref<1x128xi32, #tpu.memory_space<vmem>> -> memref<128xi32, #tpu.memory_space<vmem>>
    %dma_wait3A_700 = arith.constant 0 : i32
    %dma_wait3A_701 = arith.constant 0 : i32
    %dma_wait3A_702 = tpu.memref_slice %arg2[%dma_wait3A_700, %dma_wait3A_701] : memref<2600000x32xf32, #tpu.memory_space<hbm>> -> memref<2600000x32xf32, #tpu.memory_space<hbm>>
    tpu.wait_indirect_dma semaphore(%arg9 : memref<!tpu.dma_semaphore, #tpu.memory_space<semaphore_mem>>) src(%dma_wait3A_702 : memref<2600000x32xf32, #tpu.memory_space<hbm>>) dst(%dma_wait3A_696 : memref<128x32xf32, #tpu.memory_space<vmem>>)
    %dma_wait3A_703 = arith.constant 27 : i32
    %dma_wait3A_704 = arith.constant 384 : i32
    %dma_wait3A_705 = arith.constant 0 : i32
    %dma_wait3A_706 = tpu.memref_slice %arg7[%dma_wait3A_704, %dma_wait3A_705] : memref<1024x32xf32, #tpu.memory_space<vmem>> -> memref<128x32xf32, #tpu.memory_space<vmem>>
    %dma_wait3A_707 = arith.constant 0 : i32
    %dma_wait3A_708 = tpu.memref_slice %arg5[%dma_wait3A_703, %dma_wait3A_707] : memref<104x128xi32, #tpu.memory_space<vmem>> -> memref<1x128xi32, #tpu.memory_space<vmem>>
    %dma_wait3A_709 = tpu.memref_squeeze %dma_wait3A_708 : memref<1x128xi32, #tpu.memory_space<vmem>> -> memref<128xi32, #tpu.memory_space<vmem>>
    %dma_wait3A_710 = arith.constant 0 : i32
    %dma_wait3A_711 = arith.constant 0 : i32
    %dma_wait3A_712 = tpu.memref_slice %arg2[%dma_wait3A_710, %dma_wait3A_711] : memref<2600000x32xf32, #tpu.memory_space<hbm>> -> memref<2600000x32xf32, #tpu.memory_space<hbm>>
    tpu.wait_indirect_dma semaphore(%arg9 : memref<!tpu.dma_semaphore, #tpu.memory_space<semaphore_mem>>) src(%dma_wait3A_712 : memref<2600000x32xf32, #tpu.memory_space<hbm>>) dst(%dma_wait3A_706 : memref<128x32xf32, #tpu.memory_space<vmem>>)
    %dma_wait3A_713 = arith.constant 28 : i32
    %dma_wait3A_714 = arith.constant 512 : i32
    %dma_wait3A_715 = arith.constant 0 : i32
    %dma_wait3A_716 = tpu.memref_slice %arg7[%dma_wait3A_714, %dma_wait3A_715] : memref<1024x32xf32, #tpu.memory_space<vmem>> -> memref<128x32xf32, #tpu.memory_space<vmem>>
    %dma_wait3A_717 = arith.constant 0 : i32
    %dma_wait3A_718 = tpu.memref_slice %arg5[%dma_wait3A_713, %dma_wait3A_717] : memref<104x128xi32, #tpu.memory_space<vmem>> -> memref<1x128xi32, #tpu.memory_space<vmem>>
    %dma_wait3A_719 = tpu.memref_squeeze %dma_wait3A_718 : memref<1x128xi32, #tpu.memory_space<vmem>> -> memref<128xi32, #tpu.memory_space<vmem>>
    %dma_wait3A_720 = arith.constant 0 : i32
    %dma_wait3A_721 = arith.constant 0 : i32
    %dma_wait3A_722 = tpu.memref_slice %arg2[%dma_wait3A_720, %dma_wait3A_721] : memref<2600000x32xf32, #tpu.memory_space<hbm>> -> memref<2600000x32xf32, #tpu.memory_space<hbm>>
    tpu.wait_indirect_dma semaphore(%arg9 : memref<!tpu.dma_semaphore, #tpu.memory_space<semaphore_mem>>) src(%dma_wait3A_722 : memref<2600000x32xf32, #tpu.memory_space<hbm>>) dst(%dma_wait3A_716 : memref<128x32xf32, #tpu.memory_space<vmem>>)
    %dma_wait3A_723 = arith.constant 29 : i32
    %dma_wait3A_724 = arith.constant 640 : i32
    %dma_wait3A_725 = arith.constant 0 : i32
    %dma_wait3A_726 = tpu.memref_slice %arg7[%dma_wait3A_724, %dma_wait3A_725] : memref<1024x32xf32, #tpu.memory_space<vmem>> -> memref<128x32xf32, #tpu.memory_space<vmem>>
    %dma_wait3A_727 = arith.constant 0 : i32
    %dma_wait3A_728 = tpu.memref_slice %arg5[%dma_wait3A_723, %dma_wait3A_727] : memref<104x128xi32, #tpu.memory_space<vmem>> -> memref<1x128xi32, #tpu.memory_space<vmem>>
    %dma_wait3A_729 = tpu.memref_squeeze %dma_wait3A_728 : memref<1x128xi32, #tpu.memory_space<vmem>> -> memref<128xi32, #tpu.memory_space<vmem>>
    %dma_wait3A_730 = arith.constant 0 : i32
    %dma_wait3A_731 = arith.constant 0 : i32
    %dma_wait3A_732 = tpu.memref_slice %arg2[%dma_wait3A_730, %dma_wait3A_731] : memref<2600000x32xf32, #tpu.memory_space<hbm>> -> memref<2600000x32xf32, #tpu.memory_space<hbm>>
    tpu.wait_indirect_dma semaphore(%arg9 : memref<!tpu.dma_semaphore, #tpu.memory_space<semaphore_mem>>) src(%dma_wait3A_732 : memref<2600000x32xf32, #tpu.memory_space<hbm>>) dst(%dma_wait3A_726 : memref<128x32xf32, #tpu.memory_space<vmem>>)
    %dma_wait3A_733 = arith.constant 30 : i32
    %dma_wait3A_734 = arith.constant 768 : i32
    %dma_wait3A_735 = arith.constant 0 : i32
    %dma_wait3A_736 = tpu.memref_slice %arg7[%dma_wait3A_734, %dma_wait3A_735] : memref<1024x32xf32, #tpu.memory_space<vmem>> -> memref<128x32xf32, #tpu.memory_space<vmem>>
    %dma_wait3A_737 = arith.constant 0 : i32
    %dma_wait3A_738 = tpu.memref_slice %arg5[%dma_wait3A_733, %dma_wait3A_737] : memref<104x128xi32, #tpu.memory_space<vmem>> -> memref<1x128xi32, #tpu.memory_space<vmem>>
    %dma_wait3A_739 = tpu.memref_squeeze %dma_wait3A_738 : memref<1x128xi32, #tpu.memory_space<vmem>> -> memref<128xi32, #tpu.memory_space<vmem>>
    %dma_wait3A_740 = arith.constant 0 : i32
    %dma_wait3A_741 = arith.constant 0 : i32
    %dma_wait3A_742 = tpu.memref_slice %arg2[%dma_wait3A_740, %dma_wait3A_741] : memref<2600000x32xf32, #tpu.memory_space<hbm>> -> memref<2600000x32xf32, #tpu.memory_space<hbm>>
    tpu.wait_indirect_dma semaphore(%arg9 : memref<!tpu.dma_semaphore, #tpu.memory_space<semaphore_mem>>) src(%dma_wait3A_742 : memref<2600000x32xf32, #tpu.memory_space<hbm>>) dst(%dma_wait3A_736 : memref<128x32xf32, #tpu.memory_space<vmem>>)
    %dma_wait3A_743 = arith.constant 31 : i32
    %dma_wait3A_744 = arith.constant 896 : i32
    %dma_wait3A_745 = arith.constant 0 : i32
    %dma_wait3A_746 = tpu.memref_slice %arg7[%dma_wait3A_744, %dma_wait3A_745] : memref<1024x32xf32, #tpu.memory_space<vmem>> -> memref<128x32xf32, #tpu.memory_space<vmem>>
    %dma_wait3A_747 = arith.constant 0 : i32
    %dma_wait3A_748 = tpu.memref_slice %arg5[%dma_wait3A_743, %dma_wait3A_747] : memref<104x128xi32, #tpu.memory_space<vmem>> -> memref<1x128xi32, #tpu.memory_space<vmem>>
    %dma_wait3A_749 = tpu.memref_squeeze %dma_wait3A_748 : memref<1x128xi32, #tpu.memory_space<vmem>> -> memref<128xi32, #tpu.memory_space<vmem>>
    %dma_wait3A_750 = arith.constant 0 : i32
    %dma_wait3A_751 = arith.constant 0 : i32
    %dma_wait3A_752 = tpu.memref_slice %arg2[%dma_wait3A_750, %dma_wait3A_751] : memref<2600000x32xf32, #tpu.memory_space<hbm>> -> memref<2600000x32xf32, #tpu.memory_space<hbm>>
    tpu.wait_indirect_dma semaphore(%arg9 : memref<!tpu.dma_semaphore, #tpu.memory_space<semaphore_mem>>) src(%dma_wait3A_752 : memref<2600000x32xf32, #tpu.memory_space<hbm>>) dst(%dma_wait3A_746 : memref<128x32xf32, #tpu.memory_space<vmem>>)
    %add3A_753 = arith.constant 3072 : i32
    %add3A_754 = arith.addi %mul3A_2, %add3A_753 : i32
    %dma_start3A_755 = arith.constant 0 : i32
    %dma_start3A_756 = tpu.memref_slice %arg4[%add3A_754, %dma_start3A_755] : memref<425984x32xf32, #tpu.memory_space<hbm>> -> memref<1024x32xf32, #tpu.memory_space<hbm>>
    %dma_start3A_757 = arith.constant 0 : i32
    %dma_start3A_758 = tpu.memref_slice %arg4[%add3A_754, %dma_start3A_757] : memref<425984x32xf32, #tpu.memory_space<hbm>> -> memref<1024x32xf32, #tpu.memory_space<hbm>>
    tpu.enqueue_dma source(%arg7 : memref<1024x32xf32, #tpu.memory_space<vmem>>) target(%dma_start3A_758 : memref<1024x32xf32, #tpu.memory_space<hbm>>) target_semaphore(%arg11 : memref<!tpu.dma_semaphore, #tpu.memory_space<semaphore_mem>>)
    %dma_wait3A_759 = arith.constant 0 : i32
    %dma_wait3A_760 = tpu.memref_slice %arg4[%add3A_754, %dma_wait3A_759] : memref<425984x32xf32, #tpu.memory_space<hbm>> -> memref<1024x32xf32, #tpu.memory_space<hbm>>
    %dma_wait3A_761 = arith.constant 0 : i32
    %dma_wait3A_762 = tpu.memref_slice %arg4[%add3A_754, %dma_wait3A_761] : memref<425984x32xf32, #tpu.memory_space<hbm>> -> memref<1024x32xf32, #tpu.memory_space<hbm>>
    tpu.wait_dma2 semaphore(%arg11 : memref<!tpu.dma_semaphore, #tpu.memory_space<semaphore_mem>>) src(%arg7 : memref<1024x32xf32, #tpu.memory_space<vmem>>) dst(%dma_wait3A_762 : memref<1024x32xf32, #tpu.memory_space<hbm>>)
    %dma_start3A_763 = arith.constant 40 : i32
    %dma_start3A_764 = arith.constant 0 : i32
    %dma_start3A_765 = arith.constant 0 : i32
    %dma_start3A_766 = tpu.memref_slice %arg7[%dma_start3A_764, %dma_start3A_765] : memref<1024x32xf32, #tpu.memory_space<vmem>> -> memref<128x32xf32, #tpu.memory_space<vmem>>
    %dma_start3A_767 = arith.constant 0 : i32
    %dma_start3A_768 = tpu.memref_slice %arg5[%dma_start3A_763, %dma_start3A_767] : memref<104x128xi32, #tpu.memory_space<vmem>> -> memref<1x128xi32, #tpu.memory_space<vmem>>
    %dma_start3A_769 = tpu.memref_squeeze %dma_start3A_768 : memref<1x128xi32, #tpu.memory_space<vmem>> -> memref<128xi32, #tpu.memory_space<vmem>>
    %dma_start3A_770 = arith.constant 0 : i32
    %dma_start3A_771 = arith.constant 0 : i32
    %dma_start3A_772 = tpu.memref_slice %arg2[%dma_start3A_770, %dma_start3A_771] : memref<2600000x32xf32, #tpu.memory_space<hbm>> -> memref<2600000x32xf32, #tpu.memory_space<hbm>>
    tpu.enqueue_indirect_dma source(%dma_start3A_772 : memref<2600000x32xf32, #tpu.memory_space<hbm>>) target(%dma_start3A_766 : memref<128x32xf32, #tpu.memory_space<vmem>>) offsets(%dma_start3A_769 : memref<128xi32, #tpu.memory_space<vmem>>) semaphore(%arg9 : memref<!tpu.dma_semaphore, #tpu.memory_space<semaphore_mem>>)
    %dma_start3A_773 = arith.constant 41 : i32
    %dma_start3A_774 = arith.constant 128 : i32
    %dma_start3A_775 = arith.constant 0 : i32
    %dma_start3A_776 = tpu.memref_slice %arg7[%dma_start3A_774, %dma_start3A_775] : memref<1024x32xf32, #tpu.memory_space<vmem>> -> memref<128x32xf32, #tpu.memory_space<vmem>>
    %dma_start3A_777 = arith.constant 0 : i32
    %dma_start3A_778 = tpu.memref_slice %arg5[%dma_start3A_773, %dma_start3A_777] : memref<104x128xi32, #tpu.memory_space<vmem>> -> memref<1x128xi32, #tpu.memory_space<vmem>>
    %dma_start3A_779 = tpu.memref_squeeze %dma_start3A_778 : memref<1x128xi32, #tpu.memory_space<vmem>> -> memref<128xi32, #tpu.memory_space<vmem>>
    %dma_start3A_780 = arith.constant 0 : i32
    %dma_start3A_781 = arith.constant 0 : i32
    %dma_start3A_782 = tpu.memref_slice %arg2[%dma_start3A_780, %dma_start3A_781] : memref<2600000x32xf32, #tpu.memory_space<hbm>> -> memref<2600000x32xf32, #tpu.memory_space<hbm>>
    tpu.enqueue_indirect_dma source(%dma_start3A_782 : memref<2600000x32xf32, #tpu.memory_space<hbm>>) target(%dma_start3A_776 : memref<128x32xf32, #tpu.memory_space<vmem>>) offsets(%dma_start3A_779 : memref<128xi32, #tpu.memory_space<vmem>>) semaphore(%arg9 : memref<!tpu.dma_semaphore, #tpu.memory_space<semaphore_mem>>)
    %dma_start3A_783 = arith.constant 42 : i32
    %dma_start3A_784 = arith.constant 256 : i32
    %dma_start3A_785 = arith.constant 0 : i32
    %dma_start3A_786 = tpu.memref_slice %arg7[%dma_start3A_784, %dma_start3A_785] : memref<1024x32xf32, #tpu.memory_space<vmem>> -> memref<128x32xf32, #tpu.memory_space<vmem>>
    %dma_start3A_787 = arith.constant 0 : i32
    %dma_start3A_788 = tpu.memref_slice %arg5[%dma_start3A_783, %dma_start3A_787] : memref<104x128xi32, #tpu.memory_space<vmem>> -> memref<1x128xi32, #tpu.memory_space<vmem>>
    %dma_start3A_789 = tpu.memref_squeeze %dma_start3A_788 : memref<1x128xi32, #tpu.memory_space<vmem>> -> memref<128xi32, #tpu.memory_space<vmem>>
    %dma_start3A_790 = arith.constant 0 : i32
    %dma_start3A_791 = arith.constant 0 : i32
    %dma_start3A_792 = tpu.memref_slice %arg2[%dma_start3A_790, %dma_start3A_791] : memref<2600000x32xf32, #tpu.memory_space<hbm>> -> memref<2600000x32xf32, #tpu.memory_space<hbm>>
    tpu.enqueue_indirect_dma source(%dma_start3A_792 : memref<2600000x32xf32, #tpu.memory_space<hbm>>) target(%dma_start3A_786 : memref<128x32xf32, #tpu.memory_space<vmem>>) offsets(%dma_start3A_789 : memref<128xi32, #tpu.memory_space<vmem>>) semaphore(%arg9 : memref<!tpu.dma_semaphore, #tpu.memory_space<semaphore_mem>>)
    %dma_start3A_793 = arith.constant 43 : i32
    %dma_start3A_794 = arith.constant 384 : i32
    %dma_start3A_795 = arith.constant 0 : i32
    %dma_start3A_796 = tpu.memref_slice %arg7[%dma_start3A_794, %dma_start3A_795] : memref<1024x32xf32, #tpu.memory_space<vmem>> -> memref<128x32xf32, #tpu.memory_space<vmem>>
    %dma_start3A_797 = arith.constant 0 : i32
    %dma_start3A_798 = tpu.memref_slice %arg5[%dma_start3A_793, %dma_start3A_797] : memref<104x128xi32, #tpu.memory_space<vmem>> -> memref<1x128xi32, #tpu.memory_space<vmem>>
    %dma_start3A_799 = tpu.memref_squeeze %dma_start3A_798 : memref<1x128xi32, #tpu.memory_space<vmem>> -> memref<128xi32, #tpu.memory_space<vmem>>
    %dma_start3A_800 = arith.constant 0 : i32
    %dma_start3A_801 = arith.constant 0 : i32
    %dma_start3A_802 = tpu.memref_slice %arg2[%dma_start3A_800, %dma_start3A_801] : memref<2600000x32xf32, #tpu.memory_space<hbm>> -> memref<2600000x32xf32, #tpu.memory_space<hbm>>
    tpu.enqueue_indirect_dma source(%dma_start3A_802 : memref<2600000x32xf32, #tpu.memory_space<hbm>>) target(%dma_start3A_796 : memref<128x32xf32, #tpu.memory_space<vmem>>) offsets(%dma_start3A_799 : memref<128xi32, #tpu.memory_space<vmem>>) semaphore(%arg9 : memref<!tpu.dma_semaphore, #tpu.memory_space<semaphore_mem>>)
    %dma_start3A_803 = arith.constant 44 : i32
    %dma_start3A_804 = arith.constant 512 : i32
    %dma_start3A_805 = arith.constant 0 : i32
    %dma_start3A_806 = tpu.memref_slice %arg7[%dma_start3A_804, %dma_start3A_805] : memref<1024x32xf32, #tpu.memory_space<vmem>> -> memref<128x32xf32, #tpu.memory_space<vmem>>
    %dma_start3A_807 = arith.constant 0 : i32
    %dma_start3A_808 = tpu.memref_slice %arg5[%dma_start3A_803, %dma_start3A_807] : memref<104x128xi32, #tpu.memory_space<vmem>> -> memref<1x128xi32, #tpu.memory_space<vmem>>
    %dma_start3A_809 = tpu.memref_squeeze %dma_start3A_808 : memref<1x128xi32, #tpu.memory_space<vmem>> -> memref<128xi32, #tpu.memory_space<vmem>>
    %dma_start3A_810 = arith.constant 0 : i32
    %dma_start3A_811 = arith.constant 0 : i32
    %dma_start3A_812 = tpu.memref_slice %arg2[%dma_start3A_810, %dma_start3A_811] : memref<2600000x32xf32, #tpu.memory_space<hbm>> -> memref<2600000x32xf32, #tpu.memory_space<hbm>>
    tpu.enqueue_indirect_dma source(%dma_start3A_812 : memref<2600000x32xf32, #tpu.memory_space<hbm>>) target(%dma_start3A_806 : memref<128x32xf32, #tpu.memory_space<vmem>>) offsets(%dma_start3A_809 : memref<128xi32, #tpu.memory_space<vmem>>) semaphore(%arg9 : memref<!tpu.dma_semaphore, #tpu.memory_space<semaphore_mem>>)
    %dma_start3A_813 = arith.constant 45 : i32
    %dma_start3A_814 = arith.constant 640 : i32
    %dma_start3A_815 = arith.constant 0 : i32
    %dma_start3A_816 = tpu.memref_slice %arg7[%dma_start3A_814, %dma_start3A_815] : memref<1024x32xf32, #tpu.memory_space<vmem>> -> memref<128x32xf32, #tpu.memory_space<vmem>>
    %dma_start3A_817 = arith.constant 0 : i32
    %dma_start3A_818 = tpu.memref_slice %arg5[%dma_start3A_813, %dma_start3A_817] : memref<104x128xi32, #tpu.memory_space<vmem>> -> memref<1x128xi32, #tpu.memory_space<vmem>>
    %dma_start3A_819 = tpu.memref_squeeze %dma_start3A_818 : memref<1x128xi32, #tpu.memory_space<vmem>> -> memref<128xi32, #tpu.memory_space<vmem>>
    %dma_start3A_820 = arith.constant 0 : i32
    %dma_start3A_821 = arith.constant 0 : i32
    %dma_start3A_822 = tpu.memref_slice %arg2[%dma_start3A_820, %dma_start3A_821] : memref<2600000x32xf32, #tpu.memory_space<hbm>> -> memref<2600000x32xf32, #tpu.memory_space<hbm>>
    tpu.enqueue_indirect_dma source(%dma_start3A_822 : memref<2600000x32xf32, #tpu.memory_space<hbm>>) target(%dma_start3A_816 : memref<128x32xf32, #tpu.memory_space<vmem>>) offsets(%dma_start3A_819 : memref<128xi32, #tpu.memory_space<vmem>>) semaphore(%arg9 : memref<!tpu.dma_semaphore, #tpu.memory_space<semaphore_mem>>)
    %dma_start3A_823 = arith.constant 46 : i32
    %dma_start3A_824 = arith.constant 768 : i32
    %dma_start3A_825 = arith.constant 0 : i32
    %dma_start3A_826 = tpu.memref_slice %arg7[%dma_start3A_824, %dma_start3A_825] : memref<1024x32xf32, #tpu.memory_space<vmem>> -> memref<128x32xf32, #tpu.memory_space<vmem>>
    %dma_start3A_827 = arith.constant 0 : i32
    %dma_start3A_828 = tpu.memref_slice %arg5[%dma_start3A_823, %dma_start3A_827] : memref<104x128xi32, #tpu.memory_space<vmem>> -> memref<1x128xi32, #tpu.memory_space<vmem>>
    %dma_start3A_829 = tpu.memref_squeeze %dma_start3A_828 : memref<1x128xi32, #tpu.memory_space<vmem>> -> memref<128xi32, #tpu.memory_space<vmem>>
    %dma_start3A_830 = arith.constant 0 : i32
    %dma_start3A_831 = arith.constant 0 : i32
    %dma_start3A_832 = tpu.memref_slice %arg2[%dma_start3A_830, %dma_start3A_831] : memref<2600000x32xf32, #tpu.memory_space<hbm>> -> memref<2600000x32xf32, #tpu.memory_space<hbm>>
    tpu.enqueue_indirect_dma source(%dma_start3A_832 : memref<2600000x32xf32, #tpu.memory_space<hbm>>) target(%dma_start3A_826 : memref<128x32xf32, #tpu.memory_space<vmem>>) offsets(%dma_start3A_829 : memref<128xi32, #tpu.memory_space<vmem>>) semaphore(%arg9 : memref<!tpu.dma_semaphore, #tpu.memory_space<semaphore_mem>>)
    %dma_start3A_833 = arith.constant 47 : i32
    %dma_start3A_834 = arith.constant 896 : i32
    %dma_start3A_835 = arith.constant 0 : i32
    %dma_start3A_836 = tpu.memref_slice %arg7[%dma_start3A_834, %dma_start3A_835] : memref<1024x32xf32, #tpu.memory_space<vmem>> -> memref<128x32xf32, #tpu.memory_space<vmem>>
    %dma_start3A_837 = arith.constant 0 : i32
    %dma_start3A_838 = tpu.memref_slice %arg5[%dma_start3A_833, %dma_start3A_837] : memref<104x128xi32, #tpu.memory_space<vmem>> -> memref<1x128xi32, #tpu.memory_space<vmem>>
    %dma_start3A_839 = tpu.memref_squeeze %dma_start3A_838 : memref<1x128xi32, #tpu.memory_space<vmem>> -> memref<128xi32, #tpu.memory_space<vmem>>
    %dma_start3A_840 = arith.constant 0 : i32
    %dma_start3A_841 = arith.constant 0 : i32
    %dma_start3A_842 = tpu.memref_slice %arg2[%dma_start3A_840, %dma_start3A_841] : memref<2600000x32xf32, #tpu.memory_space<hbm>> -> memref<2600000x32xf32, #tpu.memory_space<hbm>>
    tpu.enqueue_indirect_dma source(%dma_start3A_842 : memref<2600000x32xf32, #tpu.memory_space<hbm>>) target(%dma_start3A_836 : memref<128x32xf32, #tpu.memory_space<vmem>>) offsets(%dma_start3A_839 : memref<128xi32, #tpu.memory_space<vmem>>) semaphore(%arg9 : memref<!tpu.dma_semaphore, #tpu.memory_space<semaphore_mem>>)
    %dma_wait3A_843 = arith.constant 32 : i32
    %dma_wait3A_844 = arith.constant 0 : i32
    %dma_wait3A_845 = arith.constant 0 : i32
    %dma_wait3A_846 = tpu.memref_slice %arg6[%dma_wait3A_844, %dma_wait3A_845] : memref<1024x32xf32, #tpu.memory_space<vmem>> -> memref<128x32xf32, #tpu.memory_space<vmem>>
    %dma_wait3A_847 = arith.constant 0 : i32
    %dma_wait3A_848 = tpu.memref_slice %arg5[%dma_wait3A_843, %dma_wait3A_847] : memref<104x128xi32, #tpu.memory_space<vmem>> -> memref<1x128xi32, #tpu.memory_space<vmem>>
    %dma_wait3A_849 = tpu.memref_squeeze %dma_wait3A_848 : memref<1x128xi32, #tpu.memory_space<vmem>> -> memref<128xi32, #tpu.memory_space<vmem>>
    %dma_wait3A_850 = arith.constant 0 : i32
    %dma_wait3A_851 = arith.constant 0 : i32
    %dma_wait3A_852 = tpu.memref_slice %arg2[%dma_wait3A_850, %dma_wait3A_851] : memref<2600000x32xf32, #tpu.memory_space<hbm>> -> memref<2600000x32xf32, #tpu.memory_space<hbm>>
    tpu.wait_indirect_dma semaphore(%arg8 : memref<!tpu.dma_semaphore, #tpu.memory_space<semaphore_mem>>) src(%dma_wait3A_852 : memref<2600000x32xf32, #tpu.memory_space<hbm>>) dst(%dma_wait3A_846 : memref<128x32xf32, #tpu.memory_space<vmem>>)
    %dma_wait3A_853 = arith.constant 33 : i32
    %dma_wait3A_854 = arith.constant 128 : i32
    %dma_wait3A_855 = arith.constant 0 : i32
    %dma_wait3A_856 = tpu.memref_slice %arg6[%dma_wait3A_854, %dma_wait3A_855] : memref<1024x32xf32, #tpu.memory_space<vmem>> -> memref<128x32xf32, #tpu.memory_space<vmem>>
    %dma_wait3A_857 = arith.constant 0 : i32
    %dma_wait3A_858 = tpu.memref_slice %arg5[%dma_wait3A_853, %dma_wait3A_857] : memref<104x128xi32, #tpu.memory_space<vmem>> -> memref<1x128xi32, #tpu.memory_space<vmem>>
    %dma_wait3A_859 = tpu.memref_squeeze %dma_wait3A_858 : memref<1x128xi32, #tpu.memory_space<vmem>> -> memref<128xi32, #tpu.memory_space<vmem>>
    %dma_wait3A_860 = arith.constant 0 : i32
    %dma_wait3A_861 = arith.constant 0 : i32
    %dma_wait3A_862 = tpu.memref_slice %arg2[%dma_wait3A_860, %dma_wait3A_861] : memref<2600000x32xf32, #tpu.memory_space<hbm>> -> memref<2600000x32xf32, #tpu.memory_space<hbm>>
    tpu.wait_indirect_dma semaphore(%arg8 : memref<!tpu.dma_semaphore, #tpu.memory_space<semaphore_mem>>) src(%dma_wait3A_862 : memref<2600000x32xf32, #tpu.memory_space<hbm>>) dst(%dma_wait3A_856 : memref<128x32xf32, #tpu.memory_space<vmem>>)
    %dma_wait3A_863 = arith.constant 34 : i32
    %dma_wait3A_864 = arith.constant 256 : i32
    %dma_wait3A_865 = arith.constant 0 : i32
    %dma_wait3A_866 = tpu.memref_slice %arg6[%dma_wait3A_864, %dma_wait3A_865] : memref<1024x32xf32, #tpu.memory_space<vmem>> -> memref<128x32xf32, #tpu.memory_space<vmem>>
    %dma_wait3A_867 = arith.constant 0 : i32
    %dma_wait3A_868 = tpu.memref_slice %arg5[%dma_wait3A_863, %dma_wait3A_867] : memref<104x128xi32, #tpu.memory_space<vmem>> -> memref<1x128xi32, #tpu.memory_space<vmem>>
    %dma_wait3A_869 = tpu.memref_squeeze %dma_wait3A_868 : memref<1x128xi32, #tpu.memory_space<vmem>> -> memref<128xi32, #tpu.memory_space<vmem>>
    %dma_wait3A_870 = arith.constant 0 : i32
    %dma_wait3A_871 = arith.constant 0 : i32
    %dma_wait3A_872 = tpu.memref_slice %arg2[%dma_wait3A_870, %dma_wait3A_871] : memref<2600000x32xf32, #tpu.memory_space<hbm>> -> memref<2600000x32xf32, #tpu.memory_space<hbm>>
    tpu.wait_indirect_dma semaphore(%arg8 : memref<!tpu.dma_semaphore, #tpu.memory_space<semaphore_mem>>) src(%dma_wait3A_872 : memref<2600000x32xf32, #tpu.memory_space<hbm>>) dst(%dma_wait3A_866 : memref<128x32xf32, #tpu.memory_space<vmem>>)
    %dma_wait3A_873 = arith.constant 35 : i32
    %dma_wait3A_874 = arith.constant 384 : i32
    %dma_wait3A_875 = arith.constant 0 : i32
    %dma_wait3A_876 = tpu.memref_slice %arg6[%dma_wait3A_874, %dma_wait3A_875] : memref<1024x32xf32, #tpu.memory_space<vmem>> -> memref<128x32xf32, #tpu.memory_space<vmem>>
    %dma_wait3A_877 = arith.constant 0 : i32
    %dma_wait3A_878 = tpu.memref_slice %arg5[%dma_wait3A_873, %dma_wait3A_877] : memref<104x128xi32, #tpu.memory_space<vmem>> -> memref<1x128xi32, #tpu.memory_space<vmem>>
    %dma_wait3A_879 = tpu.memref_squeeze %dma_wait3A_878 : memref<1x128xi32, #tpu.memory_space<vmem>> -> memref<128xi32, #tpu.memory_space<vmem>>
    %dma_wait3A_880 = arith.constant 0 : i32
    %dma_wait3A_881 = arith.constant 0 : i32
    %dma_wait3A_882 = tpu.memref_slice %arg2[%dma_wait3A_880, %dma_wait3A_881] : memref<2600000x32xf32, #tpu.memory_space<hbm>> -> memref<2600000x32xf32, #tpu.memory_space<hbm>>
    tpu.wait_indirect_dma semaphore(%arg8 : memref<!tpu.dma_semaphore, #tpu.memory_space<semaphore_mem>>) src(%dma_wait3A_882 : memref<2600000x32xf32, #tpu.memory_space<hbm>>) dst(%dma_wait3A_876 : memref<128x32xf32, #tpu.memory_space<vmem>>)
    %dma_wait3A_883 = arith.constant 36 : i32
    %dma_wait3A_884 = arith.constant 512 : i32
    %dma_wait3A_885 = arith.constant 0 : i32
    %dma_wait3A_886 = tpu.memref_slice %arg6[%dma_wait3A_884, %dma_wait3A_885] : memref<1024x32xf32, #tpu.memory_space<vmem>> -> memref<128x32xf32, #tpu.memory_space<vmem>>
    %dma_wait3A_887 = arith.constant 0 : i32
    %dma_wait3A_888 = tpu.memref_slice %arg5[%dma_wait3A_883, %dma_wait3A_887] : memref<104x128xi32, #tpu.memory_space<vmem>> -> memref<1x128xi32, #tpu.memory_space<vmem>>
    %dma_wait3A_889 = tpu.memref_squeeze %dma_wait3A_888 : memref<1x128xi32, #tpu.memory_space<vmem>> -> memref<128xi32, #tpu.memory_space<vmem>>
    %dma_wait3A_890 = arith.constant 0 : i32
    %dma_wait3A_891 = arith.constant 0 : i32
    %dma_wait3A_892 = tpu.memref_slice %arg2[%dma_wait3A_890, %dma_wait3A_891] : memref<2600000x32xf32, #tpu.memory_space<hbm>> -> memref<2600000x32xf32, #tpu.memory_space<hbm>>
    tpu.wait_indirect_dma semaphore(%arg8 : memref<!tpu.dma_semaphore, #tpu.memory_space<semaphore_mem>>) src(%dma_wait3A_892 : memref<2600000x32xf32, #tpu.memory_space<hbm>>) dst(%dma_wait3A_886 : memref<128x32xf32, #tpu.memory_space<vmem>>)
    %dma_wait3A_893 = arith.constant 37 : i32
    %dma_wait3A_894 = arith.constant 640 : i32
    %dma_wait3A_895 = arith.constant 0 : i32
    %dma_wait3A_896 = tpu.memref_slice %arg6[%dma_wait3A_894, %dma_wait3A_895] : memref<1024x32xf32, #tpu.memory_space<vmem>> -> memref<128x32xf32, #tpu.memory_space<vmem>>
    %dma_wait3A_897 = arith.constant 0 : i32
    %dma_wait3A_898 = tpu.memref_slice %arg5[%dma_wait3A_893, %dma_wait3A_897] : memref<104x128xi32, #tpu.memory_space<vmem>> -> memref<1x128xi32, #tpu.memory_space<vmem>>
    %dma_wait3A_899 = tpu.memref_squeeze %dma_wait3A_898 : memref<1x128xi32, #tpu.memory_space<vmem>> -> memref<128xi32, #tpu.memory_space<vmem>>
    %dma_wait3A_900 = arith.constant 0 : i32
    %dma_wait3A_901 = arith.constant 0 : i32
    %dma_wait3A_902 = tpu.memref_slice %arg2[%dma_wait3A_900, %dma_wait3A_901] : memref<2600000x32xf32, #tpu.memory_space<hbm>> -> memref<2600000x32xf32, #tpu.memory_space<hbm>>
    tpu.wait_indirect_dma semaphore(%arg8 : memref<!tpu.dma_semaphore, #tpu.memory_space<semaphore_mem>>) src(%dma_wait3A_902 : memref<2600000x32xf32, #tpu.memory_space<hbm>>) dst(%dma_wait3A_896 : memref<128x32xf32, #tpu.memory_space<vmem>>)
    %dma_wait3A_903 = arith.constant 38 : i32
    %dma_wait3A_904 = arith.constant 768 : i32
    %dma_wait3A_905 = arith.constant 0 : i32
    %dma_wait3A_906 = tpu.memref_slice %arg6[%dma_wait3A_904, %dma_wait3A_905] : memref<1024x32xf32, #tpu.memory_space<vmem>> -> memref<128x32xf32, #tpu.memory_space<vmem>>
    %dma_wait3A_907 = arith.constant 0 : i32
    %dma_wait3A_908 = tpu.memref_slice %arg5[%dma_wait3A_903, %dma_wait3A_907] : memref<104x128xi32, #tpu.memory_space<vmem>> -> memref<1x128xi32, #tpu.memory_space<vmem>>
    %dma_wait3A_909 = tpu.memref_squeeze %dma_wait3A_908 : memref<1x128xi32, #tpu.memory_space<vmem>> -> memref<128xi32, #tpu.memory_space<vmem>>
    %dma_wait3A_910 = arith.constant 0 : i32
    %dma_wait3A_911 = arith.constant 0 : i32
    %dma_wait3A_912 = tpu.memref_slice %arg2[%dma_wait3A_910, %dma_wait3A_911] : memref<2600000x32xf32, #tpu.memory_space<hbm>> -> memref<2600000x32xf32, #tpu.memory_space<hbm>>
    tpu.wait_indirect_dma semaphore(%arg8 : memref<!tpu.dma_semaphore, #tpu.memory_space<semaphore_mem>>) src(%dma_wait3A_912 : memref<2600000x32xf32, #tpu.memory_space<hbm>>) dst(%dma_wait3A_906 : memref<128x32xf32, #tpu.memory_space<vmem>>)
    %dma_wait3A_913 = arith.constant 39 : i32
    %dma_wait3A_914 = arith.constant 896 : i32
    %dma_wait3A_915 = arith.constant 0 : i32
    %dma_wait3A_916 = tpu.memref_slice %arg6[%dma_wait3A_914, %dma_wait3A_915] : memref<1024x32xf32, #tpu.memory_space<vmem>> -> memref<128x32xf32, #tpu.memory_space<vmem>>
    %dma_wait3A_917 = arith.constant 0 : i32
    %dma_wait3A_918 = tpu.memref_slice %arg5[%dma_wait3A_913, %dma_wait3A_917] : memref<104x128xi32, #tpu.memory_space<vmem>> -> memref<1x128xi32, #tpu.memory_space<vmem>>
    %dma_wait3A_919 = tpu.memref_squeeze %dma_wait3A_918 : memref<1x128xi32, #tpu.memory_space<vmem>> -> memref<128xi32, #tpu.memory_space<vmem>>
    %dma_wait3A_920 = arith.constant 0 : i32
    %dma_wait3A_921 = arith.constant 0 : i32
    %dma_wait3A_922 = tpu.memref_slice %arg2[%dma_wait3A_920, %dma_wait3A_921] : memref<2600000x32xf32, #tpu.memory_space<hbm>> -> memref<2600000x32xf32, #tpu.memory_space<hbm>>
    tpu.wait_indirect_dma semaphore(%arg8 : memref<!tpu.dma_semaphore, #tpu.memory_space<semaphore_mem>>) src(%dma_wait3A_922 : memref<2600000x32xf32, #tpu.memory_space<hbm>>) dst(%dma_wait3A_916 : memref<128x32xf32, #tpu.memory_space<vmem>>)
    %add3A_923 = arith.constant 4096 : i32
    %add3A_924 = arith.addi %mul3A_2, %add3A_923 : i32
    %dma_start3A_925 = arith.constant 0 : i32
    %dma_start3A_926 = tpu.memref_slice %arg4[%add3A_924, %dma_start3A_925] : memref<425984x32xf32, #tpu.memory_space<hbm>> -> memref<1024x32xf32, #tpu.memory_space<hbm>>
    %dma_start3A_927 = arith.constant 0 : i32
    %dma_start3A_928 = tpu.memref_slice %arg4[%add3A_924, %dma_start3A_927] : memref<425984x32xf32, #tpu.memory_space<hbm>> -> memref<1024x32xf32, #tpu.memory_space<hbm>>
    tpu.enqueue_dma source(%arg6 : memref<1024x32xf32, #tpu.memory_space<vmem>>) target(%dma_start3A_928 : memref<1024x32xf32, #tpu.memory_space<hbm>>) target_semaphore(%arg10 : memref<!tpu.dma_semaphore, #tpu.memory_space<semaphore_mem>>)
    %dma_wait3A_929 = arith.constant 0 : i32
    %dma_wait3A_930 = tpu.memref_slice %arg4[%add3A_924, %dma_wait3A_929] : memref<425984x32xf32, #tpu.memory_space<hbm>> -> memref<1024x32xf32, #tpu.memory_space<hbm>>
    %dma_wait3A_931 = arith.constant 0 : i32
    %dma_wait3A_932 = tpu.memref_slice %arg4[%add3A_924, %dma_wait3A_931] : memref<425984x32xf32, #tpu.memory_space<hbm>> -> memref<1024x32xf32, #tpu.memory_space<hbm>>
    tpu.wait_dma2 semaphore(%arg10 : memref<!tpu.dma_semaphore, #tpu.memory_space<semaphore_mem>>) src(%arg6 : memref<1024x32xf32, #tpu.memory_space<vmem>>) dst(%dma_wait3A_932 : memref<1024x32xf32, #tpu.memory_space<hbm>>)
    %dma_start3A_933 = arith.constant 48 : i32
    %dma_start3A_934 = arith.constant 0 : i32
    %dma_start3A_935 = arith.constant 0 : i32
    %dma_start3A_936 = tpu.memref_slice %arg6[%dma_start3A_934, %dma_start3A_935] : memref<1024x32xf32, #tpu.memory_space<vmem>> -> memref<128x32xf32, #tpu.memory_space<vmem>>
    %dma_start3A_937 = arith.constant 0 : i32
    %dma_start3A_938 = tpu.memref_slice %arg5[%dma_start3A_933, %dma_start3A_937] : memref<104x128xi32, #tpu.memory_space<vmem>> -> memref<1x128xi32, #tpu.memory_space<vmem>>
    %dma_start3A_939 = tpu.memref_squeeze %dma_start3A_938 : memref<1x128xi32, #tpu.memory_space<vmem>> -> memref<128xi32, #tpu.memory_space<vmem>>
    %dma_start3A_940 = arith.constant 0 : i32
    %dma_start3A_941 = arith.constant 0 : i32
    %dma_start3A_942 = tpu.memref_slice %arg2[%dma_start3A_940, %dma_start3A_941] : memref<2600000x32xf32, #tpu.memory_space<hbm>> -> memref<2600000x32xf32, #tpu.memory_space<hbm>>
    tpu.enqueue_indirect_dma source(%dma_start3A_942 : memref<2600000x32xf32, #tpu.memory_space<hbm>>) target(%dma_start3A_936 : memref<128x32xf32, #tpu.memory_space<vmem>>) offsets(%dma_start3A_939 : memref<128xi32, #tpu.memory_space<vmem>>) semaphore(%arg8 : memref<!tpu.dma_semaphore, #tpu.memory_space<semaphore_mem>>)
    %dma_start3A_943 = arith.constant 49 : i32
    %dma_start3A_944 = arith.constant 128 : i32
    %dma_start3A_945 = arith.constant 0 : i32
    %dma_start3A_946 = tpu.memref_slice %arg6[%dma_start3A_944, %dma_start3A_945] : memref<1024x32xf32, #tpu.memory_space<vmem>> -> memref<128x32xf32, #tpu.memory_space<vmem>>
    %dma_start3A_947 = arith.constant 0 : i32
    %dma_start3A_948 = tpu.memref_slice %arg5[%dma_start3A_943, %dma_start3A_947] : memref<104x128xi32, #tpu.memory_space<vmem>> -> memref<1x128xi32, #tpu.memory_space<vmem>>
    %dma_start3A_949 = tpu.memref_squeeze %dma_start3A_948 : memref<1x128xi32, #tpu.memory_space<vmem>> -> memref<128xi32, #tpu.memory_space<vmem>>
    %dma_start3A_950 = arith.constant 0 : i32
    %dma_start3A_951 = arith.constant 0 : i32
    %dma_start3A_952 = tpu.memref_slice %arg2[%dma_start3A_950, %dma_start3A_951] : memref<2600000x32xf32, #tpu.memory_space<hbm>> -> memref<2600000x32xf32, #tpu.memory_space<hbm>>
    tpu.enqueue_indirect_dma source(%dma_start3A_952 : memref<2600000x32xf32, #tpu.memory_space<hbm>>) target(%dma_start3A_946 : memref<128x32xf32, #tpu.memory_space<vmem>>) offsets(%dma_start3A_949 : memref<128xi32, #tpu.memory_space<vmem>>) semaphore(%arg8 : memref<!tpu.dma_semaphore, #tpu.memory_space<semaphore_mem>>)
    %dma_start3A_953 = arith.constant 50 : i32
    %dma_start3A_954 = arith.constant 256 : i32
    %dma_start3A_955 = arith.constant 0 : i32
    %dma_start3A_956 = tpu.memref_slice %arg6[%dma_start3A_954, %dma_start3A_955] : memref<1024x32xf32, #tpu.memory_space<vmem>> -> memref<128x32xf32, #tpu.memory_space<vmem>>
    %dma_start3A_957 = arith.constant 0 : i32
    %dma_start3A_958 = tpu.memref_slice %arg5[%dma_start3A_953, %dma_start3A_957] : memref<104x128xi32, #tpu.memory_space<vmem>> -> memref<1x128xi32, #tpu.memory_space<vmem>>
    %dma_start3A_959 = tpu.memref_squeeze %dma_start3A_958 : memref<1x128xi32, #tpu.memory_space<vmem>> -> memref<128xi32, #tpu.memory_space<vmem>>
    %dma_start3A_960 = arith.constant 0 : i32
    %dma_start3A_961 = arith.constant 0 : i32
    %dma_start3A_962 = tpu.memref_slice %arg2[%dma_start3A_960, %dma_start3A_961] : memref<2600000x32xf32, #tpu.memory_space<hbm>> -> memref<2600000x32xf32, #tpu.memory_space<hbm>>
    tpu.enqueue_indirect_dma source(%dma_start3A_962 : memref<2600000x32xf32, #tpu.memory_space<hbm>>) target(%dma_start3A_956 : memref<128x32xf32, #tpu.memory_space<vmem>>) offsets(%dma_start3A_959 : memref<128xi32, #tpu.memory_space<vmem>>) semaphore(%arg8 : memref<!tpu.dma_semaphore, #tpu.memory_space<semaphore_mem>>)
    %dma_start3A_963 = arith.constant 51 : i32
    %dma_start3A_964 = arith.constant 384 : i32
    %dma_start3A_965 = arith.constant 0 : i32
    %dma_start3A_966 = tpu.memref_slice %arg6[%dma_start3A_964, %dma_start3A_965] : memref<1024x32xf32, #tpu.memory_space<vmem>> -> memref<128x32xf32, #tpu.memory_space<vmem>>
    %dma_start3A_967 = arith.constant 0 : i32
    %dma_start3A_968 = tpu.memref_slice %arg5[%dma_start3A_963, %dma_start3A_967] : memref<104x128xi32, #tpu.memory_space<vmem>> -> memref<1x128xi32, #tpu.memory_space<vmem>>
    %dma_start3A_969 = tpu.memref_squeeze %dma_start3A_968 : memref<1x128xi32, #tpu.memory_space<vmem>> -> memref<128xi32, #tpu.memory_space<vmem>>
    %dma_start3A_970 = arith.constant 0 : i32
    %dma_start3A_971 = arith.constant 0 : i32
    %dma_start3A_972 = tpu.memref_slice %arg2[%dma_start3A_970, %dma_start3A_971] : memref<2600000x32xf32, #tpu.memory_space<hbm>> -> memref<2600000x32xf32, #tpu.memory_space<hbm>>
    tpu.enqueue_indirect_dma source(%dma_start3A_972 : memref<2600000x32xf32, #tpu.memory_space<hbm>>) target(%dma_start3A_966 : memref<128x32xf32, #tpu.memory_space<vmem>>) offsets(%dma_start3A_969 : memref<128xi32, #tpu.memory_space<vmem>>) semaphore(%arg8 : memref<!tpu.dma_semaphore, #tpu.memory_space<semaphore_mem>>)
    %dma_start3A_973 = arith.constant 52 : i32
    %dma_start3A_974 = arith.constant 512 : i32
    %dma_start3A_975 = arith.constant 0 : i32
    %dma_start3A_976 = tpu.memref_slice %arg6[%dma_start3A_974, %dma_start3A_975] : memref<1024x32xf32, #tpu.memory_space<vmem>> -> memref<128x32xf32, #tpu.memory_space<vmem>>
    %dma_start3A_977 = arith.constant 0 : i32
    %dma_start3A_978 = tpu.memref_slice %arg5[%dma_start3A_973, %dma_start3A_977] : memref<104x128xi32, #tpu.memory_space<vmem>> -> memref<1x128xi32, #tpu.memory_space<vmem>>
    %dma_start3A_979 = tpu.memref_squeeze %dma_start3A_978 : memref<1x128xi32, #tpu.memory_space<vmem>> -> memref<128xi32, #tpu.memory_space<vmem>>
    %dma_start3A_980 = arith.constant 0 : i32
    %dma_start3A_981 = arith.constant 0 : i32
    %dma_start3A_982 = tpu.memref_slice %arg2[%dma_start3A_980, %dma_start3A_981] : memref<2600000x32xf32, #tpu.memory_space<hbm>> -> memref<2600000x32xf32, #tpu.memory_space<hbm>>
    tpu.enqueue_indirect_dma source(%dma_start3A_982 : memref<2600000x32xf32, #tpu.memory_space<hbm>>) target(%dma_start3A_976 : memref<128x32xf32, #tpu.memory_space<vmem>>) offsets(%dma_start3A_979 : memref<128xi32, #tpu.memory_space<vmem>>) semaphore(%arg8 : memref<!tpu.dma_semaphore, #tpu.memory_space<semaphore_mem>>)
    %dma_start3A_983 = arith.constant 53 : i32
    %dma_start3A_984 = arith.constant 640 : i32
    %dma_start3A_985 = arith.constant 0 : i32
    %dma_start3A_986 = tpu.memref_slice %arg6[%dma_start3A_984, %dma_start3A_985] : memref<1024x32xf32, #tpu.memory_space<vmem>> -> memref<128x32xf32, #tpu.memory_space<vmem>>
    %dma_start3A_987 = arith.constant 0 : i32
    %dma_start3A_988 = tpu.memref_slice %arg5[%dma_start3A_983, %dma_start3A_987] : memref<104x128xi32, #tpu.memory_space<vmem>> -> memref<1x128xi32, #tpu.memory_space<vmem>>
    %dma_start3A_989 = tpu.memref_squeeze %dma_start3A_988 : memref<1x128xi32, #tpu.memory_space<vmem>> -> memref<128xi32, #tpu.memory_space<vmem>>
    %dma_start3A_990 = arith.constant 0 : i32
    %dma_start3A_991 = arith.constant 0 : i32
    %dma_start3A_992 = tpu.memref_slice %arg2[%dma_start3A_990, %dma_start3A_991] : memref<2600000x32xf32, #tpu.memory_space<hbm>> -> memref<2600000x32xf32, #tpu.memory_space<hbm>>
    tpu.enqueue_indirect_dma source(%dma_start3A_992 : memref<2600000x32xf32, #tpu.memory_space<hbm>>) target(%dma_start3A_986 : memref<128x32xf32, #tpu.memory_space<vmem>>) offsets(%dma_start3A_989 : memref<128xi32, #tpu.memory_space<vmem>>) semaphore(%arg8 : memref<!tpu.dma_semaphore, #tpu.memory_space<semaphore_mem>>)
    %dma_start3A_993 = arith.constant 54 : i32
    %dma_start3A_994 = arith.constant 768 : i32
    %dma_start3A_995 = arith.constant 0 : i32
    %dma_start3A_996 = tpu.memref_slice %arg6[%dma_start3A_994, %dma_start3A_995] : memref<1024x32xf32, #tpu.memory_space<vmem>> -> memref<128x32xf32, #tpu.memory_space<vmem>>
    %dma_start3A_997 = arith.constant 0 : i32
    %dma_start3A_998 = tpu.memref_slice %arg5[%dma_start3A_993, %dma_start3A_997] : memref<104x128xi32, #tpu.memory_space<vmem>> -> memref<1x128xi32, #tpu.memory_space<vmem>>
    %dma_start3A_999 = tpu.memref_squeeze %dma_start3A_998 : memref<1x128xi32, #tpu.memory_space<vmem>> -> memref<128xi32, #tpu.memory_space<vmem>>
    %dma_start3A_1000 = arith.constant 0 : i32
    %dma_start3A_1001 = arith.constant 0 : i32
    %dma_start3A_1002 = tpu.memref_slice %arg2[%dma_start3A_1000, %dma_start3A_1001] : memref<2600000x32xf32, #tpu.memory_space<hbm>> -> memref<2600000x32xf32, #tpu.memory_space<hbm>>
    tpu.enqueue_indirect_dma source(%dma_start3A_1002 : memref<2600000x32xf32, #tpu.memory_space<hbm>>) target(%dma_start3A_996 : memref<128x32xf32, #tpu.memory_space<vmem>>) offsets(%dma_start3A_999 : memref<128xi32, #tpu.memory_space<vmem>>) semaphore(%arg8 : memref<!tpu.dma_semaphore, #tpu.memory_space<semaphore_mem>>)
    %dma_start3A_1003 = arith.constant 55 : i32
    %dma_start3A_1004 = arith.constant 896 : i32
    %dma_start3A_1005 = arith.constant 0 : i32
    %dma_start3A_1006 = tpu.memref_slice %arg6[%dma_start3A_1004, %dma_start3A_1005] : memref<1024x32xf32, #tpu.memory_space<vmem>> -> memref<128x32xf32, #tpu.memory_space<vmem>>
    %dma_start3A_1007 = arith.constant 0 : i32
    %dma_start3A_1008 = tpu.memref_slice %arg5[%dma_start3A_1003, %dma_start3A_1007] : memref<104x128xi32, #tpu.memory_space<vmem>> -> memref<1x128xi32, #tpu.memory_space<vmem>>
    %dma_start3A_1009 = tpu.memref_squeeze %dma_start3A_1008 : memref<1x128xi32, #tpu.memory_space<vmem>> -> memref<128xi32, #tpu.memory_space<vmem>>
    %dma_start3A_1010 = arith.constant 0 : i32
    %dma_start3A_1011 = arith.constant 0 : i32
    %dma_start3A_1012 = tpu.memref_slice %arg2[%dma_start3A_1010, %dma_start3A_1011] : memref<2600000x32xf32, #tpu.memory_space<hbm>> -> memref<2600000x32xf32, #tpu.memory_space<hbm>>
    tpu.enqueue_indirect_dma source(%dma_start3A_1012 : memref<2600000x32xf32, #tpu.memory_space<hbm>>) target(%dma_start3A_1006 : memref<128x32xf32, #tpu.memory_space<vmem>>) offsets(%dma_start3A_1009 : memref<128xi32, #tpu.memory_space<vmem>>) semaphore(%arg8 : memref<!tpu.dma_semaphore, #tpu.memory_space<semaphore_mem>>)
    %dma_wait3A_1013 = arith.constant 40 : i32
    %dma_wait3A_1014 = arith.constant 0 : i32
    %dma_wait3A_1015 = arith.constant 0 : i32
    %dma_wait3A_1016 = tpu.memref_slice %arg7[%dma_wait3A_1014, %dma_wait3A_1015] : memref<1024x32xf32, #tpu.memory_space<vmem>> -> memref<128x32xf32, #tpu.memory_space<vmem>>
    %dma_wait3A_1017 = arith.constant 0 : i32
    %dma_wait3A_1018 = tpu.memref_slice %arg5[%dma_wait3A_1013, %dma_wait3A_1017] : memref<104x128xi32, #tpu.memory_space<vmem>> -> memref<1x128xi32, #tpu.memory_space<vmem>>
    %dma_wait3A_1019 = tpu.memref_squeeze %dma_wait3A_1018 : memref<1x128xi32, #tpu.memory_space<vmem>> -> memref<128xi32, #tpu.memory_space<vmem>>
    %dma_wait3A_1020 = arith.constant 0 : i32
    %dma_wait3A_1021 = arith.constant 0 : i32
    %dma_wait3A_1022 = tpu.memref_slice %arg2[%dma_wait3A_1020, %dma_wait3A_1021] : memref<2600000x32xf32, #tpu.memory_space<hbm>> -> memref<2600000x32xf32, #tpu.memory_space<hbm>>
    tpu.wait_indirect_dma semaphore(%arg9 : memref<!tpu.dma_semaphore, #tpu.memory_space<semaphore_mem>>) src(%dma_wait3A_1022 : memref<2600000x32xf32, #tpu.memory_space<hbm>>) dst(%dma_wait3A_1016 : memref<128x32xf32, #tpu.memory_space<vmem>>)
    %dma_wait3A_1023 = arith.constant 41 : i32
    %dma_wait3A_1024 = arith.constant 128 : i32
    %dma_wait3A_1025 = arith.constant 0 : i32
    %dma_wait3A_1026 = tpu.memref_slice %arg7[%dma_wait3A_1024, %dma_wait3A_1025] : memref<1024x32xf32, #tpu.memory_space<vmem>> -> memref<128x32xf32, #tpu.memory_space<vmem>>
    %dma_wait3A_1027 = arith.constant 0 : i32
    %dma_wait3A_1028 = tpu.memref_slice %arg5[%dma_wait3A_1023, %dma_wait3A_1027] : memref<104x128xi32, #tpu.memory_space<vmem>> -> memref<1x128xi32, #tpu.memory_space<vmem>>
    %dma_wait3A_1029 = tpu.memref_squeeze %dma_wait3A_1028 : memref<1x128xi32, #tpu.memory_space<vmem>> -> memref<128xi32, #tpu.memory_space<vmem>>
    %dma_wait3A_1030 = arith.constant 0 : i32
    %dma_wait3A_1031 = arith.constant 0 : i32
    %dma_wait3A_1032 = tpu.memref_slice %arg2[%dma_wait3A_1030, %dma_wait3A_1031] : memref<2600000x32xf32, #tpu.memory_space<hbm>> -> memref<2600000x32xf32, #tpu.memory_space<hbm>>
    tpu.wait_indirect_dma semaphore(%arg9 : memref<!tpu.dma_semaphore, #tpu.memory_space<semaphore_mem>>) src(%dma_wait3A_1032 : memref<2600000x32xf32, #tpu.memory_space<hbm>>) dst(%dma_wait3A_1026 : memref<128x32xf32, #tpu.memory_space<vmem>>)
    %dma_wait3A_1033 = arith.constant 42 : i32
    %dma_wait3A_1034 = arith.constant 256 : i32
    %dma_wait3A_1035 = arith.constant 0 : i32
    %dma_wait3A_1036 = tpu.memref_slice %arg7[%dma_wait3A_1034, %dma_wait3A_1035] : memref<1024x32xf32, #tpu.memory_space<vmem>> -> memref<128x32xf32, #tpu.memory_space<vmem>>
    %dma_wait3A_1037 = arith.constant 0 : i32
    %dma_wait3A_1038 = tpu.memref_slice %arg5[%dma_wait3A_1033, %dma_wait3A_1037] : memref<104x128xi32, #tpu.memory_space<vmem>> -> memref<1x128xi32, #tpu.memory_space<vmem>>
    %dma_wait3A_1039 = tpu.memref_squeeze %dma_wait3A_1038 : memref<1x128xi32, #tpu.memory_space<vmem>> -> memref<128xi32, #tpu.memory_space<vmem>>
    %dma_wait3A_1040 = arith.constant 0 : i32
    %dma_wait3A_1041 = arith.constant 0 : i32
    %dma_wait3A_1042 = tpu.memref_slice %arg2[%dma_wait3A_1040, %dma_wait3A_1041] : memref<2600000x32xf32, #tpu.memory_space<hbm>> -> memref<2600000x32xf32, #tpu.memory_space<hbm>>
    tpu.wait_indirect_dma semaphore(%arg9 : memref<!tpu.dma_semaphore, #tpu.memory_space<semaphore_mem>>) src(%dma_wait3A_1042 : memref<2600000x32xf32, #tpu.memory_space<hbm>>) dst(%dma_wait3A_1036 : memref<128x32xf32, #tpu.memory_space<vmem>>)
    %dma_wait3A_1043 = arith.constant 43 : i32
    %dma_wait3A_1044 = arith.constant 384 : i32
    %dma_wait3A_1045 = arith.constant 0 : i32
    %dma_wait3A_1046 = tpu.memref_slice %arg7[%dma_wait3A_1044, %dma_wait3A_1045] : memref<1024x32xf32, #tpu.memory_space<vmem>> -> memref<128x32xf32, #tpu.memory_space<vmem>>
    %dma_wait3A_1047 = arith.constant 0 : i32
    %dma_wait3A_1048 = tpu.memref_slice %arg5[%dma_wait3A_1043, %dma_wait3A_1047] : memref<104x128xi32, #tpu.memory_space<vmem>> -> memref<1x128xi32, #tpu.memory_space<vmem>>
    %dma_wait3A_1049 = tpu.memref_squeeze %dma_wait3A_1048 : memref<1x128xi32, #tpu.memory_space<vmem>> -> memref<128xi32, #tpu.memory_space<vmem>>
    %dma_wait3A_1050 = arith.constant 0 : i32
    %dma_wait3A_1051 = arith.constant 0 : i32
    %dma_wait3A_1052 = tpu.memref_slice %arg2[%dma_wait3A_1050, %dma_wait3A_1051] : memref<2600000x32xf32, #tpu.memory_space<hbm>> -> memref<2600000x32xf32, #tpu.memory_space<hbm>>
    tpu.wait_indirect_dma semaphore(%arg9 : memref<!tpu.dma_semaphore, #tpu.memory_space<semaphore_mem>>) src(%dma_wait3A_1052 : memref<2600000x32xf32, #tpu.memory_space<hbm>>) dst(%dma_wait3A_1046 : memref<128x32xf32, #tpu.memory_space<vmem>>)
    %dma_wait3A_1053 = arith.constant 44 : i32
    %dma_wait3A_1054 = arith.constant 512 : i32
    %dma_wait3A_1055 = arith.constant 0 : i32
    %dma_wait3A_1056 = tpu.memref_slice %arg7[%dma_wait3A_1054, %dma_wait3A_1055] : memref<1024x32xf32, #tpu.memory_space<vmem>> -> memref<128x32xf32, #tpu.memory_space<vmem>>
    %dma_wait3A_1057 = arith.constant 0 : i32
    %dma_wait3A_1058 = tpu.memref_slice %arg5[%dma_wait3A_1053, %dma_wait3A_1057] : memref<104x128xi32, #tpu.memory_space<vmem>> -> memref<1x128xi32, #tpu.memory_space<vmem>>
    %dma_wait3A_1059 = tpu.memref_squeeze %dma_wait3A_1058 : memref<1x128xi32, #tpu.memory_space<vmem>> -> memref<128xi32, #tpu.memory_space<vmem>>
    %dma_wait3A_1060 = arith.constant 0 : i32
    %dma_wait3A_1061 = arith.constant 0 : i32
    %dma_wait3A_1062 = tpu.memref_slice %arg2[%dma_wait3A_1060, %dma_wait3A_1061] : memref<2600000x32xf32, #tpu.memory_space<hbm>> -> memref<2600000x32xf32, #tpu.memory_space<hbm>>
    tpu.wait_indirect_dma semaphore(%arg9 : memref<!tpu.dma_semaphore, #tpu.memory_space<semaphore_mem>>) src(%dma_wait3A_1062 : memref<2600000x32xf32, #tpu.memory_space<hbm>>) dst(%dma_wait3A_1056 : memref<128x32xf32, #tpu.memory_space<vmem>>)
    %dma_wait3A_1063 = arith.constant 45 : i32
    %dma_wait3A_1064 = arith.constant 640 : i32
    %dma_wait3A_1065 = arith.constant 0 : i32
    %dma_wait3A_1066 = tpu.memref_slice %arg7[%dma_wait3A_1064, %dma_wait3A_1065] : memref<1024x32xf32, #tpu.memory_space<vmem>> -> memref<128x32xf32, #tpu.memory_space<vmem>>
    %dma_wait3A_1067 = arith.constant 0 : i32
    %dma_wait3A_1068 = tpu.memref_slice %arg5[%dma_wait3A_1063, %dma_wait3A_1067] : memref<104x128xi32, #tpu.memory_space<vmem>> -> memref<1x128xi32, #tpu.memory_space<vmem>>
    %dma_wait3A_1069 = tpu.memref_squeeze %dma_wait3A_1068 : memref<1x128xi32, #tpu.memory_space<vmem>> -> memref<128xi32, #tpu.memory_space<vmem>>
    %dma_wait3A_1070 = arith.constant 0 : i32
    %dma_wait3A_1071 = arith.constant 0 : i32
    %dma_wait3A_1072 = tpu.memref_slice %arg2[%dma_wait3A_1070, %dma_wait3A_1071] : memref<2600000x32xf32, #tpu.memory_space<hbm>> -> memref<2600000x32xf32, #tpu.memory_space<hbm>>
    tpu.wait_indirect_dma semaphore(%arg9 : memref<!tpu.dma_semaphore, #tpu.memory_space<semaphore_mem>>) src(%dma_wait3A_1072 : memref<2600000x32xf32, #tpu.memory_space<hbm>>) dst(%dma_wait3A_1066 : memref<128x32xf32, #tpu.memory_space<vmem>>)
    %dma_wait3A_1073 = arith.constant 46 : i32
    %dma_wait3A_1074 = arith.constant 768 : i32
    %dma_wait3A_1075 = arith.constant 0 : i32
    %dma_wait3A_1076 = tpu.memref_slice %arg7[%dma_wait3A_1074, %dma_wait3A_1075] : memref<1024x32xf32, #tpu.memory_space<vmem>> -> memref<128x32xf32, #tpu.memory_space<vmem>>
    %dma_wait3A_1077 = arith.constant 0 : i32
    %dma_wait3A_1078 = tpu.memref_slice %arg5[%dma_wait3A_1073, %dma_wait3A_1077] : memref<104x128xi32, #tpu.memory_space<vmem>> -> memref<1x128xi32, #tpu.memory_space<vmem>>
    %dma_wait3A_1079 = tpu.memref_squeeze %dma_wait3A_1078 : memref<1x128xi32, #tpu.memory_space<vmem>> -> memref<128xi32, #tpu.memory_space<vmem>>
    %dma_wait3A_1080 = arith.constant 0 : i32
    %dma_wait3A_1081 = arith.constant 0 : i32
    %dma_wait3A_1082 = tpu.memref_slice %arg2[%dma_wait3A_1080, %dma_wait3A_1081] : memref<2600000x32xf32, #tpu.memory_space<hbm>> -> memref<2600000x32xf32, #tpu.memory_space<hbm>>
    tpu.wait_indirect_dma semaphore(%arg9 : memref<!tpu.dma_semaphore, #tpu.memory_space<semaphore_mem>>) src(%dma_wait3A_1082 : memref<2600000x32xf32, #tpu.memory_space<hbm>>) dst(%dma_wait3A_1076 : memref<128x32xf32, #tpu.memory_space<vmem>>)
    %dma_wait3A_1083 = arith.constant 47 : i32
    %dma_wait3A_1084 = arith.constant 896 : i32
    %dma_wait3A_1085 = arith.constant 0 : i32
    %dma_wait3A_1086 = tpu.memref_slice %arg7[%dma_wait3A_1084, %dma_wait3A_1085] : memref<1024x32xf32, #tpu.memory_space<vmem>> -> memref<128x32xf32, #tpu.memory_space<vmem>>
    %dma_wait3A_1087 = arith.constant 0 : i32
    %dma_wait3A_1088 = tpu.memref_slice %arg5[%dma_wait3A_1083, %dma_wait3A_1087] : memref<104x128xi32, #tpu.memory_space<vmem>> -> memref<1x128xi32, #tpu.memory_space<vmem>>
    %dma_wait3A_1089 = tpu.memref_squeeze %dma_wait3A_1088 : memref<1x128xi32, #tpu.memory_space<vmem>> -> memref<128xi32, #tpu.memory_space<vmem>>
    %dma_wait3A_1090 = arith.constant 0 : i32
    %dma_wait3A_1091 = arith.constant 0 : i32
    %dma_wait3A_1092 = tpu.memref_slice %arg2[%dma_wait3A_1090, %dma_wait3A_1091] : memref<2600000x32xf32, #tpu.memory_space<hbm>> -> memref<2600000x32xf32, #tpu.memory_space<hbm>>
    tpu.wait_indirect_dma semaphore(%arg9 : memref<!tpu.dma_semaphore, #tpu.memory_space<semaphore_mem>>) src(%dma_wait3A_1092 : memref<2600000x32xf32, #tpu.memory_space<hbm>>) dst(%dma_wait3A_1086 : memref<128x32xf32, #tpu.memory_space<vmem>>)
    %add3A_1093 = arith.constant 5120 : i32
    %add3A_1094 = arith.addi %mul3A_2, %add3A_1093 : i32
    %dma_start3A_1095 = arith.constant 0 : i32
    %dma_start3A_1096 = tpu.memref_slice %arg4[%add3A_1094, %dma_start3A_1095] : memref<425984x32xf32, #tpu.memory_space<hbm>> -> memref<1024x32xf32, #tpu.memory_space<hbm>>
    %dma_start3A_1097 = arith.constant 0 : i32
    %dma_start3A_1098 = tpu.memref_slice %arg4[%add3A_1094, %dma_start3A_1097] : memref<425984x32xf32, #tpu.memory_space<hbm>> -> memref<1024x32xf32, #tpu.memory_space<hbm>>
    tpu.enqueue_dma source(%arg7 : memref<1024x32xf32, #tpu.memory_space<vmem>>) target(%dma_start3A_1098 : memref<1024x32xf32, #tpu.memory_space<hbm>>) target_semaphore(%arg11 : memref<!tpu.dma_semaphore, #tpu.memory_space<semaphore_mem>>)
    %dma_wait3A_1099 = arith.constant 0 : i32
    %dma_wait3A_1100 = tpu.memref_slice %arg4[%add3A_1094, %dma_wait3A_1099] : memref<425984x32xf32, #tpu.memory_space<hbm>> -> memref<1024x32xf32, #tpu.memory_space<hbm>>
    %dma_wait3A_1101 = arith.constant 0 : i32
    %dma_wait3A_1102 = tpu.memref_slice %arg4[%add3A_1094, %dma_wait3A_1101] : memref<425984x32xf32, #tpu.memory_space<hbm>> -> memref<1024x32xf32, #tpu.memory_space<hbm>>
    tpu.wait_dma2 semaphore(%arg11 : memref<!tpu.dma_semaphore, #tpu.memory_space<semaphore_mem>>) src(%arg7 : memref<1024x32xf32, #tpu.memory_space<vmem>>) dst(%dma_wait3A_1102 : memref<1024x32xf32, #tpu.memory_space<hbm>>)
    %dma_start3A_1103 = arith.constant 56 : i32
    %dma_start3A_1104 = arith.constant 0 : i32
    %dma_start3A_1105 = arith.constant 0 : i32
    %dma_start3A_1106 = tpu.memref_slice %arg7[%dma_start3A_1104, %dma_start3A_1105] : memref<1024x32xf32, #tpu.memory_space<vmem>> -> memref<128x32xf32, #tpu.memory_space<vmem>>
    %dma_start3A_1107 = arith.constant 0 : i32
    %dma_start3A_1108 = tpu.memref_slice %arg5[%dma_start3A_1103, %dma_start3A_1107] : memref<104x128xi32, #tpu.memory_space<vmem>> -> memref<1x128xi32, #tpu.memory_space<vmem>>
    %dma_start3A_1109 = tpu.memref_squeeze %dma_start3A_1108 : memref<1x128xi32, #tpu.memory_space<vmem>> -> memref<128xi32, #tpu.memory_space<vmem>>
    %dma_start3A_1110 = arith.constant 0 : i32
    %dma_start3A_1111 = arith.constant 0 : i32
    %dma_start3A_1112 = tpu.memref_slice %arg2[%dma_start3A_1110, %dma_start3A_1111] : memref<2600000x32xf32, #tpu.memory_space<hbm>> -> memref<2600000x32xf32, #tpu.memory_space<hbm>>
    tpu.enqueue_indirect_dma source(%dma_start3A_1112 : memref<2600000x32xf32, #tpu.memory_space<hbm>>) target(%dma_start3A_1106 : memref<128x32xf32, #tpu.memory_space<vmem>>) offsets(%dma_start3A_1109 : memref<128xi32, #tpu.memory_space<vmem>>) semaphore(%arg9 : memref<!tpu.dma_semaphore, #tpu.memory_space<semaphore_mem>>)
    %dma_start3A_1113 = arith.constant 57 : i32
    %dma_start3A_1114 = arith.constant 128 : i32
    %dma_start3A_1115 = arith.constant 0 : i32
    %dma_start3A_1116 = tpu.memref_slice %arg7[%dma_start3A_1114, %dma_start3A_1115] : memref<1024x32xf32, #tpu.memory_space<vmem>> -> memref<128x32xf32, #tpu.memory_space<vmem>>
    %dma_start3A_1117 = arith.constant 0 : i32
    %dma_start3A_1118 = tpu.memref_slice %arg5[%dma_start3A_1113, %dma_start3A_1117] : memref<104x128xi32, #tpu.memory_space<vmem>> -> memref<1x128xi32, #tpu.memory_space<vmem>>
    %dma_start3A_1119 = tpu.memref_squeeze %dma_start3A_1118 : memref<1x128xi32, #tpu.memory_space<vmem>> -> memref<128xi32, #tpu.memory_space<vmem>>
    %dma_start3A_1120 = arith.constant 0 : i32
    %dma_start3A_1121 = arith.constant 0 : i32
    %dma_start3A_1122 = tpu.memref_slice %arg2[%dma_start3A_1120, %dma_start3A_1121] : memref<2600000x32xf32, #tpu.memory_space<hbm>> -> memref<2600000x32xf32, #tpu.memory_space<hbm>>
    tpu.enqueue_indirect_dma source(%dma_start3A_1122 : memref<2600000x32xf32, #tpu.memory_space<hbm>>) target(%dma_start3A_1116 : memref<128x32xf32, #tpu.memory_space<vmem>>) offsets(%dma_start3A_1119 : memref<128xi32, #tpu.memory_space<vmem>>) semaphore(%arg9 : memref<!tpu.dma_semaphore, #tpu.memory_space<semaphore_mem>>)
    %dma_start3A_1123 = arith.constant 58 : i32
    %dma_start3A_1124 = arith.constant 256 : i32
    %dma_start3A_1125 = arith.constant 0 : i32
    %dma_start3A_1126 = tpu.memref_slice %arg7[%dma_start3A_1124, %dma_start3A_1125] : memref<1024x32xf32, #tpu.memory_space<vmem>> -> memref<128x32xf32, #tpu.memory_space<vmem>>
    %dma_start3A_1127 = arith.constant 0 : i32
    %dma_start3A_1128 = tpu.memref_slice %arg5[%dma_start3A_1123, %dma_start3A_1127] : memref<104x128xi32, #tpu.memory_space<vmem>> -> memref<1x128xi32, #tpu.memory_space<vmem>>
    %dma_start3A_1129 = tpu.memref_squeeze %dma_start3A_1128 : memref<1x128xi32, #tpu.memory_space<vmem>> -> memref<128xi32, #tpu.memory_space<vmem>>
    %dma_start3A_1130 = arith.constant 0 : i32
    %dma_start3A_1131 = arith.constant 0 : i32
    %dma_start3A_1132 = tpu.memref_slice %arg2[%dma_start3A_1130, %dma_start3A_1131] : memref<2600000x32xf32, #tpu.memory_space<hbm>> -> memref<2600000x32xf32, #tpu.memory_space<hbm>>
    tpu.enqueue_indirect_dma source(%dma_start3A_1132 : memref<2600000x32xf32, #tpu.memory_space<hbm>>) target(%dma_start3A_1126 : memref<128x32xf32, #tpu.memory_space<vmem>>) offsets(%dma_start3A_1129 : memref<128xi32, #tpu.memory_space<vmem>>) semaphore(%arg9 : memref<!tpu.dma_semaphore, #tpu.memory_space<semaphore_mem>>)
    %dma_start3A_1133 = arith.constant 59 : i32
    %dma_start3A_1134 = arith.constant 384 : i32
    %dma_start3A_1135 = arith.constant 0 : i32
    %dma_start3A_1136 = tpu.memref_slice %arg7[%dma_start3A_1134, %dma_start3A_1135] : memref<1024x32xf32, #tpu.memory_space<vmem>> -> memref<128x32xf32, #tpu.memory_space<vmem>>
    %dma_start3A_1137 = arith.constant 0 : i32
    %dma_start3A_1138 = tpu.memref_slice %arg5[%dma_start3A_1133, %dma_start3A_1137] : memref<104x128xi32, #tpu.memory_space<vmem>> -> memref<1x128xi32, #tpu.memory_space<vmem>>
    %dma_start3A_1139 = tpu.memref_squeeze %dma_start3A_1138 : memref<1x128xi32, #tpu.memory_space<vmem>> -> memref<128xi32, #tpu.memory_space<vmem>>
    %dma_start3A_1140 = arith.constant 0 : i32
    %dma_start3A_1141 = arith.constant 0 : i32
    %dma_start3A_1142 = tpu.memref_slice %arg2[%dma_start3A_1140, %dma_start3A_1141] : memref<2600000x32xf32, #tpu.memory_space<hbm>> -> memref<2600000x32xf32, #tpu.memory_space<hbm>>
    tpu.enqueue_indirect_dma source(%dma_start3A_1142 : memref<2600000x32xf32, #tpu.memory_space<hbm>>) target(%dma_start3A_1136 : memref<128x32xf32, #tpu.memory_space<vmem>>) offsets(%dma_start3A_1139 : memref<128xi32, #tpu.memory_space<vmem>>) semaphore(%arg9 : memref<!tpu.dma_semaphore, #tpu.memory_space<semaphore_mem>>)
    %dma_start3A_1143 = arith.constant 60 : i32
    %dma_start3A_1144 = arith.constant 512 : i32
    %dma_start3A_1145 = arith.constant 0 : i32
    %dma_start3A_1146 = tpu.memref_slice %arg7[%dma_start3A_1144, %dma_start3A_1145] : memref<1024x32xf32, #tpu.memory_space<vmem>> -> memref<128x32xf32, #tpu.memory_space<vmem>>
    %dma_start3A_1147 = arith.constant 0 : i32
    %dma_start3A_1148 = tpu.memref_slice %arg5[%dma_start3A_1143, %dma_start3A_1147] : memref<104x128xi32, #tpu.memory_space<vmem>> -> memref<1x128xi32, #tpu.memory_space<vmem>>
    %dma_start3A_1149 = tpu.memref_squeeze %dma_start3A_1148 : memref<1x128xi32, #tpu.memory_space<vmem>> -> memref<128xi32, #tpu.memory_space<vmem>>
    %dma_start3A_1150 = arith.constant 0 : i32
    %dma_start3A_1151 = arith.constant 0 : i32
    %dma_start3A_1152 = tpu.memref_slice %arg2[%dma_start3A_1150, %dma_start3A_1151] : memref<2600000x32xf32, #tpu.memory_space<hbm>> -> memref<2600000x32xf32, #tpu.memory_space<hbm>>
    tpu.enqueue_indirect_dma source(%dma_start3A_1152 : memref<2600000x32xf32, #tpu.memory_space<hbm>>) target(%dma_start3A_1146 : memref<128x32xf32, #tpu.memory_space<vmem>>) offsets(%dma_start3A_1149 : memref<128xi32, #tpu.memory_space<vmem>>) semaphore(%arg9 : memref<!tpu.dma_semaphore, #tpu.memory_space<semaphore_mem>>)
    %dma_start3A_1153 = arith.constant 61 : i32
    %dma_start3A_1154 = arith.constant 640 : i32
    %dma_start3A_1155 = arith.constant 0 : i32
    %dma_start3A_1156 = tpu.memref_slice %arg7[%dma_start3A_1154, %dma_start3A_1155] : memref<1024x32xf32, #tpu.memory_space<vmem>> -> memref<128x32xf32, #tpu.memory_space<vmem>>
    %dma_start3A_1157 = arith.constant 0 : i32
    %dma_start3A_1158 = tpu.memref_slice %arg5[%dma_start3A_1153, %dma_start3A_1157] : memref<104x128xi32, #tpu.memory_space<vmem>> -> memref<1x128xi32, #tpu.memory_space<vmem>>
    %dma_start3A_1159 = tpu.memref_squeeze %dma_start3A_1158 : memref<1x128xi32, #tpu.memory_space<vmem>> -> memref<128xi32, #tpu.memory_space<vmem>>
    %dma_start3A_1160 = arith.constant 0 : i32
    %dma_start3A_1161 = arith.constant 0 : i32
    %dma_start3A_1162 = tpu.memref_slice %arg2[%dma_start3A_1160, %dma_start3A_1161] : memref<2600000x32xf32, #tpu.memory_space<hbm>> -> memref<2600000x32xf32, #tpu.memory_space<hbm>>
    tpu.enqueue_indirect_dma source(%dma_start3A_1162 : memref<2600000x32xf32, #tpu.memory_space<hbm>>) target(%dma_start3A_1156 : memref<128x32xf32, #tpu.memory_space<vmem>>) offsets(%dma_start3A_1159 : memref<128xi32, #tpu.memory_space<vmem>>) semaphore(%arg9 : memref<!tpu.dma_semaphore, #tpu.memory_space<semaphore_mem>>)
    %dma_start3A_1163 = arith.constant 62 : i32
    %dma_start3A_1164 = arith.constant 768 : i32
    %dma_start3A_1165 = arith.constant 0 : i32
    %dma_start3A_1166 = tpu.memref_slice %arg7[%dma_start3A_1164, %dma_start3A_1165] : memref<1024x32xf32, #tpu.memory_space<vmem>> -> memref<128x32xf32, #tpu.memory_space<vmem>>
    %dma_start3A_1167 = arith.constant 0 : i32
    %dma_start3A_1168 = tpu.memref_slice %arg5[%dma_start3A_1163, %dma_start3A_1167] : memref<104x128xi32, #tpu.memory_space<vmem>> -> memref<1x128xi32, #tpu.memory_space<vmem>>
    %dma_start3A_1169 = tpu.memref_squeeze %dma_start3A_1168 : memref<1x128xi32, #tpu.memory_space<vmem>> -> memref<128xi32, #tpu.memory_space<vmem>>
    %dma_start3A_1170 = arith.constant 0 : i32
    %dma_start3A_1171 = arith.constant 0 : i32
    %dma_start3A_1172 = tpu.memref_slice %arg2[%dma_start3A_1170, %dma_start3A_1171] : memref<2600000x32xf32, #tpu.memory_space<hbm>> -> memref<2600000x32xf32, #tpu.memory_space<hbm>>
    tpu.enqueue_indirect_dma source(%dma_start3A_1172 : memref<2600000x32xf32, #tpu.memory_space<hbm>>) target(%dma_start3A_1166 : memref<128x32xf32, #tpu.memory_space<vmem>>) offsets(%dma_start3A_1169 : memref<128xi32, #tpu.memory_space<vmem>>) semaphore(%arg9 : memref<!tpu.dma_semaphore, #tpu.memory_space<semaphore_mem>>)
    %dma_start3A_1173 = arith.constant 63 : i32
    %dma_start3A_1174 = arith.constant 896 : i32
    %dma_start3A_1175 = arith.constant 0 : i32
    %dma_start3A_1176 = tpu.memref_slice %arg7[%dma_start3A_1174, %dma_start3A_1175] : memref<1024x32xf32, #tpu.memory_space<vmem>> -> memref<128x32xf32, #tpu.memory_space<vmem>>
    %dma_start3A_1177 = arith.constant 0 : i32
    %dma_start3A_1178 = tpu.memref_slice %arg5[%dma_start3A_1173, %dma_start3A_1177] : memref<104x128xi32, #tpu.memory_space<vmem>> -> memref<1x128xi32, #tpu.memory_space<vmem>>
    %dma_start3A_1179 = tpu.memref_squeeze %dma_start3A_1178 : memref<1x128xi32, #tpu.memory_space<vmem>> -> memref<128xi32, #tpu.memory_space<vmem>>
    %dma_start3A_1180 = arith.constant 0 : i32
    %dma_start3A_1181 = arith.constant 0 : i32
    %dma_start3A_1182 = tpu.memref_slice %arg2[%dma_start3A_1180, %dma_start3A_1181] : memref<2600000x32xf32, #tpu.memory_space<hbm>> -> memref<2600000x32xf32, #tpu.memory_space<hbm>>
    tpu.enqueue_indirect_dma source(%dma_start3A_1182 : memref<2600000x32xf32, #tpu.memory_space<hbm>>) target(%dma_start3A_1176 : memref<128x32xf32, #tpu.memory_space<vmem>>) offsets(%dma_start3A_1179 : memref<128xi32, #tpu.memory_space<vmem>>) semaphore(%arg9 : memref<!tpu.dma_semaphore, #tpu.memory_space<semaphore_mem>>)
    %dma_wait3A_1183 = arith.constant 48 : i32
    %dma_wait3A_1184 = arith.constant 0 : i32
    %dma_wait3A_1185 = arith.constant 0 : i32
    %dma_wait3A_1186 = tpu.memref_slice %arg6[%dma_wait3A_1184, %dma_wait3A_1185] : memref<1024x32xf32, #tpu.memory_space<vmem>> -> memref<128x32xf32, #tpu.memory_space<vmem>>
    %dma_wait3A_1187 = arith.constant 0 : i32
    %dma_wait3A_1188 = tpu.memref_slice %arg5[%dma_wait3A_1183, %dma_wait3A_1187] : memref<104x128xi32, #tpu.memory_space<vmem>> -> memref<1x128xi32, #tpu.memory_space<vmem>>
    %dma_wait3A_1189 = tpu.memref_squeeze %dma_wait3A_1188 : memref<1x128xi32, #tpu.memory_space<vmem>> -> memref<128xi32, #tpu.memory_space<vmem>>
    %dma_wait3A_1190 = arith.constant 0 : i32
    %dma_wait3A_1191 = arith.constant 0 : i32
    %dma_wait3A_1192 = tpu.memref_slice %arg2[%dma_wait3A_1190, %dma_wait3A_1191] : memref<2600000x32xf32, #tpu.memory_space<hbm>> -> memref<2600000x32xf32, #tpu.memory_space<hbm>>
    tpu.wait_indirect_dma semaphore(%arg8 : memref<!tpu.dma_semaphore, #tpu.memory_space<semaphore_mem>>) src(%dma_wait3A_1192 : memref<2600000x32xf32, #tpu.memory_space<hbm>>) dst(%dma_wait3A_1186 : memref<128x32xf32, #tpu.memory_space<vmem>>)
    %dma_wait3A_1193 = arith.constant 49 : i32
    %dma_wait3A_1194 = arith.constant 128 : i32
    %dma_wait3A_1195 = arith.constant 0 : i32
    %dma_wait3A_1196 = tpu.memref_slice %arg6[%dma_wait3A_1194, %dma_wait3A_1195] : memref<1024x32xf32, #tpu.memory_space<vmem>> -> memref<128x32xf32, #tpu.memory_space<vmem>>
    %dma_wait3A_1197 = arith.constant 0 : i32
    %dma_wait3A_1198 = tpu.memref_slice %arg5[%dma_wait3A_1193, %dma_wait3A_1197] : memref<104x128xi32, #tpu.memory_space<vmem>> -> memref<1x128xi32, #tpu.memory_space<vmem>>
    %dma_wait3A_1199 = tpu.memref_squeeze %dma_wait3A_1198 : memref<1x128xi32, #tpu.memory_space<vmem>> -> memref<128xi32, #tpu.memory_space<vmem>>
    %dma_wait3A_1200 = arith.constant 0 : i32
    %dma_wait3A_1201 = arith.constant 0 : i32
    %dma_wait3A_1202 = tpu.memref_slice %arg2[%dma_wait3A_1200, %dma_wait3A_1201] : memref<2600000x32xf32, #tpu.memory_space<hbm>> -> memref<2600000x32xf32, #tpu.memory_space<hbm>>
    tpu.wait_indirect_dma semaphore(%arg8 : memref<!tpu.dma_semaphore, #tpu.memory_space<semaphore_mem>>) src(%dma_wait3A_1202 : memref<2600000x32xf32, #tpu.memory_space<hbm>>) dst(%dma_wait3A_1196 : memref<128x32xf32, #tpu.memory_space<vmem>>)
    %dma_wait3A_1203 = arith.constant 50 : i32
    %dma_wait3A_1204 = arith.constant 256 : i32
    %dma_wait3A_1205 = arith.constant 0 : i32
    %dma_wait3A_1206 = tpu.memref_slice %arg6[%dma_wait3A_1204, %dma_wait3A_1205] : memref<1024x32xf32, #tpu.memory_space<vmem>> -> memref<128x32xf32, #tpu.memory_space<vmem>>
    %dma_wait3A_1207 = arith.constant 0 : i32
    %dma_wait3A_1208 = tpu.memref_slice %arg5[%dma_wait3A_1203, %dma_wait3A_1207] : memref<104x128xi32, #tpu.memory_space<vmem>> -> memref<1x128xi32, #tpu.memory_space<vmem>>
    %dma_wait3A_1209 = tpu.memref_squeeze %dma_wait3A_1208 : memref<1x128xi32, #tpu.memory_space<vmem>> -> memref<128xi32, #tpu.memory_space<vmem>>
    %dma_wait3A_1210 = arith.constant 0 : i32
    %dma_wait3A_1211 = arith.constant 0 : i32
    %dma_wait3A_1212 = tpu.memref_slice %arg2[%dma_wait3A_1210, %dma_wait3A_1211] : memref<2600000x32xf32, #tpu.memory_space<hbm>> -> memref<2600000x32xf32, #tpu.memory_space<hbm>>
    tpu.wait_indirect_dma semaphore(%arg8 : memref<!tpu.dma_semaphore, #tpu.memory_space<semaphore_mem>>) src(%dma_wait3A_1212 : memref<2600000x32xf32, #tpu.memory_space<hbm>>) dst(%dma_wait3A_1206 : memref<128x32xf32, #tpu.memory_space<vmem>>)
    %dma_wait3A_1213 = arith.constant 51 : i32
    %dma_wait3A_1214 = arith.constant 384 : i32
    %dma_wait3A_1215 = arith.constant 0 : i32
    %dma_wait3A_1216 = tpu.memref_slice %arg6[%dma_wait3A_1214, %dma_wait3A_1215] : memref<1024x32xf32, #tpu.memory_space<vmem>> -> memref<128x32xf32, #tpu.memory_space<vmem>>
    %dma_wait3A_1217 = arith.constant 0 : i32
    %dma_wait3A_1218 = tpu.memref_slice %arg5[%dma_wait3A_1213, %dma_wait3A_1217] : memref<104x128xi32, #tpu.memory_space<vmem>> -> memref<1x128xi32, #tpu.memory_space<vmem>>
    %dma_wait3A_1219 = tpu.memref_squeeze %dma_wait3A_1218 : memref<1x128xi32, #tpu.memory_space<vmem>> -> memref<128xi32, #tpu.memory_space<vmem>>
    %dma_wait3A_1220 = arith.constant 0 : i32
    %dma_wait3A_1221 = arith.constant 0 : i32
    %dma_wait3A_1222 = tpu.memref_slice %arg2[%dma_wait3A_1220, %dma_wait3A_1221] : memref<2600000x32xf32, #tpu.memory_space<hbm>> -> memref<2600000x32xf32, #tpu.memory_space<hbm>>
    tpu.wait_indirect_dma semaphore(%arg8 : memref<!tpu.dma_semaphore, #tpu.memory_space<semaphore_mem>>) src(%dma_wait3A_1222 : memref<2600000x32xf32, #tpu.memory_space<hbm>>) dst(%dma_wait3A_1216 : memref<128x32xf32, #tpu.memory_space<vmem>>)
    %dma_wait3A_1223 = arith.constant 52 : i32
    %dma_wait3A_1224 = arith.constant 512 : i32
    %dma_wait3A_1225 = arith.constant 0 : i32
    %dma_wait3A_1226 = tpu.memref_slice %arg6[%dma_wait3A_1224, %dma_wait3A_1225] : memref<1024x32xf32, #tpu.memory_space<vmem>> -> memref<128x32xf32, #tpu.memory_space<vmem>>
    %dma_wait3A_1227 = arith.constant 0 : i32
    %dma_wait3A_1228 = tpu.memref_slice %arg5[%dma_wait3A_1223, %dma_wait3A_1227] : memref<104x128xi32, #tpu.memory_space<vmem>> -> memref<1x128xi32, #tpu.memory_space<vmem>>
    %dma_wait3A_1229 = tpu.memref_squeeze %dma_wait3A_1228 : memref<1x128xi32, #tpu.memory_space<vmem>> -> memref<128xi32, #tpu.memory_space<vmem>>
    %dma_wait3A_1230 = arith.constant 0 : i32
    %dma_wait3A_1231 = arith.constant 0 : i32
    %dma_wait3A_1232 = tpu.memref_slice %arg2[%dma_wait3A_1230, %dma_wait3A_1231] : memref<2600000x32xf32, #tpu.memory_space<hbm>> -> memref<2600000x32xf32, #tpu.memory_space<hbm>>
    tpu.wait_indirect_dma semaphore(%arg8 : memref<!tpu.dma_semaphore, #tpu.memory_space<semaphore_mem>>) src(%dma_wait3A_1232 : memref<2600000x32xf32, #tpu.memory_space<hbm>>) dst(%dma_wait3A_1226 : memref<128x32xf32, #tpu.memory_space<vmem>>)
    %dma_wait3A_1233 = arith.constant 53 : i32
    %dma_wait3A_1234 = arith.constant 640 : i32
    %dma_wait3A_1235 = arith.constant 0 : i32
    %dma_wait3A_1236 = tpu.memref_slice %arg6[%dma_wait3A_1234, %dma_wait3A_1235] : memref<1024x32xf32, #tpu.memory_space<vmem>> -> memref<128x32xf32, #tpu.memory_space<vmem>>
    %dma_wait3A_1237 = arith.constant 0 : i32
    %dma_wait3A_1238 = tpu.memref_slice %arg5[%dma_wait3A_1233, %dma_wait3A_1237] : memref<104x128xi32, #tpu.memory_space<vmem>> -> memref<1x128xi32, #tpu.memory_space<vmem>>
    %dma_wait3A_1239 = tpu.memref_squeeze %dma_wait3A_1238 : memref<1x128xi32, #tpu.memory_space<vmem>> -> memref<128xi32, #tpu.memory_space<vmem>>
    %dma_wait3A_1240 = arith.constant 0 : i32
    %dma_wait3A_1241 = arith.constant 0 : i32
    %dma_wait3A_1242 = tpu.memref_slice %arg2[%dma_wait3A_1240, %dma_wait3A_1241] : memref<2600000x32xf32, #tpu.memory_space<hbm>> -> memref<2600000x32xf32, #tpu.memory_space<hbm>>
    tpu.wait_indirect_dma semaphore(%arg8 : memref<!tpu.dma_semaphore, #tpu.memory_space<semaphore_mem>>) src(%dma_wait3A_1242 : memref<2600000x32xf32, #tpu.memory_space<hbm>>) dst(%dma_wait3A_1236 : memref<128x32xf32, #tpu.memory_space<vmem>>)
    %dma_wait3A_1243 = arith.constant 54 : i32
    %dma_wait3A_1244 = arith.constant 768 : i32
    %dma_wait3A_1245 = arith.constant 0 : i32
    %dma_wait3A_1246 = tpu.memref_slice %arg6[%dma_wait3A_1244, %dma_wait3A_1245] : memref<1024x32xf32, #tpu.memory_space<vmem>> -> memref<128x32xf32, #tpu.memory_space<vmem>>
    %dma_wait3A_1247 = arith.constant 0 : i32
    %dma_wait3A_1248 = tpu.memref_slice %arg5[%dma_wait3A_1243, %dma_wait3A_1247] : memref<104x128xi32, #tpu.memory_space<vmem>> -> memref<1x128xi32, #tpu.memory_space<vmem>>
    %dma_wait3A_1249 = tpu.memref_squeeze %dma_wait3A_1248 : memref<1x128xi32, #tpu.memory_space<vmem>> -> memref<128xi32, #tpu.memory_space<vmem>>
    %dma_wait3A_1250 = arith.constant 0 : i32
    %dma_wait3A_1251 = arith.constant 0 : i32
    %dma_wait3A_1252 = tpu.memref_slice %arg2[%dma_wait3A_1250, %dma_wait3A_1251] : memref<2600000x32xf32, #tpu.memory_space<hbm>> -> memref<2600000x32xf32, #tpu.memory_space<hbm>>
    tpu.wait_indirect_dma semaphore(%arg8 : memref<!tpu.dma_semaphore, #tpu.memory_space<semaphore_mem>>) src(%dma_wait3A_1252 : memref<2600000x32xf32, #tpu.memory_space<hbm>>) dst(%dma_wait3A_1246 : memref<128x32xf32, #tpu.memory_space<vmem>>)
    %dma_wait3A_1253 = arith.constant 55 : i32
    %dma_wait3A_1254 = arith.constant 896 : i32
    %dma_wait3A_1255 = arith.constant 0 : i32
    %dma_wait3A_1256 = tpu.memref_slice %arg6[%dma_wait3A_1254, %dma_wait3A_1255] : memref<1024x32xf32, #tpu.memory_space<vmem>> -> memref<128x32xf32, #tpu.memory_space<vmem>>
    %dma_wait3A_1257 = arith.constant 0 : i32
    %dma_wait3A_1258 = tpu.memref_slice %arg5[%dma_wait3A_1253, %dma_wait3A_1257] : memref<104x128xi32, #tpu.memory_space<vmem>> -> memref<1x128xi32, #tpu.memory_space<vmem>>
    %dma_wait3A_1259 = tpu.memref_squeeze %dma_wait3A_1258 : memref<1x128xi32, #tpu.memory_space<vmem>> -> memref<128xi32, #tpu.memory_space<vmem>>
    %dma_wait3A_1260 = arith.constant 0 : i32
    %dma_wait3A_1261 = arith.constant 0 : i32
    %dma_wait3A_1262 = tpu.memref_slice %arg2[%dma_wait3A_1260, %dma_wait3A_1261] : memref<2600000x32xf32, #tpu.memory_space<hbm>> -> memref<2600000x32xf32, #tpu.memory_space<hbm>>
    tpu.wait_indirect_dma semaphore(%arg8 : memref<!tpu.dma_semaphore, #tpu.memory_space<semaphore_mem>>) src(%dma_wait3A_1262 : memref<2600000x32xf32, #tpu.memory_space<hbm>>) dst(%dma_wait3A_1256 : memref<128x32xf32, #tpu.memory_space<vmem>>)
    %add3A_1263 = arith.constant 6144 : i32
    %add3A_1264 = arith.addi %mul3A_2, %add3A_1263 : i32
    %dma_start3A_1265 = arith.constant 0 : i32
    %dma_start3A_1266 = tpu.memref_slice %arg4[%add3A_1264, %dma_start3A_1265] : memref<425984x32xf32, #tpu.memory_space<hbm>> -> memref<1024x32xf32, #tpu.memory_space<hbm>>
    %dma_start3A_1267 = arith.constant 0 : i32
    %dma_start3A_1268 = tpu.memref_slice %arg4[%add3A_1264, %dma_start3A_1267] : memref<425984x32xf32, #tpu.memory_space<hbm>> -> memref<1024x32xf32, #tpu.memory_space<hbm>>
    tpu.enqueue_dma source(%arg6 : memref<1024x32xf32, #tpu.memory_space<vmem>>) target(%dma_start3A_1268 : memref<1024x32xf32, #tpu.memory_space<hbm>>) target_semaphore(%arg10 : memref<!tpu.dma_semaphore, #tpu.memory_space<semaphore_mem>>)
    %dma_wait3A_1269 = arith.constant 0 : i32
    %dma_wait3A_1270 = tpu.memref_slice %arg4[%add3A_1264, %dma_wait3A_1269] : memref<425984x32xf32, #tpu.memory_space<hbm>> -> memref<1024x32xf32, #tpu.memory_space<hbm>>
    %dma_wait3A_1271 = arith.constant 0 : i32
    %dma_wait3A_1272 = tpu.memref_slice %arg4[%add3A_1264, %dma_wait3A_1271] : memref<425984x32xf32, #tpu.memory_space<hbm>> -> memref<1024x32xf32, #tpu.memory_space<hbm>>
    tpu.wait_dma2 semaphore(%arg10 : memref<!tpu.dma_semaphore, #tpu.memory_space<semaphore_mem>>) src(%arg6 : memref<1024x32xf32, #tpu.memory_space<vmem>>) dst(%dma_wait3A_1272 : memref<1024x32xf32, #tpu.memory_space<hbm>>)
    %dma_start3A_1273 = arith.constant 64 : i32
    %dma_start3A_1274 = arith.constant 0 : i32
    %dma_start3A_1275 = arith.constant 0 : i32
    %dma_start3A_1276 = tpu.memref_slice %arg6[%dma_start3A_1274, %dma_start3A_1275] : memref<1024x32xf32, #tpu.memory_space<vmem>> -> memref<128x32xf32, #tpu.memory_space<vmem>>
    %dma_start3A_1277 = arith.constant 0 : i32
    %dma_start3A_1278 = tpu.memref_slice %arg5[%dma_start3A_1273, %dma_start3A_1277] : memref<104x128xi32, #tpu.memory_space<vmem>> -> memref<1x128xi32, #tpu.memory_space<vmem>>
    %dma_start3A_1279 = tpu.memref_squeeze %dma_start3A_1278 : memref<1x128xi32, #tpu.memory_space<vmem>> -> memref<128xi32, #tpu.memory_space<vmem>>
    %dma_start3A_1280 = arith.constant 0 : i32
    %dma_start3A_1281 = arith.constant 0 : i32
    %dma_start3A_1282 = tpu.memref_slice %arg2[%dma_start3A_1280, %dma_start3A_1281] : memref<2600000x32xf32, #tpu.memory_space<hbm>> -> memref<2600000x32xf32, #tpu.memory_space<hbm>>
    tpu.enqueue_indirect_dma source(%dma_start3A_1282 : memref<2600000x32xf32, #tpu.memory_space<hbm>>) target(%dma_start3A_1276 : memref<128x32xf32, #tpu.memory_space<vmem>>) offsets(%dma_start3A_1279 : memref<128xi32, #tpu.memory_space<vmem>>) semaphore(%arg8 : memref<!tpu.dma_semaphore, #tpu.memory_space<semaphore_mem>>)
    %dma_start3A_1283 = arith.constant 65 : i32
    %dma_start3A_1284 = arith.constant 128 : i32
    %dma_start3A_1285 = arith.constant 0 : i32
    %dma_start3A_1286 = tpu.memref_slice %arg6[%dma_start3A_1284, %dma_start3A_1285] : memref<1024x32xf32, #tpu.memory_space<vmem>> -> memref<128x32xf32, #tpu.memory_space<vmem>>
    %dma_start3A_1287 = arith.constant 0 : i32
    %dma_start3A_1288 = tpu.memref_slice %arg5[%dma_start3A_1283, %dma_start3A_1287] : memref<104x128xi32, #tpu.memory_space<vmem>> -> memref<1x128xi32, #tpu.memory_space<vmem>>
    %dma_start3A_1289 = tpu.memref_squeeze %dma_start3A_1288 : memref<1x128xi32, #tpu.memory_space<vmem>> -> memref<128xi32, #tpu.memory_space<vmem>>
    %dma_start3A_1290 = arith.constant 0 : i32
    %dma_start3A_1291 = arith.constant 0 : i32
    %dma_start3A_1292 = tpu.memref_slice %arg2[%dma_start3A_1290, %dma_start3A_1291] : memref<2600000x32xf32, #tpu.memory_space<hbm>> -> memref<2600000x32xf32, #tpu.memory_space<hbm>>
    tpu.enqueue_indirect_dma source(%dma_start3A_1292 : memref<2600000x32xf32, #tpu.memory_space<hbm>>) target(%dma_start3A_1286 : memref<128x32xf32, #tpu.memory_space<vmem>>) offsets(%dma_start3A_1289 : memref<128xi32, #tpu.memory_space<vmem>>) semaphore(%arg8 : memref<!tpu.dma_semaphore, #tpu.memory_space<semaphore_mem>>)
    %dma_start3A_1293 = arith.constant 66 : i32
    %dma_start3A_1294 = arith.constant 256 : i32
    %dma_start3A_1295 = arith.constant 0 : i32
    %dma_start3A_1296 = tpu.memref_slice %arg6[%dma_start3A_1294, %dma_start3A_1295] : memref<1024x32xf32, #tpu.memory_space<vmem>> -> memref<128x32xf32, #tpu.memory_space<vmem>>
    %dma_start3A_1297 = arith.constant 0 : i32
    %dma_start3A_1298 = tpu.memref_slice %arg5[%dma_start3A_1293, %dma_start3A_1297] : memref<104x128xi32, #tpu.memory_space<vmem>> -> memref<1x128xi32, #tpu.memory_space<vmem>>
    %dma_start3A_1299 = tpu.memref_squeeze %dma_start3A_1298 : memref<1x128xi32, #tpu.memory_space<vmem>> -> memref<128xi32, #tpu.memory_space<vmem>>
    %dma_start3A_1300 = arith.constant 0 : i32
    %dma_start3A_1301 = arith.constant 0 : i32
    %dma_start3A_1302 = tpu.memref_slice %arg2[%dma_start3A_1300, %dma_start3A_1301] : memref<2600000x32xf32, #tpu.memory_space<hbm>> -> memref<2600000x32xf32, #tpu.memory_space<hbm>>
    tpu.enqueue_indirect_dma source(%dma_start3A_1302 : memref<2600000x32xf32, #tpu.memory_space<hbm>>) target(%dma_start3A_1296 : memref<128x32xf32, #tpu.memory_space<vmem>>) offsets(%dma_start3A_1299 : memref<128xi32, #tpu.memory_space<vmem>>) semaphore(%arg8 : memref<!tpu.dma_semaphore, #tpu.memory_space<semaphore_mem>>)
    %dma_start3A_1303 = arith.constant 67 : i32
    %dma_start3A_1304 = arith.constant 384 : i32
    %dma_start3A_1305 = arith.constant 0 : i32
    %dma_start3A_1306 = tpu.memref_slice %arg6[%dma_start3A_1304, %dma_start3A_1305] : memref<1024x32xf32, #tpu.memory_space<vmem>> -> memref<128x32xf32, #tpu.memory_space<vmem>>
    %dma_start3A_1307 = arith.constant 0 : i32
    %dma_start3A_1308 = tpu.memref_slice %arg5[%dma_start3A_1303, %dma_start3A_1307] : memref<104x128xi32, #tpu.memory_space<vmem>> -> memref<1x128xi32, #tpu.memory_space<vmem>>
    %dma_start3A_1309 = tpu.memref_squeeze %dma_start3A_1308 : memref<1x128xi32, #tpu.memory_space<vmem>> -> memref<128xi32, #tpu.memory_space<vmem>>
    %dma_start3A_1310 = arith.constant 0 : i32
    %dma_start3A_1311 = arith.constant 0 : i32
    %dma_start3A_1312 = tpu.memref_slice %arg2[%dma_start3A_1310, %dma_start3A_1311] : memref<2600000x32xf32, #tpu.memory_space<hbm>> -> memref<2600000x32xf32, #tpu.memory_space<hbm>>
    tpu.enqueue_indirect_dma source(%dma_start3A_1312 : memref<2600000x32xf32, #tpu.memory_space<hbm>>) target(%dma_start3A_1306 : memref<128x32xf32, #tpu.memory_space<vmem>>) offsets(%dma_start3A_1309 : memref<128xi32, #tpu.memory_space<vmem>>) semaphore(%arg8 : memref<!tpu.dma_semaphore, #tpu.memory_space<semaphore_mem>>)
    %dma_start3A_1313 = arith.constant 68 : i32
    %dma_start3A_1314 = arith.constant 512 : i32
    %dma_start3A_1315 = arith.constant 0 : i32
    %dma_start3A_1316 = tpu.memref_slice %arg6[%dma_start3A_1314, %dma_start3A_1315] : memref<1024x32xf32, #tpu.memory_space<vmem>> -> memref<128x32xf32, #tpu.memory_space<vmem>>
    %dma_start3A_1317 = arith.constant 0 : i32
    %dma_start3A_1318 = tpu.memref_slice %arg5[%dma_start3A_1313, %dma_start3A_1317] : memref<104x128xi32, #tpu.memory_space<vmem>> -> memref<1x128xi32, #tpu.memory_space<vmem>>
    %dma_start3A_1319 = tpu.memref_squeeze %dma_start3A_1318 : memref<1x128xi32, #tpu.memory_space<vmem>> -> memref<128xi32, #tpu.memory_space<vmem>>
    %dma_start3A_1320 = arith.constant 0 : i32
    %dma_start3A_1321 = arith.constant 0 : i32
    %dma_start3A_1322 = tpu.memref_slice %arg2[%dma_start3A_1320, %dma_start3A_1321] : memref<2600000x32xf32, #tpu.memory_space<hbm>> -> memref<2600000x32xf32, #tpu.memory_space<hbm>>
    tpu.enqueue_indirect_dma source(%dma_start3A_1322 : memref<2600000x32xf32, #tpu.memory_space<hbm>>) target(%dma_start3A_1316 : memref<128x32xf32, #tpu.memory_space<vmem>>) offsets(%dma_start3A_1319 : memref<128xi32, #tpu.memory_space<vmem>>) semaphore(%arg8 : memref<!tpu.dma_semaphore, #tpu.memory_space<semaphore_mem>>)
    %dma_start3A_1323 = arith.constant 69 : i32
    %dma_start3A_1324 = arith.constant 640 : i32
    %dma_start3A_1325 = arith.constant 0 : i32
    %dma_start3A_1326 = tpu.memref_slice %arg6[%dma_start3A_1324, %dma_start3A_1325] : memref<1024x32xf32, #tpu.memory_space<vmem>> -> memref<128x32xf32, #tpu.memory_space<vmem>>
    %dma_start3A_1327 = arith.constant 0 : i32
    %dma_start3A_1328 = tpu.memref_slice %arg5[%dma_start3A_1323, %dma_start3A_1327] : memref<104x128xi32, #tpu.memory_space<vmem>> -> memref<1x128xi32, #tpu.memory_space<vmem>>
    %dma_start3A_1329 = tpu.memref_squeeze %dma_start3A_1328 : memref<1x128xi32, #tpu.memory_space<vmem>> -> memref<128xi32, #tpu.memory_space<vmem>>
    %dma_start3A_1330 = arith.constant 0 : i32
    %dma_start3A_1331 = arith.constant 0 : i32
    %dma_start3A_1332 = tpu.memref_slice %arg2[%dma_start3A_1330, %dma_start3A_1331] : memref<2600000x32xf32, #tpu.memory_space<hbm>> -> memref<2600000x32xf32, #tpu.memory_space<hbm>>
    tpu.enqueue_indirect_dma source(%dma_start3A_1332 : memref<2600000x32xf32, #tpu.memory_space<hbm>>) target(%dma_start3A_1326 : memref<128x32xf32, #tpu.memory_space<vmem>>) offsets(%dma_start3A_1329 : memref<128xi32, #tpu.memory_space<vmem>>) semaphore(%arg8 : memref<!tpu.dma_semaphore, #tpu.memory_space<semaphore_mem>>)
    %dma_start3A_1333 = arith.constant 70 : i32
    %dma_start3A_1334 = arith.constant 768 : i32
    %dma_start3A_1335 = arith.constant 0 : i32
    %dma_start3A_1336 = tpu.memref_slice %arg6[%dma_start3A_1334, %dma_start3A_1335] : memref<1024x32xf32, #tpu.memory_space<vmem>> -> memref<128x32xf32, #tpu.memory_space<vmem>>
    %dma_start3A_1337 = arith.constant 0 : i32
    %dma_start3A_1338 = tpu.memref_slice %arg5[%dma_start3A_1333, %dma_start3A_1337] : memref<104x128xi32, #tpu.memory_space<vmem>> -> memref<1x128xi32, #tpu.memory_space<vmem>>
    %dma_start3A_1339 = tpu.memref_squeeze %dma_start3A_1338 : memref<1x128xi32, #tpu.memory_space<vmem>> -> memref<128xi32, #tpu.memory_space<vmem>>
    %dma_start3A_1340 = arith.constant 0 : i32
    %dma_start3A_1341 = arith.constant 0 : i32
    %dma_start3A_1342 = tpu.memref_slice %arg2[%dma_start3A_1340, %dma_start3A_1341] : memref<2600000x32xf32, #tpu.memory_space<hbm>> -> memref<2600000x32xf32, #tpu.memory_space<hbm>>
    tpu.enqueue_indirect_dma source(%dma_start3A_1342 : memref<2600000x32xf32, #tpu.memory_space<hbm>>) target(%dma_start3A_1336 : memref<128x32xf32, #tpu.memory_space<vmem>>) offsets(%dma_start3A_1339 : memref<128xi32, #tpu.memory_space<vmem>>) semaphore(%arg8 : memref<!tpu.dma_semaphore, #tpu.memory_space<semaphore_mem>>)
    %dma_start3A_1343 = arith.constant 71 : i32
    %dma_start3A_1344 = arith.constant 896 : i32
    %dma_start3A_1345 = arith.constant 0 : i32
    %dma_start3A_1346 = tpu.memref_slice %arg6[%dma_start3A_1344, %dma_start3A_1345] : memref<1024x32xf32, #tpu.memory_space<vmem>> -> memref<128x32xf32, #tpu.memory_space<vmem>>
    %dma_start3A_1347 = arith.constant 0 : i32
    %dma_start3A_1348 = tpu.memref_slice %arg5[%dma_start3A_1343, %dma_start3A_1347] : memref<104x128xi32, #tpu.memory_space<vmem>> -> memref<1x128xi32, #tpu.memory_space<vmem>>
    %dma_start3A_1349 = tpu.memref_squeeze %dma_start3A_1348 : memref<1x128xi32, #tpu.memory_space<vmem>> -> memref<128xi32, #tpu.memory_space<vmem>>
    %dma_start3A_1350 = arith.constant 0 : i32
    %dma_start3A_1351 = arith.constant 0 : i32
    %dma_start3A_1352 = tpu.memref_slice %arg2[%dma_start3A_1350, %dma_start3A_1351] : memref<2600000x32xf32, #tpu.memory_space<hbm>> -> memref<2600000x32xf32, #tpu.memory_space<hbm>>
    tpu.enqueue_indirect_dma source(%dma_start3A_1352 : memref<2600000x32xf32, #tpu.memory_space<hbm>>) target(%dma_start3A_1346 : memref<128x32xf32, #tpu.memory_space<vmem>>) offsets(%dma_start3A_1349 : memref<128xi32, #tpu.memory_space<vmem>>) semaphore(%arg8 : memref<!tpu.dma_semaphore, #tpu.memory_space<semaphore_mem>>)
    %dma_wait3A_1353 = arith.constant 56 : i32
    %dma_wait3A_1354 = arith.constant 0 : i32
    %dma_wait3A_1355 = arith.constant 0 : i32
    %dma_wait3A_1356 = tpu.memref_slice %arg7[%dma_wait3A_1354, %dma_wait3A_1355] : memref<1024x32xf32, #tpu.memory_space<vmem>> -> memref<128x32xf32, #tpu.memory_space<vmem>>
    %dma_wait3A_1357 = arith.constant 0 : i32
    %dma_wait3A_1358 = tpu.memref_slice %arg5[%dma_wait3A_1353, %dma_wait3A_1357] : memref<104x128xi32, #tpu.memory_space<vmem>> -> memref<1x128xi32, #tpu.memory_space<vmem>>
    %dma_wait3A_1359 = tpu.memref_squeeze %dma_wait3A_1358 : memref<1x128xi32, #tpu.memory_space<vmem>> -> memref<128xi32, #tpu.memory_space<vmem>>
    %dma_wait3A_1360 = arith.constant 0 : i32
    %dma_wait3A_1361 = arith.constant 0 : i32
    %dma_wait3A_1362 = tpu.memref_slice %arg2[%dma_wait3A_1360, %dma_wait3A_1361] : memref<2600000x32xf32, #tpu.memory_space<hbm>> -> memref<2600000x32xf32, #tpu.memory_space<hbm>>
    tpu.wait_indirect_dma semaphore(%arg9 : memref<!tpu.dma_semaphore, #tpu.memory_space<semaphore_mem>>) src(%dma_wait3A_1362 : memref<2600000x32xf32, #tpu.memory_space<hbm>>) dst(%dma_wait3A_1356 : memref<128x32xf32, #tpu.memory_space<vmem>>)
    %dma_wait3A_1363 = arith.constant 57 : i32
    %dma_wait3A_1364 = arith.constant 128 : i32
    %dma_wait3A_1365 = arith.constant 0 : i32
    %dma_wait3A_1366 = tpu.memref_slice %arg7[%dma_wait3A_1364, %dma_wait3A_1365] : memref<1024x32xf32, #tpu.memory_space<vmem>> -> memref<128x32xf32, #tpu.memory_space<vmem>>
    %dma_wait3A_1367 = arith.constant 0 : i32
    %dma_wait3A_1368 = tpu.memref_slice %arg5[%dma_wait3A_1363, %dma_wait3A_1367] : memref<104x128xi32, #tpu.memory_space<vmem>> -> memref<1x128xi32, #tpu.memory_space<vmem>>
    %dma_wait3A_1369 = tpu.memref_squeeze %dma_wait3A_1368 : memref<1x128xi32, #tpu.memory_space<vmem>> -> memref<128xi32, #tpu.memory_space<vmem>>
    %dma_wait3A_1370 = arith.constant 0 : i32
    %dma_wait3A_1371 = arith.constant 0 : i32
    %dma_wait3A_1372 = tpu.memref_slice %arg2[%dma_wait3A_1370, %dma_wait3A_1371] : memref<2600000x32xf32, #tpu.memory_space<hbm>> -> memref<2600000x32xf32, #tpu.memory_space<hbm>>
    tpu.wait_indirect_dma semaphore(%arg9 : memref<!tpu.dma_semaphore, #tpu.memory_space<semaphore_mem>>) src(%dma_wait3A_1372 : memref<2600000x32xf32, #tpu.memory_space<hbm>>) dst(%dma_wait3A_1366 : memref<128x32xf32, #tpu.memory_space<vmem>>)
    %dma_wait3A_1373 = arith.constant 58 : i32
    %dma_wait3A_1374 = arith.constant 256 : i32
    %dma_wait3A_1375 = arith.constant 0 : i32
    %dma_wait3A_1376 = tpu.memref_slice %arg7[%dma_wait3A_1374, %dma_wait3A_1375] : memref<1024x32xf32, #tpu.memory_space<vmem>> -> memref<128x32xf32, #tpu.memory_space<vmem>>
    %dma_wait3A_1377 = arith.constant 0 : i32
    %dma_wait3A_1378 = tpu.memref_slice %arg5[%dma_wait3A_1373, %dma_wait3A_1377] : memref<104x128xi32, #tpu.memory_space<vmem>> -> memref<1x128xi32, #tpu.memory_space<vmem>>
    %dma_wait3A_1379 = tpu.memref_squeeze %dma_wait3A_1378 : memref<1x128xi32, #tpu.memory_space<vmem>> -> memref<128xi32, #tpu.memory_space<vmem>>
    %dma_wait3A_1380 = arith.constant 0 : i32
    %dma_wait3A_1381 = arith.constant 0 : i32
    %dma_wait3A_1382 = tpu.memref_slice %arg2[%dma_wait3A_1380, %dma_wait3A_1381] : memref<2600000x32xf32, #tpu.memory_space<hbm>> -> memref<2600000x32xf32, #tpu.memory_space<hbm>>
    tpu.wait_indirect_dma semaphore(%arg9 : memref<!tpu.dma_semaphore, #tpu.memory_space<semaphore_mem>>) src(%dma_wait3A_1382 : memref<2600000x32xf32, #tpu.memory_space<hbm>>) dst(%dma_wait3A_1376 : memref<128x32xf32, #tpu.memory_space<vmem>>)
    %dma_wait3A_1383 = arith.constant 59 : i32
    %dma_wait3A_1384 = arith.constant 384 : i32
    %dma_wait3A_1385 = arith.constant 0 : i32
    %dma_wait3A_1386 = tpu.memref_slice %arg7[%dma_wait3A_1384, %dma_wait3A_1385] : memref<1024x32xf32, #tpu.memory_space<vmem>> -> memref<128x32xf32, #tpu.memory_space<vmem>>
    %dma_wait3A_1387 = arith.constant 0 : i32
    %dma_wait3A_1388 = tpu.memref_slice %arg5[%dma_wait3A_1383, %dma_wait3A_1387] : memref<104x128xi32, #tpu.memory_space<vmem>> -> memref<1x128xi32, #tpu.memory_space<vmem>>
    %dma_wait3A_1389 = tpu.memref_squeeze %dma_wait3A_1388 : memref<1x128xi32, #tpu.memory_space<vmem>> -> memref<128xi32, #tpu.memory_space<vmem>>
    %dma_wait3A_1390 = arith.constant 0 : i32
    %dma_wait3A_1391 = arith.constant 0 : i32
    %dma_wait3A_1392 = tpu.memref_slice %arg2[%dma_wait3A_1390, %dma_wait3A_1391] : memref<2600000x32xf32, #tpu.memory_space<hbm>> -> memref<2600000x32xf32, #tpu.memory_space<hbm>>
    tpu.wait_indirect_dma semaphore(%arg9 : memref<!tpu.dma_semaphore, #tpu.memory_space<semaphore_mem>>) src(%dma_wait3A_1392 : memref<2600000x32xf32, #tpu.memory_space<hbm>>) dst(%dma_wait3A_1386 : memref<128x32xf32, #tpu.memory_space<vmem>>)
    %dma_wait3A_1393 = arith.constant 60 : i32
    %dma_wait3A_1394 = arith.constant 512 : i32
    %dma_wait3A_1395 = arith.constant 0 : i32
    %dma_wait3A_1396 = tpu.memref_slice %arg7[%dma_wait3A_1394, %dma_wait3A_1395] : memref<1024x32xf32, #tpu.memory_space<vmem>> -> memref<128x32xf32, #tpu.memory_space<vmem>>
    %dma_wait3A_1397 = arith.constant 0 : i32
    %dma_wait3A_1398 = tpu.memref_slice %arg5[%dma_wait3A_1393, %dma_wait3A_1397] : memref<104x128xi32, #tpu.memory_space<vmem>> -> memref<1x128xi32, #tpu.memory_space<vmem>>
    %dma_wait3A_1399 = tpu.memref_squeeze %dma_wait3A_1398 : memref<1x128xi32, #tpu.memory_space<vmem>> -> memref<128xi32, #tpu.memory_space<vmem>>
    %dma_wait3A_1400 = arith.constant 0 : i32
    %dma_wait3A_1401 = arith.constant 0 : i32
    %dma_wait3A_1402 = tpu.memref_slice %arg2[%dma_wait3A_1400, %dma_wait3A_1401] : memref<2600000x32xf32, #tpu.memory_space<hbm>> -> memref<2600000x32xf32, #tpu.memory_space<hbm>>
    tpu.wait_indirect_dma semaphore(%arg9 : memref<!tpu.dma_semaphore, #tpu.memory_space<semaphore_mem>>) src(%dma_wait3A_1402 : memref<2600000x32xf32, #tpu.memory_space<hbm>>) dst(%dma_wait3A_1396 : memref<128x32xf32, #tpu.memory_space<vmem>>)
    %dma_wait3A_1403 = arith.constant 61 : i32
    %dma_wait3A_1404 = arith.constant 640 : i32
    %dma_wait3A_1405 = arith.constant 0 : i32
    %dma_wait3A_1406 = tpu.memref_slice %arg7[%dma_wait3A_1404, %dma_wait3A_1405] : memref<1024x32xf32, #tpu.memory_space<vmem>> -> memref<128x32xf32, #tpu.memory_space<vmem>>
    %dma_wait3A_1407 = arith.constant 0 : i32
    %dma_wait3A_1408 = tpu.memref_slice %arg5[%dma_wait3A_1403, %dma_wait3A_1407] : memref<104x128xi32, #tpu.memory_space<vmem>> -> memref<1x128xi32, #tpu.memory_space<vmem>>
    %dma_wait3A_1409 = tpu.memref_squeeze %dma_wait3A_1408 : memref<1x128xi32, #tpu.memory_space<vmem>> -> memref<128xi32, #tpu.memory_space<vmem>>
    %dma_wait3A_1410 = arith.constant 0 : i32
    %dma_wait3A_1411 = arith.constant 0 : i32
    %dma_wait3A_1412 = tpu.memref_slice %arg2[%dma_wait3A_1410, %dma_wait3A_1411] : memref<2600000x32xf32, #tpu.memory_space<hbm>> -> memref<2600000x32xf32, #tpu.memory_space<hbm>>
    tpu.wait_indirect_dma semaphore(%arg9 : memref<!tpu.dma_semaphore, #tpu.memory_space<semaphore_mem>>) src(%dma_wait3A_1412 : memref<2600000x32xf32, #tpu.memory_space<hbm>>) dst(%dma_wait3A_1406 : memref<128x32xf32, #tpu.memory_space<vmem>>)
    %dma_wait3A_1413 = arith.constant 62 : i32
    %dma_wait3A_1414 = arith.constant 768 : i32
    %dma_wait3A_1415 = arith.constant 0 : i32
    %dma_wait3A_1416 = tpu.memref_slice %arg7[%dma_wait3A_1414, %dma_wait3A_1415] : memref<1024x32xf32, #tpu.memory_space<vmem>> -> memref<128x32xf32, #tpu.memory_space<vmem>>
    %dma_wait3A_1417 = arith.constant 0 : i32
    %dma_wait3A_1418 = tpu.memref_slice %arg5[%dma_wait3A_1413, %dma_wait3A_1417] : memref<104x128xi32, #tpu.memory_space<vmem>> -> memref<1x128xi32, #tpu.memory_space<vmem>>
    %dma_wait3A_1419 = tpu.memref_squeeze %dma_wait3A_1418 : memref<1x128xi32, #tpu.memory_space<vmem>> -> memref<128xi32, #tpu.memory_space<vmem>>
    %dma_wait3A_1420 = arith.constant 0 : i32
    %dma_wait3A_1421 = arith.constant 0 : i32
    %dma_wait3A_1422 = tpu.memref_slice %arg2[%dma_wait3A_1420, %dma_wait3A_1421] : memref<2600000x32xf32, #tpu.memory_space<hbm>> -> memref<2600000x32xf32, #tpu.memory_space<hbm>>
    tpu.wait_indirect_dma semaphore(%arg9 : memref<!tpu.dma_semaphore, #tpu.memory_space<semaphore_mem>>) src(%dma_wait3A_1422 : memref<2600000x32xf32, #tpu.memory_space<hbm>>) dst(%dma_wait3A_1416 : memref<128x32xf32, #tpu.memory_space<vmem>>)
    %dma_wait3A_1423 = arith.constant 63 : i32
    %dma_wait3A_1424 = arith.constant 896 : i32
    %dma_wait3A_1425 = arith.constant 0 : i32
    %dma_wait3A_1426 = tpu.memref_slice %arg7[%dma_wait3A_1424, %dma_wait3A_1425] : memref<1024x32xf32, #tpu.memory_space<vmem>> -> memref<128x32xf32, #tpu.memory_space<vmem>>
    %dma_wait3A_1427 = arith.constant 0 : i32
    %dma_wait3A_1428 = tpu.memref_slice %arg5[%dma_wait3A_1423, %dma_wait3A_1427] : memref<104x128xi32, #tpu.memory_space<vmem>> -> memref<1x128xi32, #tpu.memory_space<vmem>>
    %dma_wait3A_1429 = tpu.memref_squeeze %dma_wait3A_1428 : memref<1x128xi32, #tpu.memory_space<vmem>> -> memref<128xi32, #tpu.memory_space<vmem>>
    %dma_wait3A_1430 = arith.constant 0 : i32
    %dma_wait3A_1431 = arith.constant 0 : i32
    %dma_wait3A_1432 = tpu.memref_slice %arg2[%dma_wait3A_1430, %dma_wait3A_1431] : memref<2600000x32xf32, #tpu.memory_space<hbm>> -> memref<2600000x32xf32, #tpu.memory_space<hbm>>
    tpu.wait_indirect_dma semaphore(%arg9 : memref<!tpu.dma_semaphore, #tpu.memory_space<semaphore_mem>>) src(%dma_wait3A_1432 : memref<2600000x32xf32, #tpu.memory_space<hbm>>) dst(%dma_wait3A_1426 : memref<128x32xf32, #tpu.memory_space<vmem>>)
    %add3A_1433 = arith.constant 7168 : i32
    %add3A_1434 = arith.addi %mul3A_2, %add3A_1433 : i32
    %dma_start3A_1435 = arith.constant 0 : i32
    %dma_start3A_1436 = tpu.memref_slice %arg4[%add3A_1434, %dma_start3A_1435] : memref<425984x32xf32, #tpu.memory_space<hbm>> -> memref<1024x32xf32, #tpu.memory_space<hbm>>
    %dma_start3A_1437 = arith.constant 0 : i32
    %dma_start3A_1438 = tpu.memref_slice %arg4[%add3A_1434, %dma_start3A_1437] : memref<425984x32xf32, #tpu.memory_space<hbm>> -> memref<1024x32xf32, #tpu.memory_space<hbm>>
    tpu.enqueue_dma source(%arg7 : memref<1024x32xf32, #tpu.memory_space<vmem>>) target(%dma_start3A_1438 : memref<1024x32xf32, #tpu.memory_space<hbm>>) target_semaphore(%arg11 : memref<!tpu.dma_semaphore, #tpu.memory_space<semaphore_mem>>)
    %dma_wait3A_1439 = arith.constant 0 : i32
    %dma_wait3A_1440 = tpu.memref_slice %arg4[%add3A_1434, %dma_wait3A_1439] : memref<425984x32xf32, #tpu.memory_space<hbm>> -> memref<1024x32xf32, #tpu.memory_space<hbm>>
    %dma_wait3A_1441 = arith.constant 0 : i32
    %dma_wait3A_1442 = tpu.memref_slice %arg4[%add3A_1434, %dma_wait3A_1441] : memref<425984x32xf32, #tpu.memory_space<hbm>> -> memref<1024x32xf32, #tpu.memory_space<hbm>>
    tpu.wait_dma2 semaphore(%arg11 : memref<!tpu.dma_semaphore, #tpu.memory_space<semaphore_mem>>) src(%arg7 : memref<1024x32xf32, #tpu.memory_space<vmem>>) dst(%dma_wait3A_1442 : memref<1024x32xf32, #tpu.memory_space<hbm>>)
    %dma_start3A_1443 = arith.constant 72 : i32
    %dma_start3A_1444 = arith.constant 0 : i32
    %dma_start3A_1445 = arith.constant 0 : i32
    %dma_start3A_1446 = tpu.memref_slice %arg7[%dma_start3A_1444, %dma_start3A_1445] : memref<1024x32xf32, #tpu.memory_space<vmem>> -> memref<128x32xf32, #tpu.memory_space<vmem>>
    %dma_start3A_1447 = arith.constant 0 : i32
    %dma_start3A_1448 = tpu.memref_slice %arg5[%dma_start3A_1443, %dma_start3A_1447] : memref<104x128xi32, #tpu.memory_space<vmem>> -> memref<1x128xi32, #tpu.memory_space<vmem>>
    %dma_start3A_1449 = tpu.memref_squeeze %dma_start3A_1448 : memref<1x128xi32, #tpu.memory_space<vmem>> -> memref<128xi32, #tpu.memory_space<vmem>>
    %dma_start3A_1450 = arith.constant 0 : i32
    %dma_start3A_1451 = arith.constant 0 : i32
    %dma_start3A_1452 = tpu.memref_slice %arg2[%dma_start3A_1450, %dma_start3A_1451] : memref<2600000x32xf32, #tpu.memory_space<hbm>> -> memref<2600000x32xf32, #tpu.memory_space<hbm>>
    tpu.enqueue_indirect_dma source(%dma_start3A_1452 : memref<2600000x32xf32, #tpu.memory_space<hbm>>) target(%dma_start3A_1446 : memref<128x32xf32, #tpu.memory_space<vmem>>) offsets(%dma_start3A_1449 : memref<128xi32, #tpu.memory_space<vmem>>) semaphore(%arg9 : memref<!tpu.dma_semaphore, #tpu.memory_space<semaphore_mem>>)
    %dma_start3A_1453 = arith.constant 73 : i32
    %dma_start3A_1454 = arith.constant 128 : i32
    %dma_start3A_1455 = arith.constant 0 : i32
    %dma_start3A_1456 = tpu.memref_slice %arg7[%dma_start3A_1454, %dma_start3A_1455] : memref<1024x32xf32, #tpu.memory_space<vmem>> -> memref<128x32xf32, #tpu.memory_space<vmem>>
    %dma_start3A_1457 = arith.constant 0 : i32
    %dma_start3A_1458 = tpu.memref_slice %arg5[%dma_start3A_1453, %dma_start3A_1457] : memref<104x128xi32, #tpu.memory_space<vmem>> -> memref<1x128xi32, #tpu.memory_space<vmem>>
    %dma_start3A_1459 = tpu.memref_squeeze %dma_start3A_1458 : memref<1x128xi32, #tpu.memory_space<vmem>> -> memref<128xi32, #tpu.memory_space<vmem>>
    %dma_start3A_1460 = arith.constant 0 : i32
    %dma_start3A_1461 = arith.constant 0 : i32
    %dma_start3A_1462 = tpu.memref_slice %arg2[%dma_start3A_1460, %dma_start3A_1461] : memref<2600000x32xf32, #tpu.memory_space<hbm>> -> memref<2600000x32xf32, #tpu.memory_space<hbm>>
    tpu.enqueue_indirect_dma source(%dma_start3A_1462 : memref<2600000x32xf32, #tpu.memory_space<hbm>>) target(%dma_start3A_1456 : memref<128x32xf32, #tpu.memory_space<vmem>>) offsets(%dma_start3A_1459 : memref<128xi32, #tpu.memory_space<vmem>>) semaphore(%arg9 : memref<!tpu.dma_semaphore, #tpu.memory_space<semaphore_mem>>)
    %dma_start3A_1463 = arith.constant 74 : i32
    %dma_start3A_1464 = arith.constant 256 : i32
    %dma_start3A_1465 = arith.constant 0 : i32
    %dma_start3A_1466 = tpu.memref_slice %arg7[%dma_start3A_1464, %dma_start3A_1465] : memref<1024x32xf32, #tpu.memory_space<vmem>> -> memref<128x32xf32, #tpu.memory_space<vmem>>
    %dma_start3A_1467 = arith.constant 0 : i32
    %dma_start3A_1468 = tpu.memref_slice %arg5[%dma_start3A_1463, %dma_start3A_1467] : memref<104x128xi32, #tpu.memory_space<vmem>> -> memref<1x128xi32, #tpu.memory_space<vmem>>
    %dma_start3A_1469 = tpu.memref_squeeze %dma_start3A_1468 : memref<1x128xi32, #tpu.memory_space<vmem>> -> memref<128xi32, #tpu.memory_space<vmem>>
    %dma_start3A_1470 = arith.constant 0 : i32
    %dma_start3A_1471 = arith.constant 0 : i32
    %dma_start3A_1472 = tpu.memref_slice %arg2[%dma_start3A_1470, %dma_start3A_1471] : memref<2600000x32xf32, #tpu.memory_space<hbm>> -> memref<2600000x32xf32, #tpu.memory_space<hbm>>
    tpu.enqueue_indirect_dma source(%dma_start3A_1472 : memref<2600000x32xf32, #tpu.memory_space<hbm>>) target(%dma_start3A_1466 : memref<128x32xf32, #tpu.memory_space<vmem>>) offsets(%dma_start3A_1469 : memref<128xi32, #tpu.memory_space<vmem>>) semaphore(%arg9 : memref<!tpu.dma_semaphore, #tpu.memory_space<semaphore_mem>>)
    %dma_start3A_1473 = arith.constant 75 : i32
    %dma_start3A_1474 = arith.constant 384 : i32
    %dma_start3A_1475 = arith.constant 0 : i32
    %dma_start3A_1476 = tpu.memref_slice %arg7[%dma_start3A_1474, %dma_start3A_1475] : memref<1024x32xf32, #tpu.memory_space<vmem>> -> memref<128x32xf32, #tpu.memory_space<vmem>>
    %dma_start3A_1477 = arith.constant 0 : i32
    %dma_start3A_1478 = tpu.memref_slice %arg5[%dma_start3A_1473, %dma_start3A_1477] : memref<104x128xi32, #tpu.memory_space<vmem>> -> memref<1x128xi32, #tpu.memory_space<vmem>>
    %dma_start3A_1479 = tpu.memref_squeeze %dma_start3A_1478 : memref<1x128xi32, #tpu.memory_space<vmem>> -> memref<128xi32, #tpu.memory_space<vmem>>
    %dma_start3A_1480 = arith.constant 0 : i32
    %dma_start3A_1481 = arith.constant 0 : i32
    %dma_start3A_1482 = tpu.memref_slice %arg2[%dma_start3A_1480, %dma_start3A_1481] : memref<2600000x32xf32, #tpu.memory_space<hbm>> -> memref<2600000x32xf32, #tpu.memory_space<hbm>>
    tpu.enqueue_indirect_dma source(%dma_start3A_1482 : memref<2600000x32xf32, #tpu.memory_space<hbm>>) target(%dma_start3A_1476 : memref<128x32xf32, #tpu.memory_space<vmem>>) offsets(%dma_start3A_1479 : memref<128xi32, #tpu.memory_space<vmem>>) semaphore(%arg9 : memref<!tpu.dma_semaphore, #tpu.memory_space<semaphore_mem>>)
    %dma_start3A_1483 = arith.constant 76 : i32
    %dma_start3A_1484 = arith.constant 512 : i32
    %dma_start3A_1485 = arith.constant 0 : i32
    %dma_start3A_1486 = tpu.memref_slice %arg7[%dma_start3A_1484, %dma_start3A_1485] : memref<1024x32xf32, #tpu.memory_space<vmem>> -> memref<128x32xf32, #tpu.memory_space<vmem>>
    %dma_start3A_1487 = arith.constant 0 : i32
    %dma_start3A_1488 = tpu.memref_slice %arg5[%dma_start3A_1483, %dma_start3A_1487] : memref<104x128xi32, #tpu.memory_space<vmem>> -> memref<1x128xi32, #tpu.memory_space<vmem>>
    %dma_start3A_1489 = tpu.memref_squeeze %dma_start3A_1488 : memref<1x128xi32, #tpu.memory_space<vmem>> -> memref<128xi32, #tpu.memory_space<vmem>>
    %dma_start3A_1490 = arith.constant 0 : i32
    %dma_start3A_1491 = arith.constant 0 : i32
    %dma_start3A_1492 = tpu.memref_slice %arg2[%dma_start3A_1490, %dma_start3A_1491] : memref<2600000x32xf32, #tpu.memory_space<hbm>> -> memref<2600000x32xf32, #tpu.memory_space<hbm>>
    tpu.enqueue_indirect_dma source(%dma_start3A_1492 : memref<2600000x32xf32, #tpu.memory_space<hbm>>) target(%dma_start3A_1486 : memref<128x32xf32, #tpu.memory_space<vmem>>) offsets(%dma_start3A_1489 : memref<128xi32, #tpu.memory_space<vmem>>) semaphore(%arg9 : memref<!tpu.dma_semaphore, #tpu.memory_space<semaphore_mem>>)
    %dma_start3A_1493 = arith.constant 77 : i32
    %dma_start3A_1494 = arith.constant 640 : i32
    %dma_start3A_1495 = arith.constant 0 : i32
    %dma_start3A_1496 = tpu.memref_slice %arg7[%dma_start3A_1494, %dma_start3A_1495] : memref<1024x32xf32, #tpu.memory_space<vmem>> -> memref<128x32xf32, #tpu.memory_space<vmem>>
    %dma_start3A_1497 = arith.constant 0 : i32
    %dma_start3A_1498 = tpu.memref_slice %arg5[%dma_start3A_1493, %dma_start3A_1497] : memref<104x128xi32, #tpu.memory_space<vmem>> -> memref<1x128xi32, #tpu.memory_space<vmem>>
    %dma_start3A_1499 = tpu.memref_squeeze %dma_start3A_1498 : memref<1x128xi32, #tpu.memory_space<vmem>> -> memref<128xi32, #tpu.memory_space<vmem>>
    %dma_start3A_1500 = arith.constant 0 : i32
    %dma_start3A_1501 = arith.constant 0 : i32
    %dma_start3A_1502 = tpu.memref_slice %arg2[%dma_start3A_1500, %dma_start3A_1501] : memref<2600000x32xf32, #tpu.memory_space<hbm>> -> memref<2600000x32xf32, #tpu.memory_space<hbm>>
    tpu.enqueue_indirect_dma source(%dma_start3A_1502 : memref<2600000x32xf32, #tpu.memory_space<hbm>>) target(%dma_start3A_1496 : memref<128x32xf32, #tpu.memory_space<vmem>>) offsets(%dma_start3A_1499 : memref<128xi32, #tpu.memory_space<vmem>>) semaphore(%arg9 : memref<!tpu.dma_semaphore, #tpu.memory_space<semaphore_mem>>)
    %dma_start3A_1503 = arith.constant 78 : i32
    %dma_start3A_1504 = arith.constant 768 : i32
    %dma_start3A_1505 = arith.constant 0 : i32
    %dma_start3A_1506 = tpu.memref_slice %arg7[%dma_start3A_1504, %dma_start3A_1505] : memref<1024x32xf32, #tpu.memory_space<vmem>> -> memref<128x32xf32, #tpu.memory_space<vmem>>
    %dma_start3A_1507 = arith.constant 0 : i32
    %dma_start3A_1508 = tpu.memref_slice %arg5[%dma_start3A_1503, %dma_start3A_1507] : memref<104x128xi32, #tpu.memory_space<vmem>> -> memref<1x128xi32, #tpu.memory_space<vmem>>
    %dma_start3A_1509 = tpu.memref_squeeze %dma_start3A_1508 : memref<1x128xi32, #tpu.memory_space<vmem>> -> memref<128xi32, #tpu.memory_space<vmem>>
    %dma_start3A_1510 = arith.constant 0 : i32
    %dma_start3A_1511 = arith.constant 0 : i32
    %dma_start3A_1512 = tpu.memref_slice %arg2[%dma_start3A_1510, %dma_start3A_1511] : memref<2600000x32xf32, #tpu.memory_space<hbm>> -> memref<2600000x32xf32, #tpu.memory_space<hbm>>
    tpu.enqueue_indirect_dma source(%dma_start3A_1512 : memref<2600000x32xf32, #tpu.memory_space<hbm>>) target(%dma_start3A_1506 : memref<128x32xf32, #tpu.memory_space<vmem>>) offsets(%dma_start3A_1509 : memref<128xi32, #tpu.memory_space<vmem>>) semaphore(%arg9 : memref<!tpu.dma_semaphore, #tpu.memory_space<semaphore_mem>>)
    %dma_start3A_1513 = arith.constant 79 : i32
    %dma_start3A_1514 = arith.constant 896 : i32
    %dma_start3A_1515 = arith.constant 0 : i32
    %dma_start3A_1516 = tpu.memref_slice %arg7[%dma_start3A_1514, %dma_start3A_1515] : memref<1024x32xf32, #tpu.memory_space<vmem>> -> memref<128x32xf32, #tpu.memory_space<vmem>>
    %dma_start3A_1517 = arith.constant 0 : i32
    %dma_start3A_1518 = tpu.memref_slice %arg5[%dma_start3A_1513, %dma_start3A_1517] : memref<104x128xi32, #tpu.memory_space<vmem>> -> memref<1x128xi32, #tpu.memory_space<vmem>>
    %dma_start3A_1519 = tpu.memref_squeeze %dma_start3A_1518 : memref<1x128xi32, #tpu.memory_space<vmem>> -> memref<128xi32, #tpu.memory_space<vmem>>
    %dma_start3A_1520 = arith.constant 0 : i32
    %dma_start3A_1521 = arith.constant 0 : i32
    %dma_start3A_1522 = tpu.memref_slice %arg2[%dma_start3A_1520, %dma_start3A_1521] : memref<2600000x32xf32, #tpu.memory_space<hbm>> -> memref<2600000x32xf32, #tpu.memory_space<hbm>>
    tpu.enqueue_indirect_dma source(%dma_start3A_1522 : memref<2600000x32xf32, #tpu.memory_space<hbm>>) target(%dma_start3A_1516 : memref<128x32xf32, #tpu.memory_space<vmem>>) offsets(%dma_start3A_1519 : memref<128xi32, #tpu.memory_space<vmem>>) semaphore(%arg9 : memref<!tpu.dma_semaphore, #tpu.memory_space<semaphore_mem>>)
    %dma_wait3A_1523 = arith.constant 64 : i32
    %dma_wait3A_1524 = arith.constant 0 : i32
    %dma_wait3A_1525 = arith.constant 0 : i32
    %dma_wait3A_1526 = tpu.memref_slice %arg6[%dma_wait3A_1524, %dma_wait3A_1525] : memref<1024x32xf32, #tpu.memory_space<vmem>> -> memref<128x32xf32, #tpu.memory_space<vmem>>
    %dma_wait3A_1527 = arith.constant 0 : i32
    %dma_wait3A_1528 = tpu.memref_slice %arg5[%dma_wait3A_1523, %dma_wait3A_1527] : memref<104x128xi32, #tpu.memory_space<vmem>> -> memref<1x128xi32, #tpu.memory_space<vmem>>
    %dma_wait3A_1529 = tpu.memref_squeeze %dma_wait3A_1528 : memref<1x128xi32, #tpu.memory_space<vmem>> -> memref<128xi32, #tpu.memory_space<vmem>>
    %dma_wait3A_1530 = arith.constant 0 : i32
    %dma_wait3A_1531 = arith.constant 0 : i32
    %dma_wait3A_1532 = tpu.memref_slice %arg2[%dma_wait3A_1530, %dma_wait3A_1531] : memref<2600000x32xf32, #tpu.memory_space<hbm>> -> memref<2600000x32xf32, #tpu.memory_space<hbm>>
    tpu.wait_indirect_dma semaphore(%arg8 : memref<!tpu.dma_semaphore, #tpu.memory_space<semaphore_mem>>) src(%dma_wait3A_1532 : memref<2600000x32xf32, #tpu.memory_space<hbm>>) dst(%dma_wait3A_1526 : memref<128x32xf32, #tpu.memory_space<vmem>>)
    %dma_wait3A_1533 = arith.constant 65 : i32
    %dma_wait3A_1534 = arith.constant 128 : i32
    %dma_wait3A_1535 = arith.constant 0 : i32
    %dma_wait3A_1536 = tpu.memref_slice %arg6[%dma_wait3A_1534, %dma_wait3A_1535] : memref<1024x32xf32, #tpu.memory_space<vmem>> -> memref<128x32xf32, #tpu.memory_space<vmem>>
    %dma_wait3A_1537 = arith.constant 0 : i32
    %dma_wait3A_1538 = tpu.memref_slice %arg5[%dma_wait3A_1533, %dma_wait3A_1537] : memref<104x128xi32, #tpu.memory_space<vmem>> -> memref<1x128xi32, #tpu.memory_space<vmem>>
    %dma_wait3A_1539 = tpu.memref_squeeze %dma_wait3A_1538 : memref<1x128xi32, #tpu.memory_space<vmem>> -> memref<128xi32, #tpu.memory_space<vmem>>
    %dma_wait3A_1540 = arith.constant 0 : i32
    %dma_wait3A_1541 = arith.constant 0 : i32
    %dma_wait3A_1542 = tpu.memref_slice %arg2[%dma_wait3A_1540, %dma_wait3A_1541] : memref<2600000x32xf32, #tpu.memory_space<hbm>> -> memref<2600000x32xf32, #tpu.memory_space<hbm>>
    tpu.wait_indirect_dma semaphore(%arg8 : memref<!tpu.dma_semaphore, #tpu.memory_space<semaphore_mem>>) src(%dma_wait3A_1542 : memref<2600000x32xf32, #tpu.memory_space<hbm>>) dst(%dma_wait3A_1536 : memref<128x32xf32, #tpu.memory_space<vmem>>)
    %dma_wait3A_1543 = arith.constant 66 : i32
    %dma_wait3A_1544 = arith.constant 256 : i32
    %dma_wait3A_1545 = arith.constant 0 : i32
    %dma_wait3A_1546 = tpu.memref_slice %arg6[%dma_wait3A_1544, %dma_wait3A_1545] : memref<1024x32xf32, #tpu.memory_space<vmem>> -> memref<128x32xf32, #tpu.memory_space<vmem>>
    %dma_wait3A_1547 = arith.constant 0 : i32
    %dma_wait3A_1548 = tpu.memref_slice %arg5[%dma_wait3A_1543, %dma_wait3A_1547] : memref<104x128xi32, #tpu.memory_space<vmem>> -> memref<1x128xi32, #tpu.memory_space<vmem>>
    %dma_wait3A_1549 = tpu.memref_squeeze %dma_wait3A_1548 : memref<1x128xi32, #tpu.memory_space<vmem>> -> memref<128xi32, #tpu.memory_space<vmem>>
    %dma_wait3A_1550 = arith.constant 0 : i32
    %dma_wait3A_1551 = arith.constant 0 : i32
    %dma_wait3A_1552 = tpu.memref_slice %arg2[%dma_wait3A_1550, %dma_wait3A_1551] : memref<2600000x32xf32, #tpu.memory_space<hbm>> -> memref<2600000x32xf32, #tpu.memory_space<hbm>>
    tpu.wait_indirect_dma semaphore(%arg8 : memref<!tpu.dma_semaphore, #tpu.memory_space<semaphore_mem>>) src(%dma_wait3A_1552 : memref<2600000x32xf32, #tpu.memory_space<hbm>>) dst(%dma_wait3A_1546 : memref<128x32xf32, #tpu.memory_space<vmem>>)
    %dma_wait3A_1553 = arith.constant 67 : i32
    %dma_wait3A_1554 = arith.constant 384 : i32
    %dma_wait3A_1555 = arith.constant 0 : i32
    %dma_wait3A_1556 = tpu.memref_slice %arg6[%dma_wait3A_1554, %dma_wait3A_1555] : memref<1024x32xf32, #tpu.memory_space<vmem>> -> memref<128x32xf32, #tpu.memory_space<vmem>>
    %dma_wait3A_1557 = arith.constant 0 : i32
    %dma_wait3A_1558 = tpu.memref_slice %arg5[%dma_wait3A_1553, %dma_wait3A_1557] : memref<104x128xi32, #tpu.memory_space<vmem>> -> memref<1x128xi32, #tpu.memory_space<vmem>>
    %dma_wait3A_1559 = tpu.memref_squeeze %dma_wait3A_1558 : memref<1x128xi32, #tpu.memory_space<vmem>> -> memref<128xi32, #tpu.memory_space<vmem>>
    %dma_wait3A_1560 = arith.constant 0 : i32
    %dma_wait3A_1561 = arith.constant 0 : i32
    %dma_wait3A_1562 = tpu.memref_slice %arg2[%dma_wait3A_1560, %dma_wait3A_1561] : memref<2600000x32xf32, #tpu.memory_space<hbm>> -> memref<2600000x32xf32, #tpu.memory_space<hbm>>
    tpu.wait_indirect_dma semaphore(%arg8 : memref<!tpu.dma_semaphore, #tpu.memory_space<semaphore_mem>>) src(%dma_wait3A_1562 : memref<2600000x32xf32, #tpu.memory_space<hbm>>) dst(%dma_wait3A_1556 : memref<128x32xf32, #tpu.memory_space<vmem>>)
    %dma_wait3A_1563 = arith.constant 68 : i32
    %dma_wait3A_1564 = arith.constant 512 : i32
    %dma_wait3A_1565 = arith.constant 0 : i32
    %dma_wait3A_1566 = tpu.memref_slice %arg6[%dma_wait3A_1564, %dma_wait3A_1565] : memref<1024x32xf32, #tpu.memory_space<vmem>> -> memref<128x32xf32, #tpu.memory_space<vmem>>
    %dma_wait3A_1567 = arith.constant 0 : i32
    %dma_wait3A_1568 = tpu.memref_slice %arg5[%dma_wait3A_1563, %dma_wait3A_1567] : memref<104x128xi32, #tpu.memory_space<vmem>> -> memref<1x128xi32, #tpu.memory_space<vmem>>
    %dma_wait3A_1569 = tpu.memref_squeeze %dma_wait3A_1568 : memref<1x128xi32, #tpu.memory_space<vmem>> -> memref<128xi32, #tpu.memory_space<vmem>>
    %dma_wait3A_1570 = arith.constant 0 : i32
    %dma_wait3A_1571 = arith.constant 0 : i32
    %dma_wait3A_1572 = tpu.memref_slice %arg2[%dma_wait3A_1570, %dma_wait3A_1571] : memref<2600000x32xf32, #tpu.memory_space<hbm>> -> memref<2600000x32xf32, #tpu.memory_space<hbm>>
    tpu.wait_indirect_dma semaphore(%arg8 : memref<!tpu.dma_semaphore, #tpu.memory_space<semaphore_mem>>) src(%dma_wait3A_1572 : memref<2600000x32xf32, #tpu.memory_space<hbm>>) dst(%dma_wait3A_1566 : memref<128x32xf32, #tpu.memory_space<vmem>>)
    %dma_wait3A_1573 = arith.constant 69 : i32
    %dma_wait3A_1574 = arith.constant 640 : i32
    %dma_wait3A_1575 = arith.constant 0 : i32
    %dma_wait3A_1576 = tpu.memref_slice %arg6[%dma_wait3A_1574, %dma_wait3A_1575] : memref<1024x32xf32, #tpu.memory_space<vmem>> -> memref<128x32xf32, #tpu.memory_space<vmem>>
    %dma_wait3A_1577 = arith.constant 0 : i32
    %dma_wait3A_1578 = tpu.memref_slice %arg5[%dma_wait3A_1573, %dma_wait3A_1577] : memref<104x128xi32, #tpu.memory_space<vmem>> -> memref<1x128xi32, #tpu.memory_space<vmem>>
    %dma_wait3A_1579 = tpu.memref_squeeze %dma_wait3A_1578 : memref<1x128xi32, #tpu.memory_space<vmem>> -> memref<128xi32, #tpu.memory_space<vmem>>
    %dma_wait3A_1580 = arith.constant 0 : i32
    %dma_wait3A_1581 = arith.constant 0 : i32
    %dma_wait3A_1582 = tpu.memref_slice %arg2[%dma_wait3A_1580, %dma_wait3A_1581] : memref<2600000x32xf32, #tpu.memory_space<hbm>> -> memref<2600000x32xf32, #tpu.memory_space<hbm>>
    tpu.wait_indirect_dma semaphore(%arg8 : memref<!tpu.dma_semaphore, #tpu.memory_space<semaphore_mem>>) src(%dma_wait3A_1582 : memref<2600000x32xf32, #tpu.memory_space<hbm>>) dst(%dma_wait3A_1576 : memref<128x32xf32, #tpu.memory_space<vmem>>)
    %dma_wait3A_1583 = arith.constant 70 : i32
    %dma_wait3A_1584 = arith.constant 768 : i32
    %dma_wait3A_1585 = arith.constant 0 : i32
    %dma_wait3A_1586 = tpu.memref_slice %arg6[%dma_wait3A_1584, %dma_wait3A_1585] : memref<1024x32xf32, #tpu.memory_space<vmem>> -> memref<128x32xf32, #tpu.memory_space<vmem>>
    %dma_wait3A_1587 = arith.constant 0 : i32
    %dma_wait3A_1588 = tpu.memref_slice %arg5[%dma_wait3A_1583, %dma_wait3A_1587] : memref<104x128xi32, #tpu.memory_space<vmem>> -> memref<1x128xi32, #tpu.memory_space<vmem>>
    %dma_wait3A_1589 = tpu.memref_squeeze %dma_wait3A_1588 : memref<1x128xi32, #tpu.memory_space<vmem>> -> memref<128xi32, #tpu.memory_space<vmem>>
    %dma_wait3A_1590 = arith.constant 0 : i32
    %dma_wait3A_1591 = arith.constant 0 : i32
    %dma_wait3A_1592 = tpu.memref_slice %arg2[%dma_wait3A_1590, %dma_wait3A_1591] : memref<2600000x32xf32, #tpu.memory_space<hbm>> -> memref<2600000x32xf32, #tpu.memory_space<hbm>>
    tpu.wait_indirect_dma semaphore(%arg8 : memref<!tpu.dma_semaphore, #tpu.memory_space<semaphore_mem>>) src(%dma_wait3A_1592 : memref<2600000x32xf32, #tpu.memory_space<hbm>>) dst(%dma_wait3A_1586 : memref<128x32xf32, #tpu.memory_space<vmem>>)
    %dma_wait3A_1593 = arith.constant 71 : i32
    %dma_wait3A_1594 = arith.constant 896 : i32
    %dma_wait3A_1595 = arith.constant 0 : i32
    %dma_wait3A_1596 = tpu.memref_slice %arg6[%dma_wait3A_1594, %dma_wait3A_1595] : memref<1024x32xf32, #tpu.memory_space<vmem>> -> memref<128x32xf32, #tpu.memory_space<vmem>>
    %dma_wait3A_1597 = arith.constant 0 : i32
    %dma_wait3A_1598 = tpu.memref_slice %arg5[%dma_wait3A_1593, %dma_wait3A_1597] : memref<104x128xi32, #tpu.memory_space<vmem>> -> memref<1x128xi32, #tpu.memory_space<vmem>>
    %dma_wait3A_1599 = tpu.memref_squeeze %dma_wait3A_1598 : memref<1x128xi32, #tpu.memory_space<vmem>> -> memref<128xi32, #tpu.memory_space<vmem>>
    %dma_wait3A_1600 = arith.constant 0 : i32
    %dma_wait3A_1601 = arith.constant 0 : i32
    %dma_wait3A_1602 = tpu.memref_slice %arg2[%dma_wait3A_1600, %dma_wait3A_1601] : memref<2600000x32xf32, #tpu.memory_space<hbm>> -> memref<2600000x32xf32, #tpu.memory_space<hbm>>
    tpu.wait_indirect_dma semaphore(%arg8 : memref<!tpu.dma_semaphore, #tpu.memory_space<semaphore_mem>>) src(%dma_wait3A_1602 : memref<2600000x32xf32, #tpu.memory_space<hbm>>) dst(%dma_wait3A_1596 : memref<128x32xf32, #tpu.memory_space<vmem>>)
    %add3A_1603 = arith.constant 8192 : i32
    %add3A_1604 = arith.addi %mul3A_2, %add3A_1603 : i32
    %dma_start3A_1605 = arith.constant 0 : i32
    %dma_start3A_1606 = tpu.memref_slice %arg4[%add3A_1604, %dma_start3A_1605] : memref<425984x32xf32, #tpu.memory_space<hbm>> -> memref<1024x32xf32, #tpu.memory_space<hbm>>
    %dma_start3A_1607 = arith.constant 0 : i32
    %dma_start3A_1608 = tpu.memref_slice %arg4[%add3A_1604, %dma_start3A_1607] : memref<425984x32xf32, #tpu.memory_space<hbm>> -> memref<1024x32xf32, #tpu.memory_space<hbm>>
    tpu.enqueue_dma source(%arg6 : memref<1024x32xf32, #tpu.memory_space<vmem>>) target(%dma_start3A_1608 : memref<1024x32xf32, #tpu.memory_space<hbm>>) target_semaphore(%arg10 : memref<!tpu.dma_semaphore, #tpu.memory_space<semaphore_mem>>)
    %dma_wait3A_1609 = arith.constant 0 : i32
    %dma_wait3A_1610 = tpu.memref_slice %arg4[%add3A_1604, %dma_wait3A_1609] : memref<425984x32xf32, #tpu.memory_space<hbm>> -> memref<1024x32xf32, #tpu.memory_space<hbm>>
    %dma_wait3A_1611 = arith.constant 0 : i32
    %dma_wait3A_1612 = tpu.memref_slice %arg4[%add3A_1604, %dma_wait3A_1611] : memref<425984x32xf32, #tpu.memory_space<hbm>> -> memref<1024x32xf32, #tpu.memory_space<hbm>>
    tpu.wait_dma2 semaphore(%arg10 : memref<!tpu.dma_semaphore, #tpu.memory_space<semaphore_mem>>) src(%arg6 : memref<1024x32xf32, #tpu.memory_space<vmem>>) dst(%dma_wait3A_1612 : memref<1024x32xf32, #tpu.memory_space<hbm>>)
    %dma_start3A_1613 = arith.constant 80 : i32
    %dma_start3A_1614 = arith.constant 0 : i32
    %dma_start3A_1615 = arith.constant 0 : i32
    %dma_start3A_1616 = tpu.memref_slice %arg6[%dma_start3A_1614, %dma_start3A_1615] : memref<1024x32xf32, #tpu.memory_space<vmem>> -> memref<128x32xf32, #tpu.memory_space<vmem>>
    %dma_start3A_1617 = arith.constant 0 : i32
    %dma_start3A_1618 = tpu.memref_slice %arg5[%dma_start3A_1613, %dma_start3A_1617] : memref<104x128xi32, #tpu.memory_space<vmem>> -> memref<1x128xi32, #tpu.memory_space<vmem>>
    %dma_start3A_1619 = tpu.memref_squeeze %dma_start3A_1618 : memref<1x128xi32, #tpu.memory_space<vmem>> -> memref<128xi32, #tpu.memory_space<vmem>>
    %dma_start3A_1620 = arith.constant 0 : i32
    %dma_start3A_1621 = arith.constant 0 : i32
    %dma_start3A_1622 = tpu.memref_slice %arg2[%dma_start3A_1620, %dma_start3A_1621] : memref<2600000x32xf32, #tpu.memory_space<hbm>> -> memref<2600000x32xf32, #tpu.memory_space<hbm>>
    tpu.enqueue_indirect_dma source(%dma_start3A_1622 : memref<2600000x32xf32, #tpu.memory_space<hbm>>) target(%dma_start3A_1616 : memref<128x32xf32, #tpu.memory_space<vmem>>) offsets(%dma_start3A_1619 : memref<128xi32, #tpu.memory_space<vmem>>) semaphore(%arg8 : memref<!tpu.dma_semaphore, #tpu.memory_space<semaphore_mem>>)
    %dma_start3A_1623 = arith.constant 81 : i32
    %dma_start3A_1624 = arith.constant 128 : i32
    %dma_start3A_1625 = arith.constant 0 : i32
    %dma_start3A_1626 = tpu.memref_slice %arg6[%dma_start3A_1624, %dma_start3A_1625] : memref<1024x32xf32, #tpu.memory_space<vmem>> -> memref<128x32xf32, #tpu.memory_space<vmem>>
    %dma_start3A_1627 = arith.constant 0 : i32
    %dma_start3A_1628 = tpu.memref_slice %arg5[%dma_start3A_1623, %dma_start3A_1627] : memref<104x128xi32, #tpu.memory_space<vmem>> -> memref<1x128xi32, #tpu.memory_space<vmem>>
    %dma_start3A_1629 = tpu.memref_squeeze %dma_start3A_1628 : memref<1x128xi32, #tpu.memory_space<vmem>> -> memref<128xi32, #tpu.memory_space<vmem>>
    %dma_start3A_1630 = arith.constant 0 : i32
    %dma_start3A_1631 = arith.constant 0 : i32
    %dma_start3A_1632 = tpu.memref_slice %arg2[%dma_start3A_1630, %dma_start3A_1631] : memref<2600000x32xf32, #tpu.memory_space<hbm>> -> memref<2600000x32xf32, #tpu.memory_space<hbm>>
    tpu.enqueue_indirect_dma source(%dma_start3A_1632 : memref<2600000x32xf32, #tpu.memory_space<hbm>>) target(%dma_start3A_1626 : memref<128x32xf32, #tpu.memory_space<vmem>>) offsets(%dma_start3A_1629 : memref<128xi32, #tpu.memory_space<vmem>>) semaphore(%arg8 : memref<!tpu.dma_semaphore, #tpu.memory_space<semaphore_mem>>)
    %dma_start3A_1633 = arith.constant 82 : i32
    %dma_start3A_1634 = arith.constant 256 : i32
    %dma_start3A_1635 = arith.constant 0 : i32
    %dma_start3A_1636 = tpu.memref_slice %arg6[%dma_start3A_1634, %dma_start3A_1635] : memref<1024x32xf32, #tpu.memory_space<vmem>> -> memref<128x32xf32, #tpu.memory_space<vmem>>
    %dma_start3A_1637 = arith.constant 0 : i32
    %dma_start3A_1638 = tpu.memref_slice %arg5[%dma_start3A_1633, %dma_start3A_1637] : memref<104x128xi32, #tpu.memory_space<vmem>> -> memref<1x128xi32, #tpu.memory_space<vmem>>
    %dma_start3A_1639 = tpu.memref_squeeze %dma_start3A_1638 : memref<1x128xi32, #tpu.memory_space<vmem>> -> memref<128xi32, #tpu.memory_space<vmem>>
    %dma_start3A_1640 = arith.constant 0 : i32
    %dma_start3A_1641 = arith.constant 0 : i32
    %dma_start3A_1642 = tpu.memref_slice %arg2[%dma_start3A_1640, %dma_start3A_1641] : memref<2600000x32xf32, #tpu.memory_space<hbm>> -> memref<2600000x32xf32, #tpu.memory_space<hbm>>
    tpu.enqueue_indirect_dma source(%dma_start3A_1642 : memref<2600000x32xf32, #tpu.memory_space<hbm>>) target(%dma_start3A_1636 : memref<128x32xf32, #tpu.memory_space<vmem>>) offsets(%dma_start3A_1639 : memref<128xi32, #tpu.memory_space<vmem>>) semaphore(%arg8 : memref<!tpu.dma_semaphore, #tpu.memory_space<semaphore_mem>>)
    %dma_start3A_1643 = arith.constant 83 : i32
    %dma_start3A_1644 = arith.constant 384 : i32
    %dma_start3A_1645 = arith.constant 0 : i32
    %dma_start3A_1646 = tpu.memref_slice %arg6[%dma_start3A_1644, %dma_start3A_1645] : memref<1024x32xf32, #tpu.memory_space<vmem>> -> memref<128x32xf32, #tpu.memory_space<vmem>>
    %dma_start3A_1647 = arith.constant 0 : i32
    %dma_start3A_1648 = tpu.memref_slice %arg5[%dma_start3A_1643, %dma_start3A_1647] : memref<104x128xi32, #tpu.memory_space<vmem>> -> memref<1x128xi32, #tpu.memory_space<vmem>>
    %dma_start3A_1649 = tpu.memref_squeeze %dma_start3A_1648 : memref<1x128xi32, #tpu.memory_space<vmem>> -> memref<128xi32, #tpu.memory_space<vmem>>
    %dma_start3A_1650 = arith.constant 0 : i32
    %dma_start3A_1651 = arith.constant 0 : i32
    %dma_start3A_1652 = tpu.memref_slice %arg2[%dma_start3A_1650, %dma_start3A_1651] : memref<2600000x32xf32, #tpu.memory_space<hbm>> -> memref<2600000x32xf32, #tpu.memory_space<hbm>>
    tpu.enqueue_indirect_dma source(%dma_start3A_1652 : memref<2600000x32xf32, #tpu.memory_space<hbm>>) target(%dma_start3A_1646 : memref<128x32xf32, #tpu.memory_space<vmem>>) offsets(%dma_start3A_1649 : memref<128xi32, #tpu.memory_space<vmem>>) semaphore(%arg8 : memref<!tpu.dma_semaphore, #tpu.memory_space<semaphore_mem>>)
    %dma_start3A_1653 = arith.constant 84 : i32
    %dma_start3A_1654 = arith.constant 512 : i32
    %dma_start3A_1655 = arith.constant 0 : i32
    %dma_start3A_1656 = tpu.memref_slice %arg6[%dma_start3A_1654, %dma_start3A_1655] : memref<1024x32xf32, #tpu.memory_space<vmem>> -> memref<128x32xf32, #tpu.memory_space<vmem>>
    %dma_start3A_1657 = arith.constant 0 : i32
    %dma_start3A_1658 = tpu.memref_slice %arg5[%dma_start3A_1653, %dma_start3A_1657] : memref<104x128xi32, #tpu.memory_space<vmem>> -> memref<1x128xi32, #tpu.memory_space<vmem>>
    %dma_start3A_1659 = tpu.memref_squeeze %dma_start3A_1658 : memref<1x128xi32, #tpu.memory_space<vmem>> -> memref<128xi32, #tpu.memory_space<vmem>>
    %dma_start3A_1660 = arith.constant 0 : i32
    %dma_start3A_1661 = arith.constant 0 : i32
    %dma_start3A_1662 = tpu.memref_slice %arg2[%dma_start3A_1660, %dma_start3A_1661] : memref<2600000x32xf32, #tpu.memory_space<hbm>> -> memref<2600000x32xf32, #tpu.memory_space<hbm>>
    tpu.enqueue_indirect_dma source(%dma_start3A_1662 : memref<2600000x32xf32, #tpu.memory_space<hbm>>) target(%dma_start3A_1656 : memref<128x32xf32, #tpu.memory_space<vmem>>) offsets(%dma_start3A_1659 : memref<128xi32, #tpu.memory_space<vmem>>) semaphore(%arg8 : memref<!tpu.dma_semaphore, #tpu.memory_space<semaphore_mem>>)
    %dma_start3A_1663 = arith.constant 85 : i32
    %dma_start3A_1664 = arith.constant 640 : i32
    %dma_start3A_1665 = arith.constant 0 : i32
    %dma_start3A_1666 = tpu.memref_slice %arg6[%dma_start3A_1664, %dma_start3A_1665] : memref<1024x32xf32, #tpu.memory_space<vmem>> -> memref<128x32xf32, #tpu.memory_space<vmem>>
    %dma_start3A_1667 = arith.constant 0 : i32
    %dma_start3A_1668 = tpu.memref_slice %arg5[%dma_start3A_1663, %dma_start3A_1667] : memref<104x128xi32, #tpu.memory_space<vmem>> -> memref<1x128xi32, #tpu.memory_space<vmem>>
    %dma_start3A_1669 = tpu.memref_squeeze %dma_start3A_1668 : memref<1x128xi32, #tpu.memory_space<vmem>> -> memref<128xi32, #tpu.memory_space<vmem>>
    %dma_start3A_1670 = arith.constant 0 : i32
    %dma_start3A_1671 = arith.constant 0 : i32
    %dma_start3A_1672 = tpu.memref_slice %arg2[%dma_start3A_1670, %dma_start3A_1671] : memref<2600000x32xf32, #tpu.memory_space<hbm>> -> memref<2600000x32xf32, #tpu.memory_space<hbm>>
    tpu.enqueue_indirect_dma source(%dma_start3A_1672 : memref<2600000x32xf32, #tpu.memory_space<hbm>>) target(%dma_start3A_1666 : memref<128x32xf32, #tpu.memory_space<vmem>>) offsets(%dma_start3A_1669 : memref<128xi32, #tpu.memory_space<vmem>>) semaphore(%arg8 : memref<!tpu.dma_semaphore, #tpu.memory_space<semaphore_mem>>)
    %dma_start3A_1673 = arith.constant 86 : i32
    %dma_start3A_1674 = arith.constant 768 : i32
    %dma_start3A_1675 = arith.constant 0 : i32
    %dma_start3A_1676 = tpu.memref_slice %arg6[%dma_start3A_1674, %dma_start3A_1675] : memref<1024x32xf32, #tpu.memory_space<vmem>> -> memref<128x32xf32, #tpu.memory_space<vmem>>
    %dma_start3A_1677 = arith.constant 0 : i32
    %dma_start3A_1678 = tpu.memref_slice %arg5[%dma_start3A_1673, %dma_start3A_1677] : memref<104x128xi32, #tpu.memory_space<vmem>> -> memref<1x128xi32, #tpu.memory_space<vmem>>
    %dma_start3A_1679 = tpu.memref_squeeze %dma_start3A_1678 : memref<1x128xi32, #tpu.memory_space<vmem>> -> memref<128xi32, #tpu.memory_space<vmem>>
    %dma_start3A_1680 = arith.constant 0 : i32
    %dma_start3A_1681 = arith.constant 0 : i32
    %dma_start3A_1682 = tpu.memref_slice %arg2[%dma_start3A_1680, %dma_start3A_1681] : memref<2600000x32xf32, #tpu.memory_space<hbm>> -> memref<2600000x32xf32, #tpu.memory_space<hbm>>
    tpu.enqueue_indirect_dma source(%dma_start3A_1682 : memref<2600000x32xf32, #tpu.memory_space<hbm>>) target(%dma_start3A_1676 : memref<128x32xf32, #tpu.memory_space<vmem>>) offsets(%dma_start3A_1679 : memref<128xi32, #tpu.memory_space<vmem>>) semaphore(%arg8 : memref<!tpu.dma_semaphore, #tpu.memory_space<semaphore_mem>>)
    %dma_start3A_1683 = arith.constant 87 : i32
    %dma_start3A_1684 = arith.constant 896 : i32
    %dma_start3A_1685 = arith.constant 0 : i32
    %dma_start3A_1686 = tpu.memref_slice %arg6[%dma_start3A_1684, %dma_start3A_1685] : memref<1024x32xf32, #tpu.memory_space<vmem>> -> memref<128x32xf32, #tpu.memory_space<vmem>>
    %dma_start3A_1687 = arith.constant 0 : i32
    %dma_start3A_1688 = tpu.memref_slice %arg5[%dma_start3A_1683, %dma_start3A_1687] : memref<104x128xi32, #tpu.memory_space<vmem>> -> memref<1x128xi32, #tpu.memory_space<vmem>>
    %dma_start3A_1689 = tpu.memref_squeeze %dma_start3A_1688 : memref<1x128xi32, #tpu.memory_space<vmem>> -> memref<128xi32, #tpu.memory_space<vmem>>
    %dma_start3A_1690 = arith.constant 0 : i32
    %dma_start3A_1691 = arith.constant 0 : i32
    %dma_start3A_1692 = tpu.memref_slice %arg2[%dma_start3A_1690, %dma_start3A_1691] : memref<2600000x32xf32, #tpu.memory_space<hbm>> -> memref<2600000x32xf32, #tpu.memory_space<hbm>>
    tpu.enqueue_indirect_dma source(%dma_start3A_1692 : memref<2600000x32xf32, #tpu.memory_space<hbm>>) target(%dma_start3A_1686 : memref<128x32xf32, #tpu.memory_space<vmem>>) offsets(%dma_start3A_1689 : memref<128xi32, #tpu.memory_space<vmem>>) semaphore(%arg8 : memref<!tpu.dma_semaphore, #tpu.memory_space<semaphore_mem>>)
    %dma_wait3A_1693 = arith.constant 72 : i32
    %dma_wait3A_1694 = arith.constant 0 : i32
    %dma_wait3A_1695 = arith.constant 0 : i32
    %dma_wait3A_1696 = tpu.memref_slice %arg7[%dma_wait3A_1694, %dma_wait3A_1695] : memref<1024x32xf32, #tpu.memory_space<vmem>> -> memref<128x32xf32, #tpu.memory_space<vmem>>
    %dma_wait3A_1697 = arith.constant 0 : i32
    %dma_wait3A_1698 = tpu.memref_slice %arg5[%dma_wait3A_1693, %dma_wait3A_1697] : memref<104x128xi32, #tpu.memory_space<vmem>> -> memref<1x128xi32, #tpu.memory_space<vmem>>
    %dma_wait3A_1699 = tpu.memref_squeeze %dma_wait3A_1698 : memref<1x128xi32, #tpu.memory_space<vmem>> -> memref<128xi32, #tpu.memory_space<vmem>>
    %dma_wait3A_1700 = arith.constant 0 : i32
    %dma_wait3A_1701 = arith.constant 0 : i32
    %dma_wait3A_1702 = tpu.memref_slice %arg2[%dma_wait3A_1700, %dma_wait3A_1701] : memref<2600000x32xf32, #tpu.memory_space<hbm>> -> memref<2600000x32xf32, #tpu.memory_space<hbm>>
    tpu.wait_indirect_dma semaphore(%arg9 : memref<!tpu.dma_semaphore, #tpu.memory_space<semaphore_mem>>) src(%dma_wait3A_1702 : memref<2600000x32xf32, #tpu.memory_space<hbm>>) dst(%dma_wait3A_1696 : memref<128x32xf32, #tpu.memory_space<vmem>>)
    %dma_wait3A_1703 = arith.constant 73 : i32
    %dma_wait3A_1704 = arith.constant 128 : i32
    %dma_wait3A_1705 = arith.constant 0 : i32
    %dma_wait3A_1706 = tpu.memref_slice %arg7[%dma_wait3A_1704, %dma_wait3A_1705] : memref<1024x32xf32, #tpu.memory_space<vmem>> -> memref<128x32xf32, #tpu.memory_space<vmem>>
    %dma_wait3A_1707 = arith.constant 0 : i32
    %dma_wait3A_1708 = tpu.memref_slice %arg5[%dma_wait3A_1703, %dma_wait3A_1707] : memref<104x128xi32, #tpu.memory_space<vmem>> -> memref<1x128xi32, #tpu.memory_space<vmem>>
    %dma_wait3A_1709 = tpu.memref_squeeze %dma_wait3A_1708 : memref<1x128xi32, #tpu.memory_space<vmem>> -> memref<128xi32, #tpu.memory_space<vmem>>
    %dma_wait3A_1710 = arith.constant 0 : i32
    %dma_wait3A_1711 = arith.constant 0 : i32
    %dma_wait3A_1712 = tpu.memref_slice %arg2[%dma_wait3A_1710, %dma_wait3A_1711] : memref<2600000x32xf32, #tpu.memory_space<hbm>> -> memref<2600000x32xf32, #tpu.memory_space<hbm>>
    tpu.wait_indirect_dma semaphore(%arg9 : memref<!tpu.dma_semaphore, #tpu.memory_space<semaphore_mem>>) src(%dma_wait3A_1712 : memref<2600000x32xf32, #tpu.memory_space<hbm>>) dst(%dma_wait3A_1706 : memref<128x32xf32, #tpu.memory_space<vmem>>)
    %dma_wait3A_1713 = arith.constant 74 : i32
    %dma_wait3A_1714 = arith.constant 256 : i32
    %dma_wait3A_1715 = arith.constant 0 : i32
    %dma_wait3A_1716 = tpu.memref_slice %arg7[%dma_wait3A_1714, %dma_wait3A_1715] : memref<1024x32xf32, #tpu.memory_space<vmem>> -> memref<128x32xf32, #tpu.memory_space<vmem>>
    %dma_wait3A_1717 = arith.constant 0 : i32
    %dma_wait3A_1718 = tpu.memref_slice %arg5[%dma_wait3A_1713, %dma_wait3A_1717] : memref<104x128xi32, #tpu.memory_space<vmem>> -> memref<1x128xi32, #tpu.memory_space<vmem>>
    %dma_wait3A_1719 = tpu.memref_squeeze %dma_wait3A_1718 : memref<1x128xi32, #tpu.memory_space<vmem>> -> memref<128xi32, #tpu.memory_space<vmem>>
    %dma_wait3A_1720 = arith.constant 0 : i32
    %dma_wait3A_1721 = arith.constant 0 : i32
    %dma_wait3A_1722 = tpu.memref_slice %arg2[%dma_wait3A_1720, %dma_wait3A_1721] : memref<2600000x32xf32, #tpu.memory_space<hbm>> -> memref<2600000x32xf32, #tpu.memory_space<hbm>>
    tpu.wait_indirect_dma semaphore(%arg9 : memref<!tpu.dma_semaphore, #tpu.memory_space<semaphore_mem>>) src(%dma_wait3A_1722 : memref<2600000x32xf32, #tpu.memory_space<hbm>>) dst(%dma_wait3A_1716 : memref<128x32xf32, #tpu.memory_space<vmem>>)
    %dma_wait3A_1723 = arith.constant 75 : i32
    %dma_wait3A_1724 = arith.constant 384 : i32
    %dma_wait3A_1725 = arith.constant 0 : i32
    %dma_wait3A_1726 = tpu.memref_slice %arg7[%dma_wait3A_1724, %dma_wait3A_1725] : memref<1024x32xf32, #tpu.memory_space<vmem>> -> memref<128x32xf32, #tpu.memory_space<vmem>>
    %dma_wait3A_1727 = arith.constant 0 : i32
    %dma_wait3A_1728 = tpu.memref_slice %arg5[%dma_wait3A_1723, %dma_wait3A_1727] : memref<104x128xi32, #tpu.memory_space<vmem>> -> memref<1x128xi32, #tpu.memory_space<vmem>>
    %dma_wait3A_1729 = tpu.memref_squeeze %dma_wait3A_1728 : memref<1x128xi32, #tpu.memory_space<vmem>> -> memref<128xi32, #tpu.memory_space<vmem>>
    %dma_wait3A_1730 = arith.constant 0 : i32
    %dma_wait3A_1731 = arith.constant 0 : i32
    %dma_wait3A_1732 = tpu.memref_slice %arg2[%dma_wait3A_1730, %dma_wait3A_1731] : memref<2600000x32xf32, #tpu.memory_space<hbm>> -> memref<2600000x32xf32, #tpu.memory_space<hbm>>
    tpu.wait_indirect_dma semaphore(%arg9 : memref<!tpu.dma_semaphore, #tpu.memory_space<semaphore_mem>>) src(%dma_wait3A_1732 : memref<2600000x32xf32, #tpu.memory_space<hbm>>) dst(%dma_wait3A_1726 : memref<128x32xf32, #tpu.memory_space<vmem>>)
    %dma_wait3A_1733 = arith.constant 76 : i32
    %dma_wait3A_1734 = arith.constant 512 : i32
    %dma_wait3A_1735 = arith.constant 0 : i32
    %dma_wait3A_1736 = tpu.memref_slice %arg7[%dma_wait3A_1734, %dma_wait3A_1735] : memref<1024x32xf32, #tpu.memory_space<vmem>> -> memref<128x32xf32, #tpu.memory_space<vmem>>
    %dma_wait3A_1737 = arith.constant 0 : i32
    %dma_wait3A_1738 = tpu.memref_slice %arg5[%dma_wait3A_1733, %dma_wait3A_1737] : memref<104x128xi32, #tpu.memory_space<vmem>> -> memref<1x128xi32, #tpu.memory_space<vmem>>
    %dma_wait3A_1739 = tpu.memref_squeeze %dma_wait3A_1738 : memref<1x128xi32, #tpu.memory_space<vmem>> -> memref<128xi32, #tpu.memory_space<vmem>>
    %dma_wait3A_1740 = arith.constant 0 : i32
    %dma_wait3A_1741 = arith.constant 0 : i32
    %dma_wait3A_1742 = tpu.memref_slice %arg2[%dma_wait3A_1740, %dma_wait3A_1741] : memref<2600000x32xf32, #tpu.memory_space<hbm>> -> memref<2600000x32xf32, #tpu.memory_space<hbm>>
    tpu.wait_indirect_dma semaphore(%arg9 : memref<!tpu.dma_semaphore, #tpu.memory_space<semaphore_mem>>) src(%dma_wait3A_1742 : memref<2600000x32xf32, #tpu.memory_space<hbm>>) dst(%dma_wait3A_1736 : memref<128x32xf32, #tpu.memory_space<vmem>>)
    %dma_wait3A_1743 = arith.constant 77 : i32
    %dma_wait3A_1744 = arith.constant 640 : i32
    %dma_wait3A_1745 = arith.constant 0 : i32
    %dma_wait3A_1746 = tpu.memref_slice %arg7[%dma_wait3A_1744, %dma_wait3A_1745] : memref<1024x32xf32, #tpu.memory_space<vmem>> -> memref<128x32xf32, #tpu.memory_space<vmem>>
    %dma_wait3A_1747 = arith.constant 0 : i32
    %dma_wait3A_1748 = tpu.memref_slice %arg5[%dma_wait3A_1743, %dma_wait3A_1747] : memref<104x128xi32, #tpu.memory_space<vmem>> -> memref<1x128xi32, #tpu.memory_space<vmem>>
    %dma_wait3A_1749 = tpu.memref_squeeze %dma_wait3A_1748 : memref<1x128xi32, #tpu.memory_space<vmem>> -> memref<128xi32, #tpu.memory_space<vmem>>
    %dma_wait3A_1750 = arith.constant 0 : i32
    %dma_wait3A_1751 = arith.constant 0 : i32
    %dma_wait3A_1752 = tpu.memref_slice %arg2[%dma_wait3A_1750, %dma_wait3A_1751] : memref<2600000x32xf32, #tpu.memory_space<hbm>> -> memref<2600000x32xf32, #tpu.memory_space<hbm>>
    tpu.wait_indirect_dma semaphore(%arg9 : memref<!tpu.dma_semaphore, #tpu.memory_space<semaphore_mem>>) src(%dma_wait3A_1752 : memref<2600000x32xf32, #tpu.memory_space<hbm>>) dst(%dma_wait3A_1746 : memref<128x32xf32, #tpu.memory_space<vmem>>)
    %dma_wait3A_1753 = arith.constant 78 : i32
    %dma_wait3A_1754 = arith.constant 768 : i32
    %dma_wait3A_1755 = arith.constant 0 : i32
    %dma_wait3A_1756 = tpu.memref_slice %arg7[%dma_wait3A_1754, %dma_wait3A_1755] : memref<1024x32xf32, #tpu.memory_space<vmem>> -> memref<128x32xf32, #tpu.memory_space<vmem>>
    %dma_wait3A_1757 = arith.constant 0 : i32
    %dma_wait3A_1758 = tpu.memref_slice %arg5[%dma_wait3A_1753, %dma_wait3A_1757] : memref<104x128xi32, #tpu.memory_space<vmem>> -> memref<1x128xi32, #tpu.memory_space<vmem>>
    %dma_wait3A_1759 = tpu.memref_squeeze %dma_wait3A_1758 : memref<1x128xi32, #tpu.memory_space<vmem>> -> memref<128xi32, #tpu.memory_space<vmem>>
    %dma_wait3A_1760 = arith.constant 0 : i32
    %dma_wait3A_1761 = arith.constant 0 : i32
    %dma_wait3A_1762 = tpu.memref_slice %arg2[%dma_wait3A_1760, %dma_wait3A_1761] : memref<2600000x32xf32, #tpu.memory_space<hbm>> -> memref<2600000x32xf32, #tpu.memory_space<hbm>>
    tpu.wait_indirect_dma semaphore(%arg9 : memref<!tpu.dma_semaphore, #tpu.memory_space<semaphore_mem>>) src(%dma_wait3A_1762 : memref<2600000x32xf32, #tpu.memory_space<hbm>>) dst(%dma_wait3A_1756 : memref<128x32xf32, #tpu.memory_space<vmem>>)
    %dma_wait3A_1763 = arith.constant 79 : i32
    %dma_wait3A_1764 = arith.constant 896 : i32
    %dma_wait3A_1765 = arith.constant 0 : i32
    %dma_wait3A_1766 = tpu.memref_slice %arg7[%dma_wait3A_1764, %dma_wait3A_1765] : memref<1024x32xf32, #tpu.memory_space<vmem>> -> memref<128x32xf32, #tpu.memory_space<vmem>>
    %dma_wait3A_1767 = arith.constant 0 : i32
    %dma_wait3A_1768 = tpu.memref_slice %arg5[%dma_wait3A_1763, %dma_wait3A_1767] : memref<104x128xi32, #tpu.memory_space<vmem>> -> memref<1x128xi32, #tpu.memory_space<vmem>>
    %dma_wait3A_1769 = tpu.memref_squeeze %dma_wait3A_1768 : memref<1x128xi32, #tpu.memory_space<vmem>> -> memref<128xi32, #tpu.memory_space<vmem>>
    %dma_wait3A_1770 = arith.constant 0 : i32
    %dma_wait3A_1771 = arith.constant 0 : i32
    %dma_wait3A_1772 = tpu.memref_slice %arg2[%dma_wait3A_1770, %dma_wait3A_1771] : memref<2600000x32xf32, #tpu.memory_space<hbm>> -> memref<2600000x32xf32, #tpu.memory_space<hbm>>
    tpu.wait_indirect_dma semaphore(%arg9 : memref<!tpu.dma_semaphore, #tpu.memory_space<semaphore_mem>>) src(%dma_wait3A_1772 : memref<2600000x32xf32, #tpu.memory_space<hbm>>) dst(%dma_wait3A_1766 : memref<128x32xf32, #tpu.memory_space<vmem>>)
    %add3A_1773 = arith.constant 9216 : i32
    %add3A_1774 = arith.addi %mul3A_2, %add3A_1773 : i32
    %dma_start3A_1775 = arith.constant 0 : i32
    %dma_start3A_1776 = tpu.memref_slice %arg4[%add3A_1774, %dma_start3A_1775] : memref<425984x32xf32, #tpu.memory_space<hbm>> -> memref<1024x32xf32, #tpu.memory_space<hbm>>
    %dma_start3A_1777 = arith.constant 0 : i32
    %dma_start3A_1778 = tpu.memref_slice %arg4[%add3A_1774, %dma_start3A_1777] : memref<425984x32xf32, #tpu.memory_space<hbm>> -> memref<1024x32xf32, #tpu.memory_space<hbm>>
    tpu.enqueue_dma source(%arg7 : memref<1024x32xf32, #tpu.memory_space<vmem>>) target(%dma_start3A_1778 : memref<1024x32xf32, #tpu.memory_space<hbm>>) target_semaphore(%arg11 : memref<!tpu.dma_semaphore, #tpu.memory_space<semaphore_mem>>)
    %dma_wait3A_1779 = arith.constant 0 : i32
    %dma_wait3A_1780 = tpu.memref_slice %arg4[%add3A_1774, %dma_wait3A_1779] : memref<425984x32xf32, #tpu.memory_space<hbm>> -> memref<1024x32xf32, #tpu.memory_space<hbm>>
    %dma_wait3A_1781 = arith.constant 0 : i32
    %dma_wait3A_1782 = tpu.memref_slice %arg4[%add3A_1774, %dma_wait3A_1781] : memref<425984x32xf32, #tpu.memory_space<hbm>> -> memref<1024x32xf32, #tpu.memory_space<hbm>>
    tpu.wait_dma2 semaphore(%arg11 : memref<!tpu.dma_semaphore, #tpu.memory_space<semaphore_mem>>) src(%arg7 : memref<1024x32xf32, #tpu.memory_space<vmem>>) dst(%dma_wait3A_1782 : memref<1024x32xf32, #tpu.memory_space<hbm>>)
    %dma_start3A_1783 = arith.constant 88 : i32
    %dma_start3A_1784 = arith.constant 0 : i32
    %dma_start3A_1785 = arith.constant 0 : i32
    %dma_start3A_1786 = tpu.memref_slice %arg7[%dma_start3A_1784, %dma_start3A_1785] : memref<1024x32xf32, #tpu.memory_space<vmem>> -> memref<128x32xf32, #tpu.memory_space<vmem>>
    %dma_start3A_1787 = arith.constant 0 : i32
    %dma_start3A_1788 = tpu.memref_slice %arg5[%dma_start3A_1783, %dma_start3A_1787] : memref<104x128xi32, #tpu.memory_space<vmem>> -> memref<1x128xi32, #tpu.memory_space<vmem>>
    %dma_start3A_1789 = tpu.memref_squeeze %dma_start3A_1788 : memref<1x128xi32, #tpu.memory_space<vmem>> -> memref<128xi32, #tpu.memory_space<vmem>>
    %dma_start3A_1790 = arith.constant 0 : i32
    %dma_start3A_1791 = arith.constant 0 : i32
    %dma_start3A_1792 = tpu.memref_slice %arg2[%dma_start3A_1790, %dma_start3A_1791] : memref<2600000x32xf32, #tpu.memory_space<hbm>> -> memref<2600000x32xf32, #tpu.memory_space<hbm>>
    tpu.enqueue_indirect_dma source(%dma_start3A_1792 : memref<2600000x32xf32, #tpu.memory_space<hbm>>) target(%dma_start3A_1786 : memref<128x32xf32, #tpu.memory_space<vmem>>) offsets(%dma_start3A_1789 : memref<128xi32, #tpu.memory_space<vmem>>) semaphore(%arg9 : memref<!tpu.dma_semaphore, #tpu.memory_space<semaphore_mem>>)
    %dma_start3A_1793 = arith.constant 89 : i32
    %dma_start3A_1794 = arith.constant 128 : i32
    %dma_start3A_1795 = arith.constant 0 : i32
    %dma_start3A_1796 = tpu.memref_slice %arg7[%dma_start3A_1794, %dma_start3A_1795] : memref<1024x32xf32, #tpu.memory_space<vmem>> -> memref<128x32xf32, #tpu.memory_space<vmem>>
    %dma_start3A_1797 = arith.constant 0 : i32
    %dma_start3A_1798 = tpu.memref_slice %arg5[%dma_start3A_1793, %dma_start3A_1797] : memref<104x128xi32, #tpu.memory_space<vmem>> -> memref<1x128xi32, #tpu.memory_space<vmem>>
    %dma_start3A_1799 = tpu.memref_squeeze %dma_start3A_1798 : memref<1x128xi32, #tpu.memory_space<vmem>> -> memref<128xi32, #tpu.memory_space<vmem>>
    %dma_start3A_1800 = arith.constant 0 : i32
    %dma_start3A_1801 = arith.constant 0 : i32
    %dma_start3A_1802 = tpu.memref_slice %arg2[%dma_start3A_1800, %dma_start3A_1801] : memref<2600000x32xf32, #tpu.memory_space<hbm>> -> memref<2600000x32xf32, #tpu.memory_space<hbm>>
    tpu.enqueue_indirect_dma source(%dma_start3A_1802 : memref<2600000x32xf32, #tpu.memory_space<hbm>>) target(%dma_start3A_1796 : memref<128x32xf32, #tpu.memory_space<vmem>>) offsets(%dma_start3A_1799 : memref<128xi32, #tpu.memory_space<vmem>>) semaphore(%arg9 : memref<!tpu.dma_semaphore, #tpu.memory_space<semaphore_mem>>)
    %dma_start3A_1803 = arith.constant 90 : i32
    %dma_start3A_1804 = arith.constant 256 : i32
    %dma_start3A_1805 = arith.constant 0 : i32
    %dma_start3A_1806 = tpu.memref_slice %arg7[%dma_start3A_1804, %dma_start3A_1805] : memref<1024x32xf32, #tpu.memory_space<vmem>> -> memref<128x32xf32, #tpu.memory_space<vmem>>
    %dma_start3A_1807 = arith.constant 0 : i32
    %dma_start3A_1808 = tpu.memref_slice %arg5[%dma_start3A_1803, %dma_start3A_1807] : memref<104x128xi32, #tpu.memory_space<vmem>> -> memref<1x128xi32, #tpu.memory_space<vmem>>
    %dma_start3A_1809 = tpu.memref_squeeze %dma_start3A_1808 : memref<1x128xi32, #tpu.memory_space<vmem>> -> memref<128xi32, #tpu.memory_space<vmem>>
    %dma_start3A_1810 = arith.constant 0 : i32
    %dma_start3A_1811 = arith.constant 0 : i32
    %dma_start3A_1812 = tpu.memref_slice %arg2[%dma_start3A_1810, %dma_start3A_1811] : memref<2600000x32xf32, #tpu.memory_space<hbm>> -> memref<2600000x32xf32, #tpu.memory_space<hbm>>
    tpu.enqueue_indirect_dma source(%dma_start3A_1812 : memref<2600000x32xf32, #tpu.memory_space<hbm>>) target(%dma_start3A_1806 : memref<128x32xf32, #tpu.memory_space<vmem>>) offsets(%dma_start3A_1809 : memref<128xi32, #tpu.memory_space<vmem>>) semaphore(%arg9 : memref<!tpu.dma_semaphore, #tpu.memory_space<semaphore_mem>>)
    %dma_start3A_1813 = arith.constant 91 : i32
    %dma_start3A_1814 = arith.constant 384 : i32
    %dma_start3A_1815 = arith.constant 0 : i32
    %dma_start3A_1816 = tpu.memref_slice %arg7[%dma_start3A_1814, %dma_start3A_1815] : memref<1024x32xf32, #tpu.memory_space<vmem>> -> memref<128x32xf32, #tpu.memory_space<vmem>>
    %dma_start3A_1817 = arith.constant 0 : i32
    %dma_start3A_1818 = tpu.memref_slice %arg5[%dma_start3A_1813, %dma_start3A_1817] : memref<104x128xi32, #tpu.memory_space<vmem>> -> memref<1x128xi32, #tpu.memory_space<vmem>>
    %dma_start3A_1819 = tpu.memref_squeeze %dma_start3A_1818 : memref<1x128xi32, #tpu.memory_space<vmem>> -> memref<128xi32, #tpu.memory_space<vmem>>
    %dma_start3A_1820 = arith.constant 0 : i32
    %dma_start3A_1821 = arith.constant 0 : i32
    %dma_start3A_1822 = tpu.memref_slice %arg2[%dma_start3A_1820, %dma_start3A_1821] : memref<2600000x32xf32, #tpu.memory_space<hbm>> -> memref<2600000x32xf32, #tpu.memory_space<hbm>>
    tpu.enqueue_indirect_dma source(%dma_start3A_1822 : memref<2600000x32xf32, #tpu.memory_space<hbm>>) target(%dma_start3A_1816 : memref<128x32xf32, #tpu.memory_space<vmem>>) offsets(%dma_start3A_1819 : memref<128xi32, #tpu.memory_space<vmem>>) semaphore(%arg9 : memref<!tpu.dma_semaphore, #tpu.memory_space<semaphore_mem>>)
    %dma_start3A_1823 = arith.constant 92 : i32
    %dma_start3A_1824 = arith.constant 512 : i32
    %dma_start3A_1825 = arith.constant 0 : i32
    %dma_start3A_1826 = tpu.memref_slice %arg7[%dma_start3A_1824, %dma_start3A_1825] : memref<1024x32xf32, #tpu.memory_space<vmem>> -> memref<128x32xf32, #tpu.memory_space<vmem>>
    %dma_start3A_1827 = arith.constant 0 : i32
    %dma_start3A_1828 = tpu.memref_slice %arg5[%dma_start3A_1823, %dma_start3A_1827] : memref<104x128xi32, #tpu.memory_space<vmem>> -> memref<1x128xi32, #tpu.memory_space<vmem>>
    %dma_start3A_1829 = tpu.memref_squeeze %dma_start3A_1828 : memref<1x128xi32, #tpu.memory_space<vmem>> -> memref<128xi32, #tpu.memory_space<vmem>>
    %dma_start3A_1830 = arith.constant 0 : i32
    %dma_start3A_1831 = arith.constant 0 : i32
    %dma_start3A_1832 = tpu.memref_slice %arg2[%dma_start3A_1830, %dma_start3A_1831] : memref<2600000x32xf32, #tpu.memory_space<hbm>> -> memref<2600000x32xf32, #tpu.memory_space<hbm>>
    tpu.enqueue_indirect_dma source(%dma_start3A_1832 : memref<2600000x32xf32, #tpu.memory_space<hbm>>) target(%dma_start3A_1826 : memref<128x32xf32, #tpu.memory_space<vmem>>) offsets(%dma_start3A_1829 : memref<128xi32, #tpu.memory_space<vmem>>) semaphore(%arg9 : memref<!tpu.dma_semaphore, #tpu.memory_space<semaphore_mem>>)
    %dma_start3A_1833 = arith.constant 93 : i32
    %dma_start3A_1834 = arith.constant 640 : i32
    %dma_start3A_1835 = arith.constant 0 : i32
    %dma_start3A_1836 = tpu.memref_slice %arg7[%dma_start3A_1834, %dma_start3A_1835] : memref<1024x32xf32, #tpu.memory_space<vmem>> -> memref<128x32xf32, #tpu.memory_space<vmem>>
    %dma_start3A_1837 = arith.constant 0 : i32
    %dma_start3A_1838 = tpu.memref_slice %arg5[%dma_start3A_1833, %dma_start3A_1837] : memref<104x128xi32, #tpu.memory_space<vmem>> -> memref<1x128xi32, #tpu.memory_space<vmem>>
    %dma_start3A_1839 = tpu.memref_squeeze %dma_start3A_1838 : memref<1x128xi32, #tpu.memory_space<vmem>> -> memref<128xi32, #tpu.memory_space<vmem>>
    %dma_start3A_1840 = arith.constant 0 : i32
    %dma_start3A_1841 = arith.constant 0 : i32
    %dma_start3A_1842 = tpu.memref_slice %arg2[%dma_start3A_1840, %dma_start3A_1841] : memref<2600000x32xf32, #tpu.memory_space<hbm>> -> memref<2600000x32xf32, #tpu.memory_space<hbm>>
    tpu.enqueue_indirect_dma source(%dma_start3A_1842 : memref<2600000x32xf32, #tpu.memory_space<hbm>>) target(%dma_start3A_1836 : memref<128x32xf32, #tpu.memory_space<vmem>>) offsets(%dma_start3A_1839 : memref<128xi32, #tpu.memory_space<vmem>>) semaphore(%arg9 : memref<!tpu.dma_semaphore, #tpu.memory_space<semaphore_mem>>)
    %dma_start3A_1843 = arith.constant 94 : i32
    %dma_start3A_1844 = arith.constant 768 : i32
    %dma_start3A_1845 = arith.constant 0 : i32
    %dma_start3A_1846 = tpu.memref_slice %arg7[%dma_start3A_1844, %dma_start3A_1845] : memref<1024x32xf32, #tpu.memory_space<vmem>> -> memref<128x32xf32, #tpu.memory_space<vmem>>
    %dma_start3A_1847 = arith.constant 0 : i32
    %dma_start3A_1848 = tpu.memref_slice %arg5[%dma_start3A_1843, %dma_start3A_1847] : memref<104x128xi32, #tpu.memory_space<vmem>> -> memref<1x128xi32, #tpu.memory_space<vmem>>
    %dma_start3A_1849 = tpu.memref_squeeze %dma_start3A_1848 : memref<1x128xi32, #tpu.memory_space<vmem>> -> memref<128xi32, #tpu.memory_space<vmem>>
    %dma_start3A_1850 = arith.constant 0 : i32
    %dma_start3A_1851 = arith.constant 0 : i32
    %dma_start3A_1852 = tpu.memref_slice %arg2[%dma_start3A_1850, %dma_start3A_1851] : memref<2600000x32xf32, #tpu.memory_space<hbm>> -> memref<2600000x32xf32, #tpu.memory_space<hbm>>
    tpu.enqueue_indirect_dma source(%dma_start3A_1852 : memref<2600000x32xf32, #tpu.memory_space<hbm>>) target(%dma_start3A_1846 : memref<128x32xf32, #tpu.memory_space<vmem>>) offsets(%dma_start3A_1849 : memref<128xi32, #tpu.memory_space<vmem>>) semaphore(%arg9 : memref<!tpu.dma_semaphore, #tpu.memory_space<semaphore_mem>>)
    %dma_start3A_1853 = arith.constant 95 : i32
    %dma_start3A_1854 = arith.constant 896 : i32
    %dma_start3A_1855 = arith.constant 0 : i32
    %dma_start3A_1856 = tpu.memref_slice %arg7[%dma_start3A_1854, %dma_start3A_1855] : memref<1024x32xf32, #tpu.memory_space<vmem>> -> memref<128x32xf32, #tpu.memory_space<vmem>>
    %dma_start3A_1857 = arith.constant 0 : i32
    %dma_start3A_1858 = tpu.memref_slice %arg5[%dma_start3A_1853, %dma_start3A_1857] : memref<104x128xi32, #tpu.memory_space<vmem>> -> memref<1x128xi32, #tpu.memory_space<vmem>>
    %dma_start3A_1859 = tpu.memref_squeeze %dma_start3A_1858 : memref<1x128xi32, #tpu.memory_space<vmem>> -> memref<128xi32, #tpu.memory_space<vmem>>
    %dma_start3A_1860 = arith.constant 0 : i32
    %dma_start3A_1861 = arith.constant 0 : i32
    %dma_start3A_1862 = tpu.memref_slice %arg2[%dma_start3A_1860, %dma_start3A_1861] : memref<2600000x32xf32, #tpu.memory_space<hbm>> -> memref<2600000x32xf32, #tpu.memory_space<hbm>>
    tpu.enqueue_indirect_dma source(%dma_start3A_1862 : memref<2600000x32xf32, #tpu.memory_space<hbm>>) target(%dma_start3A_1856 : memref<128x32xf32, #tpu.memory_space<vmem>>) offsets(%dma_start3A_1859 : memref<128xi32, #tpu.memory_space<vmem>>) semaphore(%arg9 : memref<!tpu.dma_semaphore, #tpu.memory_space<semaphore_mem>>)
    %dma_wait3A_1863 = arith.constant 80 : i32
    %dma_wait3A_1864 = arith.constant 0 : i32
    %dma_wait3A_1865 = arith.constant 0 : i32
    %dma_wait3A_1866 = tpu.memref_slice %arg6[%dma_wait3A_1864, %dma_wait3A_1865] : memref<1024x32xf32, #tpu.memory_space<vmem>> -> memref<128x32xf32, #tpu.memory_space<vmem>>
    %dma_wait3A_1867 = arith.constant 0 : i32
    %dma_wait3A_1868 = tpu.memref_slice %arg5[%dma_wait3A_1863, %dma_wait3A_1867] : memref<104x128xi32, #tpu.memory_space<vmem>> -> memref<1x128xi32, #tpu.memory_space<vmem>>
    %dma_wait3A_1869 = tpu.memref_squeeze %dma_wait3A_1868 : memref<1x128xi32, #tpu.memory_space<vmem>> -> memref<128xi32, #tpu.memory_space<vmem>>
    %dma_wait3A_1870 = arith.constant 0 : i32
    %dma_wait3A_1871 = arith.constant 0 : i32
    %dma_wait3A_1872 = tpu.memref_slice %arg2[%dma_wait3A_1870, %dma_wait3A_1871] : memref<2600000x32xf32, #tpu.memory_space<hbm>> -> memref<2600000x32xf32, #tpu.memory_space<hbm>>
    tpu.wait_indirect_dma semaphore(%arg8 : memref<!tpu.dma_semaphore, #tpu.memory_space<semaphore_mem>>) src(%dma_wait3A_1872 : memref<2600000x32xf32, #tpu.memory_space<hbm>>) dst(%dma_wait3A_1866 : memref<128x32xf32, #tpu.memory_space<vmem>>)
    %dma_wait3A_1873 = arith.constant 81 : i32
    %dma_wait3A_1874 = arith.constant 128 : i32
    %dma_wait3A_1875 = arith.constant 0 : i32
    %dma_wait3A_1876 = tpu.memref_slice %arg6[%dma_wait3A_1874, %dma_wait3A_1875] : memref<1024x32xf32, #tpu.memory_space<vmem>> -> memref<128x32xf32, #tpu.memory_space<vmem>>
    %dma_wait3A_1877 = arith.constant 0 : i32
    %dma_wait3A_1878 = tpu.memref_slice %arg5[%dma_wait3A_1873, %dma_wait3A_1877] : memref<104x128xi32, #tpu.memory_space<vmem>> -> memref<1x128xi32, #tpu.memory_space<vmem>>
    %dma_wait3A_1879 = tpu.memref_squeeze %dma_wait3A_1878 : memref<1x128xi32, #tpu.memory_space<vmem>> -> memref<128xi32, #tpu.memory_space<vmem>>
    %dma_wait3A_1880 = arith.constant 0 : i32
    %dma_wait3A_1881 = arith.constant 0 : i32
    %dma_wait3A_1882 = tpu.memref_slice %arg2[%dma_wait3A_1880, %dma_wait3A_1881] : memref<2600000x32xf32, #tpu.memory_space<hbm>> -> memref<2600000x32xf32, #tpu.memory_space<hbm>>
    tpu.wait_indirect_dma semaphore(%arg8 : memref<!tpu.dma_semaphore, #tpu.memory_space<semaphore_mem>>) src(%dma_wait3A_1882 : memref<2600000x32xf32, #tpu.memory_space<hbm>>) dst(%dma_wait3A_1876 : memref<128x32xf32, #tpu.memory_space<vmem>>)
    %dma_wait3A_1883 = arith.constant 82 : i32
    %dma_wait3A_1884 = arith.constant 256 : i32
    %dma_wait3A_1885 = arith.constant 0 : i32
    %dma_wait3A_1886 = tpu.memref_slice %arg6[%dma_wait3A_1884, %dma_wait3A_1885] : memref<1024x32xf32, #tpu.memory_space<vmem>> -> memref<128x32xf32, #tpu.memory_space<vmem>>
    %dma_wait3A_1887 = arith.constant 0 : i32
    %dma_wait3A_1888 = tpu.memref_slice %arg5[%dma_wait3A_1883, %dma_wait3A_1887] : memref<104x128xi32, #tpu.memory_space<vmem>> -> memref<1x128xi32, #tpu.memory_space<vmem>>
    %dma_wait3A_1889 = tpu.memref_squeeze %dma_wait3A_1888 : memref<1x128xi32, #tpu.memory_space<vmem>> -> memref<128xi32, #tpu.memory_space<vmem>>
    %dma_wait3A_1890 = arith.constant 0 : i32
    %dma_wait3A_1891 = arith.constant 0 : i32
    %dma_wait3A_1892 = tpu.memref_slice %arg2[%dma_wait3A_1890, %dma_wait3A_1891] : memref<2600000x32xf32, #tpu.memory_space<hbm>> -> memref<2600000x32xf32, #tpu.memory_space<hbm>>
    tpu.wait_indirect_dma semaphore(%arg8 : memref<!tpu.dma_semaphore, #tpu.memory_space<semaphore_mem>>) src(%dma_wait3A_1892 : memref<2600000x32xf32, #tpu.memory_space<hbm>>) dst(%dma_wait3A_1886 : memref<128x32xf32, #tpu.memory_space<vmem>>)
    %dma_wait3A_1893 = arith.constant 83 : i32
    %dma_wait3A_1894 = arith.constant 384 : i32
    %dma_wait3A_1895 = arith.constant 0 : i32
    %dma_wait3A_1896 = tpu.memref_slice %arg6[%dma_wait3A_1894, %dma_wait3A_1895] : memref<1024x32xf32, #tpu.memory_space<vmem>> -> memref<128x32xf32, #tpu.memory_space<vmem>>
    %dma_wait3A_1897 = arith.constant 0 : i32
    %dma_wait3A_1898 = tpu.memref_slice %arg5[%dma_wait3A_1893, %dma_wait3A_1897] : memref<104x128xi32, #tpu.memory_space<vmem>> -> memref<1x128xi32, #tpu.memory_space<vmem>>
    %dma_wait3A_1899 = tpu.memref_squeeze %dma_wait3A_1898 : memref<1x128xi32, #tpu.memory_space<vmem>> -> memref<128xi32, #tpu.memory_space<vmem>>
    %dma_wait3A_1900 = arith.constant 0 : i32
    %dma_wait3A_1901 = arith.constant 0 : i32
    %dma_wait3A_1902 = tpu.memref_slice %arg2[%dma_wait3A_1900, %dma_wait3A_1901] : memref<2600000x32xf32, #tpu.memory_space<hbm>> -> memref<2600000x32xf32, #tpu.memory_space<hbm>>
    tpu.wait_indirect_dma semaphore(%arg8 : memref<!tpu.dma_semaphore, #tpu.memory_space<semaphore_mem>>) src(%dma_wait3A_1902 : memref<2600000x32xf32, #tpu.memory_space<hbm>>) dst(%dma_wait3A_1896 : memref<128x32xf32, #tpu.memory_space<vmem>>)
    %dma_wait3A_1903 = arith.constant 84 : i32
    %dma_wait3A_1904 = arith.constant 512 : i32
    %dma_wait3A_1905 = arith.constant 0 : i32
    %dma_wait3A_1906 = tpu.memref_slice %arg6[%dma_wait3A_1904, %dma_wait3A_1905] : memref<1024x32xf32, #tpu.memory_space<vmem>> -> memref<128x32xf32, #tpu.memory_space<vmem>>
    %dma_wait3A_1907 = arith.constant 0 : i32
    %dma_wait3A_1908 = tpu.memref_slice %arg5[%dma_wait3A_1903, %dma_wait3A_1907] : memref<104x128xi32, #tpu.memory_space<vmem>> -> memref<1x128xi32, #tpu.memory_space<vmem>>
    %dma_wait3A_1909 = tpu.memref_squeeze %dma_wait3A_1908 : memref<1x128xi32, #tpu.memory_space<vmem>> -> memref<128xi32, #tpu.memory_space<vmem>>
    %dma_wait3A_1910 = arith.constant 0 : i32
    %dma_wait3A_1911 = arith.constant 0 : i32
    %dma_wait3A_1912 = tpu.memref_slice %arg2[%dma_wait3A_1910, %dma_wait3A_1911] : memref<2600000x32xf32, #tpu.memory_space<hbm>> -> memref<2600000x32xf32, #tpu.memory_space<hbm>>
    tpu.wait_indirect_dma semaphore(%arg8 : memref<!tpu.dma_semaphore, #tpu.memory_space<semaphore_mem>>) src(%dma_wait3A_1912 : memref<2600000x32xf32, #tpu.memory_space<hbm>>) dst(%dma_wait3A_1906 : memref<128x32xf32, #tpu.memory_space<vmem>>)
    %dma_wait3A_1913 = arith.constant 85 : i32
    %dma_wait3A_1914 = arith.constant 640 : i32
    %dma_wait3A_1915 = arith.constant 0 : i32
    %dma_wait3A_1916 = tpu.memref_slice %arg6[%dma_wait3A_1914, %dma_wait3A_1915] : memref<1024x32xf32, #tpu.memory_space<vmem>> -> memref<128x32xf32, #tpu.memory_space<vmem>>
    %dma_wait3A_1917 = arith.constant 0 : i32
    %dma_wait3A_1918 = tpu.memref_slice %arg5[%dma_wait3A_1913, %dma_wait3A_1917] : memref<104x128xi32, #tpu.memory_space<vmem>> -> memref<1x128xi32, #tpu.memory_space<vmem>>
    %dma_wait3A_1919 = tpu.memref_squeeze %dma_wait3A_1918 : memref<1x128xi32, #tpu.memory_space<vmem>> -> memref<128xi32, #tpu.memory_space<vmem>>
    %dma_wait3A_1920 = arith.constant 0 : i32
    %dma_wait3A_1921 = arith.constant 0 : i32
    %dma_wait3A_1922 = tpu.memref_slice %arg2[%dma_wait3A_1920, %dma_wait3A_1921] : memref<2600000x32xf32, #tpu.memory_space<hbm>> -> memref<2600000x32xf32, #tpu.memory_space<hbm>>
    tpu.wait_indirect_dma semaphore(%arg8 : memref<!tpu.dma_semaphore, #tpu.memory_space<semaphore_mem>>) src(%dma_wait3A_1922 : memref<2600000x32xf32, #tpu.memory_space<hbm>>) dst(%dma_wait3A_1916 : memref<128x32xf32, #tpu.memory_space<vmem>>)
    %dma_wait3A_1923 = arith.constant 86 : i32
    %dma_wait3A_1924 = arith.constant 768 : i32
    %dma_wait3A_1925 = arith.constant 0 : i32
    %dma_wait3A_1926 = tpu.memref_slice %arg6[%dma_wait3A_1924, %dma_wait3A_1925] : memref<1024x32xf32, #tpu.memory_space<vmem>> -> memref<128x32xf32, #tpu.memory_space<vmem>>
    %dma_wait3A_1927 = arith.constant 0 : i32
    %dma_wait3A_1928 = tpu.memref_slice %arg5[%dma_wait3A_1923, %dma_wait3A_1927] : memref<104x128xi32, #tpu.memory_space<vmem>> -> memref<1x128xi32, #tpu.memory_space<vmem>>
    %dma_wait3A_1929 = tpu.memref_squeeze %dma_wait3A_1928 : memref<1x128xi32, #tpu.memory_space<vmem>> -> memref<128xi32, #tpu.memory_space<vmem>>
    %dma_wait3A_1930 = arith.constant 0 : i32
    %dma_wait3A_1931 = arith.constant 0 : i32
    %dma_wait3A_1932 = tpu.memref_slice %arg2[%dma_wait3A_1930, %dma_wait3A_1931] : memref<2600000x32xf32, #tpu.memory_space<hbm>> -> memref<2600000x32xf32, #tpu.memory_space<hbm>>
    tpu.wait_indirect_dma semaphore(%arg8 : memref<!tpu.dma_semaphore, #tpu.memory_space<semaphore_mem>>) src(%dma_wait3A_1932 : memref<2600000x32xf32, #tpu.memory_space<hbm>>) dst(%dma_wait3A_1926 : memref<128x32xf32, #tpu.memory_space<vmem>>)
    %dma_wait3A_1933 = arith.constant 87 : i32
    %dma_wait3A_1934 = arith.constant 896 : i32
    %dma_wait3A_1935 = arith.constant 0 : i32
    %dma_wait3A_1936 = tpu.memref_slice %arg6[%dma_wait3A_1934, %dma_wait3A_1935] : memref<1024x32xf32, #tpu.memory_space<vmem>> -> memref<128x32xf32, #tpu.memory_space<vmem>>
    %dma_wait3A_1937 = arith.constant 0 : i32
    %dma_wait3A_1938 = tpu.memref_slice %arg5[%dma_wait3A_1933, %dma_wait3A_1937] : memref<104x128xi32, #tpu.memory_space<vmem>> -> memref<1x128xi32, #tpu.memory_space<vmem>>
    %dma_wait3A_1939 = tpu.memref_squeeze %dma_wait3A_1938 : memref<1x128xi32, #tpu.memory_space<vmem>> -> memref<128xi32, #tpu.memory_space<vmem>>
    %dma_wait3A_1940 = arith.constant 0 : i32
    %dma_wait3A_1941 = arith.constant 0 : i32
    %dma_wait3A_1942 = tpu.memref_slice %arg2[%dma_wait3A_1940, %dma_wait3A_1941] : memref<2600000x32xf32, #tpu.memory_space<hbm>> -> memref<2600000x32xf32, #tpu.memory_space<hbm>>
    tpu.wait_indirect_dma semaphore(%arg8 : memref<!tpu.dma_semaphore, #tpu.memory_space<semaphore_mem>>) src(%dma_wait3A_1942 : memref<2600000x32xf32, #tpu.memory_space<hbm>>) dst(%dma_wait3A_1936 : memref<128x32xf32, #tpu.memory_space<vmem>>)
    %add3A_1943 = arith.constant 10240 : i32
    %add3A_1944 = arith.addi %mul3A_2, %add3A_1943 : i32
    %dma_start3A_1945 = arith.constant 0 : i32
    %dma_start3A_1946 = tpu.memref_slice %arg4[%add3A_1944, %dma_start3A_1945] : memref<425984x32xf32, #tpu.memory_space<hbm>> -> memref<1024x32xf32, #tpu.memory_space<hbm>>
    %dma_start3A_1947 = arith.constant 0 : i32
    %dma_start3A_1948 = tpu.memref_slice %arg4[%add3A_1944, %dma_start3A_1947] : memref<425984x32xf32, #tpu.memory_space<hbm>> -> memref<1024x32xf32, #tpu.memory_space<hbm>>
    tpu.enqueue_dma source(%arg6 : memref<1024x32xf32, #tpu.memory_space<vmem>>) target(%dma_start3A_1948 : memref<1024x32xf32, #tpu.memory_space<hbm>>) target_semaphore(%arg10 : memref<!tpu.dma_semaphore, #tpu.memory_space<semaphore_mem>>)
    %dma_wait3A_1949 = arith.constant 0 : i32
    %dma_wait3A_1950 = tpu.memref_slice %arg4[%add3A_1944, %dma_wait3A_1949] : memref<425984x32xf32, #tpu.memory_space<hbm>> -> memref<1024x32xf32, #tpu.memory_space<hbm>>
    %dma_wait3A_1951 = arith.constant 0 : i32
    %dma_wait3A_1952 = tpu.memref_slice %arg4[%add3A_1944, %dma_wait3A_1951] : memref<425984x32xf32, #tpu.memory_space<hbm>> -> memref<1024x32xf32, #tpu.memory_space<hbm>>
    tpu.wait_dma2 semaphore(%arg10 : memref<!tpu.dma_semaphore, #tpu.memory_space<semaphore_mem>>) src(%arg6 : memref<1024x32xf32, #tpu.memory_space<vmem>>) dst(%dma_wait3A_1952 : memref<1024x32xf32, #tpu.memory_space<hbm>>)
    %dma_start3A_1953 = arith.constant 96 : i32
    %dma_start3A_1954 = arith.constant 0 : i32
    %dma_start3A_1955 = arith.constant 0 : i32
    %dma_start3A_1956 = tpu.memref_slice %arg6[%dma_start3A_1954, %dma_start3A_1955] : memref<1024x32xf32, #tpu.memory_space<vmem>> -> memref<128x32xf32, #tpu.memory_space<vmem>>
    %dma_start3A_1957 = arith.constant 0 : i32
    %dma_start3A_1958 = tpu.memref_slice %arg5[%dma_start3A_1953, %dma_start3A_1957] : memref<104x128xi32, #tpu.memory_space<vmem>> -> memref<1x128xi32, #tpu.memory_space<vmem>>
    %dma_start3A_1959 = tpu.memref_squeeze %dma_start3A_1958 : memref<1x128xi32, #tpu.memory_space<vmem>> -> memref<128xi32, #tpu.memory_space<vmem>>
    %dma_start3A_1960 = arith.constant 0 : i32
    %dma_start3A_1961 = arith.constant 0 : i32
    %dma_start3A_1962 = tpu.memref_slice %arg2[%dma_start3A_1960, %dma_start3A_1961] : memref<2600000x32xf32, #tpu.memory_space<hbm>> -> memref<2600000x32xf32, #tpu.memory_space<hbm>>
    tpu.enqueue_indirect_dma source(%dma_start3A_1962 : memref<2600000x32xf32, #tpu.memory_space<hbm>>) target(%dma_start3A_1956 : memref<128x32xf32, #tpu.memory_space<vmem>>) offsets(%dma_start3A_1959 : memref<128xi32, #tpu.memory_space<vmem>>) semaphore(%arg8 : memref<!tpu.dma_semaphore, #tpu.memory_space<semaphore_mem>>)
    %dma_start3A_1963 = arith.constant 97 : i32
    %dma_start3A_1964 = arith.constant 128 : i32
    %dma_start3A_1965 = arith.constant 0 : i32
    %dma_start3A_1966 = tpu.memref_slice %arg6[%dma_start3A_1964, %dma_start3A_1965] : memref<1024x32xf32, #tpu.memory_space<vmem>> -> memref<128x32xf32, #tpu.memory_space<vmem>>
    %dma_start3A_1967 = arith.constant 0 : i32
    %dma_start3A_1968 = tpu.memref_slice %arg5[%dma_start3A_1963, %dma_start3A_1967] : memref<104x128xi32, #tpu.memory_space<vmem>> -> memref<1x128xi32, #tpu.memory_space<vmem>>
    %dma_start3A_1969 = tpu.memref_squeeze %dma_start3A_1968 : memref<1x128xi32, #tpu.memory_space<vmem>> -> memref<128xi32, #tpu.memory_space<vmem>>
    %dma_start3A_1970 = arith.constant 0 : i32
    %dma_start3A_1971 = arith.constant 0 : i32
    %dma_start3A_1972 = tpu.memref_slice %arg2[%dma_start3A_1970, %dma_start3A_1971] : memref<2600000x32xf32, #tpu.memory_space<hbm>> -> memref<2600000x32xf32, #tpu.memory_space<hbm>>
    tpu.enqueue_indirect_dma source(%dma_start3A_1972 : memref<2600000x32xf32, #tpu.memory_space<hbm>>) target(%dma_start3A_1966 : memref<128x32xf32, #tpu.memory_space<vmem>>) offsets(%dma_start3A_1969 : memref<128xi32, #tpu.memory_space<vmem>>) semaphore(%arg8 : memref<!tpu.dma_semaphore, #tpu.memory_space<semaphore_mem>>)
    %dma_start3A_1973 = arith.constant 98 : i32
    %dma_start3A_1974 = arith.constant 256 : i32
    %dma_start3A_1975 = arith.constant 0 : i32
    %dma_start3A_1976 = tpu.memref_slice %arg6[%dma_start3A_1974, %dma_start3A_1975] : memref<1024x32xf32, #tpu.memory_space<vmem>> -> memref<128x32xf32, #tpu.memory_space<vmem>>
    %dma_start3A_1977 = arith.constant 0 : i32
    %dma_start3A_1978 = tpu.memref_slice %arg5[%dma_start3A_1973, %dma_start3A_1977] : memref<104x128xi32, #tpu.memory_space<vmem>> -> memref<1x128xi32, #tpu.memory_space<vmem>>
    %dma_start3A_1979 = tpu.memref_squeeze %dma_start3A_1978 : memref<1x128xi32, #tpu.memory_space<vmem>> -> memref<128xi32, #tpu.memory_space<vmem>>
    %dma_start3A_1980 = arith.constant 0 : i32
    %dma_start3A_1981 = arith.constant 0 : i32
    %dma_start3A_1982 = tpu.memref_slice %arg2[%dma_start3A_1980, %dma_start3A_1981] : memref<2600000x32xf32, #tpu.memory_space<hbm>> -> memref<2600000x32xf32, #tpu.memory_space<hbm>>
    tpu.enqueue_indirect_dma source(%dma_start3A_1982 : memref<2600000x32xf32, #tpu.memory_space<hbm>>) target(%dma_start3A_1976 : memref<128x32xf32, #tpu.memory_space<vmem>>) offsets(%dma_start3A_1979 : memref<128xi32, #tpu.memory_space<vmem>>) semaphore(%arg8 : memref<!tpu.dma_semaphore, #tpu.memory_space<semaphore_mem>>)
    %dma_start3A_1983 = arith.constant 99 : i32
    %dma_start3A_1984 = arith.constant 384 : i32
    %dma_start3A_1985 = arith.constant 0 : i32
    %dma_start3A_1986 = tpu.memref_slice %arg6[%dma_start3A_1984, %dma_start3A_1985] : memref<1024x32xf32, #tpu.memory_space<vmem>> -> memref<128x32xf32, #tpu.memory_space<vmem>>
    %dma_start3A_1987 = arith.constant 0 : i32
    %dma_start3A_1988 = tpu.memref_slice %arg5[%dma_start3A_1983, %dma_start3A_1987] : memref<104x128xi32, #tpu.memory_space<vmem>> -> memref<1x128xi32, #tpu.memory_space<vmem>>
    %dma_start3A_1989 = tpu.memref_squeeze %dma_start3A_1988 : memref<1x128xi32, #tpu.memory_space<vmem>> -> memref<128xi32, #tpu.memory_space<vmem>>
    %dma_start3A_1990 = arith.constant 0 : i32
    %dma_start3A_1991 = arith.constant 0 : i32
    %dma_start3A_1992 = tpu.memref_slice %arg2[%dma_start3A_1990, %dma_start3A_1991] : memref<2600000x32xf32, #tpu.memory_space<hbm>> -> memref<2600000x32xf32, #tpu.memory_space<hbm>>
    tpu.enqueue_indirect_dma source(%dma_start3A_1992 : memref<2600000x32xf32, #tpu.memory_space<hbm>>) target(%dma_start3A_1986 : memref<128x32xf32, #tpu.memory_space<vmem>>) offsets(%dma_start3A_1989 : memref<128xi32, #tpu.memory_space<vmem>>) semaphore(%arg8 : memref<!tpu.dma_semaphore, #tpu.memory_space<semaphore_mem>>)
    %dma_start3A_1993 = arith.constant 100 : i32
    %dma_start3A_1994 = arith.constant 512 : i32
    %dma_start3A_1995 = arith.constant 0 : i32
    %dma_start3A_1996 = tpu.memref_slice %arg6[%dma_start3A_1994, %dma_start3A_1995] : memref<1024x32xf32, #tpu.memory_space<vmem>> -> memref<128x32xf32, #tpu.memory_space<vmem>>
    %dma_start3A_1997 = arith.constant 0 : i32
    %dma_start3A_1998 = tpu.memref_slice %arg5[%dma_start3A_1993, %dma_start3A_1997] : memref<104x128xi32, #tpu.memory_space<vmem>> -> memref<1x128xi32, #tpu.memory_space<vmem>>
    %dma_start3A_1999 = tpu.memref_squeeze %dma_start3A_1998 : memref<1x128xi32, #tpu.memory_space<vmem>> -> memref<128xi32, #tpu.memory_space<vmem>>
    %dma_start3A_2000 = arith.constant 0 : i32
    %dma_start3A_2001 = arith.constant 0 : i32
    %dma_start3A_2002 = tpu.memref_slice %arg2[%dma_start3A_2000, %dma_start3A_2001] : memref<2600000x32xf32, #tpu.memory_space<hbm>> -> memref<2600000x32xf32, #tpu.memory_space<hbm>>
    tpu.enqueue_indirect_dma source(%dma_start3A_2002 : memref<2600000x32xf32, #tpu.memory_space<hbm>>) target(%dma_start3A_1996 : memref<128x32xf32, #tpu.memory_space<vmem>>) offsets(%dma_start3A_1999 : memref<128xi32, #tpu.memory_space<vmem>>) semaphore(%arg8 : memref<!tpu.dma_semaphore, #tpu.memory_space<semaphore_mem>>)
    %dma_start3A_2003 = arith.constant 101 : i32
    %dma_start3A_2004 = arith.constant 640 : i32
    %dma_start3A_2005 = arith.constant 0 : i32
    %dma_start3A_2006 = tpu.memref_slice %arg6[%dma_start3A_2004, %dma_start3A_2005] : memref<1024x32xf32, #tpu.memory_space<vmem>> -> memref<128x32xf32, #tpu.memory_space<vmem>>
    %dma_start3A_2007 = arith.constant 0 : i32
    %dma_start3A_2008 = tpu.memref_slice %arg5[%dma_start3A_2003, %dma_start3A_2007] : memref<104x128xi32, #tpu.memory_space<vmem>> -> memref<1x128xi32, #tpu.memory_space<vmem>>
    %dma_start3A_2009 = tpu.memref_squeeze %dma_start3A_2008 : memref<1x128xi32, #tpu.memory_space<vmem>> -> memref<128xi32, #tpu.memory_space<vmem>>
    %dma_start3A_2010 = arith.constant 0 : i32
    %dma_start3A_2011 = arith.constant 0 : i32
    %dma_start3A_2012 = tpu.memref_slice %arg2[%dma_start3A_2010, %dma_start3A_2011] : memref<2600000x32xf32, #tpu.memory_space<hbm>> -> memref<2600000x32xf32, #tpu.memory_space<hbm>>
    tpu.enqueue_indirect_dma source(%dma_start3A_2012 : memref<2600000x32xf32, #tpu.memory_space<hbm>>) target(%dma_start3A_2006 : memref<128x32xf32, #tpu.memory_space<vmem>>) offsets(%dma_start3A_2009 : memref<128xi32, #tpu.memory_space<vmem>>) semaphore(%arg8 : memref<!tpu.dma_semaphore, #tpu.memory_space<semaphore_mem>>)
    %dma_start3A_2013 = arith.constant 102 : i32
    %dma_start3A_2014 = arith.constant 768 : i32
    %dma_start3A_2015 = arith.constant 0 : i32
    %dma_start3A_2016 = tpu.memref_slice %arg6[%dma_start3A_2014, %dma_start3A_2015] : memref<1024x32xf32, #tpu.memory_space<vmem>> -> memref<128x32xf32, #tpu.memory_space<vmem>>
    %dma_start3A_2017 = arith.constant 0 : i32
    %dma_start3A_2018 = tpu.memref_slice %arg5[%dma_start3A_2013, %dma_start3A_2017] : memref<104x128xi32, #tpu.memory_space<vmem>> -> memref<1x128xi32, #tpu.memory_space<vmem>>
    %dma_start3A_2019 = tpu.memref_squeeze %dma_start3A_2018 : memref<1x128xi32, #tpu.memory_space<vmem>> -> memref<128xi32, #tpu.memory_space<vmem>>
    %dma_start3A_2020 = arith.constant 0 : i32
    %dma_start3A_2021 = arith.constant 0 : i32
    %dma_start3A_2022 = tpu.memref_slice %arg2[%dma_start3A_2020, %dma_start3A_2021] : memref<2600000x32xf32, #tpu.memory_space<hbm>> -> memref<2600000x32xf32, #tpu.memory_space<hbm>>
    tpu.enqueue_indirect_dma source(%dma_start3A_2022 : memref<2600000x32xf32, #tpu.memory_space<hbm>>) target(%dma_start3A_2016 : memref<128x32xf32, #tpu.memory_space<vmem>>) offsets(%dma_start3A_2019 : memref<128xi32, #tpu.memory_space<vmem>>) semaphore(%arg8 : memref<!tpu.dma_semaphore, #tpu.memory_space<semaphore_mem>>)
    %dma_start3A_2023 = arith.constant 103 : i32
    %dma_start3A_2024 = arith.constant 896 : i32
    %dma_start3A_2025 = arith.constant 0 : i32
    %dma_start3A_2026 = tpu.memref_slice %arg6[%dma_start3A_2024, %dma_start3A_2025] : memref<1024x32xf32, #tpu.memory_space<vmem>> -> memref<128x32xf32, #tpu.memory_space<vmem>>
    %dma_start3A_2027 = arith.constant 0 : i32
    %dma_start3A_2028 = tpu.memref_slice %arg5[%dma_start3A_2023, %dma_start3A_2027] : memref<104x128xi32, #tpu.memory_space<vmem>> -> memref<1x128xi32, #tpu.memory_space<vmem>>
    %dma_start3A_2029 = tpu.memref_squeeze %dma_start3A_2028 : memref<1x128xi32, #tpu.memory_space<vmem>> -> memref<128xi32, #tpu.memory_space<vmem>>
    %dma_start3A_2030 = arith.constant 0 : i32
    %dma_start3A_2031 = arith.constant 0 : i32
    %dma_start3A_2032 = tpu.memref_slice %arg2[%dma_start3A_2030, %dma_start3A_2031] : memref<2600000x32xf32, #tpu.memory_space<hbm>> -> memref<2600000x32xf32, #tpu.memory_space<hbm>>
    tpu.enqueue_indirect_dma source(%dma_start3A_2032 : memref<2600000x32xf32, #tpu.memory_space<hbm>>) target(%dma_start3A_2026 : memref<128x32xf32, #tpu.memory_space<vmem>>) offsets(%dma_start3A_2029 : memref<128xi32, #tpu.memory_space<vmem>>) semaphore(%arg8 : memref<!tpu.dma_semaphore, #tpu.memory_space<semaphore_mem>>)
    %dma_wait3A_2033 = arith.constant 88 : i32
    %dma_wait3A_2034 = arith.constant 0 : i32
    %dma_wait3A_2035 = arith.constant 0 : i32
    %dma_wait3A_2036 = tpu.memref_slice %arg7[%dma_wait3A_2034, %dma_wait3A_2035] : memref<1024x32xf32, #tpu.memory_space<vmem>> -> memref<128x32xf32, #tpu.memory_space<vmem>>
    %dma_wait3A_2037 = arith.constant 0 : i32
    %dma_wait3A_2038 = tpu.memref_slice %arg5[%dma_wait3A_2033, %dma_wait3A_2037] : memref<104x128xi32, #tpu.memory_space<vmem>> -> memref<1x128xi32, #tpu.memory_space<vmem>>
    %dma_wait3A_2039 = tpu.memref_squeeze %dma_wait3A_2038 : memref<1x128xi32, #tpu.memory_space<vmem>> -> memref<128xi32, #tpu.memory_space<vmem>>
    %dma_wait3A_2040 = arith.constant 0 : i32
    %dma_wait3A_2041 = arith.constant 0 : i32
    %dma_wait3A_2042 = tpu.memref_slice %arg2[%dma_wait3A_2040, %dma_wait3A_2041] : memref<2600000x32xf32, #tpu.memory_space<hbm>> -> memref<2600000x32xf32, #tpu.memory_space<hbm>>
    tpu.wait_indirect_dma semaphore(%arg9 : memref<!tpu.dma_semaphore, #tpu.memory_space<semaphore_mem>>) src(%dma_wait3A_2042 : memref<2600000x32xf32, #tpu.memory_space<hbm>>) dst(%dma_wait3A_2036 : memref<128x32xf32, #tpu.memory_space<vmem>>)
    %dma_wait3A_2043 = arith.constant 89 : i32
    %dma_wait3A_2044 = arith.constant 128 : i32
    %dma_wait3A_2045 = arith.constant 0 : i32
    %dma_wait3A_2046 = tpu.memref_slice %arg7[%dma_wait3A_2044, %dma_wait3A_2045] : memref<1024x32xf32, #tpu.memory_space<vmem>> -> memref<128x32xf32, #tpu.memory_space<vmem>>
    %dma_wait3A_2047 = arith.constant 0 : i32
    %dma_wait3A_2048 = tpu.memref_slice %arg5[%dma_wait3A_2043, %dma_wait3A_2047] : memref<104x128xi32, #tpu.memory_space<vmem>> -> memref<1x128xi32, #tpu.memory_space<vmem>>
    %dma_wait3A_2049 = tpu.memref_squeeze %dma_wait3A_2048 : memref<1x128xi32, #tpu.memory_space<vmem>> -> memref<128xi32, #tpu.memory_space<vmem>>
    %dma_wait3A_2050 = arith.constant 0 : i32
    %dma_wait3A_2051 = arith.constant 0 : i32
    %dma_wait3A_2052 = tpu.memref_slice %arg2[%dma_wait3A_2050, %dma_wait3A_2051] : memref<2600000x32xf32, #tpu.memory_space<hbm>> -> memref<2600000x32xf32, #tpu.memory_space<hbm>>
    tpu.wait_indirect_dma semaphore(%arg9 : memref<!tpu.dma_semaphore, #tpu.memory_space<semaphore_mem>>) src(%dma_wait3A_2052 : memref<2600000x32xf32, #tpu.memory_space<hbm>>) dst(%dma_wait3A_2046 : memref<128x32xf32, #tpu.memory_space<vmem>>)
    %dma_wait3A_2053 = arith.constant 90 : i32
    %dma_wait3A_2054 = arith.constant 256 : i32
    %dma_wait3A_2055 = arith.constant 0 : i32
    %dma_wait3A_2056 = tpu.memref_slice %arg7[%dma_wait3A_2054, %dma_wait3A_2055] : memref<1024x32xf32, #tpu.memory_space<vmem>> -> memref<128x32xf32, #tpu.memory_space<vmem>>
    %dma_wait3A_2057 = arith.constant 0 : i32
    %dma_wait3A_2058 = tpu.memref_slice %arg5[%dma_wait3A_2053, %dma_wait3A_2057] : memref<104x128xi32, #tpu.memory_space<vmem>> -> memref<1x128xi32, #tpu.memory_space<vmem>>
    %dma_wait3A_2059 = tpu.memref_squeeze %dma_wait3A_2058 : memref<1x128xi32, #tpu.memory_space<vmem>> -> memref<128xi32, #tpu.memory_space<vmem>>
    %dma_wait3A_2060 = arith.constant 0 : i32
    %dma_wait3A_2061 = arith.constant 0 : i32
    %dma_wait3A_2062 = tpu.memref_slice %arg2[%dma_wait3A_2060, %dma_wait3A_2061] : memref<2600000x32xf32, #tpu.memory_space<hbm>> -> memref<2600000x32xf32, #tpu.memory_space<hbm>>
    tpu.wait_indirect_dma semaphore(%arg9 : memref<!tpu.dma_semaphore, #tpu.memory_space<semaphore_mem>>) src(%dma_wait3A_2062 : memref<2600000x32xf32, #tpu.memory_space<hbm>>) dst(%dma_wait3A_2056 : memref<128x32xf32, #tpu.memory_space<vmem>>)
    %dma_wait3A_2063 = arith.constant 91 : i32
    %dma_wait3A_2064 = arith.constant 384 : i32
    %dma_wait3A_2065 = arith.constant 0 : i32
    %dma_wait3A_2066 = tpu.memref_slice %arg7[%dma_wait3A_2064, %dma_wait3A_2065] : memref<1024x32xf32, #tpu.memory_space<vmem>> -> memref<128x32xf32, #tpu.memory_space<vmem>>
    %dma_wait3A_2067 = arith.constant 0 : i32
    %dma_wait3A_2068 = tpu.memref_slice %arg5[%dma_wait3A_2063, %dma_wait3A_2067] : memref<104x128xi32, #tpu.memory_space<vmem>> -> memref<1x128xi32, #tpu.memory_space<vmem>>
    %dma_wait3A_2069 = tpu.memref_squeeze %dma_wait3A_2068 : memref<1x128xi32, #tpu.memory_space<vmem>> -> memref<128xi32, #tpu.memory_space<vmem>>
    %dma_wait3A_2070 = arith.constant 0 : i32
    %dma_wait3A_2071 = arith.constant 0 : i32
    %dma_wait3A_2072 = tpu.memref_slice %arg2[%dma_wait3A_2070, %dma_wait3A_2071] : memref<2600000x32xf32, #tpu.memory_space<hbm>> -> memref<2600000x32xf32, #tpu.memory_space<hbm>>
    tpu.wait_indirect_dma semaphore(%arg9 : memref<!tpu.dma_semaphore, #tpu.memory_space<semaphore_mem>>) src(%dma_wait3A_2072 : memref<2600000x32xf32, #tpu.memory_space<hbm>>) dst(%dma_wait3A_2066 : memref<128x32xf32, #tpu.memory_space<vmem>>)
    %dma_wait3A_2073 = arith.constant 92 : i32
    %dma_wait3A_2074 = arith.constant 512 : i32
    %dma_wait3A_2075 = arith.constant 0 : i32
    %dma_wait3A_2076 = tpu.memref_slice %arg7[%dma_wait3A_2074, %dma_wait3A_2075] : memref<1024x32xf32, #tpu.memory_space<vmem>> -> memref<128x32xf32, #tpu.memory_space<vmem>>
    %dma_wait3A_2077 = arith.constant 0 : i32
    %dma_wait3A_2078 = tpu.memref_slice %arg5[%dma_wait3A_2073, %dma_wait3A_2077] : memref<104x128xi32, #tpu.memory_space<vmem>> -> memref<1x128xi32, #tpu.memory_space<vmem>>
    %dma_wait3A_2079 = tpu.memref_squeeze %dma_wait3A_2078 : memref<1x128xi32, #tpu.memory_space<vmem>> -> memref<128xi32, #tpu.memory_space<vmem>>
    %dma_wait3A_2080 = arith.constant 0 : i32
    %dma_wait3A_2081 = arith.constant 0 : i32
    %dma_wait3A_2082 = tpu.memref_slice %arg2[%dma_wait3A_2080, %dma_wait3A_2081] : memref<2600000x32xf32, #tpu.memory_space<hbm>> -> memref<2600000x32xf32, #tpu.memory_space<hbm>>
    tpu.wait_indirect_dma semaphore(%arg9 : memref<!tpu.dma_semaphore, #tpu.memory_space<semaphore_mem>>) src(%dma_wait3A_2082 : memref<2600000x32xf32, #tpu.memory_space<hbm>>) dst(%dma_wait3A_2076 : memref<128x32xf32, #tpu.memory_space<vmem>>)
    %dma_wait3A_2083 = arith.constant 93 : i32
    %dma_wait3A_2084 = arith.constant 640 : i32
    %dma_wait3A_2085 = arith.constant 0 : i32
    %dma_wait3A_2086 = tpu.memref_slice %arg7[%dma_wait3A_2084, %dma_wait3A_2085] : memref<1024x32xf32, #tpu.memory_space<vmem>> -> memref<128x32xf32, #tpu.memory_space<vmem>>
    %dma_wait3A_2087 = arith.constant 0 : i32
    %dma_wait3A_2088 = tpu.memref_slice %arg5[%dma_wait3A_2083, %dma_wait3A_2087] : memref<104x128xi32, #tpu.memory_space<vmem>> -> memref<1x128xi32, #tpu.memory_space<vmem>>
    %dma_wait3A_2089 = tpu.memref_squeeze %dma_wait3A_2088 : memref<1x128xi32, #tpu.memory_space<vmem>> -> memref<128xi32, #tpu.memory_space<vmem>>
    %dma_wait3A_2090 = arith.constant 0 : i32
    %dma_wait3A_2091 = arith.constant 0 : i32
    %dma_wait3A_2092 = tpu.memref_slice %arg2[%dma_wait3A_2090, %dma_wait3A_2091] : memref<2600000x32xf32, #tpu.memory_space<hbm>> -> memref<2600000x32xf32, #tpu.memory_space<hbm>>
    tpu.wait_indirect_dma semaphore(%arg9 : memref<!tpu.dma_semaphore, #tpu.memory_space<semaphore_mem>>) src(%dma_wait3A_2092 : memref<2600000x32xf32, #tpu.memory_space<hbm>>) dst(%dma_wait3A_2086 : memref<128x32xf32, #tpu.memory_space<vmem>>)
    %dma_wait3A_2093 = arith.constant 94 : i32
    %dma_wait3A_2094 = arith.constant 768 : i32
    %dma_wait3A_2095 = arith.constant 0 : i32
    %dma_wait3A_2096 = tpu.memref_slice %arg7[%dma_wait3A_2094, %dma_wait3A_2095] : memref<1024x32xf32, #tpu.memory_space<vmem>> -> memref<128x32xf32, #tpu.memory_space<vmem>>
    %dma_wait3A_2097 = arith.constant 0 : i32
    %dma_wait3A_2098 = tpu.memref_slice %arg5[%dma_wait3A_2093, %dma_wait3A_2097] : memref<104x128xi32, #tpu.memory_space<vmem>> -> memref<1x128xi32, #tpu.memory_space<vmem>>
    %dma_wait3A_2099 = tpu.memref_squeeze %dma_wait3A_2098 : memref<1x128xi32, #tpu.memory_space<vmem>> -> memref<128xi32, #tpu.memory_space<vmem>>
    %dma_wait3A_2100 = arith.constant 0 : i32
    %dma_wait3A_2101 = arith.constant 0 : i32
    %dma_wait3A_2102 = tpu.memref_slice %arg2[%dma_wait3A_2100, %dma_wait3A_2101] : memref<2600000x32xf32, #tpu.memory_space<hbm>> -> memref<2600000x32xf32, #tpu.memory_space<hbm>>
    tpu.wait_indirect_dma semaphore(%arg9 : memref<!tpu.dma_semaphore, #tpu.memory_space<semaphore_mem>>) src(%dma_wait3A_2102 : memref<2600000x32xf32, #tpu.memory_space<hbm>>) dst(%dma_wait3A_2096 : memref<128x32xf32, #tpu.memory_space<vmem>>)
    %dma_wait3A_2103 = arith.constant 95 : i32
    %dma_wait3A_2104 = arith.constant 896 : i32
    %dma_wait3A_2105 = arith.constant 0 : i32
    %dma_wait3A_2106 = tpu.memref_slice %arg7[%dma_wait3A_2104, %dma_wait3A_2105] : memref<1024x32xf32, #tpu.memory_space<vmem>> -> memref<128x32xf32, #tpu.memory_space<vmem>>
    %dma_wait3A_2107 = arith.constant 0 : i32
    %dma_wait3A_2108 = tpu.memref_slice %arg5[%dma_wait3A_2103, %dma_wait3A_2107] : memref<104x128xi32, #tpu.memory_space<vmem>> -> memref<1x128xi32, #tpu.memory_space<vmem>>
    %dma_wait3A_2109 = tpu.memref_squeeze %dma_wait3A_2108 : memref<1x128xi32, #tpu.memory_space<vmem>> -> memref<128xi32, #tpu.memory_space<vmem>>
    %dma_wait3A_2110 = arith.constant 0 : i32
    %dma_wait3A_2111 = arith.constant 0 : i32
    %dma_wait3A_2112 = tpu.memref_slice %arg2[%dma_wait3A_2110, %dma_wait3A_2111] : memref<2600000x32xf32, #tpu.memory_space<hbm>> -> memref<2600000x32xf32, #tpu.memory_space<hbm>>
    tpu.wait_indirect_dma semaphore(%arg9 : memref<!tpu.dma_semaphore, #tpu.memory_space<semaphore_mem>>) src(%dma_wait3A_2112 : memref<2600000x32xf32, #tpu.memory_space<hbm>>) dst(%dma_wait3A_2106 : memref<128x32xf32, #tpu.memory_space<vmem>>)
    %add3A_2113 = arith.constant 11264 : i32
    %add3A_2114 = arith.addi %mul3A_2, %add3A_2113 : i32
    %dma_start3A_2115 = arith.constant 0 : i32
    %dma_start3A_2116 = tpu.memref_slice %arg4[%add3A_2114, %dma_start3A_2115] : memref<425984x32xf32, #tpu.memory_space<hbm>> -> memref<1024x32xf32, #tpu.memory_space<hbm>>
    %dma_start3A_2117 = arith.constant 0 : i32
    %dma_start3A_2118 = tpu.memref_slice %arg4[%add3A_2114, %dma_start3A_2117] : memref<425984x32xf32, #tpu.memory_space<hbm>> -> memref<1024x32xf32, #tpu.memory_space<hbm>>
    tpu.enqueue_dma source(%arg7 : memref<1024x32xf32, #tpu.memory_space<vmem>>) target(%dma_start3A_2118 : memref<1024x32xf32, #tpu.memory_space<hbm>>) target_semaphore(%arg11 : memref<!tpu.dma_semaphore, #tpu.memory_space<semaphore_mem>>)
    %dma_wait3A_2119 = arith.constant 96 : i32
    %dma_wait3A_2120 = arith.constant 0 : i32
    %dma_wait3A_2121 = arith.constant 0 : i32
    %dma_wait3A_2122 = tpu.memref_slice %arg6[%dma_wait3A_2120, %dma_wait3A_2121] : memref<1024x32xf32, #tpu.memory_space<vmem>> -> memref<128x32xf32, #tpu.memory_space<vmem>>
    %dma_wait3A_2123 = arith.constant 0 : i32
    %dma_wait3A_2124 = tpu.memref_slice %arg5[%dma_wait3A_2119, %dma_wait3A_2123] : memref<104x128xi32, #tpu.memory_space<vmem>> -> memref<1x128xi32, #tpu.memory_space<vmem>>
    %dma_wait3A_2125 = tpu.memref_squeeze %dma_wait3A_2124 : memref<1x128xi32, #tpu.memory_space<vmem>> -> memref<128xi32, #tpu.memory_space<vmem>>
    %dma_wait3A_2126 = arith.constant 0 : i32
    %dma_wait3A_2127 = arith.constant 0 : i32
    %dma_wait3A_2128 = tpu.memref_slice %arg2[%dma_wait3A_2126, %dma_wait3A_2127] : memref<2600000x32xf32, #tpu.memory_space<hbm>> -> memref<2600000x32xf32, #tpu.memory_space<hbm>>
    tpu.wait_indirect_dma semaphore(%arg8 : memref<!tpu.dma_semaphore, #tpu.memory_space<semaphore_mem>>) src(%dma_wait3A_2128 : memref<2600000x32xf32, #tpu.memory_space<hbm>>) dst(%dma_wait3A_2122 : memref<128x32xf32, #tpu.memory_space<vmem>>)
    %dma_wait3A_2129 = arith.constant 97 : i32
    %dma_wait3A_2130 = arith.constant 128 : i32
    %dma_wait3A_2131 = arith.constant 0 : i32
    %dma_wait3A_2132 = tpu.memref_slice %arg6[%dma_wait3A_2130, %dma_wait3A_2131] : memref<1024x32xf32, #tpu.memory_space<vmem>> -> memref<128x32xf32, #tpu.memory_space<vmem>>
    %dma_wait3A_2133 = arith.constant 0 : i32
    %dma_wait3A_2134 = tpu.memref_slice %arg5[%dma_wait3A_2129, %dma_wait3A_2133] : memref<104x128xi32, #tpu.memory_space<vmem>> -> memref<1x128xi32, #tpu.memory_space<vmem>>
    %dma_wait3A_2135 = tpu.memref_squeeze %dma_wait3A_2134 : memref<1x128xi32, #tpu.memory_space<vmem>> -> memref<128xi32, #tpu.memory_space<vmem>>
    %dma_wait3A_2136 = arith.constant 0 : i32
    %dma_wait3A_2137 = arith.constant 0 : i32
    %dma_wait3A_2138 = tpu.memref_slice %arg2[%dma_wait3A_2136, %dma_wait3A_2137] : memref<2600000x32xf32, #tpu.memory_space<hbm>> -> memref<2600000x32xf32, #tpu.memory_space<hbm>>
    tpu.wait_indirect_dma semaphore(%arg8 : memref<!tpu.dma_semaphore, #tpu.memory_space<semaphore_mem>>) src(%dma_wait3A_2138 : memref<2600000x32xf32, #tpu.memory_space<hbm>>) dst(%dma_wait3A_2132 : memref<128x32xf32, #tpu.memory_space<vmem>>)
    %dma_wait3A_2139 = arith.constant 98 : i32
    %dma_wait3A_2140 = arith.constant 256 : i32
    %dma_wait3A_2141 = arith.constant 0 : i32
    %dma_wait3A_2142 = tpu.memref_slice %arg6[%dma_wait3A_2140, %dma_wait3A_2141] : memref<1024x32xf32, #tpu.memory_space<vmem>> -> memref<128x32xf32, #tpu.memory_space<vmem>>
    %dma_wait3A_2143 = arith.constant 0 : i32
    %dma_wait3A_2144 = tpu.memref_slice %arg5[%dma_wait3A_2139, %dma_wait3A_2143] : memref<104x128xi32, #tpu.memory_space<vmem>> -> memref<1x128xi32, #tpu.memory_space<vmem>>
    %dma_wait3A_2145 = tpu.memref_squeeze %dma_wait3A_2144 : memref<1x128xi32, #tpu.memory_space<vmem>> -> memref<128xi32, #tpu.memory_space<vmem>>
    %dma_wait3A_2146 = arith.constant 0 : i32
    %dma_wait3A_2147 = arith.constant 0 : i32
    %dma_wait3A_2148 = tpu.memref_slice %arg2[%dma_wait3A_2146, %dma_wait3A_2147] : memref<2600000x32xf32, #tpu.memory_space<hbm>> -> memref<2600000x32xf32, #tpu.memory_space<hbm>>
    tpu.wait_indirect_dma semaphore(%arg8 : memref<!tpu.dma_semaphore, #tpu.memory_space<semaphore_mem>>) src(%dma_wait3A_2148 : memref<2600000x32xf32, #tpu.memory_space<hbm>>) dst(%dma_wait3A_2142 : memref<128x32xf32, #tpu.memory_space<vmem>>)
    %dma_wait3A_2149 = arith.constant 99 : i32
    %dma_wait3A_2150 = arith.constant 384 : i32
    %dma_wait3A_2151 = arith.constant 0 : i32
    %dma_wait3A_2152 = tpu.memref_slice %arg6[%dma_wait3A_2150, %dma_wait3A_2151] : memref<1024x32xf32, #tpu.memory_space<vmem>> -> memref<128x32xf32, #tpu.memory_space<vmem>>
    %dma_wait3A_2153 = arith.constant 0 : i32
    %dma_wait3A_2154 = tpu.memref_slice %arg5[%dma_wait3A_2149, %dma_wait3A_2153] : memref<104x128xi32, #tpu.memory_space<vmem>> -> memref<1x128xi32, #tpu.memory_space<vmem>>
    %dma_wait3A_2155 = tpu.memref_squeeze %dma_wait3A_2154 : memref<1x128xi32, #tpu.memory_space<vmem>> -> memref<128xi32, #tpu.memory_space<vmem>>
    %dma_wait3A_2156 = arith.constant 0 : i32
    %dma_wait3A_2157 = arith.constant 0 : i32
    %dma_wait3A_2158 = tpu.memref_slice %arg2[%dma_wait3A_2156, %dma_wait3A_2157] : memref<2600000x32xf32, #tpu.memory_space<hbm>> -> memref<2600000x32xf32, #tpu.memory_space<hbm>>
    tpu.wait_indirect_dma semaphore(%arg8 : memref<!tpu.dma_semaphore, #tpu.memory_space<semaphore_mem>>) src(%dma_wait3A_2158 : memref<2600000x32xf32, #tpu.memory_space<hbm>>) dst(%dma_wait3A_2152 : memref<128x32xf32, #tpu.memory_space<vmem>>)
    %dma_wait3A_2159 = arith.constant 100 : i32
    %dma_wait3A_2160 = arith.constant 512 : i32
    %dma_wait3A_2161 = arith.constant 0 : i32
    %dma_wait3A_2162 = tpu.memref_slice %arg6[%dma_wait3A_2160, %dma_wait3A_2161] : memref<1024x32xf32, #tpu.memory_space<vmem>> -> memref<128x32xf32, #tpu.memory_space<vmem>>
    %dma_wait3A_2163 = arith.constant 0 : i32
    %dma_wait3A_2164 = tpu.memref_slice %arg5[%dma_wait3A_2159, %dma_wait3A_2163] : memref<104x128xi32, #tpu.memory_space<vmem>> -> memref<1x128xi32, #tpu.memory_space<vmem>>
    %dma_wait3A_2165 = tpu.memref_squeeze %dma_wait3A_2164 : memref<1x128xi32, #tpu.memory_space<vmem>> -> memref<128xi32, #tpu.memory_space<vmem>>
    %dma_wait3A_2166 = arith.constant 0 : i32
    %dma_wait3A_2167 = arith.constant 0 : i32
    %dma_wait3A_2168 = tpu.memref_slice %arg2[%dma_wait3A_2166, %dma_wait3A_2167] : memref<2600000x32xf32, #tpu.memory_space<hbm>> -> memref<2600000x32xf32, #tpu.memory_space<hbm>>
    tpu.wait_indirect_dma semaphore(%arg8 : memref<!tpu.dma_semaphore, #tpu.memory_space<semaphore_mem>>) src(%dma_wait3A_2168 : memref<2600000x32xf32, #tpu.memory_space<hbm>>) dst(%dma_wait3A_2162 : memref<128x32xf32, #tpu.memory_space<vmem>>)
    %dma_wait3A_2169 = arith.constant 101 : i32
    %dma_wait3A_2170 = arith.constant 640 : i32
    %dma_wait3A_2171 = arith.constant 0 : i32
    %dma_wait3A_2172 = tpu.memref_slice %arg6[%dma_wait3A_2170, %dma_wait3A_2171] : memref<1024x32xf32, #tpu.memory_space<vmem>> -> memref<128x32xf32, #tpu.memory_space<vmem>>
    %dma_wait3A_2173 = arith.constant 0 : i32
    %dma_wait3A_2174 = tpu.memref_slice %arg5[%dma_wait3A_2169, %dma_wait3A_2173] : memref<104x128xi32, #tpu.memory_space<vmem>> -> memref<1x128xi32, #tpu.memory_space<vmem>>
    %dma_wait3A_2175 = tpu.memref_squeeze %dma_wait3A_2174 : memref<1x128xi32, #tpu.memory_space<vmem>> -> memref<128xi32, #tpu.memory_space<vmem>>
    %dma_wait3A_2176 = arith.constant 0 : i32
    %dma_wait3A_2177 = arith.constant 0 : i32
    %dma_wait3A_2178 = tpu.memref_slice %arg2[%dma_wait3A_2176, %dma_wait3A_2177] : memref<2600000x32xf32, #tpu.memory_space<hbm>> -> memref<2600000x32xf32, #tpu.memory_space<hbm>>
    tpu.wait_indirect_dma semaphore(%arg8 : memref<!tpu.dma_semaphore, #tpu.memory_space<semaphore_mem>>) src(%dma_wait3A_2178 : memref<2600000x32xf32, #tpu.memory_space<hbm>>) dst(%dma_wait3A_2172 : memref<128x32xf32, #tpu.memory_space<vmem>>)
    %dma_wait3A_2179 = arith.constant 102 : i32
    %dma_wait3A_2180 = arith.constant 768 : i32
    %dma_wait3A_2181 = arith.constant 0 : i32
    %dma_wait3A_2182 = tpu.memref_slice %arg6[%dma_wait3A_2180, %dma_wait3A_2181] : memref<1024x32xf32, #tpu.memory_space<vmem>> -> memref<128x32xf32, #tpu.memory_space<vmem>>
    %dma_wait3A_2183 = arith.constant 0 : i32
    %dma_wait3A_2184 = tpu.memref_slice %arg5[%dma_wait3A_2179, %dma_wait3A_2183] : memref<104x128xi32, #tpu.memory_space<vmem>> -> memref<1x128xi32, #tpu.memory_space<vmem>>
    %dma_wait3A_2185 = tpu.memref_squeeze %dma_wait3A_2184 : memref<1x128xi32, #tpu.memory_space<vmem>> -> memref<128xi32, #tpu.memory_space<vmem>>
    %dma_wait3A_2186 = arith.constant 0 : i32
    %dma_wait3A_2187 = arith.constant 0 : i32
    %dma_wait3A_2188 = tpu.memref_slice %arg2[%dma_wait3A_2186, %dma_wait3A_2187] : memref<2600000x32xf32, #tpu.memory_space<hbm>> -> memref<2600000x32xf32, #tpu.memory_space<hbm>>
    tpu.wait_indirect_dma semaphore(%arg8 : memref<!tpu.dma_semaphore, #tpu.memory_space<semaphore_mem>>) src(%dma_wait3A_2188 : memref<2600000x32xf32, #tpu.memory_space<hbm>>) dst(%dma_wait3A_2182 : memref<128x32xf32, #tpu.memory_space<vmem>>)
    %dma_wait3A_2189 = arith.constant 103 : i32
    %dma_wait3A_2190 = arith.constant 896 : i32
    %dma_wait3A_2191 = arith.constant 0 : i32
    %dma_wait3A_2192 = tpu.memref_slice %arg6[%dma_wait3A_2190, %dma_wait3A_2191] : memref<1024x32xf32, #tpu.memory_space<vmem>> -> memref<128x32xf32, #tpu.memory_space<vmem>>
    %dma_wait3A_2193 = arith.constant 0 : i32
    %dma_wait3A_2194 = tpu.memref_slice %arg5[%dma_wait3A_2189, %dma_wait3A_2193] : memref<104x128xi32, #tpu.memory_space<vmem>> -> memref<1x128xi32, #tpu.memory_space<vmem>>
    %dma_wait3A_2195 = tpu.memref_squeeze %dma_wait3A_2194 : memref<1x128xi32, #tpu.memory_space<vmem>> -> memref<128xi32, #tpu.memory_space<vmem>>
    %dma_wait3A_2196 = arith.constant 0 : i32
    %dma_wait3A_2197 = arith.constant 0 : i32
    %dma_wait3A_2198 = tpu.memref_slice %arg2[%dma_wait3A_2196, %dma_wait3A_2197] : memref<2600000x32xf32, #tpu.memory_space<hbm>> -> memref<2600000x32xf32, #tpu.memory_space<hbm>>
    tpu.wait_indirect_dma semaphore(%arg8 : memref<!tpu.dma_semaphore, #tpu.memory_space<semaphore_mem>>) src(%dma_wait3A_2198 : memref<2600000x32xf32, #tpu.memory_space<hbm>>) dst(%dma_wait3A_2192 : memref<128x32xf32, #tpu.memory_space<vmem>>)
    %add3A_2199 = arith.constant 12288 : i32
    %add3A_2200 = arith.addi %mul3A_2, %add3A_2199 : i32
    %dma_start3A_2201 = arith.constant 0 : i32
    %dma_start3A_2202 = tpu.memref_slice %arg4[%add3A_2200, %dma_start3A_2201] : memref<425984x32xf32, #tpu.memory_space<hbm>> -> memref<1024x32xf32, #tpu.memory_space<hbm>>
    %dma_start3A_2203 = arith.constant 0 : i32
    %dma_start3A_2204 = tpu.memref_slice %arg4[%add3A_2200, %dma_start3A_2203] : memref<425984x32xf32, #tpu.memory_space<hbm>> -> memref<1024x32xf32, #tpu.memory_space<hbm>>
    tpu.enqueue_dma source(%arg6 : memref<1024x32xf32, #tpu.memory_space<vmem>>) target(%dma_start3A_2204 : memref<1024x32xf32, #tpu.memory_space<hbm>>) target_semaphore(%arg10 : memref<!tpu.dma_semaphore, #tpu.memory_space<semaphore_mem>>)
    %dma_wait3A_2205 = arith.constant 0 : i32
    %dma_wait3A_2206 = tpu.memref_slice %arg4[%add3A_2114, %dma_wait3A_2205] : memref<425984x32xf32, #tpu.memory_space<hbm>> -> memref<1024x32xf32, #tpu.memory_space<hbm>>
    %dma_wait3A_2207 = arith.constant 0 : i32
    %dma_wait3A_2208 = tpu.memref_slice %arg4[%add3A_2114, %dma_wait3A_2207] : memref<425984x32xf32, #tpu.memory_space<hbm>> -> memref<1024x32xf32, #tpu.memory_space<hbm>>
    tpu.wait_dma2 semaphore(%arg11 : memref<!tpu.dma_semaphore, #tpu.memory_space<semaphore_mem>>) src(%arg7 : memref<1024x32xf32, #tpu.memory_space<vmem>>) dst(%dma_wait3A_2208 : memref<1024x32xf32, #tpu.memory_space<hbm>>)
    %dma_wait3A_2209 = arith.constant 0 : i32
    %dma_wait3A_2210 = tpu.memref_slice %arg4[%add3A_2200, %dma_wait3A_2209] : memref<425984x32xf32, #tpu.memory_space<hbm>> -> memref<1024x32xf32, #tpu.memory_space<hbm>>
    %dma_wait3A_2211 = arith.constant 0 : i32
    %dma_wait3A_2212 = tpu.memref_slice %arg4[%add3A_2200, %dma_wait3A_2211] : memref<425984x32xf32, #tpu.memory_space<hbm>> -> memref<1024x32xf32, #tpu.memory_space<hbm>>
    tpu.wait_dma2 semaphore(%arg10 : memref<!tpu.dma_semaphore, #tpu.memory_space<semaphore_mem>>) src(%arg6 : memref<1024x32xf32, #tpu.memory_space<vmem>>) dst(%dma_wait3A_2212 : memref<1024x32xf32, #tpu.memory_space<hbm>>)
    return
  }
}

</mosaic_0001>

<sc_bundles>
// kernel: kernel.3.cloned.1.call-start
scs
__scs_entry_jumppad:
0x0: {  	(pc) =	sbr.rel $0x88, $3  }
0x1: {  	(tag) =	ssettag $0x0;
	lr =	simm.s32 $0x1  }
0x2: {  	[smem:$0x3F9F] =	sst lr;
	_ =	strace $0xD0000000  }
0x3: {  	_ = 	snop  }
0x4: {  	_ = 	snop  }
0x5: {  	_ = 	snop  }
0x6: {  	_ = 	snop  }
0x7: {  	_ = 	snop  }
__scs_overlays_trampoline_lowered:
0x8: {  	[smem:$0x3FAE] =	sst s0  }
0x9: {  	[smem:$0x3FAF] =	sst s1  }
0xa: {  	[smem:$0x3FB0] =	sst s2  }
0xb: {  	[smem:$0x3FB1] =	sst s3  }
0xc: {  	[smem:$0x3FB2] =	sst s4  }
0xd: {  	[smem:$0x3FB3] =	sst s5  }
0xe: {  	[smem:$0x3FB4] =	sst s6  }
0xf: {  	[smem:$0x3FB5] =	sst s7  }
0x10: {  	[smem:$0x3FB6] =	sst s8  }
0x11: {  	[smem:$0x3FB7] =	sst s9;
	s0 =	simm.s32 @!p0 $0x0  }
0x12: {  	s1 =	sld [smem:$0x3F9D];
	s0 =	simm.s32 @p0 $0x1  }
0x13: {  	[smem:$0x3FB8] =	sst s0;
	s0 =	simm.s32 @!p1 $0x0  }
0x14: {  	s2 =	sld [smem:$0x3F9C];
	s0 =	simm.s32 @p1 $0x1  }
0x15: {  	[smem:$0x3FB9] =	sst s0;
	s0 =	simm.s32 @!p2 $0x0  }
0x16: {  	s3 =	sld [smem:$0x3FDB];
	s0 =	simm.s32 @p2 $0x1  }
0x17: {  	s4 =	simm.s32 $0x1BF5;
	[smem:$0x3FBB] =	sst s0  }
0x18: {  	s0 =	sld [smem:$0x3F9E];
	_ =	swait.ge [sflag:s4], $0x0  }
0x19: {  	s7 =	sld [smem:$0x3F9F]  }
0x1a: {  	s8 =	sadd.s32 $0xFFFFE003, lr  }
0x1b: {  	s9 =	sadd.s32 $0xFFFFFEF7, lr;
	s5 =	simm.s32 $0xFFFFFFFF;
	p2 =	slt.u32 s8, $0xFFFFF086  }
0x1c: {  	p1 =	slt.u32 s9, $0xF7A;
	s5 =	simm.s32 @!p2 $0x0  }
0x1d: {  	s5 =	simm.s32 @p1 $0x1;
	p0 =	seq.s32 s7, s2  }
0x1e: {  	s7 =	smul.u32 @!p0 $0xF7A, s2;
	p2 =	seq.s32 @!p0 s5, $0x0  }
0x1f: {  	s9 =	smul.u32 $0xF7A, s1;
	s8 =	simm.s32 @!p0 $0x1BF5;
	p2 =	por !p2, p0  }
0x20: {  	[sflag:s8] =	ssyncset.s32 @!p0 $0xFFFFF086;
	s6 =	sadd.s32 @!p0 s3, s7;
	s7 =	simm.s32 @!p0 $0x108  }
0x21: {  	s3 =	sadd.s32 s3, s9;
	s6 =	sadd.s32 @!p0 $0x88, s6;
	s7 =	simm.s32 @p2 $0x1082  }
0x22: {  	[simem:s7], [sflag:s8] =	dma.local @!p0 [hbm:s6], $0xF7A  }
0x23: {  	s9 =	sor.u32 $0xD0000000, s2;
	s6 =	simm.s32 $0x108;
	_ =	swait.ge @!p0 [sflag:s8], $0x0  }
0x24: {  	s3 =	sadd.s32 $0x88, s3;
	s6 =	simm.s32 @!p1 $0x1082;
	[sflag:s4] =	ssyncset.s32 $0xFFFFF086  }
0x25: {  	[simem:s6], [sflag:s4] =	dma.local [hbm:s3], $0xF7A  }
0x26: {  	[smem:$0x3F9F] =	sst s1;
	(tag) =	ssettag s2;
	_ =	strace s9  }
0x27: {  	s1 =	sld [smem:$0x3FAF]  }
0x28: {  	s2 =	sld [smem:$0x3FB0]  }
0x29: {  	s4 =	sld [smem:$0x3FB2]  }
0x2a: {  	p0 =	seq.s32 s5, $0x0;
	s5 =	sld [smem:$0x3FB3]  }
0x2b: {  	s6 =	sld [smem:$0x3FB4]  }
0x2c: {  	s7 =	sld [smem:$0x3FB5]  }
0x2d: {  	s3 =	simm.s32 $0x108;
	s8 =	sld [smem:$0x3FB6]  }
0x2e: {  	s3 =	simm.s32 @!p0 $0x1082;
	s9 =	sld [smem:$0x3FB7]  }
0x2f: {  	lr =	sadd.s32 s0, s3;
	s0 =	sld [smem:$0x3FAE]  }
0x30: {  	s3 =	sld [smem:$0x3FB1]  }
0x31: {  	[smem:$0x3FBA] =	sst s10  }
0x32: {  	s10 =	sld [smem:$0x3FB8];
	_ =	sdelay $0x3  }
0x33: {  	p0 =	seq.s32 s10, $0x1;
	s10 =	sld [smem:$0x3FBA];
	_ =	sdelay $0x3  }
0x34: {  	[smem:$0x3FBA] =	sst s10  }
0x35: {  	s10 =	sld [smem:$0x3FB9];
	_ =	sdelay $0x3  }
0x36: {  	p1 =	seq.s32 s10, $0x1;
	s10 =	sld [smem:$0x3FBA];
	_ =	sdelay $0x3  }
0x37: {  	[smem:$0x3FBA] =	sst s10  }
0x38: {  	s10 =	sld [smem:$0x3FBB]  }
0x39: {  	_ = 	snop;
	(pc) =	sbr.ind lr, $3  }
0x3a: {  	_ = 	snop  }
0x3b: {  	_ = 	snop  }
0x3c: {  	p2 =	seq.s32 s10, $0x1;
	s10 =	sld [smem:$0x3FBA]  }
0x3d: {  	_ =	shalt  }
0x3e: {  	_ =	shalt  }
0x3f: {  	_ =	shalt  }
0x40: {  	_ =	shalt  }
0x41: {  	_ =	shalt  }
0x42: {  	_ =	shalt  }
0x43: {  	_ =	shalt  }
0x44: {  	_ =	shalt  }
0x45: {  	_ =	shalt  }
0x46: {  	_ =	shalt  }
0x47: {  	_ =	shalt  }
0x48: {  	_ =	shalt  }
0x49: {  	_ =	shalt  }
0x4a: {  	_ =	shalt  }
0x4b: {  	_ =	shalt  }
0x4c: {  	_ =	shalt  }
0x4d: {  	_ =	shalt  }
0x4e: {  	_ =	shalt  }
0x4f: {  	_ =	shalt  }
0x50: {  	_ =	shalt  }
0x51: {  	_ =	shalt  }
0x52: {  	_ =	shalt  }
0x53: {  	_ =	shalt  }
0x54: {  	_ =	shalt  }
0x55: {  	_ =	shalt  }
0x56: {  	_ =	shalt  }
0x57: {  	_ =	shalt  }
0x58: {  	_ =	shalt  }
0x59: {  	_ =	shalt  }
0x5a: {  	_ =	shalt  }
0x5b: {  	_ =	shalt  }
0x5c: {  	_ =	shalt  }
0x5d: {  	_ =	shalt  }
0x5e: {  	_ =	shalt  }
0x5f: {  	_ =	shalt  }
0x60: {  	_ =	shalt  }
0x61: {  	_ =	shalt  }
0x62: {  	_ =	shalt  }
0x63: {  	_ =	shalt  }
0x64: {  	_ =	shalt  }
0x65: {  	_ =	shalt  }
0x66: {  	_ =	shalt  }
0x67: {  	_ =	shalt  }
0x68: {  	_ =	shalt  }
0x69: {  	_ =	shalt  }
0x6a: {  	_ =	shalt  }
0x6b: {  	_ =	shalt  }
0x6c: {  	_ =	shalt  }
0x6d: {  	_ =	shalt  }
0x6e: {  	_ =	shalt  }
0x6f: {  	_ =	shalt  }
0x70: {  	_ =	shalt  }
0x71: {  	_ =	shalt  }
0x72: {  	_ =	shalt  }
0x73: {  	_ =	shalt  }
0x74: {  	_ =	shalt  }
0x75: {  	_ =	shalt  }
0x76: {  	_ =	shalt  }
0x77: {  	_ =	shalt  }
0x78: {  	_ =	shalt  }
0x79: {  	_ =	shalt  }
0x7a: {  	_ =	shalt  }
0x7b: {  	_ =	shalt  }
0x7c: {  	_ =	shalt  }
0x7d: {  	_ =	shalt  }
0x7e: {  	_ =	shalt  }
0x7f: {  	_ =	shalt  }
0x80: {  	_ =	shalt  }
0x81: {  	_ =	shalt  }
0x82: {  	_ =	shalt  }
0x83: {  	_ =	shalt  }
0x84: {  	_ =	shalt  }
0x85: {  	_ =	shalt  }
0x86: {  	_ =	shalt  }
0x87: {  	_ =	shalt  }
.Lfunc_end0:
.L_simem_size_0:
called_computation.1_lowered:
.L_overlay_start_0:
0x88: {  	s2 =	sld [smem:$0x3FD9]  }
0x89: {  	s3 =	sld [smem:$0x3FFE];
	_ =	sdelay $0x1  }
0x8a: {  	s1 =	srdreg.scid  }
0x8b: {  	s0 =	sand.u32 $0x1, s1  }
0x8c: {  	s17 =	sshll.u32 s0, $0xA;
	s2 =	sadd.s32 s3, s2  }
0x8d: {  	s2 =	sadd.s32 s2, s17  }
0x8e: {  	[smem:$0x3FC6] =	sst s2  }
0x8f: {  	_ = 	snop  }
0x90: {  	s2 =	sld [smem:$0x3FD0];
	(tm) =	ssettm $0x1  }
0x91: {  	s18 =	sld [smem:$0x3FFB];
	_ =	sdelay $0x3  }
0x92: {  	_ =	strace s18  }
0x93: {  	s3 =	sld [smem:$0x3FFC];
	_ =	sdelay $0x3  }
0x94: {  	_ =	strace s3  }
0x95: {  	s3 =	sld [smem:$0x3FFD];
	_ =	sdelay $0x3  }
0x96: {  	_ =	strace s3  }
0x97: {  	_ =	strace $0x8FFFFFFF  }
0x98: {  	s19 =	sld [smem:$0x3FDB];
	_ =	sdelay $0x1  }
0x99: {  	s4 =	simm.s32 $_scs_section_size  }
0x9a: {  	s5 =	simm.s32 $_size__tile_overlayer_lowered;
	s6 =	simm.s32 $_tile_overlayer_lowered  }
0x9b: {  	s22 =	simm.s32 $0x1BFF;
	s21 =	sshll.u32 s6, $0x1;
	s3 =	sadd.s32 s4, s19  }
0x9c: {  	s7 =	simm.s32 $0x0;
	s20 =	sshll.u32 s5, $0x1;
	s5 =	sadd.s32 s21, s3  }
0x9d: {  	[timem:s7], [sflag:s22] =	dma.local [hbm:s5], s20  }
0x9e: {  	_ =	swait.ge [sflag:s22], s20  }
0x9f: {  	s4 =	ssub.s32 $0x0, s20;
	[sflag:s22] =	ssyncset.done $0x0  }
0xa0: {  	[sflag:s22] =	ssyncadd.s32 s4;
	_ =	sdelay $0x1  }
0xa1: {  	s23 =	simm.s32 $0x1B8B  }
0xa2: {  	_ =	swait.ge [sflag:s23], $0x1  }
0xa3: {  	[sflag:s23] =	ssyncset.done $0x0  }
0xa4: {  	s25 =	simm.s32 $0x1B8E;
	s24 =	sld [smem:$0x3FFE];
	[sflag:s23] =	ssyncadd.s32 $0xFFFFFFFF  }
0xa5: {  	s26 =	simm.s32 $execute0_lowered;
	[smem:$0x3FD2] =	sst s25  }
0xa6: {  	s5 =	sshll.u32 s26, $0x1;
	_ =	strace $0x80000046;
	[dreg:$0x1] =	wrdreg $0xFFFFFFFF  }
0xa7: {  	s28 =	simm.s32 $_size_execute0_lowered;
	s3 =	sadd.s32 s3, s5;
	[dreg:$0x0] =	wrdreg $0x0  }
0xa8: {  	s5 =	sshll.u32 s28, $0x1;
	[dreg:$0x2] =	wrdreg s3  }
0xa9: {  	[dreg:$0x3] =	wrdreg s5  }
0xaa: {  	[dreg:$0x4] =	wrdreg $0xC0  }
0xab: {  	_ =	task [dreg:s7], $0x5FFFF  }
0xac: {  	[dreg:$0x1] =	wrdreg $0xFFFFFFFF  }
0xad: {  	[dreg:$0x0] =	wrdreg $0x60  }
0xae: {  	[dreg:$0x2] =	wrdreg s24  }
0xaf: {  	[dreg:$0x3] =	wrdreg s2  }
0xb0: {  	[dreg:$0x4] =	wrdreg $0x9  }
0xb1: {  	_ =	task.clear_ibuf [dreg:s7], $0x5FFFF;
	_ =	strace $0x90000046  }
0xb2: {  	s29 =	simm.s32 $0x9;
	_ =	strace $0x80000048  }
0xb3: {  	_ =	swait.ge [sflag:s29], $0x1  }
0xb4: {  	[sflag:s29] =	ssyncadd.s32 $0xFFFFFFFF  }
0xb5: {  	_ =	strace $0x90000048  }
0xb6: {  	_ =	sfence  }
0xb7: {  	s30 =	sld [smem:$0x0];
	_ =	sdelay $0x2  }
0xb8: {  	s31 =	sshll.u32 s1, $0xD;
	s1 =	sshrl.u32 s1, $0x2  }
0xb9: {  	s3 =	sand.u32 $0x4000, s31;
	s1 =	sadd.s32 s1, s30  }
0xba: {  	s0 =	sor.u32 s3, s0;
	s1 =	sshll.u32 s1, $0x11  }
0xbb: {  	s0 =	sor.u32 s1, s0  }
0xbc: {  	s0 =	sadd.s32 $0x8F2B, s0  }
0xbd: {  	[sflag:s0] =	ssyncadd.remote.s32 $0x1  }
0xbe: {  	_ =	sfence.sel $0xFFFF  }
0xbf: {  	[dreg:$0x0] =	wrdreg $0xFFFFFFFF;
	(pc) =	sbr.abs _section_cstart, $3  }
0xc0: {  	[dreg:$0x1] =	wrdreg $0xFFFFFFFF  }
0xc1: {  	_ =	task.clear_ibuf [dreg:s7], $0x2FFFF;
	_ =	strace $0x9FFFFFFF  }
0xc2: {  	(tm) =	ssettm $0x7FFFFFFF  }
0xc3: {  	_ =	shalt  }
tec
execute0_lowered:
.L_overlay_start_1:
0x0: {  	(tag) =	ssettag $0x1  }
0x1: {  	s3 =	rddreg [dreg:$0x0]  }
0x2: {  	s4 =	rddreg [dreg:$0x1];
	s2 =	simm.s32 $0x0  }
0x3: {  	s25 =	simm.s32 $0x100;
	[smem:$0x7FF] =	sst s2  }
0x4: {  	s26 =	simm.s32 $0x180;
	_ =	strace $0x80000047;
	[dreg:$0x11] =	wrdreg s25  }
0x5: {  	s0 =	srdreg.scid;
	s7 =	simm.s32 $0x380;
	[dreg:$0x12] =	wrdreg s26  }
0x6: {  	s18 =	stileid.u32;
	s8 =	simm.s32 $0x400;
	[dreg:$0x16] =	wrdreg s7  }
0x7: {  	s9 =	simm.s32 $0x480;
	s10 =	simm.s32 $0x500;
	[dreg:$0x17] =	wrdreg s8  }
0x8: {  	s1 =	sand.u32 $0x1, s0;
	s11 =	sshll.u32 s18, $0x1;
	[dreg:$0x18] =	wrdreg s9  }
0x9: {  	s0 =	sor.u32 s1, s11;
	[dreg:$0x19] =	wrdreg s10;
	s11 =	simm.s32 $0x580  }
0xa: {  	s25 =	simm.s32 $0xC00;
	[dreg:$0x1a] =	wrdreg s11  }
0xb: {  	s26 =	simm.s32 $0xC80;
	[smem:$0x7B3] =	sst s25  }
0xc: {  	s7 =	simm.s32 $0xE80;
	[smem:$0x7B4] =	sst s26  }
0xd: {  	s8 =	simm.s32 $0xF00;
	[smem:$0x7B8] =	sst s7  }
0xe: {  	s9 =	simm.s32 $0xF80;
	[smem:$0x7B9] =	sst s8  }
0xf: {  	s10 =	simm.s32 $0x1000;
	[smem:$0x7BA] =	sst s9  }
0x10: {  	[smem:$0x7BB] =	sst s10;
	s11 =	simm.s32 $0x1080  }
0x11: {  	s25 =	simm.s32 $0x1700;
	[smem:$0x7BC] =	sst s11  }
0x12: {  	s26 =	simm.s32 $0x1780;
	[smem:$0x7C9] =	sst s25  }
0x13: {  	s7 =	simm.s32 $0x1980;
	[smem:$0x7CA] =	sst s26  }
0x14: {  	s8 =	simm.s32 $0x1A00;
	[smem:$0x7CE] =	sst s7  }
0x15: {  	s9 =	simm.s32 $0x1A80;
	[smem:$0x7CF] =	sst s8  }
0x16: {  	s10 =	simm.s32 $0x1B00;
	[smem:$0x7D0] =	sst s9  }
0x17: {  	[smem:$0x7D1] =	sst s10;
	s11 =	simm.s32 $0x1B80  }
0x18: {  	s25 =	simm.s32 $0x2200;
	[smem:$0x7D2] =	sst s11  }
0x19: {  	s5 =	smul.u32 $0x680, s0;
	s26 =	simm.s32 $0x2280;
	[smem:$0x7DF] =	sst s25  }
0x1a: {  	s6 =	smul.u32 $0x68000, s0;
	s7 =	simm.s32 $0x2480;
	[smem:$0x7E0] =	sst s26  }
0x1b: {  	s0 =	smul.u32 $0xD000, s0;
	s8 =	simm.s32 $0x2500;
	[smem:$0x7E4] =	sst s7  }
0x1c: {  	s9 =	simm.s32 $0x2580;
	[smem:$0x7E5] =	sst s8  }
0x1d: {  	s0 =	sadd.s32 s4, s0;
	[smem:$0x7E6] =	sst s9  }
0x1e: {  	s11 =	simm.s32 $0x2600;
	[dreg:$0x4] =	wrdreg s0  }
0x1f: {  	s25 =	simm.s32 $0x2C80;
	[smem:$0x7E7] =	sst s11  }
0x20: {  	s26 =	simm.s32 $0x2D00;
	[smem:$0x7F4] =	sst s25  }
0x21: {  	s7 =	simm.s32 $0x2E00;
	[smem:$0x7F5] =	sst s26  }
0x22: {  	s5 =	sadd.s32 s5, s3;
	s9 =	simm.s32 $0x2E80;
	[smem:$0x7F7] =	sst s7  }
0x23: {  	s6 =	sshrl.u32 s6, $0x3;
	s5 =	sadd.s32 $0xC00, s5;
	[smem:$0x7F8] =	sst s9  }
0x24: {  	s4 =	sadd.s32 s4, s6;
	s6 =	simm.s32 $0x300;
	[dreg:$0x3] =	wrdreg s5  }
0x25: {  	s12 =	sadd.s32 $0x1000, s4;
	[dreg:$0x15] =	wrdreg s6  }
0x26: {  	s13 =	sadd.s32 $0x2000, s4;
	[dreg:$0x5] =	wrdreg s12  }
0x27: {  	s14 =	sadd.s32 $0x3000, s4;
	[dreg:$0x6] =	wrdreg s13  }
0x28: {  	s15 =	sadd.s32 $0x4000, s4;
	[dreg:$0x7] =	wrdreg s14  }
0x29: {  	s16 =	sadd.s32 $0x5000, s4;
	[dreg:$0x8] =	wrdreg s15  }
0x2a: {  	s17 =	sadd.s32 $0x6000, s4;
	[dreg:$0x9] =	wrdreg s16  }
0x2b: {  	s19 =	sadd.s32 $0x7000, s4;
	[dreg:$0xa] =	wrdreg s17  }
0x2c: {  	s20 =	sadd.s32 $0x8000, s4;
	[dreg:$0xb] =	wrdreg s19  }
0x2d: {  	s21 =	sadd.s32 $0x9000, s4;
	[dreg:$0xc] =	wrdreg s20  }
0x2e: {  	s22 =	sadd.s32 $0xA000, s4;
	[dreg:$0xd] =	wrdreg s21  }
0x2f: {  	s23 =	sadd.s32 $0xB000, s4;
	[dreg:$0xe] =	wrdreg s22  }
0x30: {  	s24 =	sadd.s32 $0xC000, s4;
	[dreg:$0xf] =	wrdreg s23  }
0x31: {  	s4 =	simm.s32 $0x200;
	[dreg:$0x10] =	wrdreg s24  }
0x32: {  	s5 =	simm.s32 $0x280;
	[dreg:$0x13] =	wrdreg s4  }
0x33: {  	s6 =	simm.s32 $0xE00;
	[dreg:$0x14] =	wrdreg s5  }
0x34: {  	[smem:$0x7B7] =	sst s6  }
0x35: {  	s12 =	simm.s32 $0x600;
	s0 =	rddreg [dreg:$0x3]  }
0x36: {  	s13 =	simm.s32 $0x680;
	[dreg:$0x1b] =	wrdreg s12  }
0x37: {  	s14 =	simm.s32 $0x700;
	[dreg:$0x1c] =	wrdreg s13  }
0x38: {  	s15 =	simm.s32 $0x780;
	[dreg:$0x1d] =	wrdreg s14  }
0x39: {  	s16 =	simm.s32 $0x800;
	[dreg:$0x1e] =	wrdreg s15  }
0x3a: {  	s17 =	simm.s32 $0x880;
	[dreg:$0x1f] =	wrdreg s16  }
0x3b: {  	s19 =	simm.s32 $0x900;
	[smem:$0x7AC] =	sst s17  }
0x3c: {  	s20 =	simm.s32 $0x980;
	[smem:$0x7AD] =	sst s19  }
0x3d: {  	s21 =	simm.s32 $0xA00;
	[smem:$0x7AE] =	sst s20  }
0x3e: {  	s22 =	simm.s32 $0xA80;
	[smem:$0x7AF] =	sst s21  }
0x3f: {  	s23 =	simm.s32 $0xB00;
	[smem:$0x7B0] =	sst s22  }
0x40: {  	s24 =	simm.s32 $0xB80;
	[smem:$0x7B1] =	sst s23  }
0x41: {  	s4 =	simm.s32 $0xD00;
	[smem:$0x7B2] =	sst s24  }
0x42: {  	s5 =	simm.s32 $0xD80;
	[smem:$0x7B5] =	sst s4  }
0x43: {  	s6 =	simm.s32 $0x1900;
	[smem:$0x7B6] =	sst s5  }
0x44: {  	s12 =	simm.s32 $0x1100;
	[smem:$0x7CD] =	sst s6  }
0x45: {  	s13 =	simm.s32 $0x1180;
	[smem:$0x7BD] =	sst s12  }
0x46: {  	s14 =	simm.s32 $0x1200;
	[smem:$0x7BE] =	sst s13  }
0x47: {  	s15 =	simm.s32 $0x1280;
	[smem:$0x7BF] =	sst s14  }
0x48: {  	s16 =	simm.s32 $0x1300;
	[smem:$0x7C0] =	sst s15  }
0x49: {  	s17 =	simm.s32 $0x1380;
	[smem:$0x7C1] =	sst s16  }
0x4a: {  	s19 =	simm.s32 $0x1400;
	[smem:$0x7C2] =	sst s17  }
0x4b: {  	s20 =	simm.s32 $0x1480;
	[smem:$0x7C3] =	sst s19  }
0x4c: {  	s21 =	simm.s32 $0x1500;
	[smem:$0x7C4] =	sst s20  }
0x4d: {  	s22 =	simm.s32 $0x1580;
	[smem:$0x7C5] =	sst s21  }
0x4e: {  	s23 =	simm.s32 $0x1600;
	[smem:$0x7C6] =	sst s22  }
0x4f: {  	s24 =	simm.s32 $0x1680;
	[smem:$0x7C7] =	sst s23  }
0x50: {  	s4 =	simm.s32 $0x1800;
	[smem:$0x7C8] =	sst s24  }
0x51: {  	s5 =	simm.s32 $0x1880;
	[smem:$0x7CB] =	sst s4  }
0x52: {  	s6 =	simm.s32 $0x2400;
	[smem:$0x7CC] =	sst s5  }
0x53: {  	s12 =	simm.s32 $0x1C00;
	[smem:$0x7E3] =	sst s6  }
0x54: {  	s13 =	simm.s32 $0x1C80;
	[smem:$0x7D3] =	sst s12  }
0x55: {  	s31 =	simm.s32 $0x5;
	s14 =	simm.s32 $0x1D00;
	[smem:$0x7D4] =	sst s13  }
0x56: {  	s28 =	simm.s32 $0x10400;
	s15 =	simm.s32 $0x1D80;
	[smem:$0x7D5] =	sst s14  }
0x57: {  	s29 =	simm.s32 $0x11400;
	s16 =	simm.s32 $0x1E00;
	[smem:$0x7D6] =	sst s15  }
0x58: {  	s30 =	simm.s32 $0x12400;
	s17 =	simm.s32 $0x1E80;
	[smem:$0x7D7] =	sst s16  }
0x59: {  	p0 =	por $0x0, $0x0;
	s19 =	simm.s32 $0x1F00;
	[smem:$0x7D8] =	sst s17  }
0x5a: {  	s1 =	ssub.s32 $0x2, s1;
	s20 =	simm.s32 $0x1F80;
	[smem:$0x7D9] =	sst s19  }
0x5b: {  	s10 =	sshrl.u32 s1, $0x1;
	s21 =	simm.s32 $0x2000;
	[smem:$0x7DA] =	sst s20  }
0x5c: {  	s1 =	ssub.s32 s1, s10;
	s22 =	simm.s32 $0x2080;
	[smem:$0x7DB] =	sst s21  }
0x5d: {  	s10 =	simm.s32 $0x4400;
	s23 =	simm.s32 $0x2100;
	[smem:$0x7DC] =	sst s22  }
0x5e: {  	s8 =	simm.s32 $0xB400;
	s24 =	simm.s32 $0x2180;
	[smem:$0x7DD] =	sst s23  }
0x5f: {  	s1 =	smax.u32 s1, $0x1;
	s4 =	simm.s32 $0x2300;
	[smem:$0x7DE] =	sst s24  }
0x60: {  	s11 =	simm.s32 $0x5400;
	s5 =	simm.s32 $0x2380;
	[smem:$0x7E1] =	sst s4  }
0x61: {  	s25 =	simm.s32 $0xE400;
	[smem:$0x7E2] =	sst s5;
	s12 =	simm.s32 $0x2680  }
0x62: {  	s26 =	simm.s32 $0xF400;
	s13 =	simm.s32 $0x2700;
	[smem:$0x7E8] =	sst s12  }
0x63: {  	s7 =	simm.s32 $0x1;
	s14 =	simm.s32 $0x2780;
	[smem:$0x7E9] =	sst s13  }
0x64: {  	s9 =	simm.s32 $0x4;
	s15 =	simm.s32 $0x2800;
	[smem:$0x7EA] =	sst s14  }
0x65: {  	p1 =	sne.s32 s1, $0x1;
	s16 =	simm.s32 $0x2880;
	[smem:$0x7EB] =	sst s15  }
0x66: {  	s1 =	sadd.s32 $0xFFFFFFFF, s1;
	s17 =	simm.s32 $0x2900;
	[smem:$0x7EC] =	sst s16  }
0x67: {  	s6 =	simm.s32 $0x80;
	s19 =	simm.s32 $0x2980;
	[smem:$0x7ED] =	sst s17  }
0x68: {  	s4 =	sadd.s32 $0x27AD000, s3;
	s20 =	simm.s32 $0x2A00;
	[smem:$0x7EE] =	sst s19  }
0x69: {  	s3 =	simm.s32 $0x3400;
	s21 =	simm.s32 $0x2A80;
	[smem:$0x7EF] =	sst s20  }
0x6a: {  	s22 =	simm.s32 $0x2B00;
	s23 =	simm.s32 $0x2B80;
	[smem:$0x7F0] =	sst s21  }
0x6b: {  	s24 =	simm.s32 $0x2C00;
	s5 =	simm.s32 $0x2D80;
	[smem:$0x7F1] =	sst s22  }
0x6c: {  	s12 =	simm.s32 $0x6400;
	s13 =	simm.s32 $0x7400;
	[smem:$0x7F2] =	sst s23  }
0x6d: {  	s14 =	simm.s32 $0x8400;
	s15 =	simm.s32 $0x9400;
	[smem:$0x7F3] =	sst s24  }
0x6e: {  	s16 =	simm.s32 $0xA400;
	[smem:$0x7F6] =	sst s5;
	s17 =	simm.s32 $0x2F00  }
0x6f: {  	s23 =	simm.s32 $0xC400;
	s19 =	simm.s32 $0x2F80;
	[smem:$0x7F9] =	sst s17  }
.Ltmp0:
0x70: {  	s20 =	simm.s32 $0x3000;
	[smem:$0x7FA] =	sst s19;
	(pc) =	sbr.rel @!p1 .LBB2_1-.Ltmp0, $4  }
0x71: {  	s24 =	simm.s32 $0xD400;
	s21 =	simm.s32 $0x3080;
	[smem:$0x7FB] =	sst s20  }
0x72: {  	s5 =	simm.s32 $0x3;
	s22 =	simm.s32 $0x3100;
	[smem:$0x7FC] =	sst s21  }
0x73: {  	[smem:$0x7FD] =	sst s22;
	s17 =	simm.s32 $0x2;
	s20 =	simm.s32 $0x3200  }
0x74: {  	s21 =	simm.s32 $0x3280;
	s22 =	simm.s32 $0x3300;
	s19 =	simm.s32 $0x3380  }
0x75: {  	[tilespmem:s2], [sflag:$0x5] =	stream.linear.gather [hbm4b:s0+s2], $0x3400, $0x38;
	[tilespmem:$0x13400] =	vst v63  }
0x76: {  	_ =	swait.ge [sflag:s31], $0x3400  }
0x77: {  	[sflag:s31] =	ssyncset.done $0x0  }
0x78: {  	[sflag:s31] =	ssyncadd.s32 $0xFFFFCC00  }
0x79: {  	[tilespmem:s3], [sflag:$0x1] =	stream.indirect.gather [hbm4b:s4+s6], $0x20, s2, s6, $0xb8;
	[tilespmem:$0x13400] =	vst v63  }
0x7a: {  	_ = 	snop  }
0x7b: {  	[tilespmem:s10], [sflag:$0x1] =	stream.indirect.gather [hbm4b:s4+s6], $0x20, s6, s6, $0xb8;
	[tilespmem:$0x13400] =	vst v63  }
0x7c: {  	s0 =	rddreg [dreg:$0x11]  }
0x7d: {  	[tilespmem:s11], [sflag:$0x1] =	stream.indirect.gather [hbm4b:s4+s6], $0x20, s0, s6, $0xb8;
	[tilespmem:$0x13400] =	vst v63  }
0x7e: {  	s18 =	smov.u32 s1;
	s1 =	rddreg [dreg:$0x12]  }
0x7f: {  	[tilespmem:s12], [sflag:$0x1] =	stream.indirect.gather [hbm4b:s4+s6], $0x20, s1, s6, $0xb8;
	[tilespmem:$0x13400] =	vst v63  }
0x80: {  	s0 =	rddreg [dreg:$0x13]  }
0x81: {  	[tilespmem:s13], [sflag:$0x1] =	stream.indirect.gather [hbm4b:s4+s6], $0x20, s0, s6, $0xb8;
	[tilespmem:$0x13400] =	vst v63  }
0x82: {  	s1 =	rddreg [dreg:$0x14]  }
0x83: {  	[tilespmem:s14], [sflag:$0x1] =	stream.indirect.gather [hbm4b:s4+s6], $0x20, s1, s6, $0xb8;
	[tilespmem:$0x13400] =	vst v63  }
0x84: {  	s0 =	rddreg [dreg:$0x15]  }
0x85: {  	[tilespmem:s15], [sflag:$0x1] =	stream.indirect.gather [hbm4b:s4+s6], $0x20, s0, s6, $0xb8;
	[tilespmem:$0x13400] =	vst v63  }
0x86: {  	s1 =	rddreg [dreg:$0x16]  }
0x87: {  	[tilespmem:s16], [sflag:$0x1] =	stream.indirect.gather [hbm4b:s4+s6], $0x20, s1, s6, $0xb8;
	[tilespmem:$0x13400] =	vst v63  }
0x88: {  	s0 =	rddreg [dreg:$0x17]  }
0x89: {  	[tilespmem:s8], [sflag:$0x2] =	stream.indirect.gather [hbm4b:s4+s6], $0x20, s0, s6, $0xb8;
	[tilespmem:$0x13400] =	vst v63  }
0x8a: {  	s1 =	rddreg [dreg:$0x18]  }
0x8b: {  	[tilespmem:s23], [sflag:$0x2] =	stream.indirect.gather [hbm4b:s4+s6], $0x20, s1, s6, $0xb8;
	[tilespmem:$0x13400] =	vst v63  }
0x8c: {  	s0 =	rddreg [dreg:$0x19]  }
0x8d: {  	[tilespmem:s24], [sflag:$0x2] =	stream.indirect.gather [hbm4b:s4+s6], $0x20, s0, s6, $0xb8;
	[tilespmem:$0x13400] =	vst v63  }
0x8e: {  	s1 =	rddreg [dreg:$0x1a]  }
0x8f: {  	[tilespmem:s25], [sflag:$0x2] =	stream.indirect.gather [hbm4b:s4+s6], $0x20, s1, s6, $0xb8;
	[tilespmem:$0x13400] =	vst v63  }
0x90: {  	s0 =	rddreg [dreg:$0x1b]  }
0x91: {  	[tilespmem:s26], [sflag:$0x2] =	stream.indirect.gather [hbm4b:s4+s6], $0x20, s0, s6, $0xb8;
	[tilespmem:$0x13400] =	vst v63  }
0x92: {  	s1 =	rddreg [dreg:$0x1c]  }
0x93: {  	[tilespmem:s28], [sflag:$0x2] =	stream.indirect.gather [hbm4b:s4+s6], $0x20, s1, s6, $0xb8;
	[tilespmem:$0x13400] =	vst v63  }
0x94: {  	s0 =	rddreg [dreg:$0x1d]  }
0x95: {  	[tilespmem:s29], [sflag:$0x2] =	stream.indirect.gather [hbm4b:s4+s6], $0x20, s0, s6, $0xb8;
	[tilespmem:$0x13400] =	vst v63  }
0x96: {  	s1 =	rddreg [dreg:$0x1e]  }
0x97: {  	[tilespmem:s30], [sflag:$0x2] =	stream.indirect.gather [hbm4b:s4+s6], $0x20, s1, s6, $0xb8;
	[tilespmem:$0x13400] =	vst v63  }
0x98: {  	_ =	swait.ge [sflag:s7], $0x1000  }
0x99: {  	[sflag:s7] =	ssyncset.done $0x0  }
0x9a: {  	[sflag:s7] =	ssyncadd.s32 $0xFFFFF000  }
0x9b: {  	_ =	swait.ge [sflag:s7], $0x1000  }
0x9c: {  	[sflag:s7] =	ssyncset.done $0x0  }
0x9d: {  	[sflag:s7] =	ssyncadd.s32 $0xFFFFF000  }
0x9e: {  	_ =	swait.ge [sflag:s7], $0x1000  }
0x9f: {  	[sflag:s7] =	ssyncset.done $0x0  }
0xa0: {  	[sflag:s7] =	ssyncadd.s32 $0xFFFFF000  }
0xa1: {  	_ =	swait.ge [sflag:s7], $0x1000  }
0xa2: {  	[sflag:s7] =	ssyncset.done $0x0  }
0xa3: {  	[sflag:s7] =	ssyncadd.s32 $0xFFFFF000  }
0xa4: {  	_ =	swait.ge [sflag:s7], $0x1000  }
0xa5: {  	[sflag:s7] =	ssyncset.done $0x0  }
0xa6: {  	[sflag:s7] =	ssyncadd.s32 $0xFFFFF000  }
0xa7: {  	_ =	swait.ge [sflag:s7], $0x1000  }
0xa8: {  	[sflag:s7] =	ssyncset.done $0x0  }
0xa9: {  	[sflag:s7] =	ssyncadd.s32 $0xFFFFF000  }
0xaa: {  	_ =	swait.ge [sflag:s7], $0x1000  }
0xab: {  	[sflag:s7] =	ssyncset.done $0x0  }
0xac: {  	[sflag:s7] =	ssyncadd.s32 $0xFFFFF000  }
0xad: {  	_ =	swait.ge [sflag:s7], $0x1000  }
0xae: {  	[sflag:s7] =	ssyncset.done $0x0  }
0xaf: {  	s1 =	rddreg [dreg:$0x4];
	[sflag:s7] =	ssyncadd.s32 $0xFFFFF000  }
0xb0: {  	[hbm4b:s1+s2] =	stream.linear.scatter [tilespmem:s3], [sflag:$0x3], $0x8000, $0x38;
	[tilespmem:$0x13400] =	vst v63  }
0xb1: {  	_ =	swait.ge [sflag:s5], $0x8000  }
0xb2: {  	s0 =	rddreg [dreg:$0x1f];
	[sflag:s5] =	ssyncset.done $0x0  }
0xb3: {  	s1 =	sld [smem:$0x7AC];
	[sflag:s5] =	ssyncadd.s32 $0xFFFF8000  }
0xb4: {  	[tilespmem:s3], [sflag:$0x1] =	stream.indirect.gather [hbm4b:s4+s6], $0x20, s0, s6, $0xb8;
	[tilespmem:$0x13400] =	vst v63  }
0xb5: {  	s0 =	sld [smem:$0x7AD]  }
0xb6: {  	[tilespmem:s10], [sflag:$0x1] =	stream.indirect.gather [hbm4b:s4+s6], $0x20, s1, s6, $0xb8;
	[tilespmem:$0x13400] =	vst v63  }
0xb7: {  	s1 =	sld [smem:$0x7AE]  }
0xb8: {  	[tilespmem:s11], [sflag:$0x1] =	stream.indirect.gather [hbm4b:s4+s6], $0x20, s0, s6, $0xb8;
	[tilespmem:$0x13400] =	vst v63  }
0xb9: {  	s0 =	sld [smem:$0x7AF]  }
0xba: {  	[tilespmem:s12], [sflag:$0x1] =	stream.indirect.gather [hbm4b:s4+s6], $0x20, s1, s6, $0xb8;
	[tilespmem:$0x13400] =	vst v63  }
0xbb: {  	s1 =	sld [smem:$0x7B0]  }
0xbc: {  	[tilespmem:s13], [sflag:$0x1] =	stream.indirect.gather [hbm4b:s4+s6], $0x20, s0, s6, $0xb8;
	[tilespmem:$0x13400] =	vst v63  }
0xbd: {  	s0 =	sld [smem:$0x7B1]  }
0xbe: {  	[tilespmem:s14], [sflag:$0x1] =	stream.indirect.gather [hbm4b:s4+s6], $0x20, s1, s6, $0xb8;
	[tilespmem:$0x13400] =	vst v63  }
0xbf: {  	s1 =	sld [smem:$0x7B2]  }
0xc0: {  	[tilespmem:s15], [sflag:$0x1] =	stream.indirect.gather [hbm4b:s4+s6], $0x20, s0, s6, $0xb8;
	[tilespmem:$0x13400] =	vst v63  }
0xc1: {  	_ = 	snop  }
0xc2: {  	[tilespmem:s16], [sflag:$0x1] =	stream.indirect.gather [hbm4b:s4+s6], $0x20, s1, s6, $0xb8;
	[tilespmem:$0x13400] =	vst v63  }
0xc3: {  	_ =	swait.ge [sflag:s17], $0x1000  }
0xc4: {  	[sflag:s17] =	ssyncset.done $0x0  }
0xc5: {  	[sflag:s17] =	ssyncadd.s32 $0xFFFFF000  }
0xc6: {  	_ =	swait.ge [sflag:s17], $0x1000  }
0xc7: {  	[sflag:s17] =	ssyncset.done $0x0  }
0xc8: {  	[sflag:s17] =	ssyncadd.s32 $0xFFFFF000  }
0xc9: {  	_ =	swait.ge [sflag:s17], $0x1000  }
0xca: {  	[sflag:s17] =	ssyncset.done $0x0  }
0xcb: {  	[sflag:s17] =	ssyncadd.s32 $0xFFFFF000  }
0xcc: {  	_ =	swait.ge [sflag:s17], $0x1000  }
0xcd: {  	[sflag:s17] =	ssyncset.done $0x0  }
0xce: {  	[sflag:s17] =	ssyncadd.s32 $0xFFFFF000  }
0xcf: {  	_ =	swait.ge [sflag:s17], $0x1000  }
0xd0: {  	[sflag:s17] =	ssyncset.done $0x0  }
0xd1: {  	[sflag:s17] =	ssyncadd.s32 $0xFFFFF000  }
0xd2: {  	_ =	swait.ge [sflag:s17], $0x1000  }
0xd3: {  	[sflag:s17] =	ssyncset.done $0x0  }
0xd4: {  	[sflag:s17] =	ssyncadd.s32 $0xFFFFF000  }
0xd5: {  	_ =	swait.ge [sflag:s17], $0x1000  }
0xd6: {  	[sflag:s17] =	ssyncset.done $0x0  }
0xd7: {  	[sflag:s17] =	ssyncadd.s32 $0xFFFFF000  }
0xd8: {  	_ =	swait.ge [sflag:s17], $0x1000  }
0xd9: {  	[sflag:s17] =	ssyncset.done $0x0  }
0xda: {  	s1 =	rddreg [dreg:$0x5];
	[sflag:s17] =	ssyncadd.s32 $0xFFFFF000  }
0xdb: {  	[hbm4b:s1+s2] =	stream.linear.scatter [tilespmem:s8], [sflag:$0x4], $0x8000, $0x38;
	[tilespmem:$0x13400] =	vst v63  }
0xdc: {  	_ =	swait.ge [sflag:s9], $0x8000  }
0xdd: {  	s0 =	sld [smem:$0x7B3]  }
0xde: {  	[sflag:s9] =	ssyncset.done $0x0  }
0xdf: {  	s1 =	sld [smem:$0x7B4];
	[sflag:s9] =	ssyncadd.s32 $0xFFFF8000  }
0xe0: {  	[tilespmem:s8], [sflag:$0x2] =	stream.indirect.gather [hbm4b:s4+s6], $0x20, s0, s6, $0xb8;
	[tilespmem:$0x13400] =	vst v63  }
0xe1: {  	s0 =	sld [smem:$0x7B5]  }
0xe2: {  	[tilespmem:s23], [sflag:$0x2] =	stream.indirect.gather [hbm4b:s4+s6], $0x20, s1, s6, $0xb8;
	[tilespmem:$0x13400] =	vst v63  }
0xe3: {  	s1 =	sld [smem:$0x7B6]  }
0xe4: {  	[tilespmem:s24], [sflag:$0x2] =	stream.indirect.gather [hbm4b:s4+s6], $0x20, s0, s6, $0xb8;
	[tilespmem:$0x13400] =	vst v63  }
0xe5: {  	s0 =	sld [smem:$0x7B7]  }
0xe6: {  	[tilespmem:s25], [sflag:$0x2] =	stream.indirect.gather [hbm4b:s4+s6], $0x20, s1, s6, $0xb8;
	[tilespmem:$0x13400] =	vst v63  }
0xe7: {  	s1 =	sld [smem:$0x7B8]  }
0xe8: {  	[tilespmem:s26], [sflag:$0x2] =	stream.indirect.gather [hbm4b:s4+s6], $0x20, s0, s6, $0xb8;
	[tilespmem:$0x13400] =	vst v63  }
0xe9: {  	s0 =	sld [smem:$0x7B9]  }
0xea: {  	[tilespmem:s28], [sflag:$0x2] =	stream.indirect.gather [hbm4b:s4+s6], $0x20, s1, s6, $0xb8;
	[tilespmem:$0x13400] =	vst v63  }
0xeb: {  	s1 =	sld [smem:$0x7BA]  }
0xec: {  	[tilespmem:s29], [sflag:$0x2] =	stream.indirect.gather [hbm4b:s4+s6], $0x20, s0, s6, $0xb8;
	[tilespmem:$0x13400] =	vst v63  }
0xed: {  	_ = 	snop  }
0xee: {  	[tilespmem:s30], [sflag:$0x2] =	stream.indirect.gather [hbm4b:s4+s6], $0x20, s1, s6, $0xb8;
	[tilespmem:$0x13400] =	vst v63  }
0xef: {  	_ =	swait.ge [sflag:s7], $0x1000  }
0xf0: {  	[sflag:s7] =	ssyncset.done $0x0  }
0xf1: {  	[sflag:s7] =	ssyncadd.s32 $0xFFFFF000  }
0xf2: {  	_ =	swait.ge [sflag:s7], $0x1000  }
0xf3: {  	[sflag:s7] =	ssyncset.done $0x0  }
0xf4: {  	[sflag:s7] =	ssyncadd.s32 $0xFFFFF000  }
0xf5: {  	_ =	swait.ge [sflag:s7], $0x1000  }
0xf6: {  	[sflag:s7] =	ssyncset.done $0x0  }
0xf7: {  	[sflag:s7] =	ssyncadd.s32 $0xFFFFF000  }
0xf8: {  	_ =	swait.ge [sflag:s7], $0x1000  }
0xf9: {  	[sflag:s7] =	ssyncset.done $0x0  }
0xfa: {  	[sflag:s7] =	ssyncadd.s32 $0xFFFFF000  }
0xfb: {  	_ =	swait.ge [sflag:s7], $0x1000  }
0xfc: {  	[sflag:s7] =	ssyncset.done $0x0  }
0xfd: {  	[sflag:s7] =	ssyncadd.s32 $0xFFFFF000  }
0xfe: {  	_ =	swait.ge [sflag:s7], $0x1000  }
0xff: {  	[sflag:s7] =	ssyncset.done $0x0  }
0x100: {  	[sflag:s7] =	ssyncadd.s32 $0xFFFFF000  }
0x101: {  	_ =	swait.ge [sflag:s7], $0x1000  }
0x102: {  	[sflag:s7] =	ssyncset.done $0x0  }
0x103: {  	[sflag:s7] =	ssyncadd.s32 $0xFFFFF000  }
0x104: {  	_ =	swait.ge [sflag:s7], $0x1000  }
0x105: {  	[sflag:s7] =	ssyncset.done $0x0  }
0x106: {  	s1 =	rddreg [dreg:$0x6];
	[sflag:s7] =	ssyncadd.s32 $0xFFFFF000  }
0x107: {  	[hbm4b:s1+s2] =	stream.linear.scatter [tilespmem:s3], [sflag:$0x3], $0x8000, $0x38;
	[tilespmem:$0x13400] =	vst v63  }
0x108: {  	_ =	swait.ge [sflag:s5], $0x8000  }
0x109: {  	s0 =	sld [smem:$0x7BB]  }
0x10a: {  	[sflag:s5] =	ssyncset.done $0x0  }
0x10b: {  	s1 =	sld [smem:$0x7BC];
	[sflag:s5] =	ssyncadd.s32 $0xFFFF8000  }
0x10c: {  	[tilespmem:s3], [sflag:$0x1] =	stream.indirect.gather [hbm4b:s4+s6], $0x20, s0, s6, $0xb8;
	[tilespmem:$0x13400] =	vst v63  }
0x10d: {  	s0 =	sld [smem:$0x7BD]  }
0x10e: {  	[tilespmem:s10], [sflag:$0x1] =	stream.indirect.gather [hbm4b:s4+s6], $0x20, s1, s6, $0xb8;
	[tilespmem:$0x13400] =	vst v63  }
0x10f: {  	s1 =	sld [smem:$0x7BE]  }
0x110: {  	[tilespmem:s11], [sflag:$0x1] =	stream.indirect.gather [hbm4b:s4+s6], $0x20, s0, s6, $0xb8;
	[tilespmem:$0x13400] =	vst v63  }
0x111: {  	s0 =	sld [smem:$0x7BF]  }
0x112: {  	[tilespmem:s12], [sflag:$0x1] =	stream.indirect.gather [hbm4b:s4+s6], $0x20, s1, s6, $0xb8;
	[tilespmem:$0x13400] =	vst v63  }
0x113: {  	s1 =	sld [smem:$0x7C0]  }
0x114: {  	[tilespmem:s13], [sflag:$0x1] =	stream.indirect.gather [hbm4b:s4+s6], $0x20, s0, s6, $0xb8;
	[tilespmem:$0x13400] =	vst v63  }
0x115: {  	s0 =	sld [smem:$0x7C1]  }
0x116: {  	[tilespmem:s14], [sflag:$0x1] =	stream.indirect.gather [hbm4b:s4+s6], $0x20, s1, s6, $0xb8;
	[tilespmem:$0x13400] =	vst v63  }
0x117: {  	s1 =	sld [smem:$0x7C2]  }
0x118: {  	[tilespmem:s15], [sflag:$0x1] =	stream.indirect.gather [hbm4b:s4+s6], $0x20, s0, s6, $0xb8;
	[tilespmem:$0x13400] =	vst v63  }
0x119: {  	_ = 	snop  }
0x11a: {  	[tilespmem:s16], [sflag:$0x1] =	stream.indirect.gather [hbm4b:s4+s6], $0x20, s1, s6, $0xb8;
	[tilespmem:$0x13400] =	vst v63  }
0x11b: {  	_ =	swait.ge [sflag:s17], $0x1000  }
0x11c: {  	[sflag:s17] =	ssyncset.done $0x0  }
0x11d: {  	[sflag:s17] =	ssyncadd.s32 $0xFFFFF000  }
0x11e: {  	_ =	swait.ge [sflag:s17], $0x1000  }
0x11f: {  	[sflag:s17] =	ssyncset.done $0x0  }
0x120: {  	[sflag:s17] =	ssyncadd.s32 $0xFFFFF000  }
0x121: {  	_ =	swait.ge [sflag:s17], $0x1000  }
0x122: {  	[sflag:s17] =	ssyncset.done $0x0  }
0x123: {  	[sflag:s17] =	ssyncadd.s32 $0xFFFFF000  }
0x124: {  	_ =	swait.ge [sflag:s17], $0x1000  }
0x125: {  	[sflag:s17] =	ssyncset.done $0x0  }
0x126: {  	[sflag:s17] =	ssyncadd.s32 $0xFFFFF000  }
0x127: {  	_ =	swait.ge [sflag:s17], $0x1000  }
0x128: {  	[sflag:s17] =	ssyncset.done $0x0  }
0x129: {  	[sflag:s17] =	ssyncadd.s32 $0xFFFFF000  }
0x12a: {  	_ =	swait.ge [sflag:s17], $0x1000  }
0x12b: {  	[sflag:s17] =	ssyncset.done $0x0  }
0x12c: {  	[sflag:s17] =	ssyncadd.s32 $0xFFFFF000  }
0x12d: {  	_ =	swait.ge [sflag:s17], $0x1000  }
0x12e: {  	[sflag:s17] =	ssyncset.done $0x0  }
0x12f: {  	[sflag:s17] =	ssyncadd.s32 $0xFFFFF000  }
0x130: {  	_ =	swait.ge [sflag:s17], $0x1000  }
0x131: {  	[sflag:s17] =	ssyncset.done $0x0  }
0x132: {  	s1 =	rddreg [dreg:$0x7];
	[sflag:s17] =	ssyncadd.s32 $0xFFFFF000  }
0x133: {  	[hbm4b:s1+s2] =	stream.linear.scatter [tilespmem:s8], [sflag:$0x4], $0x8000, $0x38;
	[tilespmem:$0x13400] =	vst v63  }
0x134: {  	_ =	swait.ge [sflag:s9], $0x8000  }
0x135: {  	s0 =	sld [smem:$0x7C3]  }
0x136: {  	[sflag:s9] =	ssyncset.done $0x0  }
0x137: {  	s1 =	sld [smem:$0x7C4];
	[sflag:s9] =	ssyncadd.s32 $0xFFFF8000  }
0x138: {  	[tilespmem:s8], [sflag:$0x2] =	stream.indirect.gather [hbm4b:s4+s6], $0x20, s0, s6, $0xb8;
	[tilespmem:$0x13400] =	vst v63  }
0x139: {  	s0 =	sld [smem:$0x7C5]  }
0x13a: {  	[tilespmem:s23], [sflag:$0x2] =	stream.indirect.gather [hbm4b:s4+s6], $0x20, s1, s6, $0xb8;
	[tilespmem:$0x13400] =	vst v63  }
0x13b: {  	s1 =	sld [smem:$0x7C6]  }
0x13c: {  	[tilespmem:s24], [sflag:$0x2] =	stream.indirect.gather [hbm4b:s4+s6], $0x20, s0, s6, $0xb8;
	[tilespmem:$0x13400] =	vst v63  }
0x13d: {  	s0 =	sld [smem:$0x7C7]  }
0x13e: {  	[tilespmem:s25], [sflag:$0x2] =	stream.indirect.gather [hbm4b:s4+s6], $0x20, s1, s6, $0xb8;
	[tilespmem:$0x13400] =	vst v63  }
0x13f: {  	s1 =	sld [smem:$0x7C8]  }
0x140: {  	[tilespmem:s26], [sflag:$0x2] =	stream.indirect.gather [hbm4b:s4+s6], $0x20, s0, s6, $0xb8;
	[tilespmem:$0x13400] =	vst v63  }
0x141: {  	s0 =	sld [smem:$0x7C9]  }
0x142: {  	[tilespmem:s28], [sflag:$0x2] =	stream.indirect.gather [hbm4b:s4+s6], $0x20, s1, s6, $0xb8;
	[tilespmem:$0x13400] =	vst v63  }
0x143: {  	s1 =	sld [smem:$0x7CA]  }
0x144: {  	[tilespmem:s29], [sflag:$0x2] =	stream.indirect.gather [hbm4b:s4+s6], $0x20, s0, s6, $0xb8;
	[tilespmem:$0x13400] =	vst v63  }
0x145: {  	_ = 	snop  }
0x146: {  	[tilespmem:s30], [sflag:$0x2] =	stream.indirect.gather [hbm4b:s4+s6], $0x20, s1, s6, $0xb8;
	[tilespmem:$0x13400] =	vst v63  }
0x147: {  	_ =	swait.ge [sflag:s7], $0x1000  }
0x148: {  	[sflag:s7] =	ssyncset.done $0x0  }
0x149: {  	[sflag:s7] =	ssyncadd.s32 $0xFFFFF000  }
0x14a: {  	_ =	swait.ge [sflag:s7], $0x1000  }
0x14b: {  	[sflag:s7] =	ssyncset.done $0x0  }
0x14c: {  	[sflag:s7] =	ssyncadd.s32 $0xFFFFF000  }
0x14d: {  	_ =	swait.ge [sflag:s7], $0x1000  }
0x14e: {  	[sflag:s7] =	ssyncset.done $0x0  }
0x14f: {  	[sflag:s7] =	ssyncadd.s32 $0xFFFFF000  }
0x150: {  	_ =	swait.ge [sflag:s7], $0x1000  }
0x151: {  	[sflag:s7] =	ssyncset.done $0x0  }
0x152: {  	[sflag:s7] =	ssyncadd.s32 $0xFFFFF000  }
0x153: {  	_ =	swait.ge [sflag:s7], $0x1000  }
0x154: {  	[sflag:s7] =	ssyncset.done $0x0  }
0x155: {  	[sflag:s7] =	ssyncadd.s32 $0xFFFFF000  }
0x156: {  	_ =	swait.ge [sflag:s7], $0x1000  }
0x157: {  	[sflag:s7] =	ssyncset.done $0x0  }
0x158: {  	[sflag:s7] =	ssyncadd.s32 $0xFFFFF000  }
0x159: {  	_ =	swait.ge [sflag:s7], $0x1000  }
0x15a: {  	[sflag:s7] =	ssyncset.done $0x0  }
0x15b: {  	[sflag:s7] =	ssyncadd.s32 $0xFFFFF000  }
0x15c: {  	_ =	swait.ge [sflag:s7], $0x1000  }
0x15d: {  	[sflag:s7] =	ssyncset.done $0x0  }
0x15e: {  	s1 =	rddreg [dreg:$0x8];
	[sflag:s7] =	ssyncadd.s32 $0xFFFFF000  }
0x15f: {  	[hbm4b:s1+s2] =	stream.linear.scatter [tilespmem:s3], [sflag:$0x3], $0x8000, $0x38;
	[tilespmem:$0x13400] =	vst v63  }
0x160: {  	_ =	swait.ge [sflag:s5], $0x8000  }
0x161: {  	s0 =	sld [smem:$0x7CB]  }
0x162: {  	[sflag:s5] =	ssyncset.done $0x0  }
0x163: {  	s1 =	sld [smem:$0x7CC];
	[sflag:s5] =	ssyncadd.s32 $0xFFFF8000  }
0x164: {  	[tilespmem:s3], [sflag:$0x1] =	stream.indirect.gather [hbm4b:s4+s6], $0x20, s0, s6, $0xb8;
	[tilespmem:$0x13400] =	vst v63  }
0x165: {  	s0 =	sld [smem:$0x7CD]  }
0x166: {  	[tilespmem:s10], [sflag:$0x1] =	stream.indirect.gather [hbm4b:s4+s6], $0x20, s1, s6, $0xb8;
	[tilespmem:$0x13400] =	vst v63  }
0x167: {  	s1 =	sld [smem:$0x7CE]  }
0x168: {  	[tilespmem:s11], [sflag:$0x1] =	stream.indirect.gather [hbm4b:s4+s6], $0x20, s0, s6, $0xb8;
	[tilespmem:$0x13400] =	vst v63  }
0x169: {  	s0 =	sld [smem:$0x7CF]  }
0x16a: {  	[tilespmem:s12], [sflag:$0x1] =	stream.indirect.gather [hbm4b:s4+s6], $0x20, s1, s6, $0xb8;
	[tilespmem:$0x13400] =	vst v63  }
0x16b: {  	s1 =	sld [smem:$0x7D0]  }
0x16c: {  	[tilespmem:s13], [sflag:$0x1] =	stream.indirect.gather [hbm4b:s4+s6], $0x20, s0, s6, $0xb8;
	[tilespmem:$0x13400] =	vst v63  }
0x16d: {  	s0 =	sld [smem:$0x7D1]  }
0x16e: {  	[tilespmem:s14], [sflag:$0x1] =	stream.indirect.gather [hbm4b:s4+s6], $0x20, s1, s6, $0xb8;
	[tilespmem:$0x13400] =	vst v63  }
0x16f: {  	s1 =	sld [smem:$0x7D2]  }
0x170: {  	[tilespmem:s15], [sflag:$0x1] =	stream.indirect.gather [hbm4b:s4+s6], $0x20, s0, s6, $0xb8;
	[tilespmem:$0x13400] =	vst v63  }
0x171: {  	_ = 	snop  }
0x172: {  	[tilespmem:s16], [sflag:$0x1] =	stream.indirect.gather [hbm4b:s4+s6], $0x20, s1, s6, $0xb8;
	[tilespmem:$0x13400] =	vst v63  }
0x173: {  	_ =	swait.ge [sflag:s17], $0x1000  }
0x174: {  	[sflag:s17] =	ssyncset.done $0x0  }
0x175: {  	[sflag:s17] =	ssyncadd.s32 $0xFFFFF000  }
0x176: {  	_ =	swait.ge [sflag:s17], $0x1000  }
0x177: {  	[sflag:s17] =	ssyncset.done $0x0  }
0x178: {  	[sflag:s17] =	ssyncadd.s32 $0xFFFFF000  }
0x179: {  	_ =	swait.ge [sflag:s17], $0x1000  }
0x17a: {  	[sflag:s17] =	ssyncset.done $0x0  }
0x17b: {  	[sflag:s17] =	ssyncadd.s32 $0xFFFFF000  }
0x17c: {  	_ =	swait.ge [sflag:s17], $0x1000  }
0x17d: {  	[sflag:s17] =	ssyncset.done $0x0  }
0x17e: {  	[sflag:s17] =	ssyncadd.s32 $0xFFFFF000  }
0x17f: {  	_ =	swait.ge [sflag:s17], $0x1000  }
0x180: {  	[sflag:s17] =	ssyncset.done $0x0  }
0x181: {  	[sflag:s17] =	ssyncadd.s32 $0xFFFFF000  }
0x182: {  	_ =	swait.ge [sflag:s17], $0x1000  }
0x183: {  	[sflag:s17] =	ssyncset.done $0x0  }
0x184: {  	[sflag:s17] =	ssyncadd.s32 $0xFFFFF000  }
0x185: {  	_ =	swait.ge [sflag:s17], $0x1000  }
0x186: {  	[sflag:s17] =	ssyncset.done $0x0  }
0x187: {  	[sflag:s17] =	ssyncadd.s32 $0xFFFFF000  }
0x188: {  	_ =	swait.ge [sflag:s17], $0x1000  }
0x189: {  	[sflag:s17] =	ssyncset.done $0x0  }
0x18a: {  	s1 =	rddreg [dreg:$0x9];
	[sflag:s17] =	ssyncadd.s32 $0xFFFFF000  }
0x18b: {  	[hbm4b:s1+s2] =	stream.linear.scatter [tilespmem:s8], [sflag:$0x4], $0x8000, $0x38;
	[tilespmem:$0x13400] =	vst v63  }
0x18c: {  	_ =	swait.ge [sflag:s9], $0x8000  }
0x18d: {  	s0 =	sld [smem:$0x7D3]  }
0x18e: {  	[sflag:s9] =	ssyncset.done $0x0  }
0x18f: {  	s1 =	sld [smem:$0x7D4];
	[sflag:s9] =	ssyncadd.s32 $0xFFFF8000  }
0x190: {  	[tilespmem:s8], [sflag:$0x2] =	stream.indirect.gather [hbm4b:s4+s6], $0x20, s0, s6, $0xb8;
	[tilespmem:$0x13400] =	vst v63  }
0x191: {  	s0 =	sld [smem:$0x7D5]  }
0x192: {  	[tilespmem:s23], [sflag:$0x2] =	stream.indirect.gather [hbm4b:s4+s6], $0x20, s1, s6, $0xb8;
	[tilespmem:$0x13400] =	vst v63  }
0x193: {  	s1 =	sld [smem:$0x7D6]  }
0x194: {  	[tilespmem:s24], [sflag:$0x2] =	stream.indirect.gather [hbm4b:s4+s6], $0x20, s0, s6, $0xb8;
	[tilespmem:$0x13400] =	vst v63  }
0x195: {  	s0 =	sld [smem:$0x7D7]  }
0x196: {  	[tilespmem:s25], [sflag:$0x2] =	stream.indirect.gather [hbm4b:s4+s6], $0x20, s1, s6, $0xb8;
	[tilespmem:$0x13400] =	vst v63  }
0x197: {  	s1 =	sld [smem:$0x7D8]  }
0x198: {  	[tilespmem:s26], [sflag:$0x2] =	stream.indirect.gather [hbm4b:s4+s6], $0x20, s0, s6, $0xb8;
	[tilespmem:$0x13400] =	vst v63  }
0x199: {  	s0 =	sld [smem:$0x7D9]  }
0x19a: {  	[tilespmem:s28], [sflag:$0x2] =	stream.indirect.gather [hbm4b:s4+s6], $0x20, s1, s6, $0xb8;
	[tilespmem:$0x13400] =	vst v63  }
0x19b: {  	s1 =	sld [smem:$0x7DA]  }
0x19c: {  	[tilespmem:s29], [sflag:$0x2] =	stream.indirect.gather [hbm4b:s4+s6], $0x20, s0, s6, $0xb8;
	[tilespmem:$0x13400] =	vst v63  }
0x19d: {  	_ = 	snop  }
0x19e: {  	[tilespmem:s30], [sflag:$0x2] =	stream.indirect.gather [hbm4b:s4+s6], $0x20, s1, s6, $0xb8;
	[tilespmem:$0x13400] =	vst v63  }
0x19f: {  	_ =	swait.ge [sflag:s7], $0x1000  }
0x1a0: {  	[sflag:s7] =	ssyncset.done $0x0  }
0x1a1: {  	[sflag:s7] =	ssyncadd.s32 $0xFFFFF000  }
0x1a2: {  	_ =	swait.ge [sflag:s7], $0x1000  }
0x1a3: {  	[sflag:s7] =	ssyncset.done $0x0  }
0x1a4: {  	[sflag:s7] =	ssyncadd.s32 $0xFFFFF000  }
0x1a5: {  	_ =	swait.ge [sflag:s7], $0x1000  }
0x1a6: {  	[sflag:s7] =	ssyncset.done $0x0  }
0x1a7: {  	[sflag:s7] =	ssyncadd.s32 $0xFFFFF000  }
0x1a8: {  	_ =	swait.ge [sflag:s7], $0x1000  }
0x1a9: {  	[sflag:s7] =	ssyncset.done $0x0  }
0x1aa: {  	[sflag:s7] =	ssyncadd.s32 $0xFFFFF000  }
0x1ab: {  	_ =	swait.ge [sflag:s7], $0x1000  }
0x1ac: {  	[sflag:s7] =	ssyncset.done $0x0  }
0x1ad: {  	[sflag:s7] =	ssyncadd.s32 $0xFFFFF000  }
0x1ae: {  	_ =	swait.ge [sflag:s7], $0x1000  }
0x1af: {  	[sflag:s7] =	ssyncset.done $0x0  }
0x1b0: {  	[sflag:s7] =	ssyncadd.s32 $0xFFFFF000  }
0x1b1: {  	_ =	swait.ge [sflag:s7], $0x1000  }
0x1b2: {  	[sflag:s7] =	ssyncset.done $0x0  }
0x1b3: {  	[sflag:s7] =	ssyncadd.s32 $0xFFFFF000  }
0x1b4: {  	_ =	swait.ge [sflag:s7], $0x1000  }
0x1b5: {  	[sflag:s7] =	ssyncset.done $0x0  }
0x1b6: {  	s1 =	rddreg [dreg:$0xa];
	[sflag:s7] =	ssyncadd.s32 $0xFFFFF000  }
0x1b7: {  	[hbm4b:s1+s2] =	stream.linear.scatter [tilespmem:s3], [sflag:$0x3], $0x8000, $0x38;
	[tilespmem:$0x13400] =	vst v63  }
0x1b8: {  	_ =	swait.ge [sflag:s5], $0x8000  }
0x1b9: {  	s0 =	sld [smem:$0x7DB]  }
0x1ba: {  	[sflag:s5] =	ssyncset.done $0x0  }
0x1bb: {  	s1 =	sld [smem:$0x7DC];
	[sflag:s5] =	ssyncadd.s32 $0xFFFF8000  }
0x1bc: {  	[tilespmem:s3], [sflag:$0x1] =	stream.indirect.gather [hbm4b:s4+s6], $0x20, s0, s6, $0xb8;
	[tilespmem:$0x13400] =	vst v63  }
0x1bd: {  	s0 =	sld [smem:$0x7DD]  }
0x1be: {  	[tilespmem:s10], [sflag:$0x1] =	stream.indirect.gather [hbm4b:s4+s6], $0x20, s1, s6, $0xb8;
	[tilespmem:$0x13400] =	vst v63  }
0x1bf: {  	s1 =	sld [smem:$0x7DE]  }
0x1c0: {  	[tilespmem:s11], [sflag:$0x1] =	stream.indirect.gather [hbm4b:s4+s6], $0x20, s0, s6, $0xb8;
	[tilespmem:$0x13400] =	vst v63  }
0x1c1: {  	s0 =	sld [smem:$0x7DF]  }
0x1c2: {  	[tilespmem:s12], [sflag:$0x1] =	stream.indirect.gather [hbm4b:s4+s6], $0x20, s1, s6, $0xb8;
	[tilespmem:$0x13400] =	vst v63  }
0x1c3: {  	s1 =	sld [smem:$0x7E0]  }
0x1c4: {  	[tilespmem:s13], [sflag:$0x1] =	stream.indirect.gather [hbm4b:s4+s6], $0x20, s0, s6, $0xb8;
	[tilespmem:$0x13400] =	vst v63  }
0x1c5: {  	s0 =	sld [smem:$0x7E1]  }
0x1c6: {  	[tilespmem:s14], [sflag:$0x1] =	stream.indirect.gather [hbm4b:s4+s6], $0x20, s1, s6, $0xb8;
	[tilespmem:$0x13400] =	vst v63  }
0x1c7: {  	s1 =	sld [smem:$0x7E2]  }
0x1c8: {  	[tilespmem:s15], [sflag:$0x1] =	stream.indirect.gather [hbm4b:s4+s6], $0x20, s0, s6, $0xb8;
	[tilespmem:$0x13400] =	vst v63  }
0x1c9: {  	_ = 	snop  }
0x1ca: {  	[tilespmem:s16], [sflag:$0x1] =	stream.indirect.gather [hbm4b:s4+s6], $0x20, s1, s6, $0xb8;
	[tilespmem:$0x13400] =	vst v63  }
0x1cb: {  	_ =	swait.ge [sflag:s17], $0x1000  }
0x1cc: {  	[sflag:s17] =	ssyncset.done $0x0  }
0x1cd: {  	[sflag:s17] =	ssyncadd.s32 $0xFFFFF000  }
0x1ce: {  	_ =	swait.ge [sflag:s17], $0x1000  }
0x1cf: {  	[sflag:s17] =	ssyncset.done $0x0  }
0x1d0: {  	[sflag:s17] =	ssyncadd.s32 $0xFFFFF000  }
0x1d1: {  	_ =	swait.ge [sflag:s17], $0x1000  }
0x1d2: {  	[sflag:s17] =	ssyncset.done $0x0  }
0x1d3: {  	[sflag:s17] =	ssyncadd.s32 $0xFFFFF000  }
0x1d4: {  	_ =	swait.ge [sflag:s17], $0x1000  }
0x1d5: {  	[sflag:s17] =	ssyncset.done $0x0  }
0x1d6: {  	[sflag:s17] =	ssyncadd.s32 $0xFFFFF000  }
0x1d7: {  	_ =	swait.ge [sflag:s17], $0x1000  }
0x1d8: {  	[sflag:s17] =	ssyncset.done $0x0  }
0x1d9: {  	[sflag:s17] =	ssyncadd.s32 $0xFFFFF000  }
0x1da: {  	_ =	swait.ge [sflag:s17], $0x1000  }
0x1db: {  	[sflag:s17] =	ssyncset.done $0x0  }
0x1dc: {  	[sflag:s17] =	ssyncadd.s32 $0xFFFFF000  }
0x1dd: {  	_ =	swait.ge [sflag:s17], $0x1000  }
0x1de: {  	[sflag:s17] =	ssyncset.done $0x0  }
0x1df: {  	[sflag:s17] =	ssyncadd.s32 $0xFFFFF000  }
0x1e0: {  	_ =	swait.ge [sflag:s17], $0x1000  }
0x1e1: {  	[sflag:s17] =	ssyncset.done $0x0  }
0x1e2: {  	s1 =	rddreg [dreg:$0xb];
	[sflag:s17] =	ssyncadd.s32 $0xFFFFF000  }
0x1e3: {  	[hbm4b:s1+s2] =	stream.linear.scatter [tilespmem:s8], [sflag:$0x4], $0x8000, $0x38;
	[tilespmem:$0x13400] =	vst v63  }
0x1e4: {  	_ =	swait.ge [sflag:s9], $0x8000  }
0x1e5: {  	s0 =	sld [smem:$0x7E3]  }
0x1e6: {  	[sflag:s9] =	ssyncset.done $0x0  }
0x1e7: {  	s1 =	sld [smem:$0x7E4];
	[sflag:s9] =	ssyncadd.s32 $0xFFFF8000  }
0x1e8: {  	[tilespmem:s8], [sflag:$0x2] =	stream.indirect.gather [hbm4b:s4+s6], $0x20, s0, s6, $0xb8;
	[tilespmem:$0x13400] =	vst v63  }
0x1e9: {  	s0 =	sld [smem:$0x7E5]  }
0x1ea: {  	[tilespmem:s23], [sflag:$0x2] =	stream.indirect.gather [hbm4b:s4+s6], $0x20, s1, s6, $0xb8;
	[tilespmem:$0x13400] =	vst v63  }
0x1eb: {  	s1 =	sld [smem:$0x7E6]  }
0x1ec: {  	[tilespmem:s24], [sflag:$0x2] =	stream.indirect.gather [hbm4b:s4+s6], $0x20, s0, s6, $0xb8;
	[tilespmem:$0x13400] =	vst v63  }
0x1ed: {  	s0 =	sld [smem:$0x7E7]  }
0x1ee: {  	[tilespmem:s25], [sflag:$0x2] =	stream.indirect.gather [hbm4b:s4+s6], $0x20, s1, s6, $0xb8;
	[tilespmem:$0x13400] =	vst v63  }
0x1ef: {  	s1 =	sld [smem:$0x7E8]  }
0x1f0: {  	[tilespmem:s26], [sflag:$0x2] =	stream.indirect.gather [hbm4b:s4+s6], $0x20, s0, s6, $0xb8;
	[tilespmem:$0x13400] =	vst v63  }
0x1f1: {  	s0 =	sld [smem:$0x7E9]  }
0x1f2: {  	[tilespmem:s28], [sflag:$0x2] =	stream.indirect.gather [hbm4b:s4+s6], $0x20, s1, s6, $0xb8;
	[tilespmem:$0x13400] =	vst v63  }
0x1f3: {  	s1 =	sld [smem:$0x7EA]  }
0x1f4: {  	[tilespmem:s29], [sflag:$0x2] =	stream.indirect.gather [hbm4b:s4+s6], $0x20, s0, s6, $0xb8;
	[tilespmem:$0x13400] =	vst v63  }
0x1f5: {  	_ = 	snop  }
0x1f6: {  	[tilespmem:s30], [sflag:$0x2] =	stream.indirect.gather [hbm4b:s4+s6], $0x20, s1, s6, $0xb8;
	[tilespmem:$0x13400] =	vst v63  }
0x1f7: {  	_ =	swait.ge [sflag:s7], $0x1000  }
0x1f8: {  	[sflag:s7] =	ssyncset.done $0x0  }
0x1f9: {  	[sflag:s7] =	ssyncadd.s32 $0xFFFFF000  }
0x1fa: {  	_ =	swait.ge [sflag:s7], $0x1000  }
0x1fb: {  	[sflag:s7] =	ssyncset.done $0x0  }
0x1fc: {  	[sflag:s7] =	ssyncadd.s32 $0xFFFFF000  }
0x1fd: {  	_ =	swait.ge [sflag:s7], $0x1000  }
0x1fe: {  	[sflag:s7] =	ssyncset.done $0x0  }
0x1ff: {  	[sflag:s7] =	ssyncadd.s32 $0xFFFFF000  }
0x200: {  	_ =	swait.ge [sflag:s7], $0x1000  }
0x201: {  	[sflag:s7] =	ssyncset.done $0x0  }
0x202: {  	[sflag:s7] =	ssyncadd.s32 $0xFFFFF000  }
0x203: {  	_ =	swait.ge [sflag:s7], $0x1000  }
0x204: {  	[sflag:s7] =	ssyncset.done $0x0  }
0x205: {  	[sflag:s7] =	ssyncadd.s32 $0xFFFFF000  }
0x206: {  	_ =	swait.ge [sflag:s7], $0x1000  }
0x207: {  	[sflag:s7] =	ssyncset.done $0x0  }
0x208: {  	[sflag:s7] =	ssyncadd.s32 $0xFFFFF000  }
0x209: {  	_ =	swait.ge [sflag:s7], $0x1000  }
0x20a: {  	[sflag:s7] =	ssyncset.done $0x0  }
0x20b: {  	[sflag:s7] =	ssyncadd.s32 $0xFFFFF000  }
0x20c: {  	_ =	swait.ge [sflag:s7], $0x1000  }
0x20d: {  	[sflag:s7] =	ssyncset.done $0x0  }
0x20e: {  	s1 =	rddreg [dreg:$0xc];
	[sflag:s7] =	ssyncadd.s32 $0xFFFFF000  }
0x20f: {  	[hbm4b:s1+s2] =	stream.linear.scatter [tilespmem:s3], [sflag:$0x3], $0x8000, $0x38;
	[tilespmem:$0x13400] =	vst v63  }
0x210: {  	_ =	swait.ge [sflag:s5], $0x8000  }
0x211: {  	s0 =	sld [smem:$0x7EB]  }
0x212: {  	[sflag:s5] =	ssyncset.done $0x0  }
0x213: {  	s1 =	sld [smem:$0x7EC];
	[sflag:s5] =	ssyncadd.s32 $0xFFFF8000  }
0x214: {  	[tilespmem:s3], [sflag:$0x1] =	stream.indirect.gather [hbm4b:s4+s6], $0x20, s0, s6, $0xb8;
	[tilespmem:$0x13400] =	vst v63  }
0x215: {  	s0 =	sld [smem:$0x7ED]  }
0x216: {  	[tilespmem:s10], [sflag:$0x1] =	stream.indirect.gather [hbm4b:s4+s6], $0x20, s1, s6, $0xb8;
	[tilespmem:$0x13400] =	vst v63  }
0x217: {  	s1 =	sld [smem:$0x7EE]  }
0x218: {  	[tilespmem:s11], [sflag:$0x1] =	stream.indirect.gather [hbm4b:s4+s6], $0x20, s0, s6, $0xb8;
	[tilespmem:$0x13400] =	vst v63  }
0x219: {  	s0 =	sld [smem:$0x7EF]  }
0x21a: {  	[tilespmem:s12], [sflag:$0x1] =	stream.indirect.gather [hbm4b:s4+s6], $0x20, s1, s6, $0xb8;
	[tilespmem:$0x13400] =	vst v63  }
0x21b: {  	s1 =	sld [smem:$0x7F0]  }
0x21c: {  	[tilespmem:s13], [sflag:$0x1] =	stream.indirect.gather [hbm4b:s4+s6], $0x20, s0, s6, $0xb8;
	[tilespmem:$0x13400] =	vst v63  }
0x21d: {  	s0 =	sld [smem:$0x7F1]  }
0x21e: {  	[tilespmem:s14], [sflag:$0x1] =	stream.indirect.gather [hbm4b:s4+s6], $0x20, s1, s6, $0xb8;
	[tilespmem:$0x13400] =	vst v63  }
0x21f: {  	s1 =	sld [smem:$0x7F2]  }
0x220: {  	[tilespmem:s15], [sflag:$0x1] =	stream.indirect.gather [hbm4b:s4+s6], $0x20, s0, s6, $0xb8;
	[tilespmem:$0x13400] =	vst v63  }
0x221: {  	_ = 	snop  }
0x222: {  	[tilespmem:s16], [sflag:$0x1] =	stream.indirect.gather [hbm4b:s4+s6], $0x20, s1, s6, $0xb8;
	[tilespmem:$0x13400] =	vst v63  }
0x223: {  	_ =	swait.ge [sflag:s17], $0x1000  }
0x224: {  	[sflag:s17] =	ssyncset.done $0x0  }
0x225: {  	[sflag:s17] =	ssyncadd.s32 $0xFFFFF000  }
0x226: {  	_ =	swait.ge [sflag:s17], $0x1000  }
0x227: {  	[sflag:s17] =	ssyncset.done $0x0  }
0x228: {  	[sflag:s17] =	ssyncadd.s32 $0xFFFFF000  }
0x229: {  	_ =	swait.ge [sflag:s17], $0x1000  }
0x22a: {  	[sflag:s17] =	ssyncset.done $0x0  }
0x22b: {  	[sflag:s17] =	ssyncadd.s32 $0xFFFFF000  }
0x22c: {  	_ =	swait.ge [sflag:s17], $0x1000  }
0x22d: {  	[sflag:s17] =	ssyncset.done $0x0  }
0x22e: {  	[sflag:s17] =	ssyncadd.s32 $0xFFFFF000  }
0x22f: {  	_ =	swait.ge [sflag:s17], $0x1000  }
0x230: {  	[sflag:s17] =	ssyncset.done $0x0  }
0x231: {  	[sflag:s17] =	ssyncadd.s32 $0xFFFFF000  }
0x232: {  	_ =	swait.ge [sflag:s17], $0x1000  }
0x233: {  	[sflag:s17] =	ssyncset.done $0x0  }
0x234: {  	[sflag:s17] =	ssyncadd.s32 $0xFFFFF000  }
0x235: {  	_ =	swait.ge [sflag:s17], $0x1000  }
0x236: {  	[sflag:s17] =	ssyncset.done $0x0  }
0x237: {  	[sflag:s17] =	ssyncadd.s32 $0xFFFFF000  }
0x238: {  	_ =	swait.ge [sflag:s17], $0x1000  }
0x239: {  	[sflag:s17] =	ssyncset.done $0x0  }
0x23a: {  	s1 =	rddreg [dreg:$0xd];
	[sflag:s17] =	ssyncadd.s32 $0xFFFFF000  }
0x23b: {  	[hbm4b:s1+s2] =	stream.linear.scatter [tilespmem:s8], [sflag:$0x4], $0x8000, $0x38;
	[tilespmem:$0x13400] =	vst v63  }
0x23c: {  	_ =	swait.ge [sflag:s9], $0x8000  }
0x23d: {  	s0 =	sld [smem:$0x7F3]  }
0x23e: {  	[sflag:s9] =	ssyncset.done $0x0  }
0x23f: {  	s1 =	sld [smem:$0x7F4];
	[sflag:s9] =	ssyncadd.s32 $0xFFFF8000  }
0x240: {  	[tilespmem:s8], [sflag:$0x2] =	stream.indirect.gather [hbm4b:s4+s6], $0x20, s0, s6, $0xb8;
	[tilespmem:$0x13400] =	vst v63  }
0x241: {  	s0 =	sld [smem:$0x7F5]  }
0x242: {  	[tilespmem:s23], [sflag:$0x2] =	stream.indirect.gather [hbm4b:s4+s6], $0x20, s1, s6, $0xb8;
	[tilespmem:$0x13400] =	vst v63  }
0x243: {  	s1 =	sld [smem:$0x7F6]  }
0x244: {  	[tilespmem:s24], [sflag:$0x2] =	stream.indirect.gather [hbm4b:s4+s6], $0x20, s0, s6, $0xb8;
	[tilespmem:$0x13400] =	vst v63  }
0x245: {  	s0 =	sld [smem:$0x7F7]  }
0x246: {  	[tilespmem:s25], [sflag:$0x2] =	stream.indirect.gather [hbm4b:s4+s6], $0x20, s1, s6, $0xb8;
	[tilespmem:$0x13400] =	vst v63  }
0x247: {  	s1 =	sld [smem:$0x7F8]  }
0x248: {  	[tilespmem:s26], [sflag:$0x2] =	stream.indirect.gather [hbm4b:s4+s6], $0x20, s0, s6, $0xb8;
	[tilespmem:$0x13400] =	vst v63  }
0x249: {  	s0 =	sld [smem:$0x7F9]  }
0x24a: {  	[tilespmem:s28], [sflag:$0x2] =	stream.indirect.gather [hbm4b:s4+s6], $0x20, s1, s6, $0xb8;
	[tilespmem:$0x13400] =	vst v63  }
0x24b: {  	s1 =	sld [smem:$0x7FA]  }
0x24c: {  	[tilespmem:s29], [sflag:$0x2] =	stream.indirect.gather [hbm4b:s4+s6], $0x20, s0, s6, $0xb8;
	[tilespmem:$0x13400] =	vst v63  }
0x24d: {  	_ = 	snop  }
0x24e: {  	[tilespmem:s30], [sflag:$0x2] =	stream.indirect.gather [hbm4b:s4+s6], $0x20, s1, s6, $0xb8;
	[tilespmem:$0x13400] =	vst v63  }
0x24f: {  	_ =	swait.ge [sflag:s7], $0x1000  }
0x250: {  	[sflag:s7] =	ssyncset.done $0x0  }
0x251: {  	[sflag:s7] =	ssyncadd.s32 $0xFFFFF000  }
0x252: {  	_ =	swait.ge [sflag:s7], $0x1000  }
0x253: {  	[sflag:s7] =	ssyncset.done $0x0  }
0x254: {  	[sflag:s7] =	ssyncadd.s32 $0xFFFFF000  }
0x255: {  	_ =	swait.ge [sflag:s7], $0x1000  }
0x256: {  	[sflag:s7] =	ssyncset.done $0x0  }
0x257: {  	[sflag:s7] =	ssyncadd.s32 $0xFFFFF000  }
0x258: {  	_ =	swait.ge [sflag:s7], $0x1000  }
0x259: {  	[sflag:s7] =	ssyncset.done $0x0  }
0x25a: {  	[sflag:s7] =	ssyncadd.s32 $0xFFFFF000  }
0x25b: {  	_ =	swait.ge [sflag:s7], $0x1000  }
0x25c: {  	[sflag:s7] =	ssyncset.done $0x0  }
0x25d: {  	[sflag:s7] =	ssyncadd.s32 $0xFFFFF000  }
0x25e: {  	_ =	swait.ge [sflag:s7], $0x1000  }
0x25f: {  	[sflag:s7] =	ssyncset.done $0x0  }
0x260: {  	[sflag:s7] =	ssyncadd.s32 $0xFFFFF000  }
0x261: {  	_ =	swait.ge [sflag:s7], $0x1000  }
0x262: {  	[sflag:s7] =	ssyncset.done $0x0  }
0x263: {  	[sflag:s7] =	ssyncadd.s32 $0xFFFFF000  }
0x264: {  	_ =	swait.ge [sflag:s7], $0x1000  }
0x265: {  	[sflag:s7] =	ssyncset.done $0x0  }
0x266: {  	s1 =	rddreg [dreg:$0xe];
	[sflag:s7] =	ssyncadd.s32 $0xFFFFF000  }
0x267: {  	[hbm4b:s1+s2] =	stream.linear.scatter [tilespmem:s3], [sflag:$0x3], $0x8000, $0x38;
	[tilespmem:$0x13400] =	vst v63  }
0x268: {  	_ =	swait.ge [sflag:s5], $0x8000  }
0x269: {  	s0 =	sld [smem:$0x7FB]  }
0x26a: {  	[sflag:s5] =	ssyncset.done $0x0  }
0x26b: {  	s1 =	sld [smem:$0x7FC];
	[sflag:s5] =	ssyncadd.s32 $0xFFFF8000  }
0x26c: {  	[tilespmem:s3], [sflag:$0x1] =	stream.indirect.gather [hbm4b:s4+s6], $0x20, s0, s6, $0xb8;
	[tilespmem:$0x13400] =	vst v63  }
0x26d: {  	s0 =	sld [smem:$0x7FD]  }
0x26e: {  	[tilespmem:s10], [sflag:$0x1] =	stream.indirect.gather [hbm4b:s4+s6], $0x20, s1, s6, $0xb8;
	[tilespmem:$0x13400] =	vst v63  }
0x26f: {  	_ = 	snop  }
0x270: {  	[tilespmem:s11], [sflag:$0x1] =	stream.indirect.gather [hbm4b:s4+s6], $0x20, s0, s6, $0xb8;
	[tilespmem:$0x13400] =	vst v63  }
0x271: {  	s1 =	simm.s32 $0x3180  }
0x272: {  	[tilespmem:s12], [sflag:$0x1] =	stream.indirect.gather [hbm4b:s4+s6], $0x20, s1, s6, $0xb8;
	[tilespmem:$0x13400] =	vst v63  }
0x273: {  	_ = 	snop  }
0x274: {  	[tilespmem:s13], [sflag:$0x1] =	stream.indirect.gather [hbm4b:s4+s6], $0x20, s20, s6, $0xb8;
	[tilespmem:$0x13400] =	vst v63  }
0x275: {  	_ = 	snop  }
0x276: {  	[tilespmem:s14], [sflag:$0x1] =	stream.indirect.gather [hbm4b:s4+s6], $0x20, s21, s6, $0xb8;
	[tilespmem:$0x13400] =	vst v63  }
0x277: {  	_ = 	snop  }
0x278: {  	[tilespmem:s15], [sflag:$0x1] =	stream.indirect.gather [hbm4b:s4+s6], $0x20, s22, s6, $0xb8;
	[tilespmem:$0x13400] =	vst v63  }
0x279: {  	_ = 	snop  }
0x27a: {  	[tilespmem:s16], [sflag:$0x1] =	stream.indirect.gather [hbm4b:s4+s6], $0x20, s19, s6, $0xb8;
	[tilespmem:$0x13400] =	vst v63  }
0x27b: {  	_ =	swait.ge [sflag:s17], $0x1000  }
0x27c: {  	[sflag:s17] =	ssyncset.done $0x0  }
0x27d: {  	[sflag:s17] =	ssyncadd.s32 $0xFFFFF000  }
0x27e: {  	_ =	swait.ge [sflag:s17], $0x1000  }
0x27f: {  	[sflag:s17] =	ssyncset.done $0x0  }
0x280: {  	[sflag:s17] =	ssyncadd.s32 $0xFFFFF000  }
0x281: {  	_ =	swait.ge [sflag:s17], $0x1000  }
0x282: {  	[sflag:s17] =	ssyncset.done $0x0  }
0x283: {  	[sflag:s17] =	ssyncadd.s32 $0xFFFFF000  }
0x284: {  	_ =	swait.ge [sflag:s17], $0x1000  }
0x285: {  	[sflag:s17] =	ssyncset.done $0x0  }
0x286: {  	[sflag:s17] =	ssyncadd.s32 $0xFFFFF000  }
0x287: {  	_ =	swait.ge [sflag:s17], $0x1000  }
0x288: {  	[sflag:s17] =	ssyncset.done $0x0  }
0x289: {  	[sflag:s17] =	ssyncadd.s32 $0xFFFFF000  }
0x28a: {  	_ =	swait.ge [sflag:s17], $0x1000  }
0x28b: {  	[sflag:s17] =	ssyncset.done $0x0  }
0x28c: {  	[sflag:s17] =	ssyncadd.s32 $0xFFFFF000  }
0x28d: {  	_ =	swait.ge [sflag:s17], $0x1000  }
0x28e: {  	[sflag:s17] =	ssyncset.done $0x0  }
0x28f: {  	[sflag:s17] =	ssyncadd.s32 $0xFFFFF000  }
0x290: {  	_ =	swait.ge [sflag:s17], $0x1000  }
0x291: {  	[sflag:s17] =	ssyncset.done $0x0  }
0x292: {  	s1 =	rddreg [dreg:$0xf];
	[sflag:s17] =	ssyncadd.s32 $0xFFFFF000  }
0x293: {  	[hbm4b:s1+s2] =	stream.linear.scatter [tilespmem:s8], [sflag:$0x4], $0x8000, $0x38;
	[tilespmem:$0x13400] =	vst v63  }
0x294: {  	_ =	swait.ge [sflag:s7], $0x1000  }
0x295: {  	[sflag:s7] =	ssyncset.done $0x0  }
0x296: {  	[sflag:s7] =	ssyncadd.s32 $0xFFFFF000  }
0x297: {  	_ =	swait.ge [sflag:s7], $0x1000  }
0x298: {  	[sflag:s7] =	ssyncset.done $0x0  }
0x299: {  	[sflag:s7] =	ssyncadd.s32 $0xFFFFF000  }
0x29a: {  	_ =	swait.ge [sflag:s7], $0x1000  }
0x29b: {  	[sflag:s7] =	ssyncset.done $0x0  }
0x29c: {  	[sflag:s7] =	ssyncadd.s32 $0xFFFFF000  }
0x29d: {  	_ =	swait.ge [sflag:s7], $0x1000  }
0x29e: {  	[sflag:s7] =	ssyncset.done $0x0  }
0x29f: {  	[sflag:s7] =	ssyncadd.s32 $0xFFFFF000  }
0x2a0: {  	_ =	swait.ge [sflag:s7], $0x1000  }
0x2a1: {  	[sflag:s7] =	ssyncset.done $0x0  }
0x2a2: {  	[sflag:s7] =	ssyncadd.s32 $0xFFFFF000  }
0x2a3: {  	_ =	swait.ge [sflag:s7], $0x1000  }
0x2a4: {  	[sflag:s7] =	ssyncset.done $0x0  }
0x2a5: {  	[sflag:s7] =	ssyncadd.s32 $0xFFFFF000  }
0x2a6: {  	_ =	swait.ge [sflag:s7], $0x1000  }
0x2a7: {  	[sflag:s7] =	ssyncset.done $0x0  }
0x2a8: {  	[sflag:s7] =	ssyncadd.s32 $0xFFFFF000  }
0x2a9: {  	_ =	swait.ge [sflag:s7], $0x1000  }
0x2aa: {  	[sflag:s7] =	ssyncset.done $0x0  }
0x2ab: {  	p1 =	sne.s32 s18, $0x1;
	s1 =	rddreg [dreg:$0x10];
	[sflag:s7] =	ssyncadd.s32 $0xFFFFF000  }
0x2ac: {  	[hbm4b:s1+s2] =	stream.linear.scatter [tilespmem:s3], [sflag:$0x3], $0x8000, $0x38;
	[tilespmem:$0x13400] =	vst v63  }
.Ltmp1:
0x2ad: {  	_ =	swait.ge [sflag:s9], $0x8000;
	(pc) =	sbr.rel @!p1 .LBB2_3-.Ltmp1, $4  }
0x2ae: {  	[sflag:s9] =	ssyncset.done $0x0  }
0x2af: {  	[sflag:s9] =	ssyncadd.s32 $0xFFFF8000  }
0x2b0: {  	p0 =	por $0x1, $0x1;
	_ =	swait.ge [sflag:s5], $0x8000  }
0x2b1: {  	s1 =	sadd.s32 $0xFFFFFFFF, s18;
	s0 =	rddreg [dreg:$0x3];
	[sflag:s5] =	ssyncset.done $0x0  }
.LBB2_4:
0x2b2: {  	[sflag:s5] =	ssyncadd.s32 $0xFFFF8000  }
0x2b3: {  	[tilespmem:s2], [sflag:$0x5] =	stream.linear.gather [hbm4b:s0+s2], $0x3400, $0x38;
	[tilespmem:$0x13400] =	vst v63  }
0x2b4: {  	_ =	swait.ge [sflag:s31], $0x3400  }
0x2b5: {  	[sflag:s31] =	ssyncset.done $0x0  }
0x2b6: {  	[sflag:s31] =	ssyncadd.s32 $0xFFFFCC00  }
0x2b7: {  	[tilespmem:s3], [sflag:$0x1] =	stream.indirect.gather [hbm4b:s4+s6], $0x20, s2, s6, $0xb8;
	[tilespmem:$0x13400] =	vst v63  }
0x2b8: {  	_ = 	snop  }
0x2b9: {  	[tilespmem:s10], [sflag:$0x1] =	stream.indirect.gather [hbm4b:s4+s6], $0x20, s6, s6, $0xb8;
	[tilespmem:$0x13400] =	vst v63  }
0x2ba: {  	s0 =	rddreg [dreg:$0x11]  }
0x2bb: {  	[tilespmem:s11], [sflag:$0x1] =	stream.indirect.gather [hbm4b:s4+s6], $0x20, s0, s6, $0xb8;
	[tilespmem:$0x13400] =	vst v63  }
0x2bc: {  	s18 =	rddreg [dreg:$0x12]  }
0x2bd: {  	[tilespmem:s12], [sflag:$0x1] =	stream.indirect.gather [hbm4b:s4+s6], $0x20, s18, s6, $0xb8;
	[tilespmem:$0x13400] =	vst v63  }
0x2be: {  	s0 =	rddreg [dreg:$0x13]  }
0x2bf: {  	[tilespmem:s13], [sflag:$0x1] =	stream.indirect.gather [hbm4b:s4+s6], $0x20, s0, s6, $0xb8;
	[tilespmem:$0x13400] =	vst v63  }
0x2c0: {  	s18 =	rddreg [dreg:$0x14]  }
0x2c1: {  	[tilespmem:s14], [sflag:$0x1] =	stream.indirect.gather [hbm4b:s4+s6], $0x20, s18, s6, $0xb8;
	[tilespmem:$0x13400] =	vst v63  }
0x2c2: {  	s0 =	rddreg [dreg:$0x15]  }
0x2c3: {  	[tilespmem:s15], [sflag:$0x1] =	stream.indirect.gather [hbm4b:s4+s6], $0x20, s0, s6, $0xb8;
	[tilespmem:$0x13400] =	vst v63  }
0x2c4: {  	s18 =	rddreg [dreg:$0x16]  }
0x2c5: {  	[tilespmem:s16], [sflag:$0x1] =	stream.indirect.gather [hbm4b:s4+s6], $0x20, s18, s6, $0xb8;
	[tilespmem:$0x13400] =	vst v63  }
0x2c6: {  	s0 =	rddreg [dreg:$0x17]  }
0x2c7: {  	[tilespmem:s8], [sflag:$0x2] =	stream.indirect.gather [hbm4b:s4+s6], $0x20, s0, s6, $0xb8;
	[tilespmem:$0x13400] =	vst v63  }
0x2c8: {  	s18 =	rddreg [dreg:$0x18]  }
0x2c9: {  	[tilespmem:s23], [sflag:$0x2] =	stream.indirect.gather [hbm4b:s4+s6], $0x20, s18, s6, $0xb8;
	[tilespmem:$0x13400] =	vst v63  }
0x2ca: {  	s0 =	rddreg [dreg:$0x19]  }
0x2cb: {  	[tilespmem:s24], [sflag:$0x2] =	stream.indirect.gather [hbm4b:s4+s6], $0x20, s0, s6, $0xb8;
	[tilespmem:$0x13400] =	vst v63  }
0x2cc: {  	s18 =	rddreg [dreg:$0x1a]  }
0x2cd: {  	[tilespmem:s25], [sflag:$0x2] =	stream.indirect.gather [hbm4b:s4+s6], $0x20, s18, s6, $0xb8;
	[tilespmem:$0x13400] =	vst v63  }
0x2ce: {  	s0 =	rddreg [dreg:$0x1b]  }
0x2cf: {  	[tilespmem:s26], [sflag:$0x2] =	stream.indirect.gather [hbm4b:s4+s6], $0x20, s0, s6, $0xb8;
	[tilespmem:$0x13400] =	vst v63  }
0x2d0: {  	s18 =	rddreg [dreg:$0x1c]  }
0x2d1: {  	[tilespmem:s28], [sflag:$0x2] =	stream.indirect.gather [hbm4b:s4+s6], $0x20, s18, s6, $0xb8;
	[tilespmem:$0x13400] =	vst v63  }
0x2d2: {  	s0 =	rddreg [dreg:$0x1d]  }
0x2d3: {  	[tilespmem:s29], [sflag:$0x2] =	stream.indirect.gather [hbm4b:s4+s6], $0x20, s0, s6, $0xb8;
	[tilespmem:$0x13400] =	vst v63  }
0x2d4: {  	s18 =	rddreg [dreg:$0x1e]  }
0x2d5: {  	[tilespmem:s30], [sflag:$0x2] =	stream.indirect.gather [hbm4b:s4+s6], $0x20, s18, s6, $0xb8;
	[tilespmem:$0x13400] =	vst v63  }
0x2d6: {  	_ =	swait.ge [sflag:s7], $0x1000  }
0x2d7: {  	[sflag:s7] =	ssyncset.done $0x0  }
0x2d8: {  	[sflag:s7] =	ssyncadd.s32 $0xFFFFF000  }
0x2d9: {  	_ =	swait.ge [sflag:s7], $0x1000  }
0x2da: {  	[sflag:s7] =	ssyncset.done $0x0  }
0x2db: {  	[sflag:s7] =	ssyncadd.s32 $0xFFFFF000  }
0x2dc: {  	_ =	swait.ge [sflag:s7], $0x1000  }
0x2dd: {  	[sflag:s7] =	ssyncset.done $0x0  }
0x2de: {  	[sflag:s7] =	ssyncadd.s32 $0xFFFFF000  }
0x2df: {  	_ =	swait.ge [sflag:s7], $0x1000  }
0x2e0: {  	[sflag:s7] =	ssyncset.done $0x0  }
0x2e1: {  	[sflag:s7] =	ssyncadd.s32 $0xFFFFF000  }
0x2e2: {  	_ =	swait.ge [sflag:s7], $0x1000  }
0x2e3: {  	[sflag:s7] =	ssyncset.done $0x0  }
0x2e4: {  	[sflag:s7] =	ssyncadd.s32 $0xFFFFF000  }
0x2e5: {  	_ =	swait.ge [sflag:s7], $0x1000  }
0x2e6: {  	[sflag:s7] =	ssyncset.done $0x0  }
0x2e7: {  	[sflag:s7] =	ssyncadd.s32 $0xFFFFF000  }
0x2e8: {  	_ =	swait.ge [sflag:s7], $0x1000  }
0x2e9: {  	[sflag:s7] =	ssyncset.done $0x0  }
0x2ea: {  	[sflag:s7] =	ssyncadd.s32 $0xFFFFF000  }
0x2eb: {  	_ =	swait.ge [sflag:s7], $0x1000  }
0x2ec: {  	[sflag:s7] =	ssyncset.done $0x0  }
0x2ed: {  	s18 =	rddreg [dreg:$0x4];
	[sflag:s7] =	ssyncadd.s32 $0xFFFFF000  }
0x2ee: {  	[hbm4b:s18+s2] =	stream.linear.scatter [tilespmem:s3], [sflag:$0x3], $0x8000, $0x38;
	[tilespmem:$0x13400] =	vst v63  }
0x2ef: {  	_ =	swait.ge [sflag:s5], $0x8000  }
0x2f0: {  	s0 =	rddreg [dreg:$0x1f];
	[sflag:s5] =	ssyncset.done $0x0  }
0x2f1: {  	s18 =	sld [smem:$0x7AC];
	[sflag:s5] =	ssyncadd.s32 $0xFFFF8000  }
0x2f2: {  	[tilespmem:s3], [sflag:$0x1] =	stream.indirect.gather [hbm4b:s4+s6], $0x20, s0, s6, $0xb8;
	[tilespmem:$0x13400] =	vst v63  }
0x2f3: {  	s0 =	sld [smem:$0x7AD]  }
0x2f4: {  	[tilespmem:s10], [sflag:$0x1] =	stream.indirect.gather [hbm4b:s4+s6], $0x20, s18, s6, $0xb8;
	[tilespmem:$0x13400] =	vst v63  }
0x2f5: {  	s18 =	sld [smem:$0x7AE]  }
0x2f6: {  	[tilespmem:s11], [sflag:$0x1] =	stream.indirect.gather [hbm4b:s4+s6], $0x20, s0, s6, $0xb8;
	[tilespmem:$0x13400] =	vst v63  }
0x2f7: {  	s0 =	sld [smem:$0x7AF]  }
0x2f8: {  	[tilespmem:s12], [sflag:$0x1] =	stream.indirect.gather [hbm4b:s4+s6], $0x20, s18, s6, $0xb8;
	[tilespmem:$0x13400] =	vst v63  }
0x2f9: {  	s18 =	sld [smem:$0x7B0]  }
0x2fa: {  	[tilespmem:s13], [sflag:$0x1] =	stream.indirect.gather [hbm4b:s4+s6], $0x20, s0, s6, $0xb8;
	[tilespmem:$0x13400] =	vst v63  }
0x2fb: {  	s0 =	sld [smem:$0x7B1]  }
0x2fc: {  	[tilespmem:s14], [sflag:$0x1] =	stream.indirect.gather [hbm4b:s4+s6], $0x20, s18, s6, $0xb8;
	[tilespmem:$0x13400] =	vst v63  }
0x2fd: {  	s18 =	sld [smem:$0x7B2]  }
0x2fe: {  	[tilespmem:s15], [sflag:$0x1] =	stream.indirect.gather [hbm4b:s4+s6], $0x20, s0, s6, $0xb8;
	[tilespmem:$0x13400] =	vst v63  }
0x2ff: {  	_ = 	snop  }
0x300: {  	[tilespmem:s16], [sflag:$0x1] =	stream.indirect.gather [hbm4b:s4+s6], $0x20, s18, s6, $0xb8;
	[tilespmem:$0x13400] =	vst v63  }
0x301: {  	_ =	swait.ge [sflag:s17], $0x1000  }
0x302: {  	[sflag:s17] =	ssyncset.done $0x0  }
0x303: {  	[sflag:s17] =	ssyncadd.s32 $0xFFFFF000  }
0x304: {  	_ =	swait.ge [sflag:s17], $0x1000  }
0x305: {  	[sflag:s17] =	ssyncset.done $0x0  }
0x306: {  	[sflag:s17] =	ssyncadd.s32 $0xFFFFF000  }
0x307: {  	_ =	swait.ge [sflag:s17], $0x1000  }
0x308: {  	[sflag:s17] =	ssyncset.done $0x0  }
0x309: {  	[sflag:s17] =	ssyncadd.s32 $0xFFFFF000  }
0x30a: {  	_ =	swait.ge [sflag:s17], $0x1000  }
0x30b: {  	[sflag:s17] =	ssyncset.done $0x0  }
0x30c: {  	[sflag:s17] =	ssyncadd.s32 $0xFFFFF000  }
0x30d: {  	_ =	swait.ge [sflag:s17], $0x1000  }
0x30e: {  	[sflag:s17] =	ssyncset.done $0x0  }
0x30f: {  	[sflag:s17] =	ssyncadd.s32 $0xFFFFF000  }
0x310: {  	_ =	swait.ge [sflag:s17], $0x1000  }
0x311: {  	[sflag:s17] =	ssyncset.done $0x0  }
0x312: {  	[sflag:s17] =	ssyncadd.s32 $0xFFFFF000  }
0x313: {  	_ =	swait.ge [sflag:s17], $0x1000  }
0x314: {  	[sflag:s17] =	ssyncset.done $0x0  }
0x315: {  	[sflag:s17] =	ssyncadd.s32 $0xFFFFF000  }
0x316: {  	_ =	swait.ge [sflag:s17], $0x1000  }
0x317: {  	[sflag:s17] =	ssyncset.done $0x0  }
0x318: {  	s18 =	rddreg [dreg:$0x5];
	[sflag:s17] =	ssyncadd.s32 $0xFFFFF000  }
0x319: {  	[hbm4b:s18+s2] =	stream.linear.scatter [tilespmem:s8], [sflag:$0x4], $0x8000, $0x38;
	[tilespmem:$0x13400] =	vst v63  }
0x31a: {  	_ =	swait.ge [sflag:s9], $0x8000  }
0x31b: {  	s0 =	sld [smem:$0x7B3]  }
0x31c: {  	[sflag:s9] =	ssyncset.done $0x0  }
0x31d: {  	s18 =	sld [smem:$0x7B4];
	[sflag:s9] =	ssyncadd.s32 $0xFFFF8000  }
0x31e: {  	[tilespmem:s8], [sflag:$0x2] =	stream.indirect.gather [hbm4b:s4+s6], $0x20, s0, s6, $0xb8;
	[tilespmem:$0x13400] =	vst v63  }
0x31f: {  	s0 =	sld [smem:$0x7B5]  }
0x320: {  	[tilespmem:s23], [sflag:$0x2] =	stream.indirect.gather [hbm4b:s4+s6], $0x20, s18, s6, $0xb8;
	[tilespmem:$0x13400] =	vst v63  }
0x321: {  	s18 =	sld [smem:$0x7B6]  }
0x322: {  	[tilespmem:s24], [sflag:$0x2] =	stream.indirect.gather [hbm4b:s4+s6], $0x20, s0, s6, $0xb8;
	[tilespmem:$0x13400] =	vst v63  }
0x323: {  	s0 =	sld [smem:$0x7B7]  }
0x324: {  	[tilespmem:s25], [sflag:$0x2] =	stream.indirect.gather [hbm4b:s4+s6], $0x20, s18, s6, $0xb8;
	[tilespmem:$0x13400] =	vst v63  }
0x325: {  	s18 =	sld [smem:$0x7B8]  }
0x326: {  	[tilespmem:s26], [sflag:$0x2] =	stream.indirect.gather [hbm4b:s4+s6], $0x20, s0, s6, $0xb8;
	[tilespmem:$0x13400] =	vst v63  }
0x327: {  	s0 =	sld [smem:$0x7B9]  }
0x328: {  	[tilespmem:s28], [sflag:$0x2] =	stream.indirect.gather [hbm4b:s4+s6], $0x20, s18, s6, $0xb8;
	[tilespmem:$0x13400] =	vst v63  }
0x329: {  	s18 =	sld [smem:$0x7BA]  }
0x32a: {  	[tilespmem:s29], [sflag:$0x2] =	stream.indirect.gather [hbm4b:s4+s6], $0x20, s0, s6, $0xb8;
	[tilespmem:$0x13400] =	vst v63  }
0x32b: {  	_ = 	snop  }
0x32c: {  	[tilespmem:s30], [sflag:$0x2] =	stream.indirect.gather [hbm4b:s4+s6], $0x20, s18, s6, $0xb8;
	[tilespmem:$0x13400] =	vst v63  }
0x32d: {  	_ =	swait.ge [sflag:s7], $0x1000  }
0x32e: {  	[sflag:s7] =	ssyncset.done $0x0  }
0x32f: {  	[sflag:s7] =	ssyncadd.s32 $0xFFFFF000  }
0x330: {  	_ =	swait.ge [sflag:s7], $0x1000  }
0x331: {  	[sflag:s7] =	ssyncset.done $0x0  }
0x332: {  	[sflag:s7] =	ssyncadd.s32 $0xFFFFF000  }
0x333: {  	_ =	swait.ge [sflag:s7], $0x1000  }
0x334: {  	[sflag:s7] =	ssyncset.done $0x0  }
0x335: {  	[sflag:s7] =	ssyncadd.s32 $0xFFFFF000  }
0x336: {  	_ =	swait.ge [sflag:s7], $0x1000  }
0x337: {  	[sflag:s7] =	ssyncset.done $0x0  }
0x338: {  	[sflag:s7] =	ssyncadd.s32 $0xFFFFF000  }
0x339: {  	_ =	swait.ge [sflag:s7], $0x1000  }
0x33a: {  	[sflag:s7] =	ssyncset.done $0x0  }
0x33b: {  	[sflag:s7] =	ssyncadd.s32 $0xFFFFF000  }
0x33c: {  	_ =	swait.ge [sflag:s7], $0x1000  }
0x33d: {  	[sflag:s7] =	ssyncset.done $0x0  }
0x33e: {  	[sflag:s7] =	ssyncadd.s32 $0xFFFFF000  }
0x33f: {  	_ =	swait.ge [sflag:s7], $0x1000  }
0x340: {  	[sflag:s7] =	ssyncset.done $0x0  }
0x341: {  	[sflag:s7] =	ssyncadd.s32 $0xFFFFF000  }
0x342: {  	_ =	swait.ge [sflag:s7], $0x1000  }
0x343: {  	[sflag:s7] =	ssyncset.done $0x0  }
0x344: {  	s18 =	rddreg [dreg:$0x6];
	[sflag:s7] =	ssyncadd.s32 $0xFFFFF000  }
0x345: {  	[hbm4b:s18+s2] =	stream.linear.scatter [tilespmem:s3], [sflag:$0x3], $0x8000, $0x38;
	[tilespmem:$0x13400] =	vst v63  }
0x346: {  	_ =	swait.ge [sflag:s5], $0x8000  }
0x347: {  	s0 =	sld [smem:$0x7BB]  }
0x348: {  	[sflag:s5] =	ssyncset.done $0x0  }
0x349: {  	s18 =	sld [smem:$0x7BC];
	[sflag:s5] =	ssyncadd.s32 $0xFFFF8000  }
0x34a: {  	[tilespmem:s3], [sflag:$0x1] =	stream.indirect.gather [hbm4b:s4+s6], $0x20, s0, s6, $0xb8;
	[tilespmem:$0x13400] =	vst v63  }
0x34b: {  	s0 =	sld [smem:$0x7BD]  }
0x34c: {  	[tilespmem:s10], [sflag:$0x1] =	stream.indirect.gather [hbm4b:s4+s6], $0x20, s18, s6, $0xb8;
	[tilespmem:$0x13400] =	vst v63  }
0x34d: {  	s18 =	sld [smem:$0x7BE]  }
0x34e: {  	[tilespmem:s11], [sflag:$0x1] =	stream.indirect.gather [hbm4b:s4+s6], $0x20, s0, s6, $0xb8;
	[tilespmem:$0x13400] =	vst v63  }
0x34f: {  	s0 =	sld [smem:$0x7BF]  }
0x350: {  	[tilespmem:s12], [sflag:$0x1] =	stream.indirect.gather [hbm4b:s4+s6], $0x20, s18, s6, $0xb8;
	[tilespmem:$0x13400] =	vst v63  }
0x351: {  	s18 =	sld [smem:$0x7C0]  }
0x352: {  	[tilespmem:s13], [sflag:$0x1] =	stream.indirect.gather [hbm4b:s4+s6], $0x20, s0, s6, $0xb8;
	[tilespmem:$0x13400] =	vst v63  }
0x353: {  	s0 =	sld [smem:$0x7C1]  }
0x354: {  	[tilespmem:s14], [sflag:$0x1] =	stream.indirect.gather [hbm4b:s4+s6], $0x20, s18, s6, $0xb8;
	[tilespmem:$0x13400] =	vst v63  }
0x355: {  	s18 =	sld [smem:$0x7C2]  }
0x356: {  	[tilespmem:s15], [sflag:$0x1] =	stream.indirect.gather [hbm4b:s4+s6], $0x20, s0, s6, $0xb8;
	[tilespmem:$0x13400] =	vst v63  }
0x357: {  	_ = 	snop  }
0x358: {  	[tilespmem:s16], [sflag:$0x1] =	stream.indirect.gather [hbm4b:s4+s6], $0x20, s18, s6, $0xb8;
	[tilespmem:$0x13400] =	vst v63  }
0x359: {  	_ =	swait.ge [sflag:s17], $0x1000  }
0x35a: {  	[sflag:s17] =	ssyncset.done $0x0  }
0x35b: {  	[sflag:s17] =	ssyncadd.s32 $0xFFFFF000  }
0x35c: {  	_ =	swait.ge [sflag:s17], $0x1000  }
0x35d: {  	[sflag:s17] =	ssyncset.done $0x0  }
0x35e: {  	[sflag:s17] =	ssyncadd.s32 $0xFFFFF000  }
0x35f: {  	_ =	swait.ge [sflag:s17], $0x1000  }
0x360: {  	[sflag:s17] =	ssyncset.done $0x0  }
0x361: {  	[sflag:s17] =	ssyncadd.s32 $0xFFFFF000  }
0x362: {  	_ =	swait.ge [sflag:s17], $0x1000  }
0x363: {  	[sflag:s17] =	ssyncset.done $0x0  }
0x364: {  	[sflag:s17] =	ssyncadd.s32 $0xFFFFF000  }
0x365: {  	_ =	swait.ge [sflag:s17], $0x1000  }
0x366: {  	[sflag:s17] =	ssyncset.done $0x0  }
0x367: {  	[sflag:s17] =	ssyncadd.s32 $0xFFFFF000  }
0x368: {  	_ =	swait.ge [sflag:s17], $0x1000  }
0x369: {  	[sflag:s17] =	ssyncset.done $0x0  }
0x36a: {  	[sflag:s17] =	ssyncadd.s32 $0xFFFFF000  }
0x36b: {  	_ =	swait.ge [sflag:s17], $0x1000  }
0x36c: {  	[sflag:s17] =	ssyncset.done $0x0  }
0x36d: {  	[sflag:s17] =	ssyncadd.s32 $0xFFFFF000  }
0x36e: {  	_ =	swait.ge [sflag:s17], $0x1000  }
0x36f: {  	[sflag:s17] =	ssyncset.done $0x0  }
0x370: {  	s18 =	rddreg [dreg:$0x7];
	[sflag:s17] =	ssyncadd.s32 $0xFFFFF000  }
0x371: {  	[hbm4b:s18+s2] =	stream.linear.scatter [tilespmem:s8], [sflag:$0x4], $0x8000, $0x38;
	[tilespmem:$0x13400] =	vst v63  }
0x372: {  	_ =	swait.ge [sflag:s9], $0x8000  }
0x373: {  	s0 =	sld [smem:$0x7C3]  }
0x374: {  	[sflag:s9] =	ssyncset.done $0x0  }
0x375: {  	s18 =	sld [smem:$0x7C4];
	[sflag:s9] =	ssyncadd.s32 $0xFFFF8000  }
0x376: {  	[tilespmem:s8], [sflag:$0x2] =	stream.indirect.gather [hbm4b:s4+s6], $0x20, s0, s6, $0xb8;
	[tilespmem:$0x13400] =	vst v63  }
0x377: {  	s0 =	sld [smem:$0x7C5]  }
0x378: {  	[tilespmem:s23], [sflag:$0x2] =	stream.indirect.gather [hbm4b:s4+s6], $0x20, s18, s6, $0xb8;
	[tilespmem:$0x13400] =	vst v63  }
0x379: {  	s18 =	sld [smem:$0x7C6]  }
0x37a: {  	[tilespmem:s24], [sflag:$0x2] =	stream.indirect.gather [hbm4b:s4+s6], $0x20, s0, s6, $0xb8;
	[tilespmem:$0x13400] =	vst v63  }
0x37b: {  	s0 =	sld [smem:$0x7C7]  }
0x37c: {  	[tilespmem:s25], [sflag:$0x2] =	stream.indirect.gather [hbm4b:s4+s6], $0x20, s18, s6, $0xb8;
	[tilespmem:$0x13400] =	vst v63  }
0x37d: {  	s18 =	sld [smem:$0x7C8]  }
0x37e: {  	[tilespmem:s26], [sflag:$0x2] =	stream.indirect.gather [hbm4b:s4+s6], $0x20, s0, s6, $0xb8;
	[tilespmem:$0x13400] =	vst v63  }
0x37f: {  	s0 =	sld [smem:$0x7C9]  }
0x380: {  	[tilespmem:s28], [sflag:$0x2] =	stream.indirect.gather [hbm4b:s4+s6], $0x20, s18, s6, $0xb8;
	[tilespmem:$0x13400] =	vst v63  }
0x381: {  	s18 =	sld [smem:$0x7CA]  }
0x382: {  	[tilespmem:s29], [sflag:$0x2] =	stream.indirect.gather [hbm4b:s4+s6], $0x20, s0, s6, $0xb8;
	[tilespmem:$0x13400] =	vst v63  }
0x383: {  	_ = 	snop  }
0x384: {  	[tilespmem:s30], [sflag:$0x2] =	stream.indirect.gather [hbm4b:s4+s6], $0x20, s18, s6, $0xb8;
	[tilespmem:$0x13400] =	vst v63  }
0x385: {  	_ =	swait.ge [sflag:s7], $0x1000  }
0x386: {  	[sflag:s7] =	ssyncset.done $0x0  }
0x387: {  	[sflag:s7] =	ssyncadd.s32 $0xFFFFF000  }
0x388: {  	_ =	swait.ge [sflag:s7], $0x1000  }
0x389: {  	[sflag:s7] =	ssyncset.done $0x0  }
0x38a: {  	[sflag:s7] =	ssyncadd.s32 $0xFFFFF000  }
0x38b: {  	_ =	swait.ge [sflag:s7], $0x1000  }
0x38c: {  	[sflag:s7] =	ssyncset.done $0x0  }
0x38d: {  	[sflag:s7] =	ssyncadd.s32 $0xFFFFF000  }
0x38e: {  	_ =	swait.ge [sflag:s7], $0x1000  }
0x38f: {  	[sflag:s7] =	ssyncset.done $0x0  }
0x390: {  	[sflag:s7] =	ssyncadd.s32 $0xFFFFF000  }
0x391: {  	_ =	swait.ge [sflag:s7], $0x1000  }
0x392: {  	[sflag:s7] =	ssyncset.done $0x0  }
0x393: {  	[sflag:s7] =	ssyncadd.s32 $0xFFFFF000  }
0x394: {  	_ =	swait.ge [sflag:s7], $0x1000  }
0x395: {  	[sflag:s7] =	ssyncset.done $0x0  }
0x396: {  	[sflag:s7] =	ssyncadd.s32 $0xFFFFF000  }
0x397: {  	_ =	swait.ge [sflag:s7], $0x1000  }
0x398: {  	[sflag:s7] =	ssyncset.done $0x0  }
0x399: {  	[sflag:s7] =	ssyncadd.s32 $0xFFFFF000  }
0x39a: {  	_ =	swait.ge [sflag:s7], $0x1000  }
0x39b: {  	[sflag:s7] =	ssyncset.done $0x0  }
0x39c: {  	s18 =	rddreg [dreg:$0x8];
	[sflag:s7] =	ssyncadd.s32 $0xFFFFF000  }
0x39d: {  	[hbm4b:s18+s2] =	stream.linear.scatter [tilespmem:s3], [sflag:$0x3], $0x8000, $0x38;
	[tilespmem:$0x13400] =	vst v63  }
0x39e: {  	_ =	swait.ge [sflag:s5], $0x8000  }
0x39f: {  	s0 =	sld [smem:$0x7CB]  }
0x3a0: {  	[sflag:s5] =	ssyncset.done $0x0  }
0x3a1: {  	s18 =	sld [smem:$0x7CC];
	[sflag:s5] =	ssyncadd.s32 $0xFFFF8000  }
0x3a2: {  	[tilespmem:s3], [sflag:$0x1] =	stream.indirect.gather [hbm4b:s4+s6], $0x20, s0, s6, $0xb8;
	[tilespmem:$0x13400] =	vst v63  }
0x3a3: {  	s0 =	sld [smem:$0x7CD]  }
0x3a4: {  	[tilespmem:s10], [sflag:$0x1] =	stream.indirect.gather [hbm4b:s4+s6], $0x20, s18, s6, $0xb8;
	[tilespmem:$0x13400] =	vst v63  }
0x3a5: {  	s18 =	sld [smem:$0x7CE]  }
0x3a6: {  	[tilespmem:s11], [sflag:$0x1] =	stream.indirect.gather [hbm4b:s4+s6], $0x20, s0, s6, $0xb8;
	[tilespmem:$0x13400] =	vst v63  }
0x3a7: {  	s0 =	sld [smem:$0x7CF]  }
0x3a8: {  	[tilespmem:s12], [sflag:$0x1] =	stream.indirect.gather [hbm4b:s4+s6], $0x20, s18, s6, $0xb8;
	[tilespmem:$0x13400] =	vst v63  }
0x3a9: {  	s18 =	sld [smem:$0x7D0]  }
0x3aa: {  	[tilespmem:s13], [sflag:$0x1] =	stream.indirect.gather [hbm4b:s4+s6], $0x20, s0, s6, $0xb8;
	[tilespmem:$0x13400] =	vst v63  }
0x3ab: {  	s0 =	sld [smem:$0x7D1]  }
0x3ac: {  	[tilespmem:s14], [sflag:$0x1] =	stream.indirect.gather [hbm4b:s4+s6], $0x20, s18, s6, $0xb8;
	[tilespmem:$0x13400] =	vst v63  }
0x3ad: {  	s18 =	sld [smem:$0x7D2]  }
0x3ae: {  	[tilespmem:s15], [sflag:$0x1] =	stream.indirect.gather [hbm4b:s4+s6], $0x20, s0, s6, $0xb8;
	[tilespmem:$0x13400] =	vst v63  }
0x3af: {  	_ = 	snop  }
0x3b0: {  	[tilespmem:s16], [sflag:$0x1] =	stream.indirect.gather [hbm4b:s4+s6], $0x20, s18, s6, $0xb8;
	[tilespmem:$0x13400] =	vst v63  }
0x3b1: {  	_ =	swait.ge [sflag:s17], $0x1000  }
0x3b2: {  	[sflag:s17] =	ssyncset.done $0x0  }
0x3b3: {  	[sflag:s17] =	ssyncadd.s32 $0xFFFFF000  }
0x3b4: {  	_ =	swait.ge [sflag:s17], $0x1000  }
0x3b5: {  	[sflag:s17] =	ssyncset.done $0x0  }
0x3b6: {  	[sflag:s17] =	ssyncadd.s32 $0xFFFFF000  }
0x3b7: {  	_ =	swait.ge [sflag:s17], $0x1000  }
0x3b8: {  	[sflag:s17] =	ssyncset.done $0x0  }
0x3b9: {  	[sflag:s17] =	ssyncadd.s32 $0xFFFFF000  }
0x3ba: {  	_ =	swait.ge [sflag:s17], $0x1000  }
0x3bb: {  	[sflag:s17] =	ssyncset.done $0x0  }
0x3bc: {  	[sflag:s17] =	ssyncadd.s32 $0xFFFFF000  }
0x3bd: {  	_ =	swait.ge [sflag:s17], $0x1000  }
0x3be: {  	[sflag:s17] =	ssyncset.done $0x0  }
0x3bf: {  	[sflag:s17] =	ssyncadd.s32 $0xFFFFF000  }
0x3c0: {  	_ =	swait.ge [sflag:s17], $0x1000  }
0x3c1: {  	[sflag:s17] =	ssyncset.done $0x0  }
0x3c2: {  	[sflag:s17] =	ssyncadd.s32 $0xFFFFF000  }
0x3c3: {  	_ =	swait.ge [sflag:s17], $0x1000  }
0x3c4: {  	[sflag:s17] =	ssyncset.done $0x0  }
0x3c5: {  	[sflag:s17] =	ssyncadd.s32 $0xFFFFF000  }
0x3c6: {  	_ =	swait.ge [sflag:s17], $0x1000  }
0x3c7: {  	[sflag:s17] =	ssyncset.done $0x0  }
0x3c8: {  	s18 =	rddreg [dreg:$0x9];
	[sflag:s17] =	ssyncadd.s32 $0xFFFFF000  }
0x3c9: {  	[hbm4b:s18+s2] =	stream.linear.scatter [tilespmem:s8], [sflag:$0x4], $0x8000, $0x38;
	[tilespmem:$0x13400] =	vst v63  }
0x3ca: {  	_ =	swait.ge [sflag:s9], $0x8000  }
0x3cb: {  	s0 =	sld [smem:$0x7D3]  }
0x3cc: {  	[sflag:s9] =	ssyncset.done $0x0  }
0x3cd: {  	s18 =	sld [smem:$0x7D4];
	[sflag:s9] =	ssyncadd.s32 $0xFFFF8000  }
0x3ce: {  	[tilespmem:s8], [sflag:$0x2] =	stream.indirect.gather [hbm4b:s4+s6], $0x20, s0, s6, $0xb8;
	[tilespmem:$0x13400] =	vst v63  }
0x3cf: {  	s0 =	sld [smem:$0x7D5]  }
0x3d0: {  	[tilespmem:s23], [sflag:$0x2] =	stream.indirect.gather [hbm4b:s4+s6], $0x20, s18, s6, $0xb8;
	[tilespmem:$0x13400] =	vst v63  }
0x3d1: {  	s18 =	sld [smem:$0x7D6]  }
0x3d2: {  	[tilespmem:s24], [sflag:$0x2] =	stream.indirect.gather [hbm4b:s4+s6], $0x20, s0, s6, $0xb8;
	[tilespmem:$0x13400] =	vst v63  }
0x3d3: {  	s0 =	sld [smem:$0x7D7]  }
0x3d4: {  	[tilespmem:s25], [sflag:$0x2] =	stream.indirect.gather [hbm4b:s4+s6], $0x20, s18, s6, $0xb8;
	[tilespmem:$0x13400] =	vst v63  }
0x3d5: {  	s18 =	sld [smem:$0x7D8]  }
0x3d6: {  	[tilespmem:s26], [sflag:$0x2] =	stream.indirect.gather [hbm4b:s4+s6], $0x20, s0, s6, $0xb8;
	[tilespmem:$0x13400] =	vst v63  }
0x3d7: {  	s0 =	sld [smem:$0x7D9]  }
0x3d8: {  	[tilespmem:s28], [sflag:$0x2] =	stream.indirect.gather [hbm4b:s4+s6], $0x20, s18, s6, $0xb8;
	[tilespmem:$0x13400] =	vst v63  }
0x3d9: {  	s18 =	sld [smem:$0x7DA]  }
0x3da: {  	[tilespmem:s29], [sflag:$0x2] =	stream.indirect.gather [hbm4b:s4+s6], $0x20, s0, s6, $0xb8;
	[tilespmem:$0x13400] =	vst v63  }
0x3db: {  	_ = 	snop  }
0x3dc: {  	[tilespmem:s30], [sflag:$0x2] =	stream.indirect.gather [hbm4b:s4+s6], $0x20, s18, s6, $0xb8;
	[tilespmem:$0x13400] =	vst v63  }
0x3dd: {  	_ =	swait.ge [sflag:s7], $0x1000  }
0x3de: {  	[sflag:s7] =	ssyncset.done $0x0  }
0x3df: {  	[sflag:s7] =	ssyncadd.s32 $0xFFFFF000  }
0x3e0: {  	_ =	swait.ge [sflag:s7], $0x1000  }
0x3e1: {  	[sflag:s7] =	ssyncset.done $0x0  }
0x3e2: {  	[sflag:s7] =	ssyncadd.s32 $0xFFFFF000  }
0x3e3: {  	_ =	swait.ge [sflag:s7], $0x1000  }
0x3e4: {  	[sflag:s7] =	ssyncset.done $0x0  }
0x3e5: {  	[sflag:s7] =	ssyncadd.s32 $0xFFFFF000  }
0x3e6: {  	_ =	swait.ge [sflag:s7], $0x1000  }
0x3e7: {  	[sflag:s7] =	ssyncset.done $0x0  }
0x3e8: {  	[sflag:s7] =	ssyncadd.s32 $0xFFFFF000  }
0x3e9: {  	_ =	swait.ge [sflag:s7], $0x1000  }
0x3ea: {  	[sflag:s7] =	ssyncset.done $0x0  }
0x3eb: {  	[sflag:s7] =	ssyncadd.s32 $0xFFFFF000  }
0x3ec: {  	_ =	swait.ge [sflag:s7], $0x1000  }
0x3ed: {  	[sflag:s7] =	ssyncset.done $0x0  }
0x3ee: {  	[sflag:s7] =	ssyncadd.s32 $0xFFFFF000  }
0x3ef: {  	_ =	swait.ge [sflag:s7], $0x1000  }
0x3f0: {  	[sflag:s7] =	ssyncset.done $0x0  }
0x3f1: {  	[sflag:s7] =	ssyncadd.s32 $0xFFFFF000  }
0x3f2: {  	_ =	swait.ge [sflag:s7], $0x1000  }
0x3f3: {  	[sflag:s7] =	ssyncset.done $0x0  }
0x3f4: {  	s18 =	rddreg [dreg:$0xa];
	[sflag:s7] =	ssyncadd.s32 $0xFFFFF000  }
0x3f5: {  	[hbm4b:s18+s2] =	stream.linear.scatter [tilespmem:s3], [sflag:$0x3], $0x8000, $0x38;
	[tilespmem:$0x13400] =	vst v63  }
0x3f6: {  	_ =	swait.ge [sflag:s5], $0x8000  }
0x3f7: {  	s0 =	sld [smem:$0x7DB]  }
0x3f8: {  	[sflag:s5] =	ssyncset.done $0x0  }
0x3f9: {  	s18 =	sld [smem:$0x7DC];
	[sflag:s5] =	ssyncadd.s32 $0xFFFF8000  }
0x3fa: {  	[tilespmem:s3], [sflag:$0x1] =	stream.indirect.gather [hbm4b:s4+s6], $0x20, s0, s6, $0xb8;
	[tilespmem:$0x13400] =	vst v63  }
0x3fb: {  	s0 =	sld [smem:$0x7DD]  }
0x3fc: {  	[tilespmem:s10], [sflag:$0x1] =	stream.indirect.gather [hbm4b:s4+s6], $0x20, s18, s6, $0xb8;
	[tilespmem:$0x13400] =	vst v63  }
0x3fd: {  	s18 =	sld [smem:$0x7DE]  }
0x3fe: {  	[tilespmem:s11], [sflag:$0x1] =	stream.indirect.gather [hbm4b:s4+s6], $0x20, s0, s6, $0xb8;
	[tilespmem:$0x13400] =	vst v63  }
0x3ff: {  	s0 =	sld [smem:$0x7DF]  }
0x400: {  	[tilespmem:s12], [sflag:$0x1] =	stream.indirect.gather [hbm4b:s4+s6], $0x20, s18, s6, $0xb8;
	[tilespmem:$0x13400] =	vst v63  }
0x401: {  	s18 =	sld [smem:$0x7E0]  }
0x402: {  	[tilespmem:s13], [sflag:$0x1] =	stream.indirect.gather [hbm4b:s4+s6], $0x20, s0, s6, $0xb8;
	[tilespmem:$0x13400] =	vst v63  }
0x403: {  	s0 =	sld [smem:$0x7E1]  }
0x404: {  	[tilespmem:s14], [sflag:$0x1] =	stream.indirect.gather [hbm4b:s4+s6], $0x20, s18, s6, $0xb8;
	[tilespmem:$0x13400] =	vst v63  }
0x405: {  	s18 =	sld [smem:$0x7E2]  }
0x406: {  	[tilespmem:s15], [sflag:$0x1] =	stream.indirect.gather [hbm4b:s4+s6], $0x20, s0, s6, $0xb8;
	[tilespmem:$0x13400] =	vst v63  }
0x407: {  	_ = 	snop  }
0x408: {  	[tilespmem:s16], [sflag:$0x1] =	stream.indirect.gather [hbm4b:s4+s6], $0x20, s18, s6, $0xb8;
	[tilespmem:$0x13400] =	vst v63  }
0x409: {  	_ =	swait.ge [sflag:s17], $0x1000  }
0x40a: {  	[sflag:s17] =	ssyncset.done $0x0  }
0x40b: {  	[sflag:s17] =	ssyncadd.s32 $0xFFFFF000  }
0x40c: {  	_ =	swait.ge [sflag:s17], $0x1000  }
0x40d: {  	[sflag:s17] =	ssyncset.done $0x0  }
0x40e: {  	[sflag:s17] =	ssyncadd.s32 $0xFFFFF000  }
0x40f: {  	_ =	swait.ge [sflag:s17], $0x1000  }
0x410: {  	[sflag:s17] =	ssyncset.done $0x0  }
0x411: {  	[sflag:s17] =	ssyncadd.s32 $0xFFFFF000  }
0x412: {  	_ =	swait.ge [sflag:s17], $0x1000  }
0x413: {  	[sflag:s17] =	ssyncset.done $0x0  }
0x414: {  	[sflag:s17] =	ssyncadd.s32 $0xFFFFF000  }
0x415: {  	_ =	swait.ge [sflag:s17], $0x1000  }
0x416: {  	[sflag:s17] =	ssyncset.done $0x0  }
0x417: {  	[sflag:s17] =	ssyncadd.s32 $0xFFFFF000  }
0x418: {  	_ =	swait.ge [sflag:s17], $0x1000  }
0x419: {  	[sflag:s17] =	ssyncset.done $0x0  }
0x41a: {  	[sflag:s17] =	ssyncadd.s32 $0xFFFFF000  }
0x41b: {  	_ =	swait.ge [sflag:s17], $0x1000  }
0x41c: {  	[sflag:s17] =	ssyncset.done $0x0  }
0x41d: {  	[sflag:s17] =	ssyncadd.s32 $0xFFFFF000  }
0x41e: {  	_ =	swait.ge [sflag:s17], $0x1000  }
0x41f: {  	[sflag:s17] =	ssyncset.done $0x0  }
0x420: {  	s18 =	rddreg [dreg:$0xb];
	[sflag:s17] =	ssyncadd.s32 $0xFFFFF000  }
0x421: {  	[hbm4b:s18+s2] =	stream.linear.scatter [tilespmem:s8], [sflag:$0x4], $0x8000, $0x38;
	[tilespmem:$0x13400] =	vst v63  }
0x422: {  	_ =	swait.ge [sflag:s9], $0x8000  }
0x423: {  	s0 =	sld [smem:$0x7E3]  }
0x424: {  	[sflag:s9] =	ssyncset.done $0x0  }
0x425: {  	s18 =	sld [smem:$0x7E4];
	[sflag:s9] =	ssyncadd.s32 $0xFFFF8000  }
0x426: {  	[tilespmem:s8], [sflag:$0x2] =	stream.indirect.gather [hbm4b:s4+s6], $0x20, s0, s6, $0xb8;
	[tilespmem:$0x13400] =	vst v63  }
0x427: {  	s0 =	sld [smem:$0x7E5]  }
0x428: {  	[tilespmem:s23], [sflag:$0x2] =	stream.indirect.gather [hbm4b:s4+s6], $0x20, s18, s6, $0xb8;
	[tilespmem:$0x13400] =	vst v63  }
0x429: {  	s18 =	sld [smem:$0x7E6]  }
0x42a: {  	[tilespmem:s24], [sflag:$0x2] =	stream.indirect.gather [hbm4b:s4+s6], $0x20, s0, s6, $0xb8;
	[tilespmem:$0x13400] =	vst v63  }
0x42b: {  	s0 =	sld [smem:$0x7E7]  }
0x42c: {  	[tilespmem:s25], [sflag:$0x2] =	stream.indirect.gather [hbm4b:s4+s6], $0x20, s18, s6, $0xb8;
	[tilespmem:$0x13400] =	vst v63  }
0x42d: {  	s18 =	sld [smem:$0x7E8]  }
0x42e: {  	[tilespmem:s26], [sflag:$0x2] =	stream.indirect.gather [hbm4b:s4+s6], $0x20, s0, s6, $0xb8;
	[tilespmem:$0x13400] =	vst v63  }
0x42f: {  	s0 =	sld [smem:$0x7E9]  }
0x430: {  	[tilespmem:s28], [sflag:$0x2] =	stream.indirect.gather [hbm4b:s4+s6], $0x20, s18, s6, $0xb8;
	[tilespmem:$0x13400] =	vst v63  }
0x431: {  	s18 =	sld [smem:$0x7EA]  }
0x432: {  	[tilespmem:s29], [sflag:$0x2] =	stream.indirect.gather [hbm4b:s4+s6], $0x20, s0, s6, $0xb8;
	[tilespmem:$0x13400] =	vst v63  }
0x433: {  	_ = 	snop  }
0x434: {  	[tilespmem:s30], [sflag:$0x2] =	stream.indirect.gather [hbm4b:s4+s6], $0x20, s18, s6, $0xb8;
	[tilespmem:$0x13400] =	vst v63  }
0x435: {  	_ =	swait.ge [sflag:s7], $0x1000  }
0x436: {  	[sflag:s7] =	ssyncset.done $0x0  }
0x437: {  	[sflag:s7] =	ssyncadd.s32 $0xFFFFF000  }
0x438: {  	_ =	swait.ge [sflag:s7], $0x1000  }
0x439: {  	[sflag:s7] =	ssyncset.done $0x0  }
0x43a: {  	[sflag:s7] =	ssyncadd.s32 $0xFFFFF000  }
0x43b: {  	_ =	swait.ge [sflag:s7], $0x1000  }
0x43c: {  	[sflag:s7] =	ssyncset.done $0x0  }
0x43d: {  	[sflag:s7] =	ssyncadd.s32 $0xFFFFF000  }
0x43e: {  	_ =	swait.ge [sflag:s7], $0x1000  }
0x43f: {  	[sflag:s7] =	ssyncset.done $0x0  }
0x440: {  	[sflag:s7] =	ssyncadd.s32 $0xFFFFF000  }
0x441: {  	_ =	swait.ge [sflag:s7], $0x1000  }
0x442: {  	[sflag:s7] =	ssyncset.done $0x0  }
0x443: {  	[sflag:s7] =	ssyncadd.s32 $0xFFFFF000  }
0x444: {  	_ =	swait.ge [sflag:s7], $0x1000  }
0x445: {  	[sflag:s7] =	ssyncset.done $0x0  }
0x446: {  	[sflag:s7] =	ssyncadd.s32 $0xFFFFF000  }
0x447: {  	_ =	swait.ge [sflag:s7], $0x1000  }
0x448: {  	[sflag:s7] =	ssyncset.done $0x0  }
0x449: {  	[sflag:s7] =	ssyncadd.s32 $0xFFFFF000  }
0x44a: {  	_ =	swait.ge [sflag:s7], $0x1000  }
0x44b: {  	[sflag:s7] =	ssyncset.done $0x0  }
0x44c: {  	s18 =	rddreg [dreg:$0xc];
	[sflag:s7] =	ssyncadd.s32 $0xFFFFF000  }
0x44d: {  	[hbm4b:s18+s2] =	stream.linear.scatter [tilespmem:s3], [sflag:$0x3], $0x8000, $0x38;
	[tilespmem:$0x13400] =	vst v63  }
0x44e: {  	_ =	swait.ge [sflag:s5], $0x8000  }
0x44f: {  	s0 =	sld [smem:$0x7EB]  }
0x450: {  	[sflag:s5] =	ssyncset.done $0x0  }
0x451: {  	s18 =	sld [smem:$0x7EC];
	[sflag:s5] =	ssyncadd.s32 $0xFFFF8000  }
0x452: {  	[tilespmem:s3], [sflag:$0x1] =	stream.indirect.gather [hbm4b:s4+s6], $0x20, s0, s6, $0xb8;
	[tilespmem:$0x13400] =	vst v63  }
0x453: {  	s0 =	sld [smem:$0x7ED]  }
0x454: {  	[tilespmem:s10], [sflag:$0x1] =	stream.indirect.gather [hbm4b:s4+s6], $0x20, s18, s6, $0xb8;
	[tilespmem:$0x13400] =	vst v63  }
0x455: {  	s18 =	sld [smem:$0x7EE]  }
0x456: {  	[tilespmem:s11], [sflag:$0x1] =	stream.indirect.gather [hbm4b:s4+s6], $0x20, s0, s6, $0xb8;
	[tilespmem:$0x13400] =	vst v63  }
0x457: {  	s0 =	sld [smem:$0x7EF]  }
0x458: {  	[tilespmem:s12], [sflag:$0x1] =	stream.indirect.gather [hbm4b:s4+s6], $0x20, s18, s6, $0xb8;
	[tilespmem:$0x13400] =	vst v63  }
0x459: {  	s18 =	sld [smem:$0x7F0]  }
0x45a: {  	[tilespmem:s13], [sflag:$0x1] =	stream.indirect.gather [hbm4b:s4+s6], $0x20, s0, s6, $0xb8;
	[tilespmem:$0x13400] =	vst v63  }
0x45b: {  	s0 =	sld [smem:$0x7F1]  }
0x45c: {  	[tilespmem:s14], [sflag:$0x1] =	stream.indirect.gather [hbm4b:s4+s6], $0x20, s18, s6, $0xb8;
	[tilespmem:$0x13400] =	vst v63  }
0x45d: {  	s18 =	sld [smem:$0x7F2]  }
0x45e: {  	[tilespmem:s15], [sflag:$0x1] =	stream.indirect.gather [hbm4b:s4+s6], $0x20, s0, s6, $0xb8;
	[tilespmem:$0x13400] =	vst v63  }
0x45f: {  	_ = 	snop  }
0x460: {  	[tilespmem:s16], [sflag:$0x1] =	stream.indirect.gather [hbm4b:s4+s6], $0x20, s18, s6, $0xb8;
	[tilespmem:$0x13400] =	vst v63  }
0x461: {  	_ =	swait.ge [sflag:s17], $0x1000  }
0x462: {  	[sflag:s17] =	ssyncset.done $0x0  }
0x463: {  	[sflag:s17] =	ssyncadd.s32 $0xFFFFF000  }
0x464: {  	_ =	swait.ge [sflag:s17], $0x1000  }
0x465: {  	[sflag:s17] =	ssyncset.done $0x0  }
0x466: {  	[sflag:s17] =	ssyncadd.s32 $0xFFFFF000  }
0x467: {  	_ =	swait.ge [sflag:s17], $0x1000  }
0x468: {  	[sflag:s17] =	ssyncset.done $0x0  }
0x469: {  	[sflag:s17] =	ssyncadd.s32 $0xFFFFF000  }
0x46a: {  	_ =	swait.ge [sflag:s17], $0x1000  }
0x46b: {  	[sflag:s17] =	ssyncset.done $0x0  }
0x46c: {  	[sflag:s17] =	ssyncadd.s32 $0xFFFFF000  }
0x46d: {  	_ =	swait.ge [sflag:s17], $0x1000  }
0x46e: {  	[sflag:s17] =	ssyncset.done $0x0  }
0x46f: {  	[sflag:s17] =	ssyncadd.s32 $0xFFFFF000  }
0x470: {  	_ =	swait.ge [sflag:s17], $0x1000  }
0x471: {  	[sflag:s17] =	ssyncset.done $0x0  }
0x472: {  	[sflag:s17] =	ssyncadd.s32 $0xFFFFF000  }
0x473: {  	_ =	swait.ge [sflag:s17], $0x1000  }
0x474: {  	[sflag:s17] =	ssyncset.done $0x0  }
0x475: {  	[sflag:s17] =	ssyncadd.s32 $0xFFFFF000  }
0x476: {  	_ =	swait.ge [sflag:s17], $0x1000  }
0x477: {  	[sflag:s17] =	ssyncset.done $0x0  }
0x478: {  	s18 =	rddreg [dreg:$0xd];
	[sflag:s17] =	ssyncadd.s32 $0xFFFFF000  }
0x479: {  	[hbm4b:s18+s2] =	stream.linear.scatter [tilespmem:s8], [sflag:$0x4], $0x8000, $0x38;
	[tilespmem:$0x13400] =	vst v63  }
0x47a: {  	_ =	swait.ge [sflag:s9], $0x8000  }
0x47b: {  	s0 =	sld [smem:$0x7F3]  }
0x47c: {  	[sflag:s9] =	ssyncset.done $0x0  }
0x47d: {  	s18 =	sld [smem:$0x7F4];
	[sflag:s9] =	ssyncadd.s32 $0xFFFF8000  }
0x47e: {  	[tilespmem:s8], [sflag:$0x2] =	stream.indirect.gather [hbm4b:s4+s6], $0x20, s0, s6, $0xb8;
	[tilespmem:$0x13400] =	vst v63  }
0x47f: {  	s0 =	sld [smem:$0x7F5]  }
0x480: {  	[tilespmem:s23], [sflag:$0x2] =	stream.indirect.gather [hbm4b:s4+s6], $0x20, s18, s6, $0xb8;
	[tilespmem:$0x13400] =	vst v63  }
0x481: {  	s18 =	sld [smem:$0x7F6]  }
0x482: {  	[tilespmem:s24], [sflag:$0x2] =	stream.indirect.gather [hbm4b:s4+s6], $0x20, s0, s6, $0xb8;
	[tilespmem:$0x13400] =	vst v63  }
0x483: {  	s0 =	sld [smem:$0x7F7]  }
0x484: {  	[tilespmem:s25], [sflag:$0x2] =	stream.indirect.gather [hbm4b:s4+s6], $0x20, s18, s6, $0xb8;
	[tilespmem:$0x13400] =	vst v63  }
0x485: {  	s18 =	sld [smem:$0x7F8]  }
0x486: {  	[tilespmem:s26], [sflag:$0x2] =	stream.indirect.gather [hbm4b:s4+s6], $0x20, s0, s6, $0xb8;
	[tilespmem:$0x13400] =	vst v63  }
0x487: {  	s0 =	sld [smem:$0x7F9]  }
0x488: {  	[tilespmem:s28], [sflag:$0x2] =	stream.indirect.gather [hbm4b:s4+s6], $0x20, s18, s6, $0xb8;
	[tilespmem:$0x13400] =	vst v63  }
0x489: {  	s18 =	sld [smem:$0x7FA]  }
0x48a: {  	[tilespmem:s29], [sflag:$0x2] =	stream.indirect.gather [hbm4b:s4+s6], $0x20, s0, s6, $0xb8;
	[tilespmem:$0x13400] =	vst v63  }
0x48b: {  	_ = 	snop  }
0x48c: {  	[tilespmem:s30], [sflag:$0x2] =	stream.indirect.gather [hbm4b:s4+s6], $0x20, s18, s6, $0xb8;
	[tilespmem:$0x13400] =	vst v63  }
0x48d: {  	_ =	swait.ge [sflag:s7], $0x1000  }
0x48e: {  	[sflag:s7] =	ssyncset.done $0x0  }
0x48f: {  	[sflag:s7] =	ssyncadd.s32 $0xFFFFF000  }
0x490: {  	_ =	swait.ge [sflag:s7], $0x1000  }
0x491: {  	[sflag:s7] =	ssyncset.done $0x0  }
0x492: {  	[sflag:s7] =	ssyncadd.s32 $0xFFFFF000  }
0x493: {  	_ =	swait.ge [sflag:s7], $0x1000  }
0x494: {  	[sflag:s7] =	ssyncset.done $0x0  }
0x495: {  	[sflag:s7] =	ssyncadd.s32 $0xFFFFF000  }
0x496: {  	_ =	swait.ge [sflag:s7], $0x1000  }
0x497: {  	[sflag:s7] =	ssyncset.done $0x0  }
0x498: {  	[sflag:s7] =	ssyncadd.s32 $0xFFFFF000  }
0x499: {  	_ =	swait.ge [sflag:s7], $0x1000  }
0x49a: {  	[sflag:s7] =	ssyncset.done $0x0  }
0x49b: {  	[sflag:s7] =	ssyncadd.s32 $0xFFFFF000  }
0x49c: {  	_ =	swait.ge [sflag:s7], $0x1000  }
0x49d: {  	[sflag:s7] =	ssyncset.done $0x0  }
0x49e: {  	[sflag:s7] =	ssyncadd.s32 $0xFFFFF000  }
0x49f: {  	_ =	swait.ge [sflag:s7], $0x1000  }
0x4a0: {  	[sflag:s7] =	ssyncset.done $0x0  }
0x4a1: {  	[sflag:s7] =	ssyncadd.s32 $0xFFFFF000  }
0x4a2: {  	_ =	swait.ge [sflag:s7], $0x1000  }
0x4a3: {  	[sflag:s7] =	ssyncset.done $0x0  }
0x4a4: {  	s18 =	rddreg [dreg:$0xe];
	[sflag:s7] =	ssyncadd.s32 $0xFFFFF000  }
0x4a5: {  	[hbm4b:s18+s2] =	stream.linear.scatter [tilespmem:s3], [sflag:$0x3], $0x8000, $0x38;
	[tilespmem:$0x13400] =	vst v63  }
0x4a6: {  	_ =	swait.ge [sflag:s5], $0x8000  }
0x4a7: {  	s0 =	sld [smem:$0x7FB]  }
0x4a8: {  	[sflag:s5] =	ssyncset.done $0x0  }
0x4a9: {  	s18 =	sld [smem:$0x7FC];
	[sflag:s5] =	ssyncadd.s32 $0xFFFF8000  }
0x4aa: {  	[tilespmem:s3], [sflag:$0x1] =	stream.indirect.gather [hbm4b:s4+s6], $0x20, s0, s6, $0xb8;
	[tilespmem:$0x13400] =	vst v63  }
0x4ab: {  	s0 =	sld [smem:$0x7FD]  }
0x4ac: {  	[tilespmem:s10], [sflag:$0x1] =	stream.indirect.gather [hbm4b:s4+s6], $0x20, s18, s6, $0xb8;
	[tilespmem:$0x13400] =	vst v63  }
0x4ad: {  	_ = 	snop  }
0x4ae: {  	[tilespmem:s11], [sflag:$0x1] =	stream.indirect.gather [hbm4b:s4+s6], $0x20, s0, s6, $0xb8;
	[tilespmem:$0x13400] =	vst v63  }
0x4af: {  	s18 =	simm.s32 $0x3180  }
0x4b0: {  	[tilespmem:s12], [sflag:$0x1] =	stream.indirect.gather [hbm4b:s4+s6], $0x20, s18, s6, $0xb8;
	[tilespmem:$0x13400] =	vst v63  }
0x4b1: {  	_ = 	snop  }
0x4b2: {  	[tilespmem:s13], [sflag:$0x1] =	stream.indirect.gather [hbm4b:s4+s6], $0x20, s20, s6, $0xb8;
	[tilespmem:$0x13400] =	vst v63  }
0x4b3: {  	_ = 	snop  }
0x4b4: {  	[tilespmem:s14], [sflag:$0x1] =	stream.indirect.gather [hbm4b:s4+s6], $0x20, s21, s6, $0xb8;
	[tilespmem:$0x13400] =	vst v63  }
0x4b5: {  	_ = 	snop  }
0x4b6: {  	[tilespmem:s15], [sflag:$0x1] =	stream.indirect.gather [hbm4b:s4+s6], $0x20, s22, s6, $0xb8;
	[tilespmem:$0x13400] =	vst v63  }
0x4b7: {  	_ = 	snop  }
0x4b8: {  	[tilespmem:s16], [sflag:$0x1] =	stream.indirect.gather [hbm4b:s4+s6], $0x20, s19, s6, $0xb8;
	[tilespmem:$0x13400] =	vst v63  }
0x4b9: {  	_ =	swait.ge [sflag:s17], $0x1000  }
0x4ba: {  	[sflag:s17] =	ssyncset.done $0x0  }
0x4bb: {  	[sflag:s17] =	ssyncadd.s32 $0xFFFFF000  }
0x4bc: {  	_ =	swait.ge [sflag:s17], $0x1000  }
0x4bd: {  	[sflag:s17] =	ssyncset.done $0x0  }
0x4be: {  	[sflag:s17] =	ssyncadd.s32 $0xFFFFF000  }
0x4bf: {  	_ =	swait.ge [sflag:s17], $0x1000  }
0x4c0: {  	[sflag:s17] =	ssyncset.done $0x0  }
0x4c1: {  	[sflag:s17] =	ssyncadd.s32 $0xFFFFF000  }
0x4c2: {  	_ =	swait.ge [sflag:s17], $0x1000  }
0x4c3: {  	[sflag:s17] =	ssyncset.done $0x0  }
0x4c4: {  	[sflag:s17] =	ssyncadd.s32 $0xFFFFF000  }
0x4c5: {  	_ =	swait.ge [sflag:s17], $0x1000  }
0x4c6: {  	[sflag:s17] =	ssyncset.done $0x0  }
0x4c7: {  	[sflag:s17] =	ssyncadd.s32 $0xFFFFF000  }
0x4c8: {  	_ =	swait.ge [sflag:s17], $0x1000  }
0x4c9: {  	[sflag:s17] =	ssyncset.done $0x0  }
0x4ca: {  	[sflag:s17] =	ssyncadd.s32 $0xFFFFF000  }
0x4cb: {  	_ =	swait.ge [sflag:s17], $0x1000  }
0x4cc: {  	[sflag:s17] =	ssyncset.done $0x0  }
0x4cd: {  	[sflag:s17] =	ssyncadd.s32 $0xFFFFF000  }
0x4ce: {  	_ =	swait.ge [sflag:s17], $0x1000  }
0x4cf: {  	[sflag:s17] =	ssyncset.done $0x0  }
0x4d0: {  	s18 =	rddreg [dreg:$0xf];
	[sflag:s17] =	ssyncadd.s32 $0xFFFFF000  }
0x4d1: {  	[hbm4b:s18+s2] =	stream.linear.scatter [tilespmem:s8], [sflag:$0x4], $0x8000, $0x38;
	[tilespmem:$0x13400] =	vst v63  }
0x4d2: {  	_ =	swait.ge [sflag:s7], $0x1000  }
0x4d3: {  	[sflag:s7] =	ssyncset.done $0x0  }
0x4d4: {  	[sflag:s7] =	ssyncadd.s32 $0xFFFFF000  }
0x4d5: {  	_ =	swait.ge [sflag:s7], $0x1000  }
0x4d6: {  	[sflag:s7] =	ssyncset.done $0x0  }
0x4d7: {  	[sflag:s7] =	ssyncadd.s32 $0xFFFFF000  }
0x4d8: {  	_ =	swait.ge [sflag:s7], $0x1000  }
0x4d9: {  	[sflag:s7] =	ssyncset.done $0x0  }
0x4da: {  	[sflag:s7] =	ssyncadd.s32 $0xFFFFF000  }
0x4db: {  	_ =	swait.ge [sflag:s7], $0x1000  }
0x4dc: {  	[sflag:s7] =	ssyncset.done $0x0  }
0x4dd: {  	[sflag:s7] =	ssyncadd.s32 $0xFFFFF000  }
0x4de: {  	_ =	swait.ge [sflag:s7], $0x1000  }
0x4df: {  	[sflag:s7] =	ssyncset.done $0x0  }
0x4e0: {  	[sflag:s7] =	ssyncadd.s32 $0xFFFFF000  }
0x4e1: {  	_ =	swait.ge [sflag:s7], $0x1000  }
0x4e2: {  	[sflag:s7] =	ssyncset.done $0x0  }
0x4e3: {  	[sflag:s7] =	ssyncadd.s32 $0xFFFFF000  }
0x4e4: {  	_ =	swait.ge [sflag:s7], $0x1000  }
0x4e5: {  	[sflag:s7] =	ssyncset.done $0x0  }
0x4e6: {  	[sflag:s7] =	ssyncadd.s32 $0xFFFFF000  }
0x4e7: {  	_ =	swait.ge [sflag:s7], $0x1000  }
0x4e8: {  	[sflag:s7] =	ssyncset.done $0x0  }
0x4e9: {  	p1 =	sne.s32 s1, $0x1;
	s18 =	rddreg [dreg:$0x10];
	[sflag:s7] =	ssyncadd.s32 $0xFFFFF000  }
0x4ea: {  	[hbm4b:s18+s2] =	stream.linear.scatter [tilespmem:s3], [sflag:$0x3], $0x8000, $0x38;
	[tilespmem:$0x13400] =	vst v63  }
.Ltmp2:
0x4eb: {  	_ =	swait.ge [sflag:s9], $0x8000;
	(pc) =	sbr.rel @p1 .LBB2_4-.Ltmp2, $4  }
0x4ec: {  	[sflag:s9] =	ssyncset.done $0x0  }
0x4ed: {  	[sflag:s9] =	ssyncadd.s32 $0xFFFF8000  }
0x4ee: {  	_ =	swait.ge [sflag:s5], $0x8000  }
0x4ef: {  	s1 =	sadd.s32 $0xFFFFFFFF, s1;
	s0 =	rddreg [dreg:$0x3];
	[sflag:s5] =	ssyncset.done $0x0  }
0x4f0: {  	s22 =	simm.s32 $0x3300;
	s21 =	simm.s32 $0x3280  }
0x4f1: {  	s20 =	simm.s32 $0x3200;
	s19 =	simm.s32 $0x3180;
	s18 =	stileid.u32  }
.LBB2_6:
0x4f2: {  	[sflag:s5] =	ssyncadd.s32 @p0 $0xFFFF8000  }
0x4f3: {  	[tilespmem:s2], [sflag:$0x5] =	stream.linear.gather [hbm4b:s0+s2], $0x3400, $0x38;
	[tilespmem:$0x13400] =	vst v63  }
0x4f4: {  	_ =	swait.ge [sflag:s31], $0x3400  }
0x4f5: {  	[sflag:s31] =	ssyncset.done $0x0  }
0x4f6: {  	[sflag:s31] =	ssyncadd.s32 $0xFFFFCC00  }
0x4f7: {  	[tilespmem:s3], [sflag:$0x1] =	stream.indirect.gather [hbm4b:s4+s6], $0x20, s2, s6, $0xb8;
	[tilespmem:$0x13400] =	vst v63  }
0x4f8: {  	_ = 	snop  }
0x4f9: {  	[tilespmem:s10], [sflag:$0x1] =	stream.indirect.gather [hbm4b:s4+s6], $0x20, s6, s6, $0xb8;
	[tilespmem:$0x13400] =	vst v63  }
0x4fa: {  	s31 =	rddreg [dreg:$0x11]  }
0x4fb: {  	[tilespmem:s11], [sflag:$0x1] =	stream.indirect.gather [hbm4b:s4+s6], $0x20, s31, s6, $0xb8;
	[tilespmem:$0x13400] =	vst v63  }
0x4fc: {  	s1 =	rddreg [dreg:$0x12]  }
0x4fd: {  	[tilespmem:s12], [sflag:$0x1] =	stream.indirect.gather [hbm4b:s4+s6], $0x20, s1, s6, $0xb8;
	[tilespmem:$0x13400] =	vst v63  }
0x4fe: {  	s0 =	rddreg [dreg:$0x13]  }
0x4ff: {  	[tilespmem:s13], [sflag:$0x1] =	stream.indirect.gather [hbm4b:s4+s6], $0x20, s0, s6, $0xb8;
	[tilespmem:$0x13400] =	vst v63  }
0x500: {  	s31 =	rddreg [dreg:$0x14]  }
0x501: {  	[tilespmem:s14], [sflag:$0x1] =	stream.indirect.gather [hbm4b:s4+s6], $0x20, s31, s6, $0xb8;
	[tilespmem:$0x13400] =	vst v63  }
0x502: {  	s0 =	rddreg [dreg:$0x15]  }
0x503: {  	[tilespmem:s15], [sflag:$0x1] =	stream.indirect.gather [hbm4b:s4+s6], $0x20, s0, s6, $0xb8;
	[tilespmem:$0x13400] =	vst v63  }
0x504: {  	s31 =	rddreg [dreg:$0x16]  }
0x505: {  	[tilespmem:s16], [sflag:$0x1] =	stream.indirect.gather [hbm4b:s4+s6], $0x20, s31, s6, $0xb8;
	[tilespmem:$0x13400] =	vst v63  }
0x506: {  	s0 =	rddreg [dreg:$0x17]  }
0x507: {  	[tilespmem:s8], [sflag:$0x2] =	stream.indirect.gather [hbm4b:s4+s6], $0x20, s0, s6, $0xb8;
	[tilespmem:$0x13400] =	vst v63  }
0x508: {  	s31 =	rddreg [dreg:$0x18]  }
0x509: {  	[tilespmem:s23], [sflag:$0x2] =	stream.indirect.gather [hbm4b:s4+s6], $0x20, s31, s6, $0xb8;
	[tilespmem:$0x13400] =	vst v63  }
0x50a: {  	s0 =	rddreg [dreg:$0x19]  }
0x50b: {  	[tilespmem:s24], [sflag:$0x2] =	stream.indirect.gather [hbm4b:s4+s6], $0x20, s0, s6, $0xb8;
	[tilespmem:$0x13400] =	vst v63  }
0x50c: {  	s31 =	rddreg [dreg:$0x1a]  }
0x50d: {  	[tilespmem:s25], [sflag:$0x2] =	stream.indirect.gather [hbm4b:s4+s6], $0x20, s31, s6, $0xb8;
	[tilespmem:$0x13400] =	vst v63  }
0x50e: {  	s0 =	rddreg [dreg:$0x1b]  }
0x50f: {  	[tilespmem:s26], [sflag:$0x2] =	stream.indirect.gather [hbm4b:s4+s6], $0x20, s0, s6, $0xb8;
	[tilespmem:$0x13400] =	vst v63  }
0x510: {  	s31 =	rddreg [dreg:$0x1c]  }
0x511: {  	[tilespmem:s28], [sflag:$0x2] =	stream.indirect.gather [hbm4b:s4+s6], $0x20, s31, s6, $0xb8;
	[tilespmem:$0x13400] =	vst v63  }
0x512: {  	s0 =	rddreg [dreg:$0x1d]  }
0x513: {  	[tilespmem:s29], [sflag:$0x2] =	stream.indirect.gather [hbm4b:s4+s6], $0x20, s0, s6, $0xb8;
	[tilespmem:$0x13400] =	vst v63  }
0x514: {  	s31 =	rddreg [dreg:$0x1e]  }
0x515: {  	[tilespmem:s30], [sflag:$0x2] =	stream.indirect.gather [hbm4b:s4+s6], $0x20, s31, s6, $0xb8;
	[tilespmem:$0x13400] =	vst v63  }
0x516: {  	_ =	swait.ge [sflag:s7], $0x1000  }
0x517: {  	[sflag:s7] =	ssyncset.done $0x0  }
0x518: {  	[sflag:s7] =	ssyncadd.s32 $0xFFFFF000  }
0x519: {  	_ =	swait.ge [sflag:s7], $0x1000  }
0x51a: {  	[sflag:s7] =	ssyncset.done $0x0  }
0x51b: {  	[sflag:s7] =	ssyncadd.s32 $0xFFFFF000  }
0x51c: {  	_ =	swait.ge [sflag:s7], $0x1000  }
0x51d: {  	[sflag:s7] =	ssyncset.done $0x0  }
0x51e: {  	[sflag:s7] =	ssyncadd.s32 $0xFFFFF000  }
0x51f: {  	_ =	swait.ge [sflag:s7], $0x1000  }
0x520: {  	[sflag:s7] =	ssyncset.done $0x0  }
0x521: {  	[sflag:s7] =	ssyncadd.s32 $0xFFFFF000  }
0x522: {  	_ =	swait.ge [sflag:s7], $0x1000  }
0x523: {  	[sflag:s7] =	ssyncset.done $0x0  }
0x524: {  	[sflag:s7] =	ssyncadd.s32 $0xFFFFF000  }
0x525: {  	_ =	swait.ge [sflag:s7], $0x1000  }
0x526: {  	[sflag:s7] =	ssyncset.done $0x0  }
0x527: {  	[sflag:s7] =	ssyncadd.s32 $0xFFFFF000  }
0x528: {  	_ =	swait.ge [sflag:s7], $0x1000  }
0x529: {  	[sflag:s7] =	ssyncset.done $0x0  }
0x52a: {  	[sflag:s7] =	ssyncadd.s32 $0xFFFFF000  }
0x52b: {  	_ =	swait.ge [sflag:s7], $0x1000  }
0x52c: {  	[sflag:s7] =	ssyncset.done $0x0  }
0x52d: {  	s31 =	rddreg [dreg:$0x4];
	[sflag:s7] =	ssyncadd.s32 $0xFFFFF000  }
0x52e: {  	[hbm4b:s31+s2] =	stream.linear.scatter [tilespmem:s3], [sflag:$0x3], $0x8000, $0x38;
	[tilespmem:$0x13400] =	vst v63  }
0x52f: {  	_ =	swait.ge [sflag:s5], $0x8000  }
0x530: {  	s1 =	rddreg [dreg:$0x1f];
	[sflag:s5] =	ssyncset.done $0x0  }
0x531: {  	s31 =	sld [smem:$0x7AC];
	[sflag:s5] =	ssyncadd.s32 $0xFFFF8000  }
0x532: {  	[tilespmem:s3], [sflag:$0x1] =	stream.indirect.gather [hbm4b:s4+s6], $0x20, s1, s6, $0xb8;
	[tilespmem:$0x13400] =	vst v63  }
0x533: {  	s0 =	sld [smem:$0x7AD]  }
0x534: {  	[tilespmem:s10], [sflag:$0x1] =	stream.indirect.gather [hbm4b:s4+s6], $0x20, s31, s6, $0xb8;
	[tilespmem:$0x13400] =	vst v63  }
0x535: {  	s31 =	sld [smem:$0x7AE]  }
0x536: {  	[tilespmem:s11], [sflag:$0x1] =	stream.indirect.gather [hbm4b:s4+s6], $0x20, s0, s6, $0xb8;
	[tilespmem:$0x13400] =	vst v63  }
0x537: {  	s0 =	sld [smem:$0x7AF]  }
0x538: {  	[tilespmem:s12], [sflag:$0x1] =	stream.indirect.gather [hbm4b:s4+s6], $0x20, s31, s6, $0xb8;
	[tilespmem:$0x13400] =	vst v63  }
0x539: {  	s31 =	sld [smem:$0x7B0]  }
0x53a: {  	[tilespmem:s13], [sflag:$0x1] =	stream.indirect.gather [hbm4b:s4+s6], $0x20, s0, s6, $0xb8;
	[tilespmem:$0x13400] =	vst v63  }
0x53b: {  	s0 =	sld [smem:$0x7B1]  }
0x53c: {  	[tilespmem:s14], [sflag:$0x1] =	stream.indirect.gather [hbm4b:s4+s6], $0x20, s31, s6, $0xb8;
	[tilespmem:$0x13400] =	vst v63  }
0x53d: {  	s31 =	sld [smem:$0x7B2]  }
0x53e: {  	[tilespmem:s15], [sflag:$0x1] =	stream.indirect.gather [hbm4b:s4+s6], $0x20, s0, s6, $0xb8;
	[tilespmem:$0x13400] =	vst v63  }
0x53f: {  	_ = 	snop  }
0x540: {  	[tilespmem:s16], [sflag:$0x1] =	stream.indirect.gather [hbm4b:s4+s6], $0x20, s31, s6, $0xb8;
	[tilespmem:$0x13400] =	vst v63  }
0x541: {  	_ =	swait.ge [sflag:s17], $0x1000  }
0x542: {  	[sflag:s17] =	ssyncset.done $0x0  }
0x543: {  	[sflag:s17] =	ssyncadd.s32 $0xFFFFF000  }
0x544: {  	_ =	swait.ge [sflag:s17], $0x1000  }
0x545: {  	[sflag:s17] =	ssyncset.done $0x0  }
0x546: {  	[sflag:s17] =	ssyncadd.s32 $0xFFFFF000  }
0x547: {  	_ =	swait.ge [sflag:s17], $0x1000  }
0x548: {  	[sflag:s17] =	ssyncset.done $0x0  }
0x549: {  	[sflag:s17] =	ssyncadd.s32 $0xFFFFF000  }
0x54a: {  	_ =	swait.ge [sflag:s17], $0x1000  }
0x54b: {  	[sflag:s17] =	ssyncset.done $0x0  }
0x54c: {  	[sflag:s17] =	ssyncadd.s32 $0xFFFFF000  }
0x54d: {  	_ =	swait.ge [sflag:s17], $0x1000  }
0x54e: {  	[sflag:s17] =	ssyncset.done $0x0  }
0x54f: {  	[sflag:s17] =	ssyncadd.s32 $0xFFFFF000  }
0x550: {  	_ =	swait.ge [sflag:s17], $0x1000  }
0x551: {  	[sflag:s17] =	ssyncset.done $0x0  }
0x552: {  	[sflag:s17] =	ssyncadd.s32 $0xFFFFF000  }
0x553: {  	_ =	swait.ge [sflag:s17], $0x1000  }
0x554: {  	[sflag:s17] =	ssyncset.done $0x0  }
0x555: {  	[sflag:s17] =	ssyncadd.s32 $0xFFFFF000  }
0x556: {  	_ =	swait.ge [sflag:s17], $0x1000  }
0x557: {  	[sflag:s17] =	ssyncset.done $0x0  }
0x558: {  	s31 =	rddreg [dreg:$0x5];
	[sflag:s17] =	ssyncadd.s32 $0xFFFFF000  }
0x559: {  	[hbm4b:s31+s2] =	stream.linear.scatter [tilespmem:s8], [sflag:$0x4], $0x8000, $0x38;
	[tilespmem:$0x13400] =	vst v63  }
0x55a: {  	_ =	swait.ge [sflag:s9], $0x8000  }
0x55b: {  	s1 =	sld [smem:$0x7B3]  }
0x55c: {  	[sflag:s9] =	ssyncset.done $0x0  }
0x55d: {  	s31 =	sld [smem:$0x7B4];
	[sflag:s9] =	ssyncadd.s32 $0xFFFF8000  }
0x55e: {  	[tilespmem:s8], [sflag:$0x2] =	stream.indirect.gather [hbm4b:s4+s6], $0x20, s1, s6, $0xb8;
	[tilespmem:$0x13400] =	vst v63  }
0x55f: {  	s0 =	sld [smem:$0x7B5]  }
0x560: {  	[tilespmem:s23], [sflag:$0x2] =	stream.indirect.gather [hbm4b:s4+s6], $0x20, s31, s6, $0xb8;
	[tilespmem:$0x13400] =	vst v63  }
0x561: {  	s31 =	sld [smem:$0x7B6]  }
0x562: {  	[tilespmem:s24], [sflag:$0x2] =	stream.indirect.gather [hbm4b:s4+s6], $0x20, s0, s6, $0xb8;
	[tilespmem:$0x13400] =	vst v63  }
0x563: {  	s0 =	sld [smem:$0x7B7]  }
0x564: {  	[tilespmem:s25], [sflag:$0x2] =	stream.indirect.gather [hbm4b:s4+s6], $0x20, s31, s6, $0xb8;
	[tilespmem:$0x13400] =	vst v63  }
0x565: {  	s31 =	sld [smem:$0x7B8]  }
0x566: {  	[tilespmem:s26], [sflag:$0x2] =	stream.indirect.gather [hbm4b:s4+s6], $0x20, s0, s6, $0xb8;
	[tilespmem:$0x13400] =	vst v63  }
0x567: {  	s0 =	sld [smem:$0x7B9]  }
0x568: {  	[tilespmem:s28], [sflag:$0x2] =	stream.indirect.gather [hbm4b:s4+s6], $0x20, s31, s6, $0xb8;
	[tilespmem:$0x13400] =	vst v63  }
0x569: {  	s31 =	sld [smem:$0x7BA]  }
0x56a: {  	[tilespmem:s29], [sflag:$0x2] =	stream.indirect.gather [hbm4b:s4+s6], $0x20, s0, s6, $0xb8;
	[tilespmem:$0x13400] =	vst v63  }
0x56b: {  	_ = 	snop  }
0x56c: {  	[tilespmem:s30], [sflag:$0x2] =	stream.indirect.gather [hbm4b:s4+s6], $0x20, s31, s6, $0xb8;
	[tilespmem:$0x13400] =	vst v63  }
0x56d: {  	_ =	swait.ge [sflag:s7], $0x1000  }
0x56e: {  	[sflag:s7] =	ssyncset.done $0x0  }
0x56f: {  	[sflag:s7] =	ssyncadd.s32 $0xFFFFF000  }
0x570: {  	_ =	swait.ge [sflag:s7], $0x1000  }
0x571: {  	[sflag:s7] =	ssyncset.done $0x0  }
0x572: {  	[sflag:s7] =	ssyncadd.s32 $0xFFFFF000  }
0x573: {  	_ =	swait.ge [sflag:s7], $0x1000  }
0x574: {  	[sflag:s7] =	ssyncset.done $0x0  }
0x575: {  	[sflag:s7] =	ssyncadd.s32 $0xFFFFF000  }
0x576: {  	_ =	swait.ge [sflag:s7], $0x1000  }
0x577: {  	[sflag:s7] =	ssyncset.done $0x0  }
0x578: {  	[sflag:s7] =	ssyncadd.s32 $0xFFFFF000  }
0x579: {  	_ =	swait.ge [sflag:s7], $0x1000  }
0x57a: {  	[sflag:s7] =	ssyncset.done $0x0  }
0x57b: {  	[sflag:s7] =	ssyncadd.s32 $0xFFFFF000  }
0x57c: {  	_ =	swait.ge [sflag:s7], $0x1000  }
0x57d: {  	[sflag:s7] =	ssyncset.done $0x0  }
0x57e: {  	[sflag:s7] =	ssyncadd.s32 $0xFFFFF000  }
0x57f: {  	_ =	swait.ge [sflag:s7], $0x1000  }
0x580: {  	[sflag:s7] =	ssyncset.done $0x0  }
0x581: {  	[sflag:s7] =	ssyncadd.s32 $0xFFFFF000  }
0x582: {  	_ =	swait.ge [sflag:s7], $0x1000  }
0x583: {  	[sflag:s7] =	ssyncset.done $0x0  }
0x584: {  	s31 =	rddreg [dreg:$0x6];
	[sflag:s7] =	ssyncadd.s32 $0xFFFFF000  }
0x585: {  	[hbm4b:s31+s2] =	stream.linear.scatter [tilespmem:s3], [sflag:$0x3], $0x8000, $0x38;
	[tilespmem:$0x13400] =	vst v63  }
0x586: {  	_ =	swait.ge [sflag:s5], $0x8000  }
0x587: {  	s1 =	sld [smem:$0x7BB]  }
0x588: {  	[sflag:s5] =	ssyncset.done $0x0  }
0x589: {  	s31 =	sld [smem:$0x7BC];
	[sflag:s5] =	ssyncadd.s32 $0xFFFF8000  }
0x58a: {  	[tilespmem:s3], [sflag:$0x1] =	stream.indirect.gather [hbm4b:s4+s6], $0x20, s1, s6, $0xb8;
	[tilespmem:$0x13400] =	vst v63  }
0x58b: {  	s0 =	sld [smem:$0x7BD]  }
0x58c: {  	[tilespmem:s10], [sflag:$0x1] =	stream.indirect.gather [hbm4b:s4+s6], $0x20, s31, s6, $0xb8;
	[tilespmem:$0x13400] =	vst v63  }
0x58d: {  	s31 =	sld [smem:$0x7BE]  }
0x58e: {  	[tilespmem:s11], [sflag:$0x1] =	stream.indirect.gather [hbm4b:s4+s6], $0x20, s0, s6, $0xb8;
	[tilespmem:$0x13400] =	vst v63  }
0x58f: {  	s0 =	sld [smem:$0x7BF]  }
0x590: {  	[tilespmem:s12], [sflag:$0x1] =	stream.indirect.gather [hbm4b:s4+s6], $0x20, s31, s6, $0xb8;
	[tilespmem:$0x13400] =	vst v63  }
0x591: {  	s31 =	sld [smem:$0x7C0]  }
0x592: {  	[tilespmem:s13], [sflag:$0x1] =	stream.indirect.gather [hbm4b:s4+s6], $0x20, s0, s6, $0xb8;
	[tilespmem:$0x13400] =	vst v63  }
0x593: {  	s0 =	sld [smem:$0x7C1]  }
0x594: {  	[tilespmem:s14], [sflag:$0x1] =	stream.indirect.gather [hbm4b:s4+s6], $0x20, s31, s6, $0xb8;
	[tilespmem:$0x13400] =	vst v63  }
0x595: {  	s31 =	sld [smem:$0x7C2]  }
0x596: {  	[tilespmem:s15], [sflag:$0x1] =	stream.indirect.gather [hbm4b:s4+s6], $0x20, s0, s6, $0xb8;
	[tilespmem:$0x13400] =	vst v63  }
0x597: {  	_ = 	snop  }
0x598: {  	[tilespmem:s16], [sflag:$0x1] =	stream.indirect.gather [hbm4b:s4+s6], $0x20, s31, s6, $0xb8;
	[tilespmem:$0x13400] =	vst v63  }
0x599: {  	_ =	swait.ge [sflag:s17], $0x1000  }
0x59a: {  	[sflag:s17] =	ssyncset.done $0x0  }
0x59b: {  	[sflag:s17] =	ssyncadd.s32 $0xFFFFF000  }
0x59c: {  	_ =	swait.ge [sflag:s17], $0x1000  }
0x59d: {  	[sflag:s17] =	ssyncset.done $0x0  }
0x59e: {  	[sflag:s17] =	ssyncadd.s32 $0xFFFFF000  }
0x59f: {  	_ =	swait.ge [sflag:s17], $0x1000  }
0x5a0: {  	[sflag:s17] =	ssyncset.done $0x0  }
0x5a1: {  	[sflag:s17] =	ssyncadd.s32 $0xFFFFF000  }
0x5a2: {  	_ =	swait.ge [sflag:s17], $0x1000  }
0x5a3: {  	[sflag:s17] =	ssyncset.done $0x0  }
0x5a4: {  	[sflag:s17] =	ssyncadd.s32 $0xFFFFF000  }
0x5a5: {  	_ =	swait.ge [sflag:s17], $0x1000  }
0x5a6: {  	[sflag:s17] =	ssyncset.done $0x0  }
0x5a7: {  	[sflag:s17] =	ssyncadd.s32 $0xFFFFF000  }
0x5a8: {  	_ =	swait.ge [sflag:s17], $0x1000  }
0x5a9: {  	[sflag:s17] =	ssyncset.done $0x0  }
0x5aa: {  	[sflag:s17] =	ssyncadd.s32 $0xFFFFF000  }
0x5ab: {  	_ =	swait.ge [sflag:s17], $0x1000  }
0x5ac: {  	[sflag:s17] =	ssyncset.done $0x0  }
0x5ad: {  	[sflag:s17] =	ssyncadd.s32 $0xFFFFF000  }
0x5ae: {  	_ =	swait.ge [sflag:s17], $0x1000  }
0x5af: {  	[sflag:s17] =	ssyncset.done $0x0  }
0x5b0: {  	s31 =	rddreg [dreg:$0x7];
	[sflag:s17] =	ssyncadd.s32 $0xFFFFF000  }
0x5b1: {  	[hbm4b:s31+s2] =	stream.linear.scatter [tilespmem:s8], [sflag:$0x4], $0x8000, $0x38;
	[tilespmem:$0x13400] =	vst v63  }
0x5b2: {  	_ =	swait.ge [sflag:s9], $0x8000  }
0x5b3: {  	s1 =	sld [smem:$0x7C3]  }
0x5b4: {  	[sflag:s9] =	ssyncset.done $0x0  }
0x5b5: {  	s31 =	sld [smem:$0x7C4];
	[sflag:s9] =	ssyncadd.s32 $0xFFFF8000  }
0x5b6: {  	[tilespmem:s8], [sflag:$0x2] =	stream.indirect.gather [hbm4b:s4+s6], $0x20, s1, s6, $0xb8;
	[tilespmem:$0x13400] =	vst v63  }
0x5b7: {  	s0 =	sld [smem:$0x7C5]  }
0x5b8: {  	[tilespmem:s23], [sflag:$0x2] =	stream.indirect.gather [hbm4b:s4+s6], $0x20, s31, s6, $0xb8;
	[tilespmem:$0x13400] =	vst v63  }
0x5b9: {  	s31 =	sld [smem:$0x7C6]  }
0x5ba: {  	[tilespmem:s24], [sflag:$0x2] =	stream.indirect.gather [hbm4b:s4+s6], $0x20, s0, s6, $0xb8;
	[tilespmem:$0x13400] =	vst v63  }
0x5bb: {  	s0 =	sld [smem:$0x7C7]  }
0x5bc: {  	[tilespmem:s25], [sflag:$0x2] =	stream.indirect.gather [hbm4b:s4+s6], $0x20, s31, s6, $0xb8;
	[tilespmem:$0x13400] =	vst v63  }
0x5bd: {  	s31 =	sld [smem:$0x7C8]  }
0x5be: {  	[tilespmem:s26], [sflag:$0x2] =	stream.indirect.gather [hbm4b:s4+s6], $0x20, s0, s6, $0xb8;
	[tilespmem:$0x13400] =	vst v63  }
0x5bf: {  	s0 =	sld [smem:$0x7C9]  }
0x5c0: {  	[tilespmem:s28], [sflag:$0x2] =	stream.indirect.gather [hbm4b:s4+s6], $0x20, s31, s6, $0xb8;
	[tilespmem:$0x13400] =	vst v63  }
0x5c1: {  	s31 =	sld [smem:$0x7CA]  }
0x5c2: {  	[tilespmem:s29], [sflag:$0x2] =	stream.indirect.gather [hbm4b:s4+s6], $0x20, s0, s6, $0xb8;
	[tilespmem:$0x13400] =	vst v63  }
0x5c3: {  	_ = 	snop  }
0x5c4: {  	[tilespmem:s30], [sflag:$0x2] =	stream.indirect.gather [hbm4b:s4+s6], $0x20, s31, s6, $0xb8;
	[tilespmem:$0x13400] =	vst v63  }
0x5c5: {  	_ =	swait.ge [sflag:s7], $0x1000  }
0x5c6: {  	[sflag:s7] =	ssyncset.done $0x0  }
0x5c7: {  	[sflag:s7] =	ssyncadd.s32 $0xFFFFF000  }
0x5c8: {  	_ =	swait.ge [sflag:s7], $0x1000  }
0x5c9: {  	[sflag:s7] =	ssyncset.done $0x0  }
0x5ca: {  	[sflag:s7] =	ssyncadd.s32 $0xFFFFF000  }
0x5cb: {  	_ =	swait.ge [sflag:s7], $0x1000  }
0x5cc: {  	[sflag:s7] =	ssyncset.done $0x0  }
0x5cd: {  	[sflag:s7] =	ssyncadd.s32 $0xFFFFF000  }
0x5ce: {  	_ =	swait.ge [sflag:s7], $0x1000  }
0x5cf: {  	[sflag:s7] =	ssyncset.done $0x0  }
0x5d0: {  	[sflag:s7] =	ssyncadd.s32 $0xFFFFF000  }
0x5d1: {  	_ =	swait.ge [sflag:s7], $0x1000  }
0x5d2: {  	[sflag:s7] =	ssyncset.done $0x0  }
0x5d3: {  	[sflag:s7] =	ssyncadd.s32 $0xFFFFF000  }
0x5d4: {  	_ =	swait.ge [sflag:s7], $0x1000  }
0x5d5: {  	[sflag:s7] =	ssyncset.done $0x0  }
0x5d6: {  	[sflag:s7] =	ssyncadd.s32 $0xFFFFF000  }
0x5d7: {  	_ =	swait.ge [sflag:s7], $0x1000  }
0x5d8: {  	[sflag:s7] =	ssyncset.done $0x0  }
0x5d9: {  	[sflag:s7] =	ssyncadd.s32 $0xFFFFF000  }
0x5da: {  	_ =	swait.ge [sflag:s7], $0x1000  }
0x5db: {  	[sflag:s7] =	ssyncset.done $0x0  }
0x5dc: {  	s31 =	rddreg [dreg:$0x8];
	[sflag:s7] =	ssyncadd.s32 $0xFFFFF000  }
0x5dd: {  	[hbm4b:s31+s2] =	stream.linear.scatter [tilespmem:s3], [sflag:$0x3], $0x8000, $0x38;
	[tilespmem:$0x13400] =	vst v63  }
0x5de: {  	_ =	swait.ge [sflag:s5], $0x8000  }
0x5df: {  	s1 =	sld [smem:$0x7CB]  }
0x5e0: {  	[sflag:s5] =	ssyncset.done $0x0  }
0x5e1: {  	s31 =	sld [smem:$0x7CC];
	[sflag:s5] =	ssyncadd.s32 $0xFFFF8000  }
0x5e2: {  	[tilespmem:s3], [sflag:$0x1] =	stream.indirect.gather [hbm4b:s4+s6], $0x20, s1, s6, $0xb8;
	[tilespmem:$0x13400] =	vst v63  }
0x5e3: {  	s0 =	sld [smem:$0x7CD]  }
0x5e4: {  	[tilespmem:s10], [sflag:$0x1] =	stream.indirect.gather [hbm4b:s4+s6], $0x20, s31, s6, $0xb8;
	[tilespmem:$0x13400] =	vst v63  }
0x5e5: {  	s31 =	sld [smem:$0x7CE]  }
0x5e6: {  	[tilespmem:s11], [sflag:$0x1] =	stream.indirect.gather [hbm4b:s4+s6], $0x20, s0, s6, $0xb8;
	[tilespmem:$0x13400] =	vst v63  }
0x5e7: {  	s0 =	sld [smem:$0x7CF]  }
0x5e8: {  	[tilespmem:s12], [sflag:$0x1] =	stream.indirect.gather [hbm4b:s4+s6], $0x20, s31, s6, $0xb8;
	[tilespmem:$0x13400] =	vst v63  }
0x5e9: {  	s31 =	sld [smem:$0x7D0]  }
0x5ea: {  	[tilespmem:s13], [sflag:$0x1] =	stream.indirect.gather [hbm4b:s4+s6], $0x20, s0, s6, $0xb8;
	[tilespmem:$0x13400] =	vst v63  }
0x5eb: {  	s0 =	sld [smem:$0x7D1]  }
0x5ec: {  	[tilespmem:s14], [sflag:$0x1] =	stream.indirect.gather [hbm4b:s4+s6], $0x20, s31, s6, $0xb8;
	[tilespmem:$0x13400] =	vst v63  }
0x5ed: {  	s31 =	sld [smem:$0x7D2]  }
0x5ee: {  	[tilespmem:s15], [sflag:$0x1] =	stream.indirect.gather [hbm4b:s4+s6], $0x20, s0, s6, $0xb8;
	[tilespmem:$0x13400] =	vst v63  }
0x5ef: {  	_ = 	snop  }
0x5f0: {  	[tilespmem:s16], [sflag:$0x1] =	stream.indirect.gather [hbm4b:s4+s6], $0x20, s31, s6, $0xb8;
	[tilespmem:$0x13400] =	vst v63  }
0x5f1: {  	_ =	swait.ge [sflag:s17], $0x1000  }
0x5f2: {  	[sflag:s17] =	ssyncset.done $0x0  }
0x5f3: {  	[sflag:s17] =	ssyncadd.s32 $0xFFFFF000  }
0x5f4: {  	_ =	swait.ge [sflag:s17], $0x1000  }
0x5f5: {  	[sflag:s17] =	ssyncset.done $0x0  }
0x5f6: {  	[sflag:s17] =	ssyncadd.s32 $0xFFFFF000  }
0x5f7: {  	_ =	swait.ge [sflag:s17], $0x1000  }
0x5f8: {  	[sflag:s17] =	ssyncset.done $0x0  }
0x5f9: {  	[sflag:s17] =	ssyncadd.s32 $0xFFFFF000  }
0x5fa: {  	_ =	swait.ge [sflag:s17], $0x1000  }
0x5fb: {  	[sflag:s17] =	ssyncset.done $0x0  }
0x5fc: {  	[sflag:s17] =	ssyncadd.s32 $0xFFFFF000  }
0x5fd: {  	_ =	swait.ge [sflag:s17], $0x1000  }
0x5fe: {  	[sflag:s17] =	ssyncset.done $0x0  }
0x5ff: {  	[sflag:s17] =	ssyncadd.s32 $0xFFFFF000  }
0x600: {  	_ =	swait.ge [sflag:s17], $0x1000  }
0x601: {  	[sflag:s17] =	ssyncset.done $0x0  }
0x602: {  	[sflag:s17] =	ssyncadd.s32 $0xFFFFF000  }
0x603: {  	_ =	swait.ge [sflag:s17], $0x1000  }
0x604: {  	[sflag:s17] =	ssyncset.done $0x0  }
0x605: {  	[sflag:s17] =	ssyncadd.s32 $0xFFFFF000  }
0x606: {  	_ =	swait.ge [sflag:s17], $0x1000  }
0x607: {  	[sflag:s17] =	ssyncset.done $0x0  }
0x608: {  	s31 =	rddreg [dreg:$0x9];
	[sflag:s17] =	ssyncadd.s32 $0xFFFFF000  }
0x609: {  	[hbm4b:s31+s2] =	stream.linear.scatter [tilespmem:s8], [sflag:$0x4], $0x8000, $0x38;
	[tilespmem:$0x13400] =	vst v63  }
0x60a: {  	_ =	swait.ge [sflag:s9], $0x8000  }
0x60b: {  	s1 =	sld [smem:$0x7D3]  }
0x60c: {  	[sflag:s9] =	ssyncset.done $0x0  }
0x60d: {  	s31 =	sld [smem:$0x7D4];
	[sflag:s9] =	ssyncadd.s32 $0xFFFF8000  }
0x60e: {  	[tilespmem:s8], [sflag:$0x2] =	stream.indirect.gather [hbm4b:s4+s6], $0x20, s1, s6, $0xb8;
	[tilespmem:$0x13400] =	vst v63  }
0x60f: {  	s0 =	sld [smem:$0x7D5]  }
0x610: {  	[tilespmem:s23], [sflag:$0x2] =	stream.indirect.gather [hbm4b:s4+s6], $0x20, s31, s6, $0xb8;
	[tilespmem:$0x13400] =	vst v63  }
0x611: {  	s31 =	sld [smem:$0x7D6]  }
0x612: {  	[tilespmem:s24], [sflag:$0x2] =	stream.indirect.gather [hbm4b:s4+s6], $0x20, s0, s6, $0xb8;
	[tilespmem:$0x13400] =	vst v63  }
0x613: {  	s0 =	sld [smem:$0x7D7]  }
0x614: {  	[tilespmem:s25], [sflag:$0x2] =	stream.indirect.gather [hbm4b:s4+s6], $0x20, s31, s6, $0xb8;
	[tilespmem:$0x13400] =	vst v63  }
0x615: {  	s31 =	sld [smem:$0x7D8]  }
0x616: {  	[tilespmem:s26], [sflag:$0x2] =	stream.indirect.gather [hbm4b:s4+s6], $0x20, s0, s6, $0xb8;
	[tilespmem:$0x13400] =	vst v63  }
0x617: {  	s0 =	sld [smem:$0x7D9]  }
0x618: {  	[tilespmem:s28], [sflag:$0x2] =	stream.indirect.gather [hbm4b:s4+s6], $0x20, s31, s6, $0xb8;
	[tilespmem:$0x13400] =	vst v63  }
0x619: {  	s31 =	sld [smem:$0x7DA]  }
0x61a: {  	[tilespmem:s29], [sflag:$0x2] =	stream.indirect.gather [hbm4b:s4+s6], $0x20, s0, s6, $0xb8;
	[tilespmem:$0x13400] =	vst v63  }
0x61b: {  	_ = 	snop  }
0x61c: {  	[tilespmem:s30], [sflag:$0x2] =	stream.indirect.gather [hbm4b:s4+s6], $0x20, s31, s6, $0xb8;
	[tilespmem:$0x13400] =	vst v63  }
0x61d: {  	_ =	swait.ge [sflag:s7], $0x1000  }
0x61e: {  	[sflag:s7] =	ssyncset.done $0x0  }
0x61f: {  	[sflag:s7] =	ssyncadd.s32 $0xFFFFF000  }
0x620: {  	_ =	swait.ge [sflag:s7], $0x1000  }
0x621: {  	[sflag:s7] =	ssyncset.done $0x0  }
0x622: {  	[sflag:s7] =	ssyncadd.s32 $0xFFFFF000  }
0x623: {  	_ =	swait.ge [sflag:s7], $0x1000  }
0x624: {  	[sflag:s7] =	ssyncset.done $0x0  }
0x625: {  	[sflag:s7] =	ssyncadd.s32 $0xFFFFF000  }
0x626: {  	_ =	swait.ge [sflag:s7], $0x1000  }
0x627: {  	[sflag:s7] =	ssyncset.done $0x0  }
0x628: {  	[sflag:s7] =	ssyncadd.s32 $0xFFFFF000  }
0x629: {  	_ =	swait.ge [sflag:s7], $0x1000  }
0x62a: {  	[sflag:s7] =	ssyncset.done $0x0  }
0x62b: {  	[sflag:s7] =	ssyncadd.s32 $0xFFFFF000  }
0x62c: {  	_ =	swait.ge [sflag:s7], $0x1000  }
0x62d: {  	[sflag:s7] =	ssyncset.done $0x0  }
0x62e: {  	[sflag:s7] =	ssyncadd.s32 $0xFFFFF000  }
0x62f: {  	_ =	swait.ge [sflag:s7], $0x1000  }
0x630: {  	[sflag:s7] =	ssyncset.done $0x0  }
0x631: {  	[sflag:s7] =	ssyncadd.s32 $0xFFFFF000  }
0x632: {  	_ =	swait.ge [sflag:s7], $0x1000  }
0x633: {  	[sflag:s7] =	ssyncset.done $0x0  }
0x634: {  	s31 =	rddreg [dreg:$0xa];
	[sflag:s7] =	ssyncadd.s32 $0xFFFFF000  }
0x635: {  	[hbm4b:s31+s2] =	stream.linear.scatter [tilespmem:s3], [sflag:$0x3], $0x8000, $0x38;
	[tilespmem:$0x13400] =	vst v63  }
0x636: {  	_ =	swait.ge [sflag:s5], $0x8000  }
0x637: {  	s1 =	sld [smem:$0x7DB]  }
0x638: {  	[sflag:s5] =	ssyncset.done $0x0  }
0x639: {  	s31 =	sld [smem:$0x7DC];
	[sflag:s5] =	ssyncadd.s32 $0xFFFF8000  }
0x63a: {  	[tilespmem:s3], [sflag:$0x1] =	stream.indirect.gather [hbm4b:s4+s6], $0x20, s1, s6, $0xb8;
	[tilespmem:$0x13400] =	vst v63  }
0x63b: {  	s0 =	sld [smem:$0x7DD]  }
0x63c: {  	[tilespmem:s10], [sflag:$0x1] =	stream.indirect.gather [hbm4b:s4+s6], $0x20, s31, s6, $0xb8;
	[tilespmem:$0x13400] =	vst v63  }
0x63d: {  	s31 =	sld [smem:$0x7DE]  }
0x63e: {  	[tilespmem:s11], [sflag:$0x1] =	stream.indirect.gather [hbm4b:s4+s6], $0x20, s0, s6, $0xb8;
	[tilespmem:$0x13400] =	vst v63  }
0x63f: {  	s0 =	sld [smem:$0x7DF]  }
0x640: {  	[tilespmem:s12], [sflag:$0x1] =	stream.indirect.gather [hbm4b:s4+s6], $0x20, s31, s6, $0xb8;
	[tilespmem:$0x13400] =	vst v63  }
0x641: {  	s31 =	sld [smem:$0x7E0]  }
0x642: {  	[tilespmem:s13], [sflag:$0x1] =	stream.indirect.gather [hbm4b:s4+s6], $0x20, s0, s6, $0xb8;
	[tilespmem:$0x13400] =	vst v63  }
0x643: {  	s0 =	sld [smem:$0x7E1]  }
0x644: {  	[tilespmem:s14], [sflag:$0x1] =	stream.indirect.gather [hbm4b:s4+s6], $0x20, s31, s6, $0xb8;
	[tilespmem:$0x13400] =	vst v63  }
0x645: {  	s31 =	sld [smem:$0x7E2]  }
0x646: {  	[tilespmem:s15], [sflag:$0x1] =	stream.indirect.gather [hbm4b:s4+s6], $0x20, s0, s6, $0xb8;
	[tilespmem:$0x13400] =	vst v63  }
0x647: {  	_ = 	snop  }
0x648: {  	[tilespmem:s16], [sflag:$0x1] =	stream.indirect.gather [hbm4b:s4+s6], $0x20, s31, s6, $0xb8;
	[tilespmem:$0x13400] =	vst v63  }
0x649: {  	_ =	swait.ge [sflag:s17], $0x1000  }
0x64a: {  	[sflag:s17] =	ssyncset.done $0x0  }
0x64b: {  	[sflag:s17] =	ssyncadd.s32 $0xFFFFF000  }
0x64c: {  	_ =	swait.ge [sflag:s17], $0x1000  }
0x64d: {  	[sflag:s17] =	ssyncset.done $0x0  }
0x64e: {  	[sflag:s17] =	ssyncadd.s32 $0xFFFFF000  }
0x64f: {  	_ =	swait.ge [sflag:s17], $0x1000  }
0x650: {  	[sflag:s17] =	ssyncset.done $0x0  }
0x651: {  	[sflag:s17] =	ssyncadd.s32 $0xFFFFF000  }
0x652: {  	_ =	swait.ge [sflag:s17], $0x1000  }
0x653: {  	[sflag:s17] =	ssyncset.done $0x0  }
0x654: {  	[sflag:s17] =	ssyncadd.s32 $0xFFFFF000  }
0x655: {  	_ =	swait.ge [sflag:s17], $0x1000  }
0x656: {  	[sflag:s17] =	ssyncset.done $0x0  }
0x657: {  	[sflag:s17] =	ssyncadd.s32 $0xFFFFF000  }
0x658: {  	_ =	swait.ge [sflag:s17], $0x1000  }
0x659: {  	[sflag:s17] =	ssyncset.done $0x0  }
0x65a: {  	[sflag:s17] =	ssyncadd.s32 $0xFFFFF000  }
0x65b: {  	_ =	swait.ge [sflag:s17], $0x1000  }
0x65c: {  	[sflag:s17] =	ssyncset.done $0x0  }
0x65d: {  	[sflag:s17] =	ssyncadd.s32 $0xFFFFF000  }
0x65e: {  	_ =	swait.ge [sflag:s17], $0x1000  }
0x65f: {  	[sflag:s17] =	ssyncset.done $0x0  }
0x660: {  	s31 =	rddreg [dreg:$0xb];
	[sflag:s17] =	ssyncadd.s32 $0xFFFFF000  }
0x661: {  	[hbm4b:s31+s2] =	stream.linear.scatter [tilespmem:s8], [sflag:$0x4], $0x8000, $0x38;
	[tilespmem:$0x13400] =	vst v63  }
0x662: {  	_ =	swait.ge [sflag:s9], $0x8000  }
0x663: {  	s1 =	sld [smem:$0x7E3]  }
0x664: {  	[sflag:s9] =	ssyncset.done $0x0  }
0x665: {  	s31 =	sld [smem:$0x7E4];
	[sflag:s9] =	ssyncadd.s32 $0xFFFF8000  }
0x666: {  	[tilespmem:s8], [sflag:$0x2] =	stream.indirect.gather [hbm4b:s4+s6], $0x20, s1, s6, $0xb8;
	[tilespmem:$0x13400] =	vst v63  }
0x667: {  	s0 =	sld [smem:$0x7E5]  }
0x668: {  	[tilespmem:s23], [sflag:$0x2] =	stream.indirect.gather [hbm4b:s4+s6], $0x20, s31, s6, $0xb8;
	[tilespmem:$0x13400] =	vst v63  }
0x669: {  	s31 =	sld [smem:$0x7E6]  }
0x66a: {  	[tilespmem:s24], [sflag:$0x2] =	stream.indirect.gather [hbm4b:s4+s6], $0x20, s0, s6, $0xb8;
	[tilespmem:$0x13400] =	vst v63  }
0x66b: {  	s0 =	sld [smem:$0x7E7]  }
0x66c: {  	[tilespmem:s25], [sflag:$0x2] =	stream.indirect.gather [hbm4b:s4+s6], $0x20, s31, s6, $0xb8;
	[tilespmem:$0x13400] =	vst v63  }
0x66d: {  	s31 =	sld [smem:$0x7E8]  }
0x66e: {  	[tilespmem:s26], [sflag:$0x2] =	stream.indirect.gather [hbm4b:s4+s6], $0x20, s0, s6, $0xb8;
	[tilespmem:$0x13400] =	vst v63  }
0x66f: {  	s0 =	sld [smem:$0x7E9]  }
0x670: {  	[tilespmem:s28], [sflag:$0x2] =	stream.indirect.gather [hbm4b:s4+s6], $0x20, s31, s6, $0xb8;
	[tilespmem:$0x13400] =	vst v63  }
0x671: {  	s31 =	sld [smem:$0x7EA]  }
0x672: {  	[tilespmem:s29], [sflag:$0x2] =	stream.indirect.gather [hbm4b:s4+s6], $0x20, s0, s6, $0xb8;
	[tilespmem:$0x13400] =	vst v63  }
0x673: {  	_ = 	snop  }
0x674: {  	[tilespmem:s30], [sflag:$0x2] =	stream.indirect.gather [hbm4b:s4+s6], $0x20, s31, s6, $0xb8;
	[tilespmem:$0x13400] =	vst v63  }
0x675: {  	_ =	swait.ge [sflag:s7], $0x1000  }
0x676: {  	[sflag:s7] =	ssyncset.done $0x0  }
0x677: {  	[sflag:s7] =	ssyncadd.s32 $0xFFFFF000  }
0x678: {  	_ =	swait.ge [sflag:s7], $0x1000  }
0x679: {  	[sflag:s7] =	ssyncset.done $0x0  }
0x67a: {  	[sflag:s7] =	ssyncadd.s32 $0xFFFFF000  }
0x67b: {  	_ =	swait.ge [sflag:s7], $0x1000  }
0x67c: {  	[sflag:s7] =	ssyncset.done $0x0  }
0x67d: {  	[sflag:s7] =	ssyncadd.s32 $0xFFFFF000  }
0x67e: {  	_ =	swait.ge [sflag:s7], $0x1000  }
0x67f: {  	[sflag:s7] =	ssyncset.done $0x0  }
0x680: {  	[sflag:s7] =	ssyncadd.s32 $0xFFFFF000  }
0x681: {  	_ =	swait.ge [sflag:s7], $0x1000  }
0x682: {  	[sflag:s7] =	ssyncset.done $0x0  }
0x683: {  	[sflag:s7] =	ssyncadd.s32 $0xFFFFF000  }
0x684: {  	_ =	swait.ge [sflag:s7], $0x1000  }
0x685: {  	[sflag:s7] =	ssyncset.done $0x0  }
0x686: {  	[sflag:s7] =	ssyncadd.s32 $0xFFFFF000  }
0x687: {  	_ =	swait.ge [sflag:s7], $0x1000  }
0x688: {  	[sflag:s7] =	ssyncset.done $0x0  }
0x689: {  	[sflag:s7] =	ssyncadd.s32 $0xFFFFF000  }
0x68a: {  	_ =	swait.ge [sflag:s7], $0x1000  }
0x68b: {  	[sflag:s7] =	ssyncset.done $0x0  }
0x68c: {  	s31 =	rddreg [dreg:$0xc];
	[sflag:s7] =	ssyncadd.s32 $0xFFFFF000  }
0x68d: {  	[hbm4b:s31+s2] =	stream.linear.scatter [tilespmem:s3], [sflag:$0x3], $0x8000, $0x38;
	[tilespmem:$0x13400] =	vst v63  }
0x68e: {  	_ =	swait.ge [sflag:s5], $0x8000  }
0x68f: {  	s1 =	sld [smem:$0x7EB]  }
0x690: {  	[sflag:s5] =	ssyncset.done $0x0  }
0x691: {  	s31 =	sld [smem:$0x7EC];
	[sflag:s5] =	ssyncadd.s32 $0xFFFF8000  }
0x692: {  	[tilespmem:s3], [sflag:$0x1] =	stream.indirect.gather [hbm4b:s4+s6], $0x20, s1, s6, $0xb8;
	[tilespmem:$0x13400] =	vst v63  }
0x693: {  	s0 =	sld [smem:$0x7ED]  }
0x694: {  	[tilespmem:s10], [sflag:$0x1] =	stream.indirect.gather [hbm4b:s4+s6], $0x20, s31, s6, $0xb8;
	[tilespmem:$0x13400] =	vst v63  }
0x695: {  	s31 =	sld [smem:$0x7EE]  }
0x696: {  	[tilespmem:s11], [sflag:$0x1] =	stream.indirect.gather [hbm4b:s4+s6], $0x20, s0, s6, $0xb8;
	[tilespmem:$0x13400] =	vst v63  }
0x697: {  	s0 =	sld [smem:$0x7EF]  }
0x698: {  	[tilespmem:s12], [sflag:$0x1] =	stream.indirect.gather [hbm4b:s4+s6], $0x20, s31, s6, $0xb8;
	[tilespmem:$0x13400] =	vst v63  }
0x699: {  	s31 =	sld [smem:$0x7F0]  }
0x69a: {  	[tilespmem:s13], [sflag:$0x1] =	stream.indirect.gather [hbm4b:s4+s6], $0x20, s0, s6, $0xb8;
	[tilespmem:$0x13400] =	vst v63  }
0x69b: {  	s0 =	sld [smem:$0x7F1]  }
0x69c: {  	[tilespmem:s14], [sflag:$0x1] =	stream.indirect.gather [hbm4b:s4+s6], $0x20, s31, s6, $0xb8;
	[tilespmem:$0x13400] =	vst v63  }
0x69d: {  	s31 =	sld [smem:$0x7F2]  }
0x69e: {  	[tilespmem:s15], [sflag:$0x1] =	stream.indirect.gather [hbm4b:s4+s6], $0x20, s0, s6, $0xb8;
	[tilespmem:$0x13400] =	vst v63  }
0x69f: {  	_ = 	snop  }
0x6a0: {  	[tilespmem:s16], [sflag:$0x1] =	stream.indirect.gather [hbm4b:s4+s6], $0x20, s31, s6, $0xb8;
	[tilespmem:$0x13400] =	vst v63  }
0x6a1: {  	_ =	swait.ge [sflag:s17], $0x1000  }
0x6a2: {  	[sflag:s17] =	ssyncset.done $0x0  }
0x6a3: {  	[sflag:s17] =	ssyncadd.s32 $0xFFFFF000  }
0x6a4: {  	_ =	swait.ge [sflag:s17], $0x1000  }
0x6a5: {  	[sflag:s17] =	ssyncset.done $0x0  }
0x6a6: {  	[sflag:s17] =	ssyncadd.s32 $0xFFFFF000  }
0x6a7: {  	_ =	swait.ge [sflag:s17], $0x1000  }
0x6a8: {  	[sflag:s17] =	ssyncset.done $0x0  }
0x6a9: {  	[sflag:s17] =	ssyncadd.s32 $0xFFFFF000  }
0x6aa: {  	_ =	swait.ge [sflag:s17], $0x1000  }
0x6ab: {  	[sflag:s17] =	ssyncset.done $0x0  }
0x6ac: {  	[sflag:s17] =	ssyncadd.s32 $0xFFFFF000  }
0x6ad: {  	_ =	swait.ge [sflag:s17], $0x1000  }
0x6ae: {  	[sflag:s17] =	ssyncset.done $0x0  }
0x6af: {  	[sflag:s17] =	ssyncadd.s32 $0xFFFFF000  }
0x6b0: {  	_ =	swait.ge [sflag:s17], $0x1000  }
0x6b1: {  	[sflag:s17] =	ssyncset.done $0x0  }
0x6b2: {  	[sflag:s17] =	ssyncadd.s32 $0xFFFFF000  }
0x6b3: {  	_ =	swait.ge [sflag:s17], $0x1000  }
0x6b4: {  	[sflag:s17] =	ssyncset.done $0x0  }
0x6b5: {  	[sflag:s17] =	ssyncadd.s32 $0xFFFFF000  }
0x6b6: {  	_ =	swait.ge [sflag:s17], $0x1000  }
0x6b7: {  	[sflag:s17] =	ssyncset.done $0x0  }
0x6b8: {  	s1 =	rddreg [dreg:$0xd];
	[sflag:s17] =	ssyncadd.s32 $0xFFFFF000  }
0x6b9: {  	[hbm4b:s1+s2] =	stream.linear.scatter [tilespmem:s8], [sflag:$0x4], $0x8000, $0x38;
	[tilespmem:$0x13400] =	vst v63  }
0x6ba: {  	_ =	swait.ge [sflag:s9], $0x8000  }
0x6bb: {  	s31 =	sld [smem:$0x7F3]  }
0x6bc: {  	[sflag:s9] =	ssyncset.done $0x0  }
0x6bd: {  	s1 =	sld [smem:$0x7F4];
	[sflag:s9] =	ssyncadd.s32 $0xFFFF8000  }
0x6be: {  	[tilespmem:s8], [sflag:$0x2] =	stream.indirect.gather [hbm4b:s4+s6], $0x20, s31, s6, $0xb8;
	[tilespmem:$0x13400] =	vst v63  }
0x6bf: {  	s31 =	sld [smem:$0x7F5]  }
0x6c0: {  	[tilespmem:s23], [sflag:$0x2] =	stream.indirect.gather [hbm4b:s4+s6], $0x20, s1, s6, $0xb8;
	[tilespmem:$0x13400] =	vst v63  }
0x6c1: {  	s23 =	sld [smem:$0x7F6]  }
0x6c2: {  	[tilespmem:s24], [sflag:$0x2] =	stream.indirect.gather [hbm4b:s4+s6], $0x20, s31, s6, $0xb8;
	[tilespmem:$0x13400] =	vst v63  }
0x6c3: {  	s24 =	sld [smem:$0x7F7]  }
0x6c4: {  	[tilespmem:s25], [sflag:$0x2] =	stream.indirect.gather [hbm4b:s4+s6], $0x20, s23, s6, $0xb8;
	[tilespmem:$0x13400] =	vst v63  }
0x6c5: {  	s25 =	sld [smem:$0x7F8]  }
0x6c6: {  	[tilespmem:s26], [sflag:$0x2] =	stream.indirect.gather [hbm4b:s4+s6], $0x20, s24, s6, $0xb8;
	[tilespmem:$0x13400] =	vst v63  }
0x6c7: {  	s31 =	sld [smem:$0x7F9]  }
0x6c8: {  	[tilespmem:s28], [sflag:$0x2] =	stream.indirect.gather [hbm4b:s4+s6], $0x20, s25, s6, $0xb8;
	[tilespmem:$0x13400] =	vst v63  }
0x6c9: {  	s23 =	sld [smem:$0x7FA]  }
0x6ca: {  	[tilespmem:s29], [sflag:$0x2] =	stream.indirect.gather [hbm4b:s4+s6], $0x20, s31, s6, $0xb8;
	[tilespmem:$0x13400] =	vst v63  }
0x6cb: {  	_ = 	snop  }
0x6cc: {  	[tilespmem:s30], [sflag:$0x2] =	stream.indirect.gather [hbm4b:s4+s6], $0x20, s23, s6, $0xb8;
	[tilespmem:$0x13400] =	vst v63  }
0x6cd: {  	_ =	swait.ge [sflag:s7], $0x1000  }
0x6ce: {  	[sflag:s7] =	ssyncset.done $0x0  }
0x6cf: {  	[sflag:s7] =	ssyncadd.s32 $0xFFFFF000  }
0x6d0: {  	_ =	swait.ge [sflag:s7], $0x1000  }
0x6d1: {  	[sflag:s7] =	ssyncset.done $0x0  }
0x6d2: {  	[sflag:s7] =	ssyncadd.s32 $0xFFFFF000  }
0x6d3: {  	_ =	swait.ge [sflag:s7], $0x1000  }
0x6d4: {  	[sflag:s7] =	ssyncset.done $0x0  }
0x6d5: {  	[sflag:s7] =	ssyncadd.s32 $0xFFFFF000  }
0x6d6: {  	_ =	swait.ge [sflag:s7], $0x1000  }
0x6d7: {  	[sflag:s7] =	ssyncset.done $0x0  }
0x6d8: {  	[sflag:s7] =	ssyncadd.s32 $0xFFFFF000  }
0x6d9: {  	_ =	swait.ge [sflag:s7], $0x1000  }
0x6da: {  	[sflag:s7] =	ssyncset.done $0x0  }
0x6db: {  	[sflag:s7] =	ssyncadd.s32 $0xFFFFF000  }
0x6dc: {  	_ =	swait.ge [sflag:s7], $0x1000  }
0x6dd: {  	[sflag:s7] =	ssyncset.done $0x0  }
0x6de: {  	[sflag:s7] =	ssyncadd.s32 $0xFFFFF000  }
0x6df: {  	_ =	swait.ge [sflag:s7], $0x1000  }
0x6e0: {  	[sflag:s7] =	ssyncset.done $0x0  }
0x6e1: {  	[sflag:s7] =	ssyncadd.s32 $0xFFFFF000  }
0x6e2: {  	_ =	swait.ge [sflag:s7], $0x1000  }
0x6e3: {  	[sflag:s7] =	ssyncset.done $0x0  }
0x6e4: {  	s24 =	rddreg [dreg:$0xe];
	[sflag:s7] =	ssyncadd.s32 $0xFFFFF000  }
0x6e5: {  	[hbm4b:s24+s2] =	stream.linear.scatter [tilespmem:s3], [sflag:$0x3], $0x8000, $0x38;
	[tilespmem:$0x13400] =	vst v63  }
0x6e6: {  	_ =	swait.ge [sflag:s5], $0x8000  }
0x6e7: {  	s25 =	sld [smem:$0x7FB]  }
0x6e8: {  	[sflag:s5] =	ssyncset.done $0x0  }
0x6e9: {  	s26 =	sld [smem:$0x7FC];
	[sflag:s5] =	ssyncadd.s32 $0xFFFF8000  }
0x6ea: {  	[tilespmem:s3], [sflag:$0x1] =	stream.indirect.gather [hbm4b:s4+s6], $0x20, s25, s6, $0xb8;
	[tilespmem:$0x13400] =	vst v63  }
0x6eb: {  	s28 =	sld [smem:$0x7FD]  }
0x6ec: {  	[tilespmem:s10], [sflag:$0x1] =	stream.indirect.gather [hbm4b:s4+s6], $0x20, s26, s6, $0xb8;
	[tilespmem:$0x13400] =	vst v63  }
0x6ed: {  	_ = 	snop  }
0x6ee: {  	[tilespmem:s11], [sflag:$0x1] =	stream.indirect.gather [hbm4b:s4+s6], $0x20, s28, s6, $0xb8;
	[tilespmem:$0x13400] =	vst v63  }
0x6ef: {  	_ = 	snop  }
0x6f0: {  	[tilespmem:s12], [sflag:$0x1] =	stream.indirect.gather [hbm4b:s4+s6], $0x20, s19, s6, $0xb8;
	[tilespmem:$0x13400] =	vst v63  }
0x6f1: {  	_ = 	snop  }
0x6f2: {  	[tilespmem:s13], [sflag:$0x1] =	stream.indirect.gather [hbm4b:s4+s6], $0x20, s20, s6, $0xb8;
	[tilespmem:$0x13400] =	vst v63  }
0x6f3: {  	_ = 	snop  }
0x6f4: {  	[tilespmem:s14], [sflag:$0x1] =	stream.indirect.gather [hbm4b:s4+s6], $0x20, s21, s6, $0xb8;
	[tilespmem:$0x13400] =	vst v63  }
0x6f5: {  	_ = 	snop  }
0x6f6: {  	[tilespmem:s15], [sflag:$0x1] =	stream.indirect.gather [hbm4b:s4+s6], $0x20, s22, s6, $0xb8;
	[tilespmem:$0x13400] =	vst v63  }
0x6f7: {  	s29 =	simm.s32 $0x3380  }
0x6f8: {  	[tilespmem:s16], [sflag:$0x1] =	stream.indirect.gather [hbm4b:s4+s6], $0x20, s29, s6, $0xb8;
	[tilespmem:$0x13400] =	vst v63  }
0x6f9: {  	_ =	swait.ge [sflag:s17], $0x1000  }
0x6fa: {  	[sflag:s17] =	ssyncset.done $0x0  }
0x6fb: {  	[sflag:s17] =	ssyncadd.s32 $0xFFFFF000  }
0x6fc: {  	_ =	swait.ge [sflag:s17], $0x1000  }
0x6fd: {  	[sflag:s17] =	ssyncset.done $0x0  }
0x6fe: {  	[sflag:s17] =	ssyncadd.s32 $0xFFFFF000  }
0x6ff: {  	_ =	swait.ge [sflag:s17], $0x1000  }
0x700: {  	[sflag:s17] =	ssyncset.done $0x0  }
0x701: {  	[sflag:s17] =	ssyncadd.s32 $0xFFFFF000  }
0x702: {  	_ =	swait.ge [sflag:s17], $0x1000  }
0x703: {  	[sflag:s17] =	ssyncset.done $0x0  }
0x704: {  	[sflag:s17] =	ssyncadd.s32 $0xFFFFF000  }
0x705: {  	_ =	swait.ge [sflag:s17], $0x1000  }
0x706: {  	[sflag:s17] =	ssyncset.done $0x0  }
0x707: {  	[sflag:s17] =	ssyncadd.s32 $0xFFFFF000  }
0x708: {  	_ =	swait.ge [sflag:s17], $0x1000  }
0x709: {  	[sflag:s17] =	ssyncset.done $0x0  }
0x70a: {  	[sflag:s17] =	ssyncadd.s32 $0xFFFFF000  }
0x70b: {  	_ =	swait.ge [sflag:s17], $0x1000  }
0x70c: {  	[sflag:s17] =	ssyncset.done $0x0  }
0x70d: {  	[sflag:s17] =	ssyncadd.s32 $0xFFFFF000  }
0x70e: {  	_ =	swait.ge [sflag:s17], $0x1000  }
0x70f: {  	[sflag:s17] =	ssyncset.done $0x0  }
0x710: {  	s30 =	rddreg [dreg:$0xf];
	[sflag:s17] =	ssyncadd.s32 $0xFFFFF000  }
0x711: {  	[hbm4b:s30+s2] =	stream.linear.scatter [tilespmem:s8], [sflag:$0x4], $0x8000, $0x38;
	[tilespmem:$0x13400] =	vst v63  }
0x712: {  	_ =	swait.ge [sflag:s7], $0x1000  }
0x713: {  	[sflag:s7] =	ssyncset.done $0x0  }
0x714: {  	[sflag:s7] =	ssyncadd.s32 $0xFFFFF000  }
0x715: {  	_ =	swait.ge [sflag:s7], $0x1000  }
0x716: {  	[sflag:s7] =	ssyncset.done $0x0  }
0x717: {  	[sflag:s7] =	ssyncadd.s32 $0xFFFFF000  }
0x718: {  	_ =	swait.ge [sflag:s7], $0x1000  }
0x719: {  	[sflag:s7] =	ssyncset.done $0x0  }
0x71a: {  	[sflag:s7] =	ssyncadd.s32 $0xFFFFF000  }
0x71b: {  	_ =	swait.ge [sflag:s7], $0x1000  }
0x71c: {  	[sflag:s7] =	ssyncset.done $0x0  }
0x71d: {  	[sflag:s7] =	ssyncadd.s32 $0xFFFFF000  }
0x71e: {  	_ =	swait.ge [sflag:s7], $0x1000  }
0x71f: {  	[sflag:s7] =	ssyncset.done $0x0  }
0x720: {  	[sflag:s7] =	ssyncadd.s32 $0xFFFFF000  }
0x721: {  	_ =	swait.ge [sflag:s7], $0x1000  }
0x722: {  	[sflag:s7] =	ssyncset.done $0x0  }
0x723: {  	[sflag:s7] =	ssyncadd.s32 $0xFFFFF000  }
0x724: {  	_ =	swait.ge [sflag:s7], $0x1000  }
0x725: {  	[sflag:s7] =	ssyncset.done $0x0  }
0x726: {  	[sflag:s7] =	ssyncadd.s32 $0xFFFFF000  }
0x727: {  	_ =	swait.ge [sflag:s7], $0x1000  }
0x728: {  	[sflag:s7] =	ssyncset.done $0x0  }
0x729: {  	s31 =	rddreg [dreg:$0x10];
	[sflag:s7] =	ssyncadd.s32 $0xFFFFF000  }
0x72a: {  	[hbm4b:s31+s2] =	stream.linear.scatter [tilespmem:s3], [sflag:$0x3], $0x8000, $0x38;
	[tilespmem:$0x13400] =	vst v63  }
0x72b: {  	_ =	swait.ge [sflag:s9], $0x8000  }
0x72c: {  	[sflag:s9] =	ssyncset.done $0x0  }
0x72d: {  	[sflag:s9] =	ssyncadd.s32 $0xFFFF8000  }
0x72e: {  	_ =	swait.ge [sflag:s5], $0x8000  }
0x72f: {  	[sflag:s5] =	ssyncset.done $0x0  }
0x730: {  	[sflag:s5] =	ssyncadd.s32 $0xFFFF8000  }
0x731: {  	_ =	sfence.sel $0x180000  }
0x732: {  	[bflag:$0x0] =	sbarrier.arrive $0xFFFF  }
0x733: {  	_ =	strace $0x90000047  }
0x734: {  	[bflag:$0x2] =	sbarrier.arrive $0xFFFF  }
0x735: {  	p0 =	sne.s32 s18, $0x0;
	s0 =	rddreg [dreg:$0x2]  }
0x736: {  	s0 =	sadd.s32 @!p0 $0x100000, s0  }
0x737: {  	[sflag:s0] =	ssyncadd.tile.s32 @!p0 $0x1;
	_ =	shalt  }
.LBB2_1:
.Ltmp3:
0x738: {  	(pc) =	sbr.rel .LBB2_6-.Ltmp3, $3  }
0x739: {  	_ =	sdelay $0x1  }
0x73a: {  	s22 =	simm.s32 $0x3300  }
0x73b: {  	s21 =	simm.s32 $0x3280;
	s20 =	simm.s32 $0x3200;
	s19 =	simm.s32 $0x3180  }
.LBB2_3:
.Ltmp4:
0x73c: {  	(pc) =	sbr.rel .LBB2_6-.Ltmp4, $3  }
0x73d: {  	_ =	sdelay $0x1  }
0x73e: {  	s22 =	simm.s32 $0x3300;
	s21 =	simm.s32 $0x3280  }
0x73f: {  	s20 =	simm.s32 $0x3200;
	s19 =	simm.s32 $0x3180;
	s18 =	stileid.u32  }
.Lfunc_end2:
_tile_overlayer_lowered:
.L_overlay_start_2:
0x740: {  	(tag) =	ssettag $0x2  }
0x741: {  	s0 =	rddreg [dreg:$0x0];
	s2 =	stileid.u32  }
0x742: {  	s1 =	rddreg [dreg:$0x1];
	p0 =	sne.s32 s2, $0x0  }
0x743: {  	s3 =	rddreg [dreg:$0x2];
	[bflag:$0x3] =	sbarrier.arrive $0xFFFF;
	s2 =	simm.s32 @!p0 $0x1C05  }
0x744: {  	[timem:s3], [sflag:s2] =	dma.local @!p0 [hbm:s0], s1  }
0x745: {  	s0 =	simm.s32 @!p0 $0x5  }
0x746: {  	_ =	swait.ge @!p0 [sflag:s0], s1  }
0x747: {  	s1 =	ssub.s32 @!p0 $0x0, s1;
	[sflag:s0] =	ssyncset.done @!p0 $0x0  }
0x748: {  	[sflag:s0] =	ssyncadd.s32 @!p0 s1  }
0x749: {  	[bflag:$0x3] =	sbarrier.arrive $0xFFFF  }
0x74a: {  	_ =	shalt  }

// kernel: sparse-core-data-format-call.cloned.1.call-start
scs
called_computation_lowered:
.L_overlay_start_0:
0x0: {  	s2 =	sld [smem:$0x3FD9]  }
0x1: {  	s3 =	sld [smem:$0x3FFE];
	_ =	sdelay $0x1  }
0x2: {  	s1 =	srdreg.scid  }
0x3: {  	s0 =	sand.u32 $0x1, s1  }
0x4: {  	s18 =	sshll.u32 s0, $0xA;
	s2 =	sadd.s32 s3, s2  }
0x5: {  	s2 =	sadd.s32 s2, s18  }
0x6: {  	[smem:$0x3FC6] =	sst s2  }
0x7: {  	_ = 	snop  }
0x8: {  	s2 =	sld [smem:$0x3FD0];
	(tm) =	ssettm $0x1  }
0x9: {  	s19 =	sld [smem:$0x3FFB];
	_ =	sdelay $0x3  }
0xa: {  	_ =	strace s19  }
0xb: {  	s3 =	sld [smem:$0x3FFC];
	_ =	sdelay $0x3  }
0xc: {  	_ =	strace s3  }
0xd: {  	s3 =	sld [smem:$0x3FFD];
	_ =	sdelay $0x3  }
0xe: {  	_ =	strace s3  }
0xf: {  	_ =	strace $0x8FFFFFFF  }
0x10: {  	s20 =	sld [smem:$0x3FDB];
	_ =	sdelay $0x1  }
0x11: {  	s4 =	simm.s32 $_scs_section_size  }
0x12: {  	s5 =	simm.s32 $_size__tile_overlayer_lowered;
	s6 =	simm.s32 $_tile_overlayer_lowered  }
0x13: {  	s23 =	simm.s32 $0x1BFF;
	s22 =	sshll.u32 s6, $0x1;
	s3 =	sadd.s32 s4, s20  }
0x14: {  	s7 =	simm.s32 $0x0;
	s21 =	sshll.u32 s5, $0x1;
	s5 =	sadd.s32 s22, s3  }
0x15: {  	[timem:s7], [sflag:s23] =	dma.local [hbm:s5], s21  }
0x16: {  	_ =	swait.ge [sflag:s23], s21  }
0x17: {  	s4 =	ssub.s32 $0x0, s21;
	[sflag:s23] =	ssyncset.done $0x0  }
0x18: {  	[sflag:s23] =	ssyncadd.s32 s4;
	_ =	sdelay $0x1  }
0x19: {  	s24 =	simm.s32 $0x1B8B  }
0x1a: {  	_ =	swait.ge [sflag:s24], $0x1  }
0x1b: {  	[sflag:s24] =	ssyncset.done $0x0  }
0x1c: {  	s26 =	simm.s32 $0x1B8E;
	s25 =	sld [smem:$0x3FFE];
	[sflag:s24] =	ssyncadd.s32 $0xFFFFFFFF  }
0x1d: {  	s27 =	simm.s32 $execute0_lowered;
	[smem:$0x3FD2] =	sst s26  }
0x1e: {  	s5 =	sshll.u32 s27, $0x1;
	_ =	strace $0x80000049;
	[dreg:$0x1] =	wrdreg $0xFFFFFFFF  }
0x1f: {  	s28 =	simm.s32 $_size_execute0_lowered;
	s3 =	sadd.s32 s3, s5;
	[dreg:$0x0] =	wrdreg $0x0  }
0x20: {  	s5 =	sshll.u32 s28, $0x1;
	[dreg:$0x2] =	wrdreg s3  }
0x21: {  	[dreg:$0x3] =	wrdreg s5  }
0x22: {  	[dreg:$0x4] =	wrdreg $0xC0  }
0x23: {  	_ =	task [dreg:s7], $0x5FFFF  }
0x24: {  	[dreg:$0x1] =	wrdreg $0xFFFFFFFF  }
0x25: {  	[dreg:$0x0] =	wrdreg $0x60  }
0x26: {  	[dreg:$0x2] =	wrdreg s25  }
0x27: {  	[dreg:$0x3] =	wrdreg s2  }
0x28: {  	[dreg:$0x4] =	wrdreg $0x9  }
0x29: {  	_ =	task.clear_ibuf [dreg:s7], $0x5FFFF;
	_ =	strace $0x90000049  }
0x2a: {  	s29 =	simm.s32 $0x9;
	_ =	strace $0x8000004B  }
0x2b: {  	_ =	swait.ge [sflag:s29], $0x1  }
0x2c: {  	[sflag:s29] =	ssyncadd.s32 $0xFFFFFFFF  }
0x2d: {  	_ =	strace $0x9000004B  }
0x2e: {  	_ =	sfence  }
0x2f: {  	s30 =	sld [smem:$0x0];
	_ =	sdelay $0x2  }
0x30: {  	s31 =	sshll.u32 s1, $0xD;
	s1 =	sshrl.u32 s1, $0x2  }
0x31: {  	s3 =	sand.u32 $0x4000, s31;
	s1 =	sadd.s32 s1, s30  }
0x32: {  	s0 =	sor.u32 s3, s0;
	s1 =	sshll.u32 s1, $0x11  }
0x33: {  	s0 =	sor.u32 s1, s0  }
0x34: {  	s0 =	sadd.s32 $0x8F2B, s0  }
0x35: {  	[sflag:s0] =	ssyncadd.remote.s32 $0x1  }
0x36: {  	_ =	sfence.sel $0xFFFF  }
0x37: {  	[dreg:$0x0] =	wrdreg $0xFFFFFFFF;
	(pc) =	sbr.abs _section_cstart, $3  }
0x38: {  	[dreg:$0x1] =	wrdreg $0xFFFFFFFF  }
0x39: {  	_ =	task.clear_ibuf [dreg:s7], $0x2FFFF;
	_ =	strace $0x9FFFFFFF  }
0x3a: {  	(tm) =	ssettm $0x7FFFFFFF  }
0x3b: {  	_ =	shalt  }
tec
execute0_lowered:
.L_overlay_start_1:
0x0: {  	(tag) =	ssettag $0x1  }
0x1: {  	s0 =	srdreg.scid  }
0x2: {  	s1 =	sshll.u32 s0, $0x4  }
0x3: {  	s0 =	stileid.u32;
	s1 =	sand.u32 $0x10, s1  }
0x4: {  	s1 =	sor.u32 s0, s1  }
0x5: {  	s6 =	rddreg [dreg:$0x0];
	s4 =	simm.s32 $0x1;
	s2 =	sshll.u32 s1, $0x7  }
0x6: {  	s7 =	simm.s32 $0x2;
	s12 =	simm.s32 $0x0;
	s1 =	ssub.s32 $0x4000, s2  }
0x7: {  	s8 =	simm.s32 $0x20000;
	s13 =	simm.s32 $0x0;
	s3 =	sand.u32 $0xF80, s1  }
0x8: {  	s9 =	simm.s32 $0x0;
	s5 =	sshrl.u32 s1, $0xC;
	p0 =	sne.s32 s3, $0x0  }
.Ltmp0:
0x9: {  	s1 =	rddreg [dreg:$0x2];
	s4 =	simm.s32 @!p0 $0x0;
	(pc) =	sbr.rel .LBB1_1-.Ltmp0, $4  }
0xa: {  	s11 =	simm.s32 $0x0;
	s3 =	rddreg [dreg:$0x1];
	s5 =	sadd.s32 s4, s5  }
0xb: {  	_ =	strace $0x8000004A;
	s4 =	simm.s32 $0x1;
	s5 =	smul.u32 $0x1A, s5  }
0xc: {  	s6 =	sadd.s32 $0xC00, s6;
	s10 =	smov.u32 s2;
	[sflag:s4] =	ssyncpa.u1 $0x0  }
0xd: {  	p0 =	por $0x0, $0x0;
	[sflag:s7] =	ssyncpa.u1 $0x0;
	s7 =	sor.u32 $0x1, s5  }
.LBB1_4:
0xe: {  	s16 =	sshll.u32 s13, $0x3;
	s17 =	sand.u32 $0x78, s13  }
0xf: {  	s30 =	sand.u32 $0xF800, s13;
	s12 =	sshll.u32 s12, $0x10;
	s16 =	sand.u32 $0x3C00, s16  }
0x10: {  	s31 =	sand.u32 $0x7, s13;
	s16 =	sor.u32 s17, s16;
	s17 =	sadd.s32 s3, s30  }
0x11: {  	s13 =	sshll.u32 s31, $0x12;
	s16 =	sshrl.u32 s16, $0x3;
	s12 =	sadd.s32 s12, s17  }
0x12: {  	[tilespmem:s15+$0x0 ss:$0x81] =	vst.msk $0xffff, v0;
	s13 =	sor.u32 $0x400, s13;
	s12 =	sadd.s32 s16, s12  }
0x13: {  	[hbm4b:s12+s13] =	stream.strided.scatter [tilespmem:s14], [sflag:$0x2], $0x1000, s8, s13, $0x20;
	[tilespmem:$0x4040] =	vst v63  }
.LBB1_5:
0x14: {  	s14 =	sadd.s32 $0x1, s9  }
0x15: {  	s12 =	sadd.s32 $0x1000, s10;
	s16 =	smov.u32 s10;
	p2 =	sgt.s32 s14, $0x19  }
0x16: {  	s16 =	smov.u32 @p2 s12  }
0x17: {  	s14 =	simm.s32 @p2 $0x0;
	p2 =	sgt.s32 s16, $0x3FFF  }
0x18: {  	s16 =	smov.u32 @p2 s2;
	p2 =	sne.s32 s11, s7  }
.Ltmp1:
0x19: {  	p1 =	slt.u32 s11, $0x2;
	(pc) =	sbr.rel @!p2 .LBB1_6-.Ltmp1, $4  }
0x1a: {  	s15 =	simm.s32 @!p1 $0x2  }
0x1b: {  	s13 =	smov.u32 s10;
	p0 =	por !p0, !p0;
	_ =	swait.ge @!p1 [sflag:s15], $0x1000  }
0x1c: {  	s12 =	smov.u32 s9;
	[sflag:s15] =	ssyncset.done @!p1 $0x0;
	s9 =	smov.u32 s14  }
0x1d: {  	s11 =	sadd.s32 $0x1, s11;
	[sflag:s15] =	ssyncadd.s32 @!p1 $0xFFFFF000;
	s10 =	smov.u32 s16  }
.LBB1_1:
0x1e: {  	p1 =	sge.u32 s11, s5  }
0x1f: {  	s31 =	sadd.s32 $0xFFFFFFFF, s11;
	s14 =	sxor.u32 @!p1 $0xFFFFFFFF, s11  }
0x20: {  	s15 =	sshll.u32 @!p1 s10, $0x9;
	s16 =	sshll.u32 @!p1 s9, $0x4;
	s17 =	simm.s32 @!p1 $0x1000  }
0x21: {  	s14 =	sshll.u32 @!p1 s14, $0xC;
	s16 =	sand.u32 @!p1 $0x1F0, s16;
	s15 =	sadd.s32 @!p1 s6, s15  }
0x22: {  	s14 =	sand.u32 @!p1 $0x1000, s14;
	s15 =	sadd.s32 @!p1 s16, s15;
	s16 =	simm.s32 @!p1 $0x20  }
0x23: {  	[tilespmem:s14], [sflag:$0x1] =	stream.strided.gather @!p1 [hbm4b:s15+s16], $0x1000, s17, s16, $0x38;
	[tilespmem:$0x4040] =	vst v63  }
0x24: {  	p1 =	sge.u32 s31, s5  }
.Ltmp2:
0x25: {  	_ = 	snop;
	(pc) =	sbr.rel @p1 .LBB1_5-.Ltmp2, $1  }
0x26: {  	_ =	sdelay $0x3  }
0x27: {  	s14 =	simm.s32 $0x1  }
0x28: {  	_ =	swait.ge [sflag:s4], $0x1000;
	s14 =	simm.s32 @!p0 $0x0  }
0x29: {  	[sflag:s4] =	ssyncset.done $0x0;
	s15 =	sshll.u32 s14, $0xC  }
0x2a: {  	[sflag:s4] =	ssyncadd.s32 $0xFFFFF000;
	s18 =	sor.u32 $0x10, s15  }
0x2b: {  	s14 =	smul.u32 $0x4080, s14;
	v1 =	vld [tilespmem:s18+$0x0]  }
0x2c: {  	s30 =	sand.u32 $0x1, s11;
	v0 =	vld [tilespmem:s18+$0xFFFFFFF0]  }
0x2d: {  	s15 =	smul.u32 $0x4080, s30;
	s14 =	sshrl.u32 s14, $0x2  }
0x2e: {  	s16 =	sor.u32 $0x2000, s14  }
0x2f: {  	s31 =	sshrl.u32 s15, $0x2;
	s15 =	sadd.s32 $0x0, s16  }
0x30: {  	s17 =	simm.s32 $0x4;
	s18 =	sadd.s32 $0x20, s18;
	s14 =	sor.u32 $0x2000, s31;
	[tilespmem:s15+$0x810 ss:$0x81] =	vst.msk $0xffff, v1  }
.LBB1_3:
0x31: {  	v1 =	vld [tilespmem:s18+$0x0];
	p1 =	sne.s32 s17, $0x1FC;
	[tilespmem:s15+$0x0 ss:$0x81] =	vst.msk $0xffff, v0;
	s15 =	smov.u32 s17;
	s17 =	sadd.s32 $0x4, s17  }
.Ltmp3:
0x32: {  	v0 =	vld [tilespmem:s18+$0xFFFFFFF0];
	(pc) =	sbr.rel @p1 .LBB1_3-.Ltmp3, $4  }
0x33: {  	_ = 	snop  }
0x34: {  	s15 =	sshra.s32 s15, $0x2  }
0x35: {  	s15 =	sadd.s32 s15, s16  }
0x36: {  	s18 =	sadd.s32 $0x20, s18;
	[tilespmem:s15+$0x810 ss:$0x81] =	vst.msk $0xffff, v1  }
.Ltmp4:
0x37: {  	_ = 	snop;
	(pc) =	sbr.rel .LBB1_4-.Ltmp4, $1  }
0x38: {  	_ =	sdelay $0x3  }
.LBB1_6:
0x39: {  	_ =	sfence.sel $0x180000  }
0x3a: {  	s2 =	simm.s32 $0x1;
	[bflag:$0x0] =	sbarrier.arrive $0xFFFF  }
0x3b: {  	s31 =	simm.s32 $0x2;
	[sflag:s2] =	ssyncpa.u1 $0x1  }
0x3c: {  	[sflag:s31] =	ssyncpa.u1 $0x1  }
0x3d: {  	p0 =	sne.s32 s0, $0x0;
	_ =	strace $0x9000004A  }
0x3e: {  	s0 =	sadd.s32 @!p0 $0x100000, s1;
	[bflag:$0x2] =	sbarrier.arrive $0xFFFF  }
0x3f: {  	[sflag:s0] =	ssyncadd.tile.s32 @!p0 $0x1;
	_ =	shalt  }
.Lfunc_end1:
_tile_overlayer_lowered:
.L_overlay_start_2:
0x40: {  	(tag) =	ssettag $0x2  }
0x41: {  	s0 =	rddreg [dreg:$0x0];
	s2 =	stileid.u32  }
0x42: {  	s1 =	rddreg [dreg:$0x1];
	p0 =	sne.s32 s2, $0x0  }
0x43: {  	s3 =	rddreg [dreg:$0x2];
	[bflag:$0x3] =	sbarrier.arrive $0xFFFF;
	s2 =	simm.s32 @!p0 $0x1C01  }
0x44: {  	[timem:s3], [sflag:s2] =	dma.local @!p0 [hbm:s0], s1  }
0x45: {  	s0 =	simm.s32 @!p0 $0x1  }
0x46: {  	_ =	swait.ge @!p0 [sflag:s0], s1  }
0x47: {  	s1 =	ssub.s32 @!p0 $0x0, s1;
	[sflag:s0] =	ssyncset.done @!p0 $0x0  }
0x48: {  	[sflag:s0] =	ssyncadd.s32 @!p0 s1  }
0x49: {  	[bflag:$0x3] =	sbarrier.arrive $0xFFFF  }
0x4a: {  	_ =	shalt  }

</sc_bundles>
